<compile_context>
chip_gen: v7x
topology: tpu7x:2x2x1
jax: 0.10.2.dev20260603
libtpu: 0.0.44.dev20260713+nightly
codegen_flags: <defaults>
</compile_context>

<pallas_src>
import functools

import jax
import jax.numpy as jnp
from jax import lax
from jax.experimental import pallas as pl
from jax.experimental.pallas import tpu as pltpu
from jax.experimental.pallas import tpu_sc as plsc

N = 10000
E = 320000
D = 128
GB2 = 256
L = 3
NCLUST = 100
NCPAD = 112

NCORES = 2
NSUB = 16
NW = NCORES * NSUB
DSUB = D // NW
EPW = E // NW
ECHUNK = 16000
NCHUNK = E // ECHUNK
NGROUP = N // 16

def _wid():
    return lax.axis_index("s") * NCORES + lax.axis_index("c")



@functools.cache
def _sc_kernels():
    mesh = plsc.VectorSubcoreMesh(core_axis_name="c", subcore_axis_name="s")
    params = pltpu.CompilerParams(needs_layout_passes=False)

    @functools.partial(
        pl.kernel,
        out_type=(
            jax.ShapeDtypeStruct((NW, N), jnp.float32),
            jax.ShapeDtypeStruct((E,), jnp.int32),
        ),
        mesh=mesh,
        compiler_params=params,
        scratch_types=[
            pltpu.VMEM((1, N), jnp.float32),
            pltpu.VMEM((EPW,), jnp.int32),
            pltpu.VMEM((EPW,), jnp.int32),
            pltpu.VMEM((EPW,), jnp.int32),
        ],
    )
    def edge_prep_kernel(src_hbm, dst_hbm, deg_hbm, epk_hbm,
                         deg_loc, src_buf, dst_buf, pk_buf):
        wid = _wid()
        base = wid * EPW
        pltpu.sync_copy(src_hbm.at[pl.ds(base, EPW)], src_buf)
        pltpu.sync_copy(dst_hbm.at[pl.ds(base, EPW)], dst_buf)
        zero = jnp.zeros((16,), jnp.float32)

        @pl.loop(0, N // 16, unroll=8)
        def _(i):
            deg_loc[0, pl.ds(i * 16, 16)] = zero

        ones = jnp.ones((16,), jnp.float32)
        zvec = jnp.zeros((16,), jnp.int32)

        @plsc.parallel_loop(0, EPW // 16, unroll=8)
        def _(g):
            sl = pl.ds(g * 16, 16)
            sv = src_buf[sl]
            dv = dst_buf[sl]
            pk_buf[sl] = sv | (dv << 16)
            plsc.addupdate_scatter(deg_loc, [zvec, dv], ones)

        pltpu.sync_copy(pk_buf, epk_hbm.at[pl.ds(base, EPW)])
        pltpu.sync_copy(deg_loc, deg_hbm.at[pl.ds(wid, 1)])

    @functools.partial(
        pl.kernel,
        out_type=jax.ShapeDtypeStruct((D, N), jnp.float32),
        mesh=mesh,
        compiler_params=params,
        scratch_types=[
            pltpu.VMEM((DSUB, N), jnp.float32),
            pltpu.VMEM((DSUB, N), jnp.float32),
            pltpu.VMEM((ECHUNK,), jnp.int32),
            pltpu.VMEM((ECHUNK,), jnp.int32),
            pltpu.SemaphoreType.DMA,
            pltpu.SemaphoreType.DMA,
        ],
    )
    def spmm_kernel(x_hbm, epk_hbm, agg_hbm, x_loc, agg_loc,
                    ek_buf0, ek_buf1, sem0, sem1):
        ek_bufs = (ek_buf0, ek_buf1)
        sems = (sem0, sem1)
        wid = _wid()
        row0 = wid * DSUB
        pltpu.sync_copy(x_hbm.at[pl.ds(row0, DSUB)], x_loc)
        zero = jnp.zeros((16,), jnp.float32)

        @plsc.parallel_loop(0, N // 16, unroll=8)
        def _(i):
            sl = pl.ds(i * 16, 16)
            for r in range(DSUB):
                agg_loc[r, sl] = zero

        rvecs = [jnp.full((16,), r, jnp.int32) for r in range(DSUB)]
        mask16 = jnp.full((16,), 0xFFFF, jnp.int32)

        for b in range(2):
            pltpu.async_copy(epk_hbm.at[pl.ds(b * ECHUNK, ECHUNK)],
                             ek_bufs[b], sems[b])

        @pl.loop(0, NCHUNK, step=2)
        def _(k):
            for b in range(2):
                cur = k + b
                pltpu.make_async_copy(
                    epk_hbm.at[pl.ds(0, ECHUNK)], ek_bufs[b], sems[b]
                ).wait()

                @plsc.parallel_loop(0, ECHUNK // 16, unroll=8)
                def _(g):
                    sl = pl.ds(g * 16, 16)
                    pk = ek_bufs[b][sl]
                    sv = pk & mask16
                    dv = lax.shift_right_logical(pk, 16)
                    for r in range(DSUB):
                        v = plsc.load_gather(x_loc, [rvecs[r], sv])
                        plsc.addupdate_scatter(agg_loc, [rvecs[r], dv], v)

                @pl.when(cur + 2 < NCHUNK)
                def _():
                    pltpu.async_copy(
                        epk_hbm.at[pl.ds((cur + 2) * ECHUNK, ECHUNK)],
                        ek_bufs[b], sems[b])

        pltpu.sync_copy(agg_loc, agg_hbm.at[pl.ds(row0, DSUB)])

    return edge_prep_kernel, spmm_kernel



BC = 2048
NGRID = (N + BC - 1) // BC


def _fc_body(ge_ref, wfc_ref, bfc_ref, degp_ref, gb_ref, inv_ref):
    gb = lax.dot_general(wfc_ref[...], ge_ref[...], (((0,), (1,)), ((), ())),
                         preferred_element_type=jnp.float32)
    gb_ref[...] = gb + bfc_ref[...]
    deg = jnp.sum(degp_ref[...], axis=0, keepdims=True)
    inv_ref[...] = 1.0 / jnp.maximum(deg, 1.0)


def _fc_call(ge, wfc, bfc2, deg_parts):
    return pl.pallas_call(
        _fc_body,
        grid=(NGRID,),
        in_specs=[
            pl.BlockSpec((BC, D), lambda j: (j, 0)),
            pl.BlockSpec((D, GB2), lambda j: (0, 0)),
            pl.BlockSpec((GB2, 1), lambda j: (0, 0)),
            pl.BlockSpec((NW, BC), lambda j: (0, j)),
        ],
        out_specs=[
            pl.BlockSpec((GB2, BC), lambda j: (0, j)),
            pl.BlockSpec((1, BC), lambda j: (0, j)),
        ],
        out_shape=[
            jax.ShapeDtypeStruct((GB2, N), jnp.float32),
            jax.ShapeDtypeStruct((1, N), jnp.float32),
        ],
    )(ge, wfc, bfc2, deg_parts)


def _layer_body(x_ref, agg_ref, gamma_ref, beta_ref, inv_ref, ws_ref, wn_ref,
                bl_ref, out_ref):
    ag = agg_ref[...] * inv_ref[...]
    h = lax.dot_general(ws_ref[...], x_ref[...], (((0,), (0,)), ((), ())),
                        preferred_element_type=jnp.float32)
    h = h + lax.dot_general(wn_ref[...], ag, (((0,), (0,)), ((), ())),
                            preferred_element_type=jnp.float32)
    h = h + bl_ref[...]
    h = gamma_ref[...] * h + beta_ref[...]
    out_ref[...] = jnp.maximum(h, 0.0)


def _layer_call(X, agg, gbT, inv, ws, wn, bl2):
    return pl.pallas_call(
        _layer_body,
        grid=(NGRID,),
        in_specs=[
            pl.BlockSpec((D, BC), lambda j: (0, j)),
            pl.BlockSpec((D, BC), lambda j: (0, j)),
            pl.BlockSpec((D, BC), lambda j: (0, j)),
            pl.BlockSpec((D, BC), lambda j: (1, j)),
            pl.BlockSpec((1, BC), lambda j: (0, j)),
            pl.BlockSpec((D, D), lambda j: (0, 0)),
            pl.BlockSpec((D, D), lambda j: (0, 0)),
            pl.BlockSpec((D, 1), lambda j: (0, 0)),
        ],
        out_specs=pl.BlockSpec((D, BC), lambda j: (0, j)),
        out_shape=jax.ShapeDtypeStruct((D, N), jnp.float32),
    )(X, agg, gbT, gbT, inv, ws, wn, bl2)


def _last_layer_body(x_ref, agg_ref, gamma_ref, beta_ref, inv_ref, ws_ref,
                     wn_ref, bl_ref, cl_ref, csum_ref, cnt_ref):
    j = pl.program_id(0)
    ag = agg_ref[...] * inv_ref[...]
    h = lax.dot_general(ws_ref[...], x_ref[...], (((0,), (0,)), ((), ())),
                        preferred_element_type=jnp.float32)
    h = h + lax.dot_general(wn_ref[...], ag, (((0,), (0,)), ((), ())),
                            preferred_element_type=jnp.float32)
    h = h + bl_ref[...]
    h = gamma_ref[...] * h + beta_ref[...]
    h = jnp.maximum(h, 0.0)
    cl = cl_ref[...][0][:, None]
    kio = lax.broadcasted_iota(jnp.int32, (BC, D), 1)
    nio = lax.broadcasted_iota(jnp.int32, (BC, D), 0) + j * BC
    oh = jnp.where((cl == kio) & (nio < N), 1.0, 0.0)
    ps = lax.dot_general(h, oh, (((1,), (0,)), ((), ())),
                         preferred_element_type=jnp.float32)
    pc = jnp.sum(oh, axis=0, keepdims=True)

    @pl.when(j == 0)
    def _():
        csum_ref[...] = jnp.zeros_like(csum_ref)
        cnt_ref[...] = jnp.zeros_like(cnt_ref)

    csum_ref[...] += ps
    cnt_ref[...] += pc


def _last_layer_call(X, agg, gbT, inv, ws, wn, bl2, cl2):
    return pl.pallas_call(
        _last_layer_body,
        grid=(NGRID,),
        in_specs=[
            pl.BlockSpec((D, BC), lambda j: (0, j)),
            pl.BlockSpec((D, BC), lambda j: (0, j)),
            pl.BlockSpec((D, BC), lambda j: (0, j)),
            pl.BlockSpec((D, BC), lambda j: (1, j)),
            pl.BlockSpec((1, BC), lambda j: (0, j)),
            pl.BlockSpec((D, D), lambda j: (0, 0)),
            pl.BlockSpec((D, D), lambda j: (0, 0)),
            pl.BlockSpec((D, 1), lambda j: (0, 0)),
            pl.BlockSpec((1, BC), lambda j: (0, j)),
        ],
        out_specs=[
            pl.BlockSpec((D, D), lambda j: (0, 0)),
            pl.BlockSpec((1, D), lambda j: (0, 0)),
        ],
        out_shape=[
            jax.ShapeDtypeStruct((D, D), jnp.float32),
            jax.ShapeDtypeStruct((1, D), jnp.float32),
        ],
    )(X, agg, gbT, gbT, inv, ws, wn, bl2, cl2)


def _unpool_body(cl_ref, csum_ref, cnt_ref, out_ref):
    m = csum_ref[...] / jnp.maximum(cnt_ref[...], 1.0)
    cl = cl_ref[...][0][:, None]
    kio = lax.broadcasted_iota(jnp.int32, (BC, D), 1)
    oh = jnp.where(cl == kio, 1.0, 0.0)
    out_ref[...] = lax.dot_general(oh, m, (((1,), (1,)), ((), ())),
                                   preferred_element_type=jnp.float32)


def _unpool_call(cl2, csum, cnt):
    return pl.pallas_call(
        _unpool_body,
        grid=(NGRID,),
        in_specs=[
            pl.BlockSpec((1, BC), lambda j: (0, j)),
            pl.BlockSpec((D, D), lambda j: (0, 0)),
            pl.BlockSpec((1, D), lambda j: (0, 0)),
        ],
        out_specs=pl.BlockSpec((BC, D), lambda j: (j, 0)),
        out_shape=jax.ShapeDtypeStruct((N, D), jnp.float32),
    )(cl2, csum, cnt)



def kernel(x, edge_index, global_embedding, cluster_assignment, W_fc, b_fc,
           Ws, Wn, bl):
    edge_prep_kernel, spmm_kernel = _sc_kernels()
    src = edge_index[0]
    dst = edge_index[1]
    cl2 = cluster_assignment.reshape(1, N)
    X = x.T
    deg_parts, epk = edge_prep_kernel(src, dst)
    gbT, inv = _fc_call(global_embedding, W_fc, b_fc.reshape(GB2, 1), deg_parts)
    for l in range(L - 1):
        agg = spmm_kernel(X, epk)
        X = _layer_call(X, agg, gbT, inv, Ws[l], Wn[l], bl[l].reshape(D, 1))
    agg = spmm_kernel(X, epk)
    csum, cnt = _last_layer_call(X, agg, gbT, inv, Ws[L - 1], Wn[L - 1],
                                 bl[L - 1].reshape(D, 1), cl2)
    return _unpool_call(cl2, csum, cnt)

# --- scband reference (transcript-rebuilt; emitter-appended) ---
"""Pipeline reference for scband-encoder-63814624084170 (READ-ONLY COPY).

The authoritative reference and input builder live on the scoring server;
editing this copy changes nothing except your own understanding.
"""

import jax, jax.numpy as jnp
import numpy as np

N = 10000
E = 320000
D = 128   # node_hidden_dim
G = 128   # global_embedding_dim
L = 3     # num_layers
NC = 100  # number of clusters


def setup_inputs(seed: int = 0) -> dict:
    key = jax.random.key(seed)
    ks = jax.random.split(key, 8)
    x = jax.random.normal(ks[0], (N, D), dtype=jnp.float32)
    edge_index = jax.random.randint(ks[1], (2, E), 0, N)
    global_embedding = jax.random.normal(ks[2], (N, G), dtype=jnp.float32)
    cluster_assignment = jax.random.randint(ks[3], (N,), 0, NC)
    # ConditioningNetwork fc: Linear(G, 2*D)
    W_fc = jax.random.normal(ks[4], (G, 2 * D), dtype=jnp.float32) * 0.02
    b_fc = jnp.zeros((2 * D,), dtype=jnp.float32)
    # Message-passing layers (mean-aggregation GraphConv): per-layer self and neighbor weights
    Ws = jax.random.normal(ks[5], (L, D, D), dtype=jnp.float32) * 0.05
    Wn = jax.random.normal(ks[6], (L, D, D), dtype=jnp.float32) * 0.05
    bl = jnp.zeros((L, D), dtype=jnp.float32)
    return {
        "x": x,
        "edge_index": edge_index,
        "global_embedding": global_embedding,
        "cluster_assignment": cluster_assignment,
        "W_fc": W_fc,
        "b_fc": b_fc,
        "Ws": Ws,
        "Wn": Wn,
        "bl": bl,
    }


def reference(x, edge_index, global_embedding, cluster_assignment, W_fc, b_fc, Ws, Wn, bl):
    # ConditioningNetwork: fc -> chunk into (gamma, beta)
    gb = global_embedding @ W_fc + b_fc
    gamma = gb[:, :D]
    beta = gb[:, D:]
    src = edge_index[0]
    dst = edge_index[1]
    deg = jax.ops.segment_sum(jnp.ones((E,), dtype=jnp.float32), dst, num_segments=N)
    deg = jnp.maximum(deg, 1.0)
    for l in range(L):
        # message passing layer: gather from src, scatter-mean to dst
        msg = x[src]
        agg = jax.ops.segment_sum(msg, dst, num_segments=N) / deg[:, None]
        x = x @ Ws[l] + agg @ Wn[l] + bl[l]
        # FiLM
        x = gamma * x + beta
        x = jax.nn.relu(x)
    # cluster_assignment: scatter-mean then gather back
    sums = jax.ops.segment_sum(x, cluster_assignment, num_segments=NC)
    cnt = jax.ops.segment_sum(jnp.ones((N,), dtype=jnp.float32), cluster_assignment, num_segments=NC)
    cluster_mean = sums / jnp.maximum(cnt, 1.0)[:, None]
    x = cluster_mean[cluster_assignment]
    return x

if __name__ == "__main__":
    import jax
    _d = setup_inputs()
    print(jax.jit(kernel)(*tuple(_d.values())))

</pallas_src>

<mosaic_0001>
#map = affine_map<(d0, d1) -> (0, 0)>
#map1 = affine_map<(d0, d1) -> (0)>
module attributes {stable_mosaic.version = 14 : i64} {
  func.func @spmm_kernel(%arg0: i32, %arg1: i32, %arg2: memref<128x10000xf32, #tpu.memory_space<hbm>>, %arg3: memref<320000xi32, #tpu.memory_space<hbm>>, %arg4: memref<128x10000xf32, #tpu.memory_space<hbm>>, %arg5: memref<4x10000xf32, #tpu.memory_space<vmem>>, %arg6: memref<4x10000xf32, #tpu.memory_space<vmem>>, %arg7: memref<16000xi32, #tpu.memory_space<vmem>>, %arg8: memref<16000xi32, #tpu.memory_space<vmem>>, %arg9: memref<!tpu.dma_semaphore, #tpu.memory_space<semaphore_mem>>, %arg10: memref<!tpu.dma_semaphore, #tpu.memory_space<semaphore_mem>>) attributes {dimension_semantics = [#tpu.dimension_semantics<core_parallel>, #tpu.dimension_semantics<subcore_parallel>], iteration_bounds = array<i64: 2, 16>, scalar_prefetch = 0 : i64, scratch_operands = 6 : i64, tpu.core_type = #tpu.core_type<sc_vector_subcore>, window_params = [{transform_indices = #map}, {transform_indices = #map1}, {transform_indices = #map}]} {
    %mul3A = arith.constant 2 : i32
    %mul3A_0 = arith.muli %arg1, %mul3A : i32
    %add3A = arith.addi %mul3A_0, %arg0 : i32
    %mul3A_1 = arith.constant 4 : i32
    %mul3A_2 = arith.muli %add3A, %mul3A_1 : i32
    "tpu.region"() ({
      %run_scoped3A = tpu.sem_alloc : memref<!tpu.dma_semaphore, #tpu.memory_space<semaphore_mem>>
      %dma_start3A_27 = arith.constant 0 : i32
      %dma_start3A_28 = tpu.memref_slice %arg2[%mul3A_2, %dma_start3A_27] : memref<128x10000xf32, #tpu.memory_space<hbm>> -> memref<4x10000xf32, #tpu.memory_space<hbm>>
      %dma_start3A_29 = arith.constant 0 : i32
      %dma_start3A_30 = tpu.memref_slice %arg2[%mul3A_2, %dma_start3A_29] : memref<128x10000xf32, #tpu.memory_space<hbm>> -> memref<4x10000xf32, #tpu.memory_space<hbm>>
      tpu.enqueue_dma source(%dma_start3A_30 : memref<4x10000xf32, #tpu.memory_space<hbm>>) target(%arg5 : memref<4x10000xf32, #tpu.memory_space<vmem>>) target_semaphore(%run_scoped3A : memref<!tpu.dma_semaphore, #tpu.memory_space<semaphore_mem>>)
      %dma_wait3A = arith.constant 0 : i32
      %dma_wait3A_31 = tpu.memref_slice %arg2[%mul3A_2, %dma_wait3A] : memref<128x10000xf32, #tpu.memory_space<hbm>> -> memref<4x10000xf32, #tpu.memory_space<hbm>>
      %dma_wait3A_32 = arith.constant 0 : i32
      %dma_wait3A_33 = tpu.memref_slice %arg2[%mul3A_2, %dma_wait3A_32] : memref<128x10000xf32, #tpu.memory_space<hbm>> -> memref<4x10000xf32, #tpu.memory_space<hbm>>
      tpu.wait_dma2 semaphore(%run_scoped3A : memref<!tpu.dma_semaphore, #tpu.memory_space<semaphore_mem>>) src(%dma_wait3A_33 : memref<4x10000xf32, #tpu.memory_space<hbm>>) dst(%arg5 : memref<4x10000xf32, #tpu.memory_space<vmem>>)
      tpu.yield
    }) : () -> ()
    %broadcast_in_dim3A = arith.constant 0.000000e+00 : f32
    %broadcast_in_dim3A_3 = vector.broadcast %broadcast_in_dim3A : f32 to vector<16xf32>
    %parallel_loop3A = arith.constant 0 : i32
    %parallel_loop3A_4 = arith.constant 625 : i32
    %parallel_loop3A_5 = arith.constant 1 : i32
    scf.for %parallel_loop3A_27 = %parallel_loop3A to %parallel_loop3A_4 step %parallel_loop3A_5  : i32 {
      %parallel_loop3A_28 = arith.constant 16 : i32
      %parallel_loop3A_29 = arith.muli %parallel_loop3A_27, %parallel_loop3A_28 : i32
      %parallel_loop3A_30 = arith.constant 0 : i32
      %parallel_loop3A_31 = arith.index_cast %parallel_loop3A_30 : i32 to index
      %parallel_loop3A_32 = arith.index_cast %parallel_loop3A_29 : i32 to index
      %parallel_loop3A_33 = tpu.vector_load %arg6[%parallel_loop3A_31, %parallel_loop3A_32] {strides = array<i32>} : memref<4x10000xf32, #tpu.memory_space<vmem>>, vector<16xf32>,
      tpu.vector_store %arg6[%parallel_loop3A_31, %parallel_loop3A_32], %broadcast_in_dim3A_3 {strides = array<i32>} : memref<4x10000xf32, #tpu.memory_space<vmem>>, vector<16xf32>,
      %parallel_loop3A_34 = arith.constant 1 : i32
      %parallel_loop3A_35 = arith.index_cast %parallel_loop3A_34 : i32 to index
      %parallel_loop3A_36 = arith.index_cast %parallel_loop3A_29 : i32 to index
      %parallel_loop3A_37 = tpu.vector_load %arg6[%parallel_loop3A_35, %parallel_loop3A_36] {strides = array<i32>} : memref<4x10000xf32, #tpu.memory_space<vmem>>, vector<16xf32>,
      tpu.vector_store %arg6[%parallel_loop3A_35, %parallel_loop3A_36], %broadcast_in_dim3A_3 {strides = array<i32>} : memref<4x10000xf32, #tpu.memory_space<vmem>>, vector<16xf32>,
      %parallel_loop3A_38 = arith.constant 2 : i32
      %parallel_loop3A_39 = arith.index_cast %parallel_loop3A_38 : i32 to index
      %parallel_loop3A_40 = arith.index_cast %parallel_loop3A_29 : i32 to index
      %parallel_loop3A_41 = tpu.vector_load %arg6[%parallel_loop3A_39, %parallel_loop3A_40] {strides = array<i32>} : memref<4x10000xf32, #tpu.memory_space<vmem>>, vector<16xf32>,
      tpu.vector_store %arg6[%parallel_loop3A_39, %parallel_loop3A_40], %broadcast_in_dim3A_3 {strides = array<i32>} : memref<4x10000xf32, #tpu.memory_space<vmem>>, vector<16xf32>,
      %parallel_loop3A_42 = arith.constant 3 : i32
      %parallel_loop3A_43 = arith.index_cast %parallel_loop3A_42 : i32 to index
      %parallel_loop3A_44 = arith.index_cast %parallel_loop3A_29 : i32 to index
      %parallel_loop3A_45 = tpu.vector_load %arg6[%parallel_loop3A_43, %parallel_loop3A_44] {strides = array<i32>} : memref<4x10000xf32, #tpu.memory_space<vmem>>, vector<16xf32>,
      tpu.vector_store %arg6[%parallel_loop3A_43, %parallel_loop3A_44], %broadcast_in_dim3A_3 {strides = array<i32>} : memref<4x10000xf32, #tpu.memory_space<vmem>>, vector<16xf32>,
    } {sc.loop_unroll_factor = 8 : i64, sc.parallel_access}
    %broadcast_in_dim3A_6 = arith.constant 0 : i32
    %broadcast_in_dim3A_7 = vector.broadcast %broadcast_in_dim3A_6 : i32 to vector<16xi32>
    %broadcast_in_dim3A_8 = arith.constant 1 : i32
    %broadcast_in_dim3A_9 = vector.broadcast %broadcast_in_dim3A_8 : i32 to vector<16xi32>
    %broadcast_in_dim3A_10 = arith.constant 2 : i32
    %broadcast_in_dim3A_11 = vector.broadcast %broadcast_in_dim3A_10 : i32 to vector<16xi32>
    %broadcast_in_dim3A_12 = arith.constant 3 : i32
    %broadcast_in_dim3A_13 = vector.broadcast %broadcast_in_dim3A_12 : i32 to vector<16xi32>
    %broadcast_in_dim3A_14 = arith.constant 65535 : i32
    %broadcast_in_dim3A_15 = vector.broadcast %broadcast_in_dim3A_14 : i32 to vector<16xi32>
    %dma_start3A = arith.constant 0 : i32
    %dma_start3A_16 = tpu.memref_slice %arg3[%dma_start3A] : memref<320000xi32, #tpu.memory_space<hbm>> -> memref<16000xi32, #tpu.memory_space<hbm>>
    %dma_start3A_17 = arith.constant 0 : i32
    %dma_start3A_18 = tpu.memref_slice %arg3[%dma_start3A_17] : memref<320000xi32, #tpu.memory_space<hbm>> -> memref<16000xi32, #tpu.memory_space<hbm>>
    tpu.enqueue_dma source(%dma_start3A_18 : memref<16000xi32, #tpu.memory_space<hbm>>) target(%arg7 : memref<16000xi32, #tpu.memory_space<vmem>>) target_semaphore(%arg9 : memref<!tpu.dma_semaphore, #tpu.memory_space<semaphore_mem>>)
    %dma_start3A_19 = arith.constant 16000 : i32
    %dma_start3A_20 = tpu.memref_slice %arg3[%dma_start3A_19] : memref<320000xi32, #tpu.memory_space<hbm>> -> memref<16000xi32, #tpu.memory_space<hbm>>
    %dma_start3A_21 = arith.constant 16000 : i32
    %dma_start3A_22 = tpu.memref_slice %arg3[%dma_start3A_21] : memref<320000xi32, #tpu.memory_space<hbm>> -> memref<16000xi32, #tpu.memory_space<hbm>>
    tpu.enqueue_dma source(%dma_start3A_22 : memref<16000xi32, #tpu.memory_space<hbm>>) target(%arg8 : memref<16000xi32, #tpu.memory_space<vmem>>) target_semaphore(%arg10 : memref<!tpu.dma_semaphore, #tpu.memory_space<semaphore_mem>>)
    %scan3A = arith.constant 0 : i32
    %scan3A_23 = arith.constant 10 : i32
    %scan3A_24 = arith.addi %scan3A, %scan3A_23 : i32
    %scan3A_25 = arith.constant 1 : i32
    scf.for %scan3A_27 = %scan3A to %scan3A_24 step %scan3A_25  : i32 {
      %mul3A_28 = arith.constant 2 : i32
      %mul3A_29 = arith.muli %scan3A_27, %mul3A_28 : i32
      %add3A_30 = arith.constant 0 : i32
      %add3A_31 = arith.addi %add3A_30, %mul3A_29 : i32
      %add3A_32 = arith.constant 0 : i32
      %add3A_33 = arith.addi %add3A_31, %add3A_32 : i32
      %dma_wait3A = arith.constant 0 : i32
      %dma_wait3A_34 = tpu.memref_slice %arg3[%dma_wait3A] : memref<320000xi32, #tpu.memory_space<hbm>> -> memref<16000xi32, #tpu.memory_space<hbm>>
      %dma_wait3A_35 = arith.constant 0 : i32
      %dma_wait3A_36 = tpu.memref_slice %arg3[%dma_wait3A_35] : memref<320000xi32, #tpu.memory_space<hbm>> -> memref<16000xi32, #tpu.memory_space<hbm>>
      tpu.wait_dma2 semaphore(%arg9 : memref<!tpu.dma_semaphore, #tpu.memory_space<semaphore_mem>>) src(%dma_wait3A_36 : memref<16000xi32, #tpu.memory_space<hbm>>) dst(%arg7 : memref<16000xi32, #tpu.memory_space<vmem>>)
      %parallel_loop3A_37 = arith.constant 0 : i32
      %parallel_loop3A_38 = arith.constant 1000 : i32
      %parallel_loop3A_39 = arith.constant 1 : i32
      scf.for %parallel_loop3A_60 = %parallel_loop3A_37 to %parallel_loop3A_38 step %parallel_loop3A_39  : i32 {
        %parallel_loop3A_61 = arith.constant 16 : i32
        %parallel_loop3A_62 = arith.muli %parallel_loop3A_60, %parallel_loop3A_61 : i32
        %parallel_loop3A_63 = arith.index_cast %parallel_loop3A_62 : i32 to index
        %parallel_loop3A_64 = tpu.vector_load %arg7[%parallel_loop3A_63] {strides = array<i32>} : memref<16000xi32, #tpu.memory_space<vmem>>, vector<16xi32>,
        %parallel_loop3A_65 = arith.andi %parallel_loop3A_64, %broadcast_in_dim3A_15 : vector<16xi32>
        %parallel_loop3A_66 = arith.constant 16 : i32
        %parallel_loop3A_67 = vector.broadcast %parallel_loop3A_66 : i32 to vector<16xi32>
        %parallel_loop3A_68 = arith.shrui %parallel_loop3A_64, %parallel_loop3A_67 : vector<16xi32>
        %parallel_loop3A_69 = tpu.vector_load_idx %arg5[%broadcast_in_dim3A_7, %parallel_loop3A_65] : memref<4x10000xf32, #tpu.memory_space<vmem>>[vector<16xi32>, vector<16xi32>], vector<16xf32>,
        tpu.vector_store_idx %arg6[%broadcast_in_dim3A_7, %parallel_loop3A_68], %parallel_loop3A_69 {add = true} : memref<4x10000xf32, #tpu.memory_space<vmem>>[vector<16xi32>, vector<16xi32>], vector<16xf32>,
        %parallel_loop3A_70 = tpu.vector_load_idx %arg5[%broadcast_in_dim3A_9, %parallel_loop3A_65] : memref<4x10000xf32, #tpu.memory_space<vmem>>[vector<16xi32>, vector<16xi32>], vector<16xf32>,
        tpu.vector_store_idx %arg6[%broadcast_in_dim3A_9, %parallel_loop3A_68], %parallel_loop3A_70 {add = true} : memref<4x10000xf32, #tpu.memory_space<vmem>>[vector<16xi32>, vector<16xi32>], vector<16xf32>,
        %parallel_loop3A_71 = tpu.vector_load_idx %arg5[%broadcast_in_dim3A_11, %parallel_loop3A_65] : memref<4x10000xf32, #tpu.memory_space<vmem>>[vector<16xi32>, vector<16xi32>], vector<16xf32>,
        tpu.vector_store_idx %arg6[%broadcast_in_dim3A_11, %parallel_loop3A_68], %parallel_loop3A_71 {add = true} : memref<4x10000xf32, #tpu.memory_space<vmem>>[vector<16xi32>, vector<16xi32>], vector<16xf32>,
        %parallel_loop3A_72 = tpu.vector_load_idx %arg5[%broadcast_in_dim3A_13, %parallel_loop3A_65] : memref<4x10000xf32, #tpu.memory_space<vmem>>[vector<16xi32>, vector<16xi32>], vector<16xf32>,
        tpu.vector_store_idx %arg6[%broadcast_in_dim3A_13, %parallel_loop3A_68], %parallel_loop3A_72 {add = true} : memref<4x10000xf32, #tpu.memory_space<vmem>>[vector<16xi32>, vector<16xi32>], vector<16xf32>,
      } {sc.loop_unroll_factor = 8 : i64, sc.parallel_access}
      %add3A_40 = arith.constant 2 : i32
      %add3A_41 = arith.addi %add3A_33, %add3A_40 : i32
      %lt3A = arith.constant 20 : i32
      %lt3A_42 = arith.cmpi slt, %add3A_41, %lt3A : i32
      %convert_element_type3A = arith.extui %lt3A_42 : i1 to i32
      %cond3A = arith.constant 0 : i32
      %cond3A_43 = arith.cmpi ne, %convert_element_type3A, %cond3A : i32
      scf.if %cond3A_43 {
        %add3A_60 = arith.constant 2 : i32
        %add3A_61 = arith.addi %add3A_33, %add3A_60 : i32
        %mul3A_62 = arith.constant 16000 : i32
        %mul3A_63 = arith.muli %add3A_61, %mul3A_62 : i32
        %dma_start3A_64 = tpu.memref_slice %arg3[%mul3A_63] : memref<320000xi32, #tpu.memory_space<hbm>> -> memref<16000xi32, #tpu.memory_space<hbm>>
        %dma_start3A_65 = tpu.memref_slice %arg3[%mul3A_63] : memref<320000xi32, #tpu.memory_space<hbm>> -> memref<16000xi32, #tpu.memory_space<hbm>>
        tpu.enqueue_dma source(%dma_start3A_65 : memref<16000xi32, #tpu.memory_space<hbm>>) target(%arg7 : memref<16000xi32, #tpu.memory_space<vmem>>) target_semaphore(%arg9 : memref<!tpu.dma_semaphore, #tpu.memory_space<semaphore_mem>>)
      } else {
      }
      %add3A_44 = arith.constant 1 : i32
      %add3A_45 = arith.addi %add3A_31, %add3A_44 : i32
      %dma_wait3A_46 = arith.constant 0 : i32
      %dma_wait3A_47 = tpu.memref_slice %arg3[%dma_wait3A_46] : memref<320000xi32, #tpu.memory_space<hbm>> -> memref<16000xi32, #tpu.memory_space<hbm>>
      %dma_wait3A_48 = arith.constant 0 : i32
      %dma_wait3A_49 = tpu.memref_slice %arg3[%dma_wait3A_48] : memref<320000xi32, #tpu.memory_space<hbm>> -> memref<16000xi32, #tpu.memory_space<hbm>>
      tpu.wait_dma2 semaphore(%arg10 : memref<!tpu.dma_semaphore, #tpu.memory_space<semaphore_mem>>) src(%dma_wait3A_49 : memref<16000xi32, #tpu.memory_space<hbm>>) dst(%arg8 : memref<16000xi32, #tpu.memory_space<vmem>>)
      %parallel_loop3A_50 = arith.constant 0 : i32
      %parallel_loop3A_51 = arith.constant 1000 : i32
      %parallel_loop3A_52 = arith.constant 1 : i32
      scf.for %parallel_loop3A_60 = %parallel_loop3A_50 to %parallel_loop3A_51 step %parallel_loop3A_52  : i32 {
        %parallel_loop3A_61 = arith.constant 16 : i32
        %parallel_loop3A_62 = arith.muli %parallel_loop3A_60, %parallel_loop3A_61 : i32
        %parallel_loop3A_63 = arith.index_cast %parallel_loop3A_62 : i32 to index
        %parallel_loop3A_64 = tpu.vector_load %arg8[%parallel_loop3A_63] {strides = array<i32>} : memref<16000xi32, #tpu.memory_space<vmem>>, vector<16xi32>,
        %parallel_loop3A_65 = arith.andi %parallel_loop3A_64, %broadcast_in_dim3A_15 : vector<16xi32>
        %parallel_loop3A_66 = arith.constant 16 : i32
        %parallel_loop3A_67 = vector.broadcast %parallel_loop3A_66 : i32 to vector<16xi32>
        %parallel_loop3A_68 = arith.shrui %parallel_loop3A_64, %parallel_loop3A_67 : vector<16xi32>
        %parallel_loop3A_69 = tpu.vector_load_idx %arg5[%broadcast_in_dim3A_7, %parallel_loop3A_65] : memref<4x10000xf32, #tpu.memory_space<vmem>>[vector<16xi32>, vector<16xi32>], vector<16xf32>,
        tpu.vector_store_idx %arg6[%broadcast_in_dim3A_7, %parallel_loop3A_68], %parallel_loop3A_69 {add = true} : memref<4x10000xf32, #tpu.memory_space<vmem>>[vector<16xi32>, vector<16xi32>], vector<16xf32>,
        %parallel_loop3A_70 = tpu.vector_load_idx %arg5[%broadcast_in_dim3A_9, %parallel_loop3A_65] : memref<4x10000xf32, #tpu.memory_space<vmem>>[vector<16xi32>, vector<16xi32>], vector<16xf32>,
        tpu.vector_store_idx %arg6[%broadcast_in_dim3A_9, %parallel_loop3A_68], %parallel_loop3A_70 {add = true} : memref<4x10000xf32, #tpu.memory_space<vmem>>[vector<16xi32>, vector<16xi32>], vector<16xf32>,
        %parallel_loop3A_71 = tpu.vector_load_idx %arg5[%broadcast_in_dim3A_11, %parallel_loop3A_65] : memref<4x10000xf32, #tpu.memory_space<vmem>>[vector<16xi32>, vector<16xi32>], vector<16xf32>,
        tpu.vector_store_idx %arg6[%broadcast_in_dim3A_11, %parallel_loop3A_68], %parallel_loop3A_71 {add = true} : memref<4x10000xf32, #tpu.memory_space<vmem>>[vector<16xi32>, vector<16xi32>], vector<16xf32>,
        %parallel_loop3A_72 = tpu.vector_load_idx %arg5[%broadcast_in_dim3A_13, %parallel_loop3A_65] : memref<4x10000xf32, #tpu.memory_space<vmem>>[vector<16xi32>, vector<16xi32>], vector<16xf32>,
        tpu.vector_store_idx %arg6[%broadcast_in_dim3A_13, %parallel_loop3A_68], %parallel_loop3A_72 {add = true} : memref<4x10000xf32, #tpu.memory_space<vmem>>[vector<16xi32>, vector<16xi32>], vector<16xf32>,
      } {sc.loop_unroll_factor = 8 : i64, sc.parallel_access}
      %add3A_53 = arith.constant 2 : i32
      %add3A_54 = arith.addi %add3A_45, %add3A_53 : i32
      %lt3A_55 = arith.constant 20 : i32
      %lt3A_56 = arith.cmpi slt, %add3A_54, %lt3A_55 : i32
      %convert_element_type3A_57 = arith.extui %lt3A_56 : i1 to i32
      %cond3A_58 = arith.constant 0 : i32
      %cond3A_59 = arith.cmpi ne, %convert_element_type3A_57, %cond3A_58 : i32
      scf.if %cond3A_59 {
        %add3A_60 = arith.constant 2 : i32
        %add3A_61 = arith.addi %add3A_45, %add3A_60 : i32
        %mul3A_62 = arith.constant 16000 : i32
        %mul3A_63 = arith.muli %add3A_61, %mul3A_62 : i32
        %dma_start3A_64 = tpu.memref_slice %arg3[%mul3A_63] : memref<320000xi32, #tpu.memory_space<hbm>> -> memref<16000xi32, #tpu.memory_space<hbm>>
        %dma_start3A_65 = tpu.memref_slice %arg3[%mul3A_63] : memref<320000xi32, #tpu.memory_space<hbm>> -> memref<16000xi32, #tpu.memory_space<hbm>>
        tpu.enqueue_dma source(%dma_start3A_65 : memref<16000xi32, #tpu.memory_space<hbm>>) target(%arg8 : memref<16000xi32, #tpu.memory_space<vmem>>) target_semaphore(%arg10 : memref<!tpu.dma_semaphore, #tpu.memory_space<semaphore_mem>>)
      } else {
      }
    }
    %scan3A_26 = arith.constant 10 : i32
    "tpu.region"() ({
      %run_scoped3A = tpu.sem_alloc : memref<!tpu.dma_semaphore, #tpu.memory_space<semaphore_mem>>
      %dma_start3A_27 = arith.constant 0 : i32
      %dma_start3A_28 = tpu.memref_slice %arg4[%mul3A_2, %dma_start3A_27] : memref<128x10000xf32, #tpu.memory_space<hbm>> -> memref<4x10000xf32, #tpu.memory_space<hbm>>
      %dma_start3A_29 = arith.constant 0 : i32
      %dma_start3A_30 = tpu.memref_slice %arg4[%mul3A_2, %dma_start3A_29] : memref<128x10000xf32, #tpu.memory_space<hbm>> -> memref<4x10000xf32, #tpu.memory_space<hbm>>
      tpu.enqueue_dma source(%arg6 : memref<4x10000xf32, #tpu.memory_space<vmem>>) target(%dma_start3A_30 : memref<4x10000xf32, #tpu.memory_space<hbm>>) target_semaphore(%run_scoped3A : memref<!tpu.dma_semaphore, #tpu.memory_space<semaphore_mem>>)
      %dma_wait3A = arith.constant 0 : i32
      %dma_wait3A_31 = tpu.memref_slice %arg4[%mul3A_2, %dma_wait3A] : memref<128x10000xf32, #tpu.memory_space<hbm>> -> memref<4x10000xf32, #tpu.memory_space<hbm>>
      %dma_wait3A_32 = arith.constant 0 : i32
      %dma_wait3A_33 = tpu.memref_slice %arg4[%mul3A_2, %dma_wait3A_32] : memref<128x10000xf32, #tpu.memory_space<hbm>> -> memref<4x10000xf32, #tpu.memory_space<hbm>>
      tpu.wait_dma2 semaphore(%run_scoped3A : memref<!tpu.dma_semaphore, #tpu.memory_space<semaphore_mem>>) src(%arg6 : memref<4x10000xf32, #tpu.memory_space<vmem>>) dst(%dma_wait3A_33 : memref<4x10000xf32, #tpu.memory_space<hbm>>)
      tpu.yield
    }) : () -> ()
    return
  }
}

#map = affine_map<(d0, d1) -> (0, 0)>
#map1 = affine_map<(d0, d1) -> (0)>
module attributes {stable_mosaic.version = 14 : i64} {
  func.func @spmm_kernel(%arg0: i32, %arg1: i32, %arg2: memref<128x10000xf32, #tpu.memory_space<hbm>>, %arg3: memref<320000xi32, #tpu.memory_space<hbm>>, %arg4: memref<128x10000xf32, #tpu.memory_space<hbm>>, %arg5: memref<4x10000xf32, #tpu.memory_space<vmem>>, %arg6: memref<4x10000xf32, #tpu.memory_space<vmem>>, %arg7: memref<16000xi32, #tpu.memory_space<vmem>>, %arg8: memref<16000xi32, #tpu.memory_space<vmem>>, %arg9: memref<!tpu.dma_semaphore, #tpu.memory_space<semaphore_mem>>, %arg10: memref<!tpu.dma_semaphore, #tpu.memory_space<semaphore_mem>>) attributes {dimension_semantics = [#tpu.dimension_semantics<core_parallel>, #tpu.dimension_semantics<subcore_parallel>], iteration_bounds = array<i64: 2, 16>, scalar_prefetch = 0 : i64, scratch_operands = 6 : i64, tpu.core_type = #tpu.core_type<sc_vector_subcore>, window_params = [{transform_indices = #map}, {transform_indices = #map1}, {transform_indices = #map}]} {
    %mul3A = arith.constant 2 : i32
    %mul3A_0 = arith.muli %arg1, %mul3A : i32
    %add3A = arith.addi %mul3A_0, %arg0 : i32
    %mul3A_1 = arith.constant 4 : i32
    %mul3A_2 = arith.muli %add3A, %mul3A_1 : i32
    "tpu.region"() ({
      %run_scoped3A = tpu.sem_alloc : memref<!tpu.dma_semaphore, #tpu.memory_space<semaphore_mem>>
      %dma_start3A_27 = arith.constant 0 : i32
      %dma_start3A_28 = tpu.memref_slice %arg2[%mul3A_2, %dma_start3A_27] : memref<128x10000xf32, #tpu.memory_space<hbm>> -> memref<4x10000xf32, #tpu.memory_space<hbm>>
      %dma_start3A_29 = arith.constant 0 : i32
      %dma_start3A_30 = tpu.memref_slice %arg2[%mul3A_2, %dma_start3A_29] : memref<128x10000xf32, #tpu.memory_space<hbm>> -> memref<4x10000xf32, #tpu.memory_space<hbm>>
      tpu.enqueue_dma source(%dma_start3A_30 : memref<4x10000xf32, #tpu.memory_space<hbm>>) target(%arg5 : memref<4x10000xf32, #tpu.memory_space<vmem>>) target_semaphore(%run_scoped3A : memref<!tpu.dma_semaphore, #tpu.memory_space<semaphore_mem>>)
      %dma_wait3A = arith.constant 0 : i32
      %dma_wait3A_31 = tpu.memref_slice %arg2[%mul3A_2, %dma_wait3A] : memref<128x10000xf32, #tpu.memory_space<hbm>> -> memref<4x10000xf32, #tpu.memory_space<hbm>>
      %dma_wait3A_32 = arith.constant 0 : i32
      %dma_wait3A_33 = tpu.memref_slice %arg2[%mul3A_2, %dma_wait3A_32] : memref<128x10000xf32, #tpu.memory_space<hbm>> -> memref<4x10000xf32, #tpu.memory_space<hbm>>
      tpu.wait_dma2 semaphore(%run_scoped3A : memref<!tpu.dma_semaphore, #tpu.memory_space<semaphore_mem>>) src(%dma_wait3A_33 : memref<4x10000xf32, #tpu.memory_space<hbm>>) dst(%arg5 : memref<4x10000xf32, #tpu.memory_space<vmem>>)
      tpu.yield
    }) : () -> ()
    %broadcast_in_dim3A = arith.constant 0.000000e+00 : f32
    %broadcast_in_dim3A_3 = vector.broadcast %broadcast_in_dim3A : f32 to vector<16xf32>
    %parallel_loop3A = arith.constant 0 : i32
    %parallel_loop3A_4 = arith.constant 625 : i32
    %parallel_loop3A_5 = arith.constant 1 : i32
    scf.for %parallel_loop3A_27 = %parallel_loop3A to %parallel_loop3A_4 step %parallel_loop3A_5  : i32 {
      %parallel_loop3A_28 = arith.constant 16 : i32
      %parallel_loop3A_29 = arith.muli %parallel_loop3A_27, %parallel_loop3A_28 : i32
      %parallel_loop3A_30 = arith.constant 0 : i32
      %parallel_loop3A_31 = arith.index_cast %parallel_loop3A_30 : i32 to index
      %parallel_loop3A_32 = arith.index_cast %parallel_loop3A_29 : i32 to index
      %parallel_loop3A_33 = tpu.vector_load %arg6[%parallel_loop3A_31, %parallel_loop3A_32] {strides = array<i32>} : memref<4x10000xf32, #tpu.memory_space<vmem>>, vector<16xf32>,
      tpu.vector_store %arg6[%parallel_loop3A_31, %parallel_loop3A_32], %broadcast_in_dim3A_3 {strides = array<i32>} : memref<4x10000xf32, #tpu.memory_space<vmem>>, vector<16xf32>,
      %parallel_loop3A_34 = arith.constant 1 : i32
      %parallel_loop3A_35 = arith.index_cast %parallel_loop3A_34 : i32 to index
      %parallel_loop3A_36 = arith.index_cast %parallel_loop3A_29 : i32 to index
      %parallel_loop3A_37 = tpu.vector_load %arg6[%parallel_loop3A_35, %parallel_loop3A_36] {strides = array<i32>} : memref<4x10000xf32, #tpu.memory_space<vmem>>, vector<16xf32>,
      tpu.vector_store %arg6[%parallel_loop3A_35, %parallel_loop3A_36], %broadcast_in_dim3A_3 {strides = array<i32>} : memref<4x10000xf32, #tpu.memory_space<vmem>>, vector<16xf32>,
      %parallel_loop3A_38 = arith.constant 2 : i32
      %parallel_loop3A_39 = arith.index_cast %parallel_loop3A_38 : i32 to index
      %parallel_loop3A_40 = arith.index_cast %parallel_loop3A_29 : i32 to index
      %parallel_loop3A_41 = tpu.vector_load %arg6[%parallel_loop3A_39, %parallel_loop3A_40] {strides = array<i32>} : memref<4x10000xf32, #tpu.memory_space<vmem>>, vector<16xf32>,
      tpu.vector_store %arg6[%parallel_loop3A_39, %parallel_loop3A_40], %broadcast_in_dim3A_3 {strides = array<i32>} : memref<4x10000xf32, #tpu.memory_space<vmem>>, vector<16xf32>,
      %parallel_loop3A_42 = arith.constant 3 : i32
      %parallel_loop3A_43 = arith.index_cast %parallel_loop3A_42 : i32 to index
      %parallel_loop3A_44 = arith.index_cast %parallel_loop3A_29 : i32 to index
      %parallel_loop3A_45 = tpu.vector_load %arg6[%parallel_loop3A_43, %parallel_loop3A_44] {strides = array<i32>} : memref<4x10000xf32, #tpu.memory_space<vmem>>, vector<16xf32>,
      tpu.vector_store %arg6[%parallel_loop3A_43, %parallel_loop3A_44], %broadcast_in_dim3A_3 {strides = array<i32>} : memref<4x10000xf32, #tpu.memory_space<vmem>>, vector<16xf32>,
    } {sc.loop_unroll_factor = 8 : i64, sc.parallel_access}
    %broadcast_in_dim3A_6 = arith.constant 0 : i32
    %broadcast_in_dim3A_7 = vector.broadcast %broadcast_in_dim3A_6 : i32 to vector<16xi32>
    %broadcast_in_dim3A_8 = arith.constant 1 : i32
    %broadcast_in_dim3A_9 = vector.broadcast %broadcast_in_dim3A_8 : i32 to vector<16xi32>
    %broadcast_in_dim3A_10 = arith.constant 2 : i32
    %broadcast_in_dim3A_11 = vector.broadcast %broadcast_in_dim3A_10 : i32 to vector<16xi32>
    %broadcast_in_dim3A_12 = arith.constant 3 : i32
    %broadcast_in_dim3A_13 = vector.broadcast %broadcast_in_dim3A_12 : i32 to vector<16xi32>
    %broadcast_in_dim3A_14 = arith.constant 65535 : i32
    %broadcast_in_dim3A_15 = vector.broadcast %broadcast_in_dim3A_14 : i32 to vector<16xi32>
    %dma_start3A = arith.constant 0 : i32
    %dma_start3A_16 = tpu.memref_slice %arg3[%dma_start3A] : memref<320000xi32, #tpu.memory_space<hbm>> -> memref<16000xi32, #tpu.memory_space<hbm>>
    %dma_start3A_17 = arith.constant 0 : i32
    %dma_start3A_18 = tpu.memref_slice %arg3[%dma_start3A_17] : memref<320000xi32, #tpu.memory_space<hbm>> -> memref<16000xi32, #tpu.memory_space<hbm>>
    tpu.enqueue_dma source(%dma_start3A_18 : memref<16000xi32, #tpu.memory_space<hbm>>) target(%arg7 : memref<16000xi32, #tpu.memory_space<vmem>>) target_semaphore(%arg9 : memref<!tpu.dma_semaphore, #tpu.memory_space<semaphore_mem>>)
    %dma_start3A_19 = arith.constant 16000 : i32
    %dma_start3A_20 = tpu.memref_slice %arg3[%dma_start3A_19] : memref<320000xi32, #tpu.memory_space<hbm>> -> memref<16000xi32, #tpu.memory_space<hbm>>
    %dma_start3A_21 = arith.constant 16000 : i32
    %dma_start3A_22 = tpu.memref_slice %arg3[%dma_start3A_21] : memref<320000xi32, #tpu.memory_space<hbm>> -> memref<16000xi32, #tpu.memory_space<hbm>>
    tpu.enqueue_dma source(%dma_start3A_22 : memref<16000xi32, #tpu.memory_space<hbm>>) target(%arg8 : memref<16000xi32, #tpu.memory_space<vmem>>) target_semaphore(%arg10 : memref<!tpu.dma_semaphore, #tpu.memory_space<semaphore_mem>>)
    %scan3A = arith.constant 0 : i32
    %scan3A_23 = arith.constant 10 : i32
    %scan3A_24 = arith.addi %scan3A, %scan3A_23 : i32
    %scan3A_25 = arith.constant 1 : i32
    scf.for %scan3A_27 = %scan3A to %scan3A_24 step %scan3A_25  : i32 {
      %mul3A_28 = arith.constant 2 : i32
      %mul3A_29 = arith.muli %scan3A_27, %mul3A_28 : i32
      %add3A_30 = arith.constant 0 : i32
      %add3A_31 = arith.addi %add3A_30, %mul3A_29 : i32
      %add3A_32 = arith.constant 0 : i32
      %add3A_33 = arith.addi %add3A_31, %add3A_32 : i32
      %dma_wait3A = arith.constant 0 : i32
      %dma_wait3A_34 = tpu.memref_slice %arg3[%dma_wait3A] : memref<320000xi32, #tpu.memory_space<hbm>> -> memref<16000xi32, #tpu.memory_space<hbm>>
      %dma_wait3A_35 = arith.constant 0 : i32
      %dma_wait3A_36 = tpu.memref_slice %arg3[%dma_wait3A_35] : memref<320000xi32, #tpu.memory_space<hbm>> -> memref<16000xi32, #tpu.memory_space<hbm>>
      tpu.wait_dma2 semaphore(%arg9 : memref<!tpu.dma_semaphore, #tpu.memory_space<semaphore_mem>>) src(%dma_wait3A_36 : memref<16000xi32, #tpu.memory_space<hbm>>) dst(%arg7 : memref<16000xi32, #tpu.memory_space<vmem>>)
      %parallel_loop3A_37 = arith.constant 0 : i32
      %parallel_loop3A_38 = arith.constant 1000 : i32
      %parallel_loop3A_39 = arith.constant 1 : i32
      scf.for %parallel_loop3A_60 = %parallel_loop3A_37 to %parallel_loop3A_38 step %parallel_loop3A_39  : i32 {
        %parallel_loop3A_61 = arith.constant 16 : i32
        %parallel_loop3A_62 = arith.muli %parallel_loop3A_60, %parallel_loop3A_61 : i32
        %parallel_loop3A_63 = arith.index_cast %parallel_loop3A_62 : i32 to index
        %parallel_loop3A_64 = tpu.vector_load %arg7[%parallel_loop3A_63] {strides = array<i32>} : memref<16000xi32, #tpu.memory_space<vmem>>, vector<16xi32>,
        %parallel_loop3A_65 = arith.andi %parallel_loop3A_64, %broadcast_in_dim3A_15 : vector<16xi32>
        %parallel_loop3A_66 = arith.constant 16 : i32
        %parallel_loop3A_67 = vector.broadcast %parallel_loop3A_66 : i32 to vector<16xi32>
        %parallel_loop3A_68 = arith.shrui %parallel_loop3A_64, %parallel_loop3A_67 : vector<16xi32>
        %parallel_loop3A_69 = tpu.vector_load_idx %arg5[%broadcast_in_dim3A_7, %parallel_loop3A_65] : memref<4x10000xf32, #tpu.memory_space<vmem>>[vector<16xi32>, vector<16xi32>], vector<16xf32>,
        tpu.vector_store_idx %arg6[%broadcast_in_dim3A_7, %parallel_loop3A_68], %parallel_loop3A_69 {add = true} : memref<4x10000xf32, #tpu.memory_space<vmem>>[vector<16xi32>, vector<16xi32>], vector<16xf32>,
        %parallel_loop3A_70 = tpu.vector_load_idx %arg5[%broadcast_in_dim3A_9, %parallel_loop3A_65] : memref<4x10000xf32, #tpu.memory_space<vmem>>[vector<16xi32>, vector<16xi32>], vector<16xf32>,
        tpu.vector_store_idx %arg6[%broadcast_in_dim3A_9, %parallel_loop3A_68], %parallel_loop3A_70 {add = true} : memref<4x10000xf32, #tpu.memory_space<vmem>>[vector<16xi32>, vector<16xi32>], vector<16xf32>,
        %parallel_loop3A_71 = tpu.vector_load_idx %arg5[%broadcast_in_dim3A_11, %parallel_loop3A_65] : memref<4x10000xf32, #tpu.memory_space<vmem>>[vector<16xi32>, vector<16xi32>], vector<16xf32>,
        tpu.vector_store_idx %arg6[%broadcast_in_dim3A_11, %parallel_loop3A_68], %parallel_loop3A_71 {add = true} : memref<4x10000xf32, #tpu.memory_space<vmem>>[vector<16xi32>, vector<16xi32>], vector<16xf32>,
        %parallel_loop3A_72 = tpu.vector_load_idx %arg5[%broadcast_in_dim3A_13, %parallel_loop3A_65] : memref<4x10000xf32, #tpu.memory_space<vmem>>[vector<16xi32>, vector<16xi32>], vector<16xf32>,
        tpu.vector_store_idx %arg6[%broadcast_in_dim3A_13, %parallel_loop3A_68], %parallel_loop3A_72 {add = true} : memref<4x10000xf32, #tpu.memory_space<vmem>>[vector<16xi32>, vector<16xi32>], vector<16xf32>,
      } {sc.loop_unroll_factor = 8 : i64, sc.parallel_access}
      %add3A_40 = arith.constant 2 : i32
      %add3A_41 = arith.addi %add3A_33, %add3A_40 : i32
      %lt3A = arith.constant 20 : i32
      %lt3A_42 = arith.cmpi slt, %add3A_41, %lt3A : i32
      %convert_element_type3A = arith.extui %lt3A_42 : i1 to i32
      %cond3A = arith.constant 0 : i32
      %cond3A_43 = arith.cmpi ne, %convert_element_type3A, %cond3A : i32
      scf.if %cond3A_43 {
        %add3A_60 = arith.constant 2 : i32
        %add3A_61 = arith.addi %add3A_33, %add3A_60 : i32
        %mul3A_62 = arith.constant 16000 : i32
        %mul3A_63 = arith.muli %add3A_61, %mul3A_62 : i32
        %dma_start3A_64 = tpu.memref_slice %arg3[%mul3A_63] : memref<320000xi32, #tpu.memory_space<hbm>> -> memref<16000xi32, #tpu.memory_space<hbm>>
        %dma_start3A_65 = tpu.memref_slice %arg3[%mul3A_63] : memref<320000xi32, #tpu.memory_space<hbm>> -> memref<16000xi32, #tpu.memory_space<hbm>>
        tpu.enqueue_dma source(%dma_start3A_65 : memref<16000xi32, #tpu.memory_space<hbm>>) target(%arg7 : memref<16000xi32, #tpu.memory_space<vmem>>) target_semaphore(%arg9 : memref<!tpu.dma_semaphore, #tpu.memory_space<semaphore_mem>>)
      } else {
      }
      %add3A_44 = arith.constant 1 : i32
      %add3A_45 = arith.addi %add3A_31, %add3A_44 : i32
      %dma_wait3A_46 = arith.constant 0 : i32
      %dma_wait3A_47 = tpu.memref_slice %arg3[%dma_wait3A_46] : memref<320000xi32, #tpu.memory_space<hbm>> -> memref<16000xi32, #tpu.memory_space<hbm>>
      %dma_wait3A_48 = arith.constant 0 : i32
      %dma_wait3A_49 = tpu.memref_slice %arg3[%dma_wait3A_48] : memref<320000xi32, #tpu.memory_space<hbm>> -> memref<16000xi32, #tpu.memory_space<hbm>>
      tpu.wait_dma2 semaphore(%arg10 : memref<!tpu.dma_semaphore, #tpu.memory_space<semaphore_mem>>) src(%dma_wait3A_49 : memref<16000xi32, #tpu.memory_space<hbm>>) dst(%arg8 : memref<16000xi32, #tpu.memory_space<vmem>>)
      %parallel_loop3A_50 = arith.constant 0 : i32
      %parallel_loop3A_51 = arith.constant 1000 : i32
      %parallel_loop3A_52 = arith.constant 1 : i32
      scf.for %parallel_loop3A_60 = %parallel_loop3A_50 to %parallel_loop3A_51 step %parallel_loop3A_52  : i32 {
        %parallel_loop3A_61 = arith.constant 16 : i32
        %parallel_loop3A_62 = arith.muli %parallel_loop3A_60, %parallel_loop3A_61 : i32
        %parallel_loop3A_63 = arith.index_cast %parallel_loop3A_62 : i32 to index
        %parallel_loop3A_64 = tpu.vector_load %arg8[%parallel_loop3A_63] {strides = array<i32>} : memref<16000xi32, #tpu.memory_space<vmem>>, vector<16xi32>,
        %parallel_loop3A_65 = arith.andi %parallel_loop3A_64, %broadcast_in_dim3A_15 : vector<16xi32>
        %parallel_loop3A_66 = arith.constant 16 : i32
        %parallel_loop3A_67 = vector.broadcast %parallel_loop3A_66 : i32 to vector<16xi32>
        %parallel_loop3A_68 = arith.shrui %parallel_loop3A_64, %parallel_loop3A_67 : vector<16xi32>
        %parallel_loop3A_69 = tpu.vector_load_idx %arg5[%broadcast_in_dim3A_7, %parallel_loop3A_65] : memref<4x10000xf32, #tpu.memory_space<vmem>>[vector<16xi32>, vector<16xi32>], vector<16xf32>,
        tpu.vector_store_idx %arg6[%broadcast_in_dim3A_7, %parallel_loop3A_68], %parallel_loop3A_69 {add = true} : memref<4x10000xf32, #tpu.memory_space<vmem>>[vector<16xi32>, vector<16xi32>], vector<16xf32>,
        %parallel_loop3A_70 = tpu.vector_load_idx %arg5[%broadcast_in_dim3A_9, %parallel_loop3A_65] : memref<4x10000xf32, #tpu.memory_space<vmem>>[vector<16xi32>, vector<16xi32>], vector<16xf32>,
        tpu.vector_store_idx %arg6[%broadcast_in_dim3A_9, %parallel_loop3A_68], %parallel_loop3A_70 {add = true} : memref<4x10000xf32, #tpu.memory_space<vmem>>[vector<16xi32>, vector<16xi32>], vector<16xf32>,
        %parallel_loop3A_71 = tpu.vector_load_idx %arg5[%broadcast_in_dim3A_11, %parallel_loop3A_65] : memref<4x10000xf32, #tpu.memory_space<vmem>>[vector<16xi32>, vector<16xi32>], vector<16xf32>,
        tpu.vector_store_idx %arg6[%broadcast_in_dim3A_11, %parallel_loop3A_68], %parallel_loop3A_71 {add = true} : memref<4x10000xf32, #tpu.memory_space<vmem>>[vector<16xi32>, vector<16xi32>], vector<16xf32>,
        %parallel_loop3A_72 = tpu.vector_load_idx %arg5[%broadcast_in_dim3A_13, %parallel_loop3A_65] : memref<4x10000xf32, #tpu.memory_space<vmem>>[vector<16xi32>, vector<16xi32>], vector<16xf32>,
        tpu.vector_store_idx %arg6[%broadcast_in_dim3A_13, %parallel_loop3A_68], %parallel_loop3A_72 {add = true} : memref<4x10000xf32, #tpu.memory_space<vmem>>[vector<16xi32>, vector<16xi32>], vector<16xf32>,
      } {sc.loop_unroll_factor = 8 : i64, sc.parallel_access}
      %add3A_53 = arith.constant 2 : i32
      %add3A_54 = arith.addi %add3A_45, %add3A_53 : i32
      %lt3A_55 = arith.constant 20 : i32
      %lt3A_56 = arith.cmpi slt, %add3A_54, %lt3A_55 : i32
      %convert_element_type3A_57 = arith.extui %lt3A_56 : i1 to i32
      %cond3A_58 = arith.constant 0 : i32
      %cond3A_59 = arith.cmpi ne, %convert_element_type3A_57, %cond3A_58 : i32
      scf.if %cond3A_59 {
        %add3A_60 = arith.constant 2 : i32
        %add3A_61 = arith.addi %add3A_45, %add3A_60 : i32
        %mul3A_62 = arith.constant 16000 : i32
        %mul3A_63 = arith.muli %add3A_61, %mul3A_62 : i32
        %dma_start3A_64 = tpu.memref_slice %arg3[%mul3A_63] : memref<320000xi32, #tpu.memory_space<hbm>> -> memref<16000xi32, #tpu.memory_space<hbm>>
        %dma_start3A_65 = tpu.memref_slice %arg3[%mul3A_63] : memref<320000xi32, #tpu.memory_space<hbm>> -> memref<16000xi32, #tpu.memory_space<hbm>>
        tpu.enqueue_dma source(%dma_start3A_65 : memref<16000xi32, #tpu.memory_space<hbm>>) target(%arg8 : memref<16000xi32, #tpu.memory_space<vmem>>) target_semaphore(%arg10 : memref<!tpu.dma_semaphore, #tpu.memory_space<semaphore_mem>>)
      } else {
      }
    }
    %scan3A_26 = arith.constant 10 : i32
    "tpu.region"() ({
      %run_scoped3A = tpu.sem_alloc : memref<!tpu.dma_semaphore, #tpu.memory_space<semaphore_mem>>
      %dma_start3A_27 = arith.constant 0 : i32
      %dma_start3A_28 = tpu.memref_slice %arg4[%mul3A_2, %dma_start3A_27] : memref<128x10000xf32, #tpu.memory_space<hbm>> -> memref<4x10000xf32, #tpu.memory_space<hbm>>
      %dma_start3A_29 = arith.constant 0 : i32
      %dma_start3A_30 = tpu.memref_slice %arg4[%mul3A_2, %dma_start3A_29] : memref<128x10000xf32, #tpu.memory_space<hbm>> -> memref<4x10000xf32, #tpu.memory_space<hbm>>
      tpu.enqueue_dma source(%arg6 : memref<4x10000xf32, #tpu.memory_space<vmem>>) target(%dma_start3A_30 : memref<4x10000xf32, #tpu.memory_space<hbm>>) target_semaphore(%run_scoped3A : memref<!tpu.dma_semaphore, #tpu.memory_space<semaphore_mem>>)
      %dma_wait3A = arith.constant 0 : i32
      %dma_wait3A_31 = tpu.memref_slice %arg4[%mul3A_2, %dma_wait3A] : memref<128x10000xf32, #tpu.memory_space<hbm>> -> memref<4x10000xf32, #tpu.memory_space<hbm>>
      %dma_wait3A_32 = arith.constant 0 : i32
      %dma_wait3A_33 = tpu.memref_slice %arg4[%mul3A_2, %dma_wait3A_32] : memref<128x10000xf32, #tpu.memory_space<hbm>> -> memref<4x10000xf32, #tpu.memory_space<hbm>>
      tpu.wait_dma2 semaphore(%run_scoped3A : memref<!tpu.dma_semaphore, #tpu.memory_space<semaphore_mem>>) src(%arg6 : memref<4x10000xf32, #tpu.memory_space<vmem>>) dst(%dma_wait3A_33 : memref<4x10000xf32, #tpu.memory_space<hbm>>)
      tpu.yield
    }) : () -> ()
    return
  }
}

#map = affine_map<(d0, d1) -> (0)>
#map1 = affine_map<(d0, d1) -> (0, 0)>
module attributes {stable_mosaic.version = 14 : i64} {
  func.func @edge_prep_kernel(%arg0: i32, %arg1: i32, %arg2: memref<320000xi32, #tpu.memory_space<hbm>>, %arg3: memref<320000xi32, #tpu.memory_space<hbm>>, %arg4: memref<32x10000xf32, #tpu.memory_space<hbm>>, %arg5: memref<320000xi32, #tpu.memory_space<hbm>>, %arg6: memref<1x10000xf32, #tpu.memory_space<vmem>>, %arg7: memref<10000xi32, #tpu.memory_space<vmem>>, %arg8: memref<10000xi32, #tpu.memory_space<vmem>>, %arg9: memref<10000xi32, #tpu.memory_space<vmem>>) attributes {dimension_semantics = [#tpu.dimension_semantics<core_parallel>, #tpu.dimension_semantics<subcore_parallel>], iteration_bounds = array<i64: 2, 16>, scalar_prefetch = 0 : i64, scratch_operands = 4 : i64, tpu.core_type = #tpu.core_type<sc_vector_subcore>, window_params = [{transform_indices = #map}, {transform_indices = #map}, {transform_indices = #map1}, {transform_indices = #map}]} {
    %mul3A = arith.constant 2 : i32
    %mul3A_0 = arith.muli %arg1, %mul3A : i32
    %add3A = arith.addi %mul3A_0, %arg0 : i32
    %mul3A_1 = arith.constant 10000 : i32
    %mul3A_2 = arith.muli %add3A, %mul3A_1 : i32
    "tpu.region"() ({
      %run_scoped3A = tpu.sem_alloc : memref<!tpu.dma_semaphore, #tpu.memory_space<semaphore_mem>>
      %dma_start3A = tpu.memref_slice %arg2[%mul3A_2] : memref<320000xi32, #tpu.memory_space<hbm>> -> memref<10000xi32, #tpu.memory_space<hbm>>
      %dma_start3A_25 = tpu.memref_slice %arg2[%mul3A_2] : memref<320000xi32, #tpu.memory_space<hbm>> -> memref<10000xi32, #tpu.memory_space<hbm>>
      tpu.enqueue_dma source(%dma_start3A_25 : memref<10000xi32, #tpu.memory_space<hbm>>) target(%arg7 : memref<10000xi32, #tpu.memory_space<vmem>>) target_semaphore(%run_scoped3A : memref<!tpu.dma_semaphore, #tpu.memory_space<semaphore_mem>>)
      %dma_wait3A = tpu.memref_slice %arg2[%mul3A_2] : memref<320000xi32, #tpu.memory_space<hbm>> -> memref<10000xi32, #tpu.memory_space<hbm>>
      %dma_wait3A_26 = tpu.memref_slice %arg2[%mul3A_2] : memref<320000xi32, #tpu.memory_space<hbm>> -> memref<10000xi32, #tpu.memory_space<hbm>>
      tpu.wait_dma2 semaphore(%run_scoped3A : memref<!tpu.dma_semaphore, #tpu.memory_space<semaphore_mem>>) src(%dma_wait3A_26 : memref<10000xi32, #tpu.memory_space<hbm>>) dst(%arg7 : memref<10000xi32, #tpu.memory_space<vmem>>)
      tpu.yield
    }) : () -> ()
    "tpu.region"() ({
      %run_scoped3A = tpu.sem_alloc : memref<!tpu.dma_semaphore, #tpu.memory_space<semaphore_mem>>
      %dma_start3A = tpu.memref_slice %arg3[%mul3A_2] : memref<320000xi32, #tpu.memory_space<hbm>> -> memref<10000xi32, #tpu.memory_space<hbm>>
      %dma_start3A_25 = tpu.memref_slice %arg3[%mul3A_2] : memref<320000xi32, #tpu.memory_space<hbm>> -> memref<10000xi32, #tpu.memory_space<hbm>>
      tpu.enqueue_dma source(%dma_start3A_25 : memref<10000xi32, #tpu.memory_space<hbm>>) target(%arg8 : memref<10000xi32, #tpu.memory_space<vmem>>) target_semaphore(%run_scoped3A : memref<!tpu.dma_semaphore, #tpu.memory_space<semaphore_mem>>)
      %dma_wait3A = tpu.memref_slice %arg3[%mul3A_2] : memref<320000xi32, #tpu.memory_space<hbm>> -> memref<10000xi32, #tpu.memory_space<hbm>>
      %dma_wait3A_26 = tpu.memref_slice %arg3[%mul3A_2] : memref<320000xi32, #tpu.memory_space<hbm>> -> memref<10000xi32, #tpu.memory_space<hbm>>
      tpu.wait_dma2 semaphore(%run_scoped3A : memref<!tpu.dma_semaphore, #tpu.memory_space<semaphore_mem>>) src(%dma_wait3A_26 : memref<10000xi32, #tpu.memory_space<hbm>>) dst(%arg8 : memref<10000xi32, #tpu.memory_space<vmem>>)
      tpu.yield
    }) : () -> ()
    %broadcast_in_dim3A = arith.constant 0.000000e+00 : f32
    %broadcast_in_dim3A_3 = vector.broadcast %broadcast_in_dim3A : f32 to vector<16xf32>
    %scan3A = arith.constant 0 : i32
    %scan3A_4 = arith.constant 624 : i32
    %scan3A_5 = arith.addi %scan3A, %scan3A_4 : i32
    %scan3A_6 = arith.constant 8 : i32
    scf.for %scan3A_25 = %scan3A to %scan3A_5 step %scan3A_6  : i32 {
      %mul3A_26 = arith.constant 1 : i32
      %mul3A_27 = arith.muli %scan3A_25, %mul3A_26 : i32
      %add3A_28 = arith.constant 0 : i32
      %add3A_29 = arith.addi %add3A_28, %mul3A_27 : i32
      %mul3A_30 = arith.constant 16 : i32
      %mul3A_31 = arith.muli %add3A_29, %mul3A_30 : i32
      %swap3A_32 = arith.constant 0 : i32
      %swap3A_33 = arith.index_cast %swap3A_32 : i32 to index
      %swap3A_34 = arith.index_cast %mul3A_31 : i32 to index
      %swap3A_35 = tpu.vector_load %arg6[%swap3A_33, %swap3A_34] {strides = array<i32>} : memref<1x10000xf32, #tpu.memory_space<vmem>>, vector<16xf32>,
      tpu.vector_store %arg6[%swap3A_33, %swap3A_34], %broadcast_in_dim3A_3 {strides = array<i32>} : memref<1x10000xf32, #tpu.memory_space<vmem>>, vector<16xf32>,
      %scan3A_36 = arith.constant 1 : i32
      %scan3A_37 = arith.addi %scan3A_25, %scan3A_36 : i32
      %mul3A_38 = arith.constant 1 : i32
      %mul3A_39 = arith.muli %scan3A_37, %mul3A_38 : i32
      %add3A_40 = arith.constant 0 : i32
      %add3A_41 = arith.addi %add3A_40, %mul3A_39 : i32
      %mul3A_42 = arith.constant 16 : i32
      %mul3A_43 = arith.muli %add3A_41, %mul3A_42 : i32
      %swap3A_44 = arith.constant 0 : i32
      %swap3A_45 = arith.index_cast %swap3A_44 : i32 to index
      %swap3A_46 = arith.index_cast %mul3A_43 : i32 to index
      %swap3A_47 = tpu.vector_load %arg6[%swap3A_45, %swap3A_46] {strides = array<i32>} : memref<1x10000xf32, #tpu.memory_space<vmem>>, vector<16xf32>,
      tpu.vector_store %arg6[%swap3A_45, %swap3A_46], %broadcast_in_dim3A_3 {strides = array<i32>} : memref<1x10000xf32, #tpu.memory_space<vmem>>, vector<16xf32>,
      %scan3A_48 = arith.constant 2 : i32
      %scan3A_49 = arith.addi %scan3A_25, %scan3A_48 : i32
      %mul3A_50 = arith.constant 1 : i32
      %mul3A_51 = arith.muli %scan3A_49, %mul3A_50 : i32
      %add3A_52 = arith.constant 0 : i32
      %add3A_53 = arith.addi %add3A_52, %mul3A_51 : i32
      %mul3A_54 = arith.constant 16 : i32
      %mul3A_55 = arith.muli %add3A_53, %mul3A_54 : i32
      %swap3A_56 = arith.constant 0 : i32
      %swap3A_57 = arith.index_cast %swap3A_56 : i32 to index
      %swap3A_58 = arith.index_cast %mul3A_55 : i32 to index
      %swap3A_59 = tpu.vector_load %arg6[%swap3A_57, %swap3A_58] {strides = array<i32>} : memref<1x10000xf32, #tpu.memory_space<vmem>>, vector<16xf32>,
      tpu.vector_store %arg6[%swap3A_57, %swap3A_58], %broadcast_in_dim3A_3 {strides = array<i32>} : memref<1x10000xf32, #tpu.memory_space<vmem>>, vector<16xf32>,
      %scan3A_60 = arith.constant 3 : i32
      %scan3A_61 = arith.addi %scan3A_25, %scan3A_60 : i32
      %mul3A_62 = arith.constant 1 : i32
      %mul3A_63 = arith.muli %scan3A_61, %mul3A_62 : i32
      %add3A_64 = arith.constant 0 : i32
      %add3A_65 = arith.addi %add3A_64, %mul3A_63 : i32
      %mul3A_66 = arith.constant 16 : i32
      %mul3A_67 = arith.muli %add3A_65, %mul3A_66 : i32
      %swap3A_68 = arith.constant 0 : i32
      %swap3A_69 = arith.index_cast %swap3A_68 : i32 to index
      %swap3A_70 = arith.index_cast %mul3A_67 : i32 to index
      %swap3A_71 = tpu.vector_load %arg6[%swap3A_69, %swap3A_70] {strides = array<i32>} : memref<1x10000xf32, #tpu.memory_space<vmem>>, vector<16xf32>,
      tpu.vector_store %arg6[%swap3A_69, %swap3A_70], %broadcast_in_dim3A_3 {strides = array<i32>} : memref<1x10000xf32, #tpu.memory_space<vmem>>, vector<16xf32>,
      %scan3A_72 = arith.constant 4 : i32
      %scan3A_73 = arith.addi %scan3A_25, %scan3A_72 : i32
      %mul3A_74 = arith.constant 1 : i32
      %mul3A_75 = arith.muli %scan3A_73, %mul3A_74 : i32
      %add3A_76 = arith.constant 0 : i32
      %add3A_77 = arith.addi %add3A_76, %mul3A_75 : i32
      %mul3A_78 = arith.constant 16 : i32
      %mul3A_79 = arith.muli %add3A_77, %mul3A_78 : i32
      %swap3A_80 = arith.constant 0 : i32
      %swap3A_81 = arith.index_cast %swap3A_80 : i32 to index
      %swap3A_82 = arith.index_cast %mul3A_79 : i32 to index
      %swap3A_83 = tpu.vector_load %arg6[%swap3A_81, %swap3A_82] {strides = array<i32>} : memref<1x10000xf32, #tpu.memory_space<vmem>>, vector<16xf32>,
      tpu.vector_store %arg6[%swap3A_81, %swap3A_82], %broadcast_in_dim3A_3 {strides = array<i32>} : memref<1x10000xf32, #tpu.memory_space<vmem>>, vector<16xf32>,
      %scan3A_84 = arith.constant 5 : i32
      %scan3A_85 = arith.addi %scan3A_25, %scan3A_84 : i32
      %mul3A_86 = arith.constant 1 : i32
      %mul3A_87 = arith.muli %scan3A_85, %mul3A_86 : i32
      %add3A_88 = arith.constant 0 : i32
      %add3A_89 = arith.addi %add3A_88, %mul3A_87 : i32
      %mul3A_90 = arith.constant 16 : i32
      %mul3A_91 = arith.muli %add3A_89, %mul3A_90 : i32
      %swap3A_92 = arith.constant 0 : i32
      %swap3A_93 = arith.index_cast %swap3A_92 : i32 to index
      %swap3A_94 = arith.index_cast %mul3A_91 : i32 to index
      %swap3A_95 = tpu.vector_load %arg6[%swap3A_93, %swap3A_94] {strides = array<i32>} : memref<1x10000xf32, #tpu.memory_space<vmem>>, vector<16xf32>,
      tpu.vector_store %arg6[%swap3A_93, %swap3A_94], %broadcast_in_dim3A_3 {strides = array<i32>} : memref<1x10000xf32, #tpu.memory_space<vmem>>, vector<16xf32>,
      %scan3A_96 = arith.constant 6 : i32
      %scan3A_97 = arith.addi %scan3A_25, %scan3A_96 : i32
      %mul3A_98 = arith.constant 1 : i32
      %mul3A_99 = arith.muli %scan3A_97, %mul3A_98 : i32
      %add3A_100 = arith.constant 0 : i32
      %add3A_101 = arith.addi %add3A_100, %mul3A_99 : i32
      %mul3A_102 = arith.constant 16 : i32
      %mul3A_103 = arith.muli %add3A_101, %mul3A_102 : i32
      %swap3A_104 = arith.constant 0 : i32
      %swap3A_105 = arith.index_cast %swap3A_104 : i32 to index
      %swap3A_106 = arith.index_cast %mul3A_103 : i32 to index
      %swap3A_107 = tpu.vector_load %arg6[%swap3A_105, %swap3A_106] {strides = array<i32>} : memref<1x10000xf32, #tpu.memory_space<vmem>>, vector<16xf32>,
      tpu.vector_store %arg6[%swap3A_105, %swap3A_106], %broadcast_in_dim3A_3 {strides = array<i32>} : memref<1x10000xf32, #tpu.memory_space<vmem>>, vector<16xf32>,
      %scan3A_108 = arith.constant 7 : i32
      %scan3A_109 = arith.addi %scan3A_25, %scan3A_108 : i32
      %mul3A_110 = arith.constant 1 : i32
      %mul3A_111 = arith.muli %scan3A_109, %mul3A_110 : i32
      %add3A_112 = arith.constant 0 : i32
      %add3A_113 = arith.addi %add3A_112, %mul3A_111 : i32
      %mul3A_114 = arith.constant 16 : i32
      %mul3A_115 = arith.muli %add3A_113, %mul3A_114 : i32
      %swap3A_116 = arith.constant 0 : i32
      %swap3A_117 = arith.index_cast %swap3A_116 : i32 to index
      %swap3A_118 = arith.index_cast %mul3A_115 : i32 to index
      %swap3A_119 = tpu.vector_load %arg6[%swap3A_117, %swap3A_118] {strides = array<i32>} : memref<1x10000xf32, #tpu.memory_space<vmem>>, vector<16xf32>,
      tpu.vector_store %arg6[%swap3A_117, %swap3A_118], %broadcast_in_dim3A_3 {strides = array<i32>} : memref<1x10000xf32, #tpu.memory_space<vmem>>, vector<16xf32>,
    }
    %scan3A_7 = arith.constant 624 : i32
    %scan3A_8 = arith.addi %scan3A, %scan3A_7 : i32
    %mul3A_9 = arith.constant 1 : i32
    %mul3A_10 = arith.muli %scan3A_8, %mul3A_9 : i32
    %add3A_11 = arith.constant 0 : i32
    %add3A_12 = arith.addi %add3A_11, %mul3A_10 : i32
    %mul3A_13 = arith.constant 16 : i32
    %mul3A_14 = arith.muli %add3A_12, %mul3A_13 : i32
    %swap3A = arith.constant 0 : i32
    %swap3A_15 = arith.index_cast %swap3A : i32 to index
    %swap3A_16 = arith.index_cast %mul3A_14 : i32 to index
    %swap3A_17 = tpu.vector_load %arg6[%swap3A_15, %swap3A_16] {strides = array<i32>} : memref<1x10000xf32, #tpu.memory_space<vmem>>, vector<16xf32>,
    tpu.vector_store %arg6[%swap3A_15, %swap3A_16], %broadcast_in_dim3A_3 {strides = array<i32>} : memref<1x10000xf32, #tpu.memory_space<vmem>>, vector<16xf32>,
    %scan3A_18 = arith.constant 625 : i32
    %broadcast_in_dim3A_19 = arith.constant 1.000000e+00 : f32
    %broadcast_in_dim3A_20 = vector.broadcast %broadcast_in_dim3A_19 : f32 to vector<16xf32>
    %broadcast_in_dim3A_21 = arith.constant 0 : i32
    %broadcast_in_dim3A_22 = vector.broadcast %broadcast_in_dim3A_21 : i32 to vector<16xi32>
    %parallel_loop3A = arith.constant 0 : i32
    %parallel_loop3A_23 = arith.constant 625 : i32
    %parallel_loop3A_24 = arith.constant 1 : i32
    scf.for %parallel_loop3A_25 = %parallel_loop3A to %parallel_loop3A_23 step %parallel_loop3A_24  : i32 {
      %parallel_loop3A_26 = arith.constant 16 : i32
      %parallel_loop3A_27 = arith.muli %parallel_loop3A_25, %parallel_loop3A_26 : i32
      %parallel_loop3A_28 = arith.index_cast %parallel_loop3A_27 : i32 to index
      %parallel_loop3A_29 = tpu.vector_load %arg7[%parallel_loop3A_28] {strides = array<i32>} : memref<10000xi32, #tpu.memory_space<vmem>>, vector<16xi32>,
      %parallel_loop3A_30 = arith.index_cast %parallel_loop3A_27 : i32 to index
      %parallel_loop3A_31 = tpu.vector_load %arg8[%parallel_loop3A_30] {strides = array<i32>} : memref<10000xi32, #tpu.memory_space<vmem>>, vector<16xi32>,
      %parallel_loop3A_32 = arith.constant 16 : i32
      %parallel_loop3A_33 = vector.broadcast %parallel_loop3A_32 : i32 to vector<16xi32>
      %parallel_loop3A_34 = arith.shli %parallel_loop3A_31, %parallel_loop3A_33 : vector<16xi32>
      %parallel_loop3A_35 = arith.ori %parallel_loop3A_29, %parallel_loop3A_34 : vector<16xi32>
      %parallel_loop3A_36 = arith.index_cast %parallel_loop3A_27 : i32 to index
      %parallel_loop3A_37 = tpu.vector_load %arg9[%parallel_loop3A_36] {strides = array<i32>} : memref<10000xi32, #tpu.memory_space<vmem>>, vector<16xi32>,
      tpu.vector_store %arg9[%parallel_loop3A_36], %parallel_loop3A_35 {strides = array<i32>} : memref<10000xi32, #tpu.memory_space<vmem>>, vector<16xi32>,
      tpu.vector_store_idx %arg6[%broadcast_in_dim3A_22, %parallel_loop3A_31], %broadcast_in_dim3A_20 {add = true} : memref<1x10000xf32, #tpu.memory_space<vmem>>[vector<16xi32>, vector<16xi32>], vector<16xf32>,
    } {sc.loop_unroll_factor = 8 : i64, sc.parallel_access}
    "tpu.region"() ({
      %run_scoped3A = tpu.sem_alloc : memref<!tpu.dma_semaphore, #tpu.memory_space<semaphore_mem>>
      %dma_start3A = tpu.memref_slice %arg5[%mul3A_2] : memref<320000xi32, #tpu.memory_space<hbm>> -> memref<10000xi32, #tpu.memory_space<hbm>>
      %dma_start3A_25 = tpu.memref_slice %arg5[%mul3A_2] : memref<320000xi32, #tpu.memory_space<hbm>> -> memref<10000xi32, #tpu.memory_space<hbm>>
      tpu.enqueue_dma source(%arg9 : memref<10000xi32, #tpu.memory_space<vmem>>) target(%dma_start3A_25 : memref<10000xi32, #tpu.memory_space<hbm>>) target_semaphore(%run_scoped3A : memref<!tpu.dma_semaphore, #tpu.memory_space<semaphore_mem>>)
      %dma_wait3A = tpu.memref_slice %arg5[%mul3A_2] : memref<320000xi32, #tpu.memory_space<hbm>> -> memref<10000xi32, #tpu.memory_space<hbm>>
      %dma_wait3A_26 = tpu.memref_slice %arg5[%mul3A_2] : memref<320000xi32, #tpu.memory_space<hbm>> -> memref<10000xi32, #tpu.memory_space<hbm>>
      tpu.wait_dma2 semaphore(%run_scoped3A : memref<!tpu.dma_semaphore, #tpu.memory_space<semaphore_mem>>) src(%arg9 : memref<10000xi32, #tpu.memory_space<vmem>>) dst(%dma_wait3A_26 : memref<10000xi32, #tpu.memory_space<hbm>>)
      tpu.yield
    }) : () -> ()
    "tpu.region"() ({
      %run_scoped3A = tpu.sem_alloc : memref<!tpu.dma_semaphore, #tpu.memory_space<semaphore_mem>>
      %dma_start3A = arith.constant 0 : i32
      %dma_start3A_25 = tpu.memref_slice %arg4[%add3A, %dma_start3A] : memref<32x10000xf32, #tpu.memory_space<hbm>> -> memref<1x10000xf32, #tpu.memory_space<hbm>>
      %dma_start3A_26 = arith.constant 0 : i32
      %dma_start3A_27 = tpu.memref_slice %arg4[%add3A, %dma_start3A_26] : memref<32x10000xf32, #tpu.memory_space<hbm>> -> memref<1x10000xf32, #tpu.memory_space<hbm>>
      tpu.enqueue_dma source(%arg6 : memref<1x10000xf32, #tpu.memory_space<vmem>>) target(%dma_start3A_27 : memref<1x10000xf32, #tpu.memory_space<hbm>>) target_semaphore(%run_scoped3A : memref<!tpu.dma_semaphore, #tpu.memory_space<semaphore_mem>>)
      %dma_wait3A = arith.constant 0 : i32
      %dma_wait3A_28 = tpu.memref_slice %arg4[%add3A, %dma_wait3A] : memref<32x10000xf32, #tpu.memory_space<hbm>> -> memref<1x10000xf32, #tpu.memory_space<hbm>>
      %dma_wait3A_29 = arith.constant 0 : i32
      %dma_wait3A_30 = tpu.memref_slice %arg4[%add3A, %dma_wait3A_29] : memref<32x10000xf32, #tpu.memory_space<hbm>> -> memref<1x10000xf32, #tpu.memory_space<hbm>>
      tpu.wait_dma2 semaphore(%run_scoped3A : memref<!tpu.dma_semaphore, #tpu.memory_space<semaphore_mem>>) src(%arg6 : memref<1x10000xf32, #tpu.memory_space<vmem>>) dst(%dma_wait3A_30 : memref<1x10000xf32, #tpu.memory_space<hbm>>)
      tpu.yield
    }) : () -> ()
    return
  }
}

#map = affine_map<(d0, d1) -> (0, 0)>
#map1 = affine_map<(d0, d1) -> (0)>
module attributes {stable_mosaic.version = 14 : i64} {
  func.func @spmm_kernel(%arg0: i32, %arg1: i32, %arg2: memref<128x10000xf32, #tpu.memory_space<hbm>>, %arg3: memref<320000xi32, #tpu.memory_space<hbm>>, %arg4: memref<128x10000xf32, #tpu.memory_space<hbm>>, %arg5: memref<4x10000xf32, #tpu.memory_space<vmem>>, %arg6: memref<4x10000xf32, #tpu.memory_space<vmem>>, %arg7: memref<16000xi32, #tpu.memory_space<vmem>>, %arg8: memref<16000xi32, #tpu.memory_space<vmem>>, %arg9: memref<!tpu.dma_semaphore, #tpu.memory_space<semaphore_mem>>, %arg10: memref<!tpu.dma_semaphore, #tpu.memory_space<semaphore_mem>>) attributes {dimension_semantics = [#tpu.dimension_semantics<core_parallel>, #tpu.dimension_semantics<subcore_parallel>], iteration_bounds = array<i64: 2, 16>, scalar_prefetch = 0 : i64, scratch_operands = 6 : i64, tpu.core_type = #tpu.core_type<sc_vector_subcore>, window_params = [{transform_indices = #map}, {transform_indices = #map1}, {transform_indices = #map}]} {
    %mul3A = arith.constant 2 : i32
    %mul3A_0 = arith.muli %arg1, %mul3A : i32
    %add3A = arith.addi %mul3A_0, %arg0 : i32
    %mul3A_1 = arith.constant 4 : i32
    %mul3A_2 = arith.muli %add3A, %mul3A_1 : i32
    "tpu.region"() ({
      %run_scoped3A = tpu.sem_alloc : memref<!tpu.dma_semaphore, #tpu.memory_space<semaphore_mem>>
      %dma_start3A_27 = arith.constant 0 : i32
      %dma_start3A_28 = tpu.memref_slice %arg2[%mul3A_2, %dma_start3A_27] : memref<128x10000xf32, #tpu.memory_space<hbm>> -> memref<4x10000xf32, #tpu.memory_space<hbm>>
      %dma_start3A_29 = arith.constant 0 : i32
      %dma_start3A_30 = tpu.memref_slice %arg2[%mul3A_2, %dma_start3A_29] : memref<128x10000xf32, #tpu.memory_space<hbm>> -> memref<4x10000xf32, #tpu.memory_space<hbm>>
      tpu.enqueue_dma source(%dma_start3A_30 : memref<4x10000xf32, #tpu.memory_space<hbm>>) target(%arg5 : memref<4x10000xf32, #tpu.memory_space<vmem>>) target_semaphore(%run_scoped3A : memref<!tpu.dma_semaphore, #tpu.memory_space<semaphore_mem>>)
      %dma_wait3A = arith.constant 0 : i32
      %dma_wait3A_31 = tpu.memref_slice %arg2[%mul3A_2, %dma_wait3A] : memref<128x10000xf32, #tpu.memory_space<hbm>> -> memref<4x10000xf32, #tpu.memory_space<hbm>>
      %dma_wait3A_32 = arith.constant 0 : i32
      %dma_wait3A_33 = tpu.memref_slice %arg2[%mul3A_2, %dma_wait3A_32] : memref<128x10000xf32, #tpu.memory_space<hbm>> -> memref<4x10000xf32, #tpu.memory_space<hbm>>
      tpu.wait_dma2 semaphore(%run_scoped3A : memref<!tpu.dma_semaphore, #tpu.memory_space<semaphore_mem>>) src(%dma_wait3A_33 : memref<4x10000xf32, #tpu.memory_space<hbm>>) dst(%arg5 : memref<4x10000xf32, #tpu.memory_space<vmem>>)
      tpu.yield
    }) : () -> ()
    %broadcast_in_dim3A = arith.constant 0.000000e+00 : f32
    %broadcast_in_dim3A_3 = vector.broadcast %broadcast_in_dim3A : f32 to vector<16xf32>
    %parallel_loop3A = arith.constant 0 : i32
    %parallel_loop3A_4 = arith.constant 625 : i32
    %parallel_loop3A_5 = arith.constant 1 : i32
    scf.for %parallel_loop3A_27 = %parallel_loop3A to %parallel_loop3A_4 step %parallel_loop3A_5  : i32 {
      %parallel_loop3A_28 = arith.constant 16 : i32
      %parallel_loop3A_29 = arith.muli %parallel_loop3A_27, %parallel_loop3A_28 : i32
      %parallel_loop3A_30 = arith.constant 0 : i32
      %parallel_loop3A_31 = arith.index_cast %parallel_loop3A_30 : i32 to index
      %parallel_loop3A_32 = arith.index_cast %parallel_loop3A_29 : i32 to index
      %parallel_loop3A_33 = tpu.vector_load %arg6[%parallel_loop3A_31, %parallel_loop3A_32] {strides = array<i32>} : memref<4x10000xf32, #tpu.memory_space<vmem>>, vector<16xf32>,
      tpu.vector_store %arg6[%parallel_loop3A_31, %parallel_loop3A_32], %broadcast_in_dim3A_3 {strides = array<i32>} : memref<4x10000xf32, #tpu.memory_space<vmem>>, vector<16xf32>,
      %parallel_loop3A_34 = arith.constant 1 : i32
      %parallel_loop3A_35 = arith.index_cast %parallel_loop3A_34 : i32 to index
      %parallel_loop3A_36 = arith.index_cast %parallel_loop3A_29 : i32 to index
      %parallel_loop3A_37 = tpu.vector_load %arg6[%parallel_loop3A_35, %parallel_loop3A_36] {strides = array<i32>} : memref<4x10000xf32, #tpu.memory_space<vmem>>, vector<16xf32>,
      tpu.vector_store %arg6[%parallel_loop3A_35, %parallel_loop3A_36], %broadcast_in_dim3A_3 {strides = array<i32>} : memref<4x10000xf32, #tpu.memory_space<vmem>>, vector<16xf32>,
      %parallel_loop3A_38 = arith.constant 2 : i32
      %parallel_loop3A_39 = arith.index_cast %parallel_loop3A_38 : i32 to index
      %parallel_loop3A_40 = arith.index_cast %parallel_loop3A_29 : i32 to index
      %parallel_loop3A_41 = tpu.vector_load %arg6[%parallel_loop3A_39, %parallel_loop3A_40] {strides = array<i32>} : memref<4x10000xf32, #tpu.memory_space<vmem>>, vector<16xf32>,
      tpu.vector_store %arg6[%parallel_loop3A_39, %parallel_loop3A_40], %broadcast_in_dim3A_3 {strides = array<i32>} : memref<4x10000xf32, #tpu.memory_space<vmem>>, vector<16xf32>,
      %parallel_loop3A_42 = arith.constant 3 : i32
      %parallel_loop3A_43 = arith.index_cast %parallel_loop3A_42 : i32 to index
      %parallel_loop3A_44 = arith.index_cast %parallel_loop3A_29 : i32 to index
      %parallel_loop3A_45 = tpu.vector_load %arg6[%parallel_loop3A_43, %parallel_loop3A_44] {strides = array<i32>} : memref<4x10000xf32, #tpu.memory_space<vmem>>, vector<16xf32>,
      tpu.vector_store %arg6[%parallel_loop3A_43, %parallel_loop3A_44], %broadcast_in_dim3A_3 {strides = array<i32>} : memref<4x10000xf32, #tpu.memory_space<vmem>>, vector<16xf32>,
    } {sc.loop_unroll_factor = 8 : i64, sc.parallel_access}
    %broadcast_in_dim3A_6 = arith.constant 0 : i32
    %broadcast_in_dim3A_7 = vector.broadcast %broadcast_in_dim3A_6 : i32 to vector<16xi32>
    %broadcast_in_dim3A_8 = arith.constant 1 : i32
    %broadcast_in_dim3A_9 = vector.broadcast %broadcast_in_dim3A_8 : i32 to vector<16xi32>
    %broadcast_in_dim3A_10 = arith.constant 2 : i32
    %broadcast_in_dim3A_11 = vector.broadcast %broadcast_in_dim3A_10 : i32 to vector<16xi32>
    %broadcast_in_dim3A_12 = arith.constant 3 : i32
    %broadcast_in_dim3A_13 = vector.broadcast %broadcast_in_dim3A_12 : i32 to vector<16xi32>
    %broadcast_in_dim3A_14 = arith.constant 65535 : i32
    %broadcast_in_dim3A_15 = vector.broadcast %broadcast_in_dim3A_14 : i32 to vector<16xi32>
    %dma_start3A = arith.constant 0 : i32
    %dma_start3A_16 = tpu.memref_slice %arg3[%dma_start3A] : memref<320000xi32, #tpu.memory_space<hbm>> -> memref<16000xi32, #tpu.memory_space<hbm>>
    %dma_start3A_17 = arith.constant 0 : i32
    %dma_start3A_18 = tpu.memref_slice %arg3[%dma_start3A_17] : memref<320000xi32, #tpu.memory_space<hbm>> -> memref<16000xi32, #tpu.memory_space<hbm>>
    tpu.enqueue_dma source(%dma_start3A_18 : memref<16000xi32, #tpu.memory_space<hbm>>) target(%arg7 : memref<16000xi32, #tpu.memory_space<vmem>>) target_semaphore(%arg9 : memref<!tpu.dma_semaphore, #tpu.memory_space<semaphore_mem>>)
    %dma_start3A_19 = arith.constant 16000 : i32
    %dma_start3A_20 = tpu.memref_slice %arg3[%dma_start3A_19] : memref<320000xi32, #tpu.memory_space<hbm>> -> memref<16000xi32, #tpu.memory_space<hbm>>
    %dma_start3A_21 = arith.constant 16000 : i32
    %dma_start3A_22 = tpu.memref_slice %arg3[%dma_start3A_21] : memref<320000xi32, #tpu.memory_space<hbm>> -> memref<16000xi32, #tpu.memory_space<hbm>>
    tpu.enqueue_dma source(%dma_start3A_22 : memref<16000xi32, #tpu.memory_space<hbm>>) target(%arg8 : memref<16000xi32, #tpu.memory_space<vmem>>) target_semaphore(%arg10 : memref<!tpu.dma_semaphore, #tpu.memory_space<semaphore_mem>>)
    %scan3A = arith.constant 0 : i32
    %scan3A_23 = arith.constant 10 : i32
    %scan3A_24 = arith.addi %scan3A, %scan3A_23 : i32
    %scan3A_25 = arith.constant 1 : i32
    scf.for %scan3A_27 = %scan3A to %scan3A_24 step %scan3A_25  : i32 {
      %mul3A_28 = arith.constant 2 : i32
      %mul3A_29 = arith.muli %scan3A_27, %mul3A_28 : i32
      %add3A_30 = arith.constant 0 : i32
      %add3A_31 = arith.addi %add3A_30, %mul3A_29 : i32
      %add3A_32 = arith.constant 0 : i32
      %add3A_33 = arith.addi %add3A_31, %add3A_32 : i32
      %dma_wait3A = arith.constant 0 : i32
      %dma_wait3A_34 = tpu.memref_slice %arg3[%dma_wait3A] : memref<320000xi32, #tpu.memory_space<hbm>> -> memref<16000xi32, #tpu.memory_space<hbm>>
      %dma_wait3A_35 = arith.constant 0 : i32
      %dma_wait3A_36 = tpu.memref_slice %arg3[%dma_wait3A_35] : memref<320000xi32, #tpu.memory_space<hbm>> -> memref<16000xi32, #tpu.memory_space<hbm>>
      tpu.wait_dma2 semaphore(%arg9 : memref<!tpu.dma_semaphore, #tpu.memory_space<semaphore_mem>>) src(%dma_wait3A_36 : memref<16000xi32, #tpu.memory_space<hbm>>) dst(%arg7 : memref<16000xi32, #tpu.memory_space<vmem>>)
      %parallel_loop3A_37 = arith.constant 0 : i32
      %parallel_loop3A_38 = arith.constant 1000 : i32
      %parallel_loop3A_39 = arith.constant 1 : i32
      scf.for %parallel_loop3A_60 = %parallel_loop3A_37 to %parallel_loop3A_38 step %parallel_loop3A_39  : i32 {
        %parallel_loop3A_61 = arith.constant 16 : i32
        %parallel_loop3A_62 = arith.muli %parallel_loop3A_60, %parallel_loop3A_61 : i32
        %parallel_loop3A_63 = arith.index_cast %parallel_loop3A_62 : i32 to index
        %parallel_loop3A_64 = tpu.vector_load %arg7[%parallel_loop3A_63] {strides = array<i32>} : memref<16000xi32, #tpu.memory_space<vmem>>, vector<16xi32>,
        %parallel_loop3A_65 = arith.andi %parallel_loop3A_64, %broadcast_in_dim3A_15 : vector<16xi32>
        %parallel_loop3A_66 = arith.constant 16 : i32
        %parallel_loop3A_67 = vector.broadcast %parallel_loop3A_66 : i32 to vector<16xi32>
        %parallel_loop3A_68 = arith.shrui %parallel_loop3A_64, %parallel_loop3A_67 : vector<16xi32>
        %parallel_loop3A_69 = tpu.vector_load_idx %arg5[%broadcast_in_dim3A_7, %parallel_loop3A_65] : memref<4x10000xf32, #tpu.memory_space<vmem>>[vector<16xi32>, vector<16xi32>], vector<16xf32>,
        tpu.vector_store_idx %arg6[%broadcast_in_dim3A_7, %parallel_loop3A_68], %parallel_loop3A_69 {add = true} : memref<4x10000xf32, #tpu.memory_space<vmem>>[vector<16xi32>, vector<16xi32>], vector<16xf32>,
        %parallel_loop3A_70 = tpu.vector_load_idx %arg5[%broadcast_in_dim3A_9, %parallel_loop3A_65] : memref<4x10000xf32, #tpu.memory_space<vmem>>[vector<16xi32>, vector<16xi32>], vector<16xf32>,
        tpu.vector_store_idx %arg6[%broadcast_in_dim3A_9, %parallel_loop3A_68], %parallel_loop3A_70 {add = true} : memref<4x10000xf32, #tpu.memory_space<vmem>>[vector<16xi32>, vector<16xi32>], vector<16xf32>,
        %parallel_loop3A_71 = tpu.vector_load_idx %arg5[%broadcast_in_dim3A_11, %parallel_loop3A_65] : memref<4x10000xf32, #tpu.memory_space<vmem>>[vector<16xi32>, vector<16xi32>], vector<16xf32>,
        tpu.vector_store_idx %arg6[%broadcast_in_dim3A_11, %parallel_loop3A_68], %parallel_loop3A_71 {add = true} : memref<4x10000xf32, #tpu.memory_space<vmem>>[vector<16xi32>, vector<16xi32>], vector<16xf32>,
        %parallel_loop3A_72 = tpu.vector_load_idx %arg5[%broadcast_in_dim3A_13, %parallel_loop3A_65] : memref<4x10000xf32, #tpu.memory_space<vmem>>[vector<16xi32>, vector<16xi32>], vector<16xf32>,
        tpu.vector_store_idx %arg6[%broadcast_in_dim3A_13, %parallel_loop3A_68], %parallel_loop3A_72 {add = true} : memref<4x10000xf32, #tpu.memory_space<vmem>>[vector<16xi32>, vector<16xi32>], vector<16xf32>,
      } {sc.loop_unroll_factor = 8 : i64, sc.parallel_access}
      %add3A_40 = arith.constant 2 : i32
      %add3A_41 = arith.addi %add3A_33, %add3A_40 : i32
      %lt3A = arith.constant 20 : i32
      %lt3A_42 = arith.cmpi slt, %add3A_41, %lt3A : i32
      %convert_element_type3A = arith.extui %lt3A_42 : i1 to i32
      %cond3A = arith.constant 0 : i32
      %cond3A_43 = arith.cmpi ne, %convert_element_type3A, %cond3A : i32
      scf.if %cond3A_43 {
        %add3A_60 = arith.constant 2 : i32
        %add3A_61 = arith.addi %add3A_33, %add3A_60 : i32
        %mul3A_62 = arith.constant 16000 : i32
        %mul3A_63 = arith.muli %add3A_61, %mul3A_62 : i32
        %dma_start3A_64 = tpu.memref_slice %arg3[%mul3A_63] : memref<320000xi32, #tpu.memory_space<hbm>> -> memref<16000xi32, #tpu.memory_space<hbm>>
        %dma_start3A_65 = tpu.memref_slice %arg3[%mul3A_63] : memref<320000xi32, #tpu.memory_space<hbm>> -> memref<16000xi32, #tpu.memory_space<hbm>>
        tpu.enqueue_dma source(%dma_start3A_65 : memref<16000xi32, #tpu.memory_space<hbm>>) target(%arg7 : memref<16000xi32, #tpu.memory_space<vmem>>) target_semaphore(%arg9 : memref<!tpu.dma_semaphore, #tpu.memory_space<semaphore_mem>>)
      } else {
      }
      %add3A_44 = arith.constant 1 : i32
      %add3A_45 = arith.addi %add3A_31, %add3A_44 : i32
      %dma_wait3A_46 = arith.constant 0 : i32
      %dma_wait3A_47 = tpu.memref_slice %arg3[%dma_wait3A_46] : memref<320000xi32, #tpu.memory_space<hbm>> -> memref<16000xi32, #tpu.memory_space<hbm>>
      %dma_wait3A_48 = arith.constant 0 : i32
      %dma_wait3A_49 = tpu.memref_slice %arg3[%dma_wait3A_48] : memref<320000xi32, #tpu.memory_space<hbm>> -> memref<16000xi32, #tpu.memory_space<hbm>>
      tpu.wait_dma2 semaphore(%arg10 : memref<!tpu.dma_semaphore, #tpu.memory_space<semaphore_mem>>) src(%dma_wait3A_49 : memref<16000xi32, #tpu.memory_space<hbm>>) dst(%arg8 : memref<16000xi32, #tpu.memory_space<vmem>>)
      %parallel_loop3A_50 = arith.constant 0 : i32
      %parallel_loop3A_51 = arith.constant 1000 : i32
      %parallel_loop3A_52 = arith.constant 1 : i32
      scf.for %parallel_loop3A_60 = %parallel_loop3A_50 to %parallel_loop3A_51 step %parallel_loop3A_52  : i32 {
        %parallel_loop3A_61 = arith.constant 16 : i32
        %parallel_loop3A_62 = arith.muli %parallel_loop3A_60, %parallel_loop3A_61 : i32
        %parallel_loop3A_63 = arith.index_cast %parallel_loop3A_62 : i32 to index
        %parallel_loop3A_64 = tpu.vector_load %arg8[%parallel_loop3A_63] {strides = array<i32>} : memref<16000xi32, #tpu.memory_space<vmem>>, vector<16xi32>,
        %parallel_loop3A_65 = arith.andi %parallel_loop3A_64, %broadcast_in_dim3A_15 : vector<16xi32>
        %parallel_loop3A_66 = arith.constant 16 : i32
        %parallel_loop3A_67 = vector.broadcast %parallel_loop3A_66 : i32 to vector<16xi32>
        %parallel_loop3A_68 = arith.shrui %parallel_loop3A_64, %parallel_loop3A_67 : vector<16xi32>
        %parallel_loop3A_69 = tpu.vector_load_idx %arg5[%broadcast_in_dim3A_7, %parallel_loop3A_65] : memref<4x10000xf32, #tpu.memory_space<vmem>>[vector<16xi32>, vector<16xi32>], vector<16xf32>,
        tpu.vector_store_idx %arg6[%broadcast_in_dim3A_7, %parallel_loop3A_68], %parallel_loop3A_69 {add = true} : memref<4x10000xf32, #tpu.memory_space<vmem>>[vector<16xi32>, vector<16xi32>], vector<16xf32>,
        %parallel_loop3A_70 = tpu.vector_load_idx %arg5[%broadcast_in_dim3A_9, %parallel_loop3A_65] : memref<4x10000xf32, #tpu.memory_space<vmem>>[vector<16xi32>, vector<16xi32>], vector<16xf32>,
        tpu.vector_store_idx %arg6[%broadcast_in_dim3A_9, %parallel_loop3A_68], %parallel_loop3A_70 {add = true} : memref<4x10000xf32, #tpu.memory_space<vmem>>[vector<16xi32>, vector<16xi32>], vector<16xf32>,
        %parallel_loop3A_71 = tpu.vector_load_idx %arg5[%broadcast_in_dim3A_11, %parallel_loop3A_65] : memref<4x10000xf32, #tpu.memory_space<vmem>>[vector<16xi32>, vector<16xi32>], vector<16xf32>,
        tpu.vector_store_idx %arg6[%broadcast_in_dim3A_11, %parallel_loop3A_68], %parallel_loop3A_71 {add = true} : memref<4x10000xf32, #tpu.memory_space<vmem>>[vector<16xi32>, vector<16xi32>], vector<16xf32>,
        %parallel_loop3A_72 = tpu.vector_load_idx %arg5[%broadcast_in_dim3A_13, %parallel_loop3A_65] : memref<4x10000xf32, #tpu.memory_space<vmem>>[vector<16xi32>, vector<16xi32>], vector<16xf32>,
        tpu.vector_store_idx %arg6[%broadcast_in_dim3A_13, %parallel_loop3A_68], %parallel_loop3A_72 {add = true} : memref<4x10000xf32, #tpu.memory_space<vmem>>[vector<16xi32>, vector<16xi32>], vector<16xf32>,
      } {sc.loop_unroll_factor = 8 : i64, sc.parallel_access}
      %add3A_53 = arith.constant 2 : i32
      %add3A_54 = arith.addi %add3A_45, %add3A_53 : i32
      %lt3A_55 = arith.constant 20 : i32
      %lt3A_56 = arith.cmpi slt, %add3A_54, %lt3A_55 : i32
      %convert_element_type3A_57 = arith.extui %lt3A_56 : i1 to i32
      %cond3A_58 = arith.constant 0 : i32
      %cond3A_59 = arith.cmpi ne, %convert_element_type3A_57, %cond3A_58 : i32
      scf.if %cond3A_59 {
        %add3A_60 = arith.constant 2 : i32
        %add3A_61 = arith.addi %add3A_45, %add3A_60 : i32
        %mul3A_62 = arith.constant 16000 : i32
        %mul3A_63 = arith.muli %add3A_61, %mul3A_62 : i32
        %dma_start3A_64 = tpu.memref_slice %arg3[%mul3A_63] : memref<320000xi32, #tpu.memory_space<hbm>> -> memref<16000xi32, #tpu.memory_space<hbm>>
        %dma_start3A_65 = tpu.memref_slice %arg3[%mul3A_63] : memref<320000xi32, #tpu.memory_space<hbm>> -> memref<16000xi32, #tpu.memory_space<hbm>>
        tpu.enqueue_dma source(%dma_start3A_65 : memref<16000xi32, #tpu.memory_space<hbm>>) target(%arg8 : memref<16000xi32, #tpu.memory_space<vmem>>) target_semaphore(%arg10 : memref<!tpu.dma_semaphore, #tpu.memory_space<semaphore_mem>>)
      } else {
      }
    }
    %scan3A_26 = arith.constant 10 : i32
    "tpu.region"() ({
      %run_scoped3A = tpu.sem_alloc : memref<!tpu.dma_semaphore, #tpu.memory_space<semaphore_mem>>
      %dma_start3A_27 = arith.constant 0 : i32
      %dma_start3A_28 = tpu.memref_slice %arg4[%mul3A_2, %dma_start3A_27] : memref<128x10000xf32, #tpu.memory_space<hbm>> -> memref<4x10000xf32, #tpu.memory_space<hbm>>
      %dma_start3A_29 = arith.constant 0 : i32
      %dma_start3A_30 = tpu.memref_slice %arg4[%mul3A_2, %dma_start3A_29] : memref<128x10000xf32, #tpu.memory_space<hbm>> -> memref<4x10000xf32, #tpu.memory_space<hbm>>
      tpu.enqueue_dma source(%arg6 : memref<4x10000xf32, #tpu.memory_space<vmem>>) target(%dma_start3A_30 : memref<4x10000xf32, #tpu.memory_space<hbm>>) target_semaphore(%run_scoped3A : memref<!tpu.dma_semaphore, #tpu.memory_space<semaphore_mem>>)
      %dma_wait3A = arith.constant 0 : i32
      %dma_wait3A_31 = tpu.memref_slice %arg4[%mul3A_2, %dma_wait3A] : memref<128x10000xf32, #tpu.memory_space<hbm>> -> memref<4x10000xf32, #tpu.memory_space<hbm>>
      %dma_wait3A_32 = arith.constant 0 : i32
      %dma_wait3A_33 = tpu.memref_slice %arg4[%mul3A_2, %dma_wait3A_32] : memref<128x10000xf32, #tpu.memory_space<hbm>> -> memref<4x10000xf32, #tpu.memory_space<hbm>>
      tpu.wait_dma2 semaphore(%run_scoped3A : memref<!tpu.dma_semaphore, #tpu.memory_space<semaphore_mem>>) src(%arg6 : memref<4x10000xf32, #tpu.memory_space<vmem>>) dst(%dma_wait3A_33 : memref<4x10000xf32, #tpu.memory_space<hbm>>)
      tpu.yield
    }) : () -> ()
    return
  }
}

module attributes {stable_mosaic.version = 14 : i64} {
  func.func @_layer_body(%arg0: i32, %arg1: memref<128x2048xf32, #tpu.memory_space<vmem>>, %arg2: memref<128x2048xf32, #tpu.memory_space<vmem>>, %arg3: memref<128x2048xf32, #tpu.memory_space<vmem>>, %arg4: memref<128x2048xf32, #tpu.memory_space<vmem>>, %arg5: memref<1x2048xf32, #tpu.memory_space<vmem>>, %arg6: memref<128x128xf32, #tpu.memory_space<vmem>>, %arg7: memref<128x128xf32, #tpu.memory_space<vmem>>, %arg8: memref<128x1xf32, #tpu.memory_space<vmem>>, %arg9: memref<128x2048xf32, #tpu.memory_space<vmem>>) attributes {dimension_semantics = [#tpu.dimension_semantics<arbitrary>], iteration_bounds = array<i64: 5>, scalar_prefetch = 0 : i64, scratch_operands = 0 : i64, tpu.core_type = #tpu.core_type<tc>, window_params = [{transform_indices = @transform_0, window_bounds = array<i64: 128, 2048>}, {transform_indices = @transform_1, window_bounds = array<i64: 128, 2048>}, {transform_indices = @transform_2, window_bounds = array<i64: 128, 2048>}, {transform_indices = @transform_3, window_bounds = array<i64: 128, 2048>}, {transform_indices = @transform_4, window_bounds = array<i64: 1, 2048>}, {pipeline_mode = #tpu.pipeline_mode<synchronous>, transform_indices = @transform_5, window_bounds = array<i64: 128, 128>}, {pipeline_mode = #tpu.pipeline_mode<synchronous>, transform_indices = @transform_6, window_bounds = array<i64: 128, 128>}, {pipeline_mode = #tpu.pipeline_mode<synchronous>, transform_indices = @transform_7, window_bounds = array<i64: 128, 1>}, {transform_indices = @transform_8, window_bounds = array<i64: 128, 2048>}]} {
    %get3A = arith.constant 0 : index
    %get3A_0 = arith.constant 0 : index
    %get3A_1 = vector.load %arg2[%get3A, %get3A_0] : memref<128x2048xf32, #tpu.memory_space<vmem>>, vector<128x2048xf32>
    %get3A_2 = arith.constant 0 : index
    %get3A_3 = arith.constant 0 : index
    %get3A_4 = vector.load %arg5[%get3A_2, %get3A_3] : memref<1x2048xf32, #tpu.memory_space<vmem>>, vector<1x2048xf32>
    %mul3A = vector.broadcast %get3A_4 : vector<1x2048xf32> to vector<128x2048xf32>
    %mul3A_5 = arith.mulf %get3A_1, %mul3A : vector<128x2048xf32>
    %get3A_6 = arith.constant 0 : index
    %get3A_7 = arith.constant 0 : index
    %get3A_8 = vector.load %arg6[%get3A_6, %get3A_7] : memref<128x128xf32, #tpu.memory_space<vmem>>, vector<128x128xf32>
    %get3A_9 = arith.constant 0 : index
    %get3A_10 = arith.constant 0 : index
    %get3A_11 = vector.load %arg1[%get3A_9, %get3A_10] : memref<128x2048xf32, #tpu.memory_space<vmem>>, vector<128x2048xf32>
    %dot_general3A = arith.constant dense<0.000000e+00> : vector<128x2048xf32>
    %dot_general3A_12 = tpu.matmul %get3A_8, %get3A_11, %dot_general3A {dimension_numbers = #tpu.dot_dimension_numbers<[0], [0], [1], [1], [0, 1, 1, 1], [], []>, transpose_lhs_hint = false} : vector<128x128xf32>, vector<128x2048xf32>, vector<128x2048xf32> -> vector<128x2048xf32>
    %get3A_13 = arith.constant 0 : index
    %get3A_14 = arith.constant 0 : index
    %get3A_15 = vector.load %arg7[%get3A_13, %get3A_14] : memref<128x128xf32, #tpu.memory_space<vmem>>, vector<128x128xf32>
    %dot_general3A_16 = arith.constant dense<0.000000e+00> : vector<128x2048xf32>
    %dot_general3A_17 = tpu.matmul %get3A_15, %mul3A_5, %dot_general3A_16 {dimension_numbers = #tpu.dot_dimension_numbers<[0], [0], [1], [1], [0, 1, 1, 1], [], []>, transpose_lhs_hint = false} : vector<128x128xf32>, vector<128x2048xf32>, vector<128x2048xf32> -> vector<128x2048xf32>
    %add3A = arith.addf %dot_general3A_12, %dot_general3A_17 : vector<128x2048xf32>
    %get3A_18 = arith.constant 0 : index
    %get3A_19 = arith.constant 0 : index
    %get3A_20 = vector.load %arg8[%get3A_18, %get3A_19] : memref<128x1xf32, #tpu.memory_space<vmem>>, vector<128x1xf32>
    %add3A_21 = vector.broadcast %get3A_20 : vector<128x1xf32> to vector<128x2048xf32>
    %add3A_22 = arith.addf %add3A, %add3A_21 : vector<128x2048xf32>
    %get3A_23 = arith.constant 0 : index
    %get3A_24 = arith.constant 0 : index
    %get3A_25 = vector.load %arg3[%get3A_23, %get3A_24] : memref<128x2048xf32, #tpu.memory_space<vmem>>, vector<128x2048xf32>
    %mul3A_26 = arith.mulf %get3A_25, %add3A_22 : vector<128x2048xf32>
    %get3A_27 = arith.constant 0 : index
    %get3A_28 = arith.constant 0 : index
    %get3A_29 = vector.load %arg4[%get3A_27, %get3A_28] : memref<128x2048xf32, #tpu.memory_space<vmem>>, vector<128x2048xf32>
    %add3A_30 = arith.addf %mul3A_26, %get3A_29 : vector<128x2048xf32>
    %max3A = arith.constant 0.000000e+00 : f32
    %max3A_31 = vector.broadcast %max3A : f32 to vector<128x2048xf32>
    %max3A_32 = arith.maximumf %add3A_30, %max3A_31 : vector<128x2048xf32>
    %swap3A = arith.constant 0 : index
    %swap3A_33 = arith.constant 0 : index
    %swap3A_34 = vector.load %arg9[%swap3A, %swap3A_33] : memref<128x2048xf32, #tpu.memory_space<vmem>>, vector<128x2048xf32>
    tpu.vector_store %arg9[%swap3A, %swap3A_33], %max3A_32 {strides = array<i32>} : memref<128x2048xf32, #tpu.memory_space<vmem>>, vector<128x2048xf32>,
    return
  }
  func.func @transform_0(%arg0: i32) -> (i32, i32) {
    %c0_i32 = arith.constant 0 : i32
    %c0_i32_0 = arith.constant 0 : i32
    return %c0_i32, %arg0 : i32, i32
  }
  func.func @transform_1(%arg0: i32) -> (i32, i32) {
    %c0_i32 = arith.constant 0 : i32
    %c0_i32_0 = arith.constant 0 : i32
    return %c0_i32, %arg0 : i32, i32
  }
  func.func @transform_2(%arg0: i32) -> (i32, i32) {
    %c0_i32 = arith.constant 0 : i32
    %c0_i32_0 = arith.constant 0 : i32
    return %c0_i32, %arg0 : i32, i32
  }
  func.func @transform_3(%arg0: i32) -> (i32, i32) {
    %c1_i32 = arith.constant 1 : i32
    %c0_i32 = arith.constant 0 : i32
    return %c1_i32, %arg0 : i32, i32
  }
  func.func @transform_4(%arg0: i32) -> (i32, i32) {
    %c0_i32 = arith.constant 0 : i32
    %c0_i32_0 = arith.constant 0 : i32
    return %c0_i32, %arg0 : i32, i32
  }
  func.func @transform_5(%arg0: i32) -> (i32, i32) {
    %c0_i32 = arith.constant 0 : i32
    %c0_i32_0 = arith.constant 0 : i32
    %c0_i32_1 = arith.constant 0 : i32
    return %c0_i32, %c0_i32_0 : i32, i32
  }
  func.func @transform_6(%arg0: i32) -> (i32, i32) {
    %c0_i32 = arith.constant 0 : i32
    %c0_i32_0 = arith.constant 0 : i32
    %c0_i32_1 = arith.constant 0 : i32
    return %c0_i32, %c0_i32_0 : i32, i32
  }
  func.func @transform_7(%arg0: i32) -> (i32, i32) {
    %c0_i32 = arith.constant 0 : i32
    %c0_i32_0 = arith.constant 0 : i32
    %c0_i32_1 = arith.constant 0 : i32
    return %c0_i32, %c0_i32_0 : i32, i32
  }
  func.func @transform_8(%arg0: i32) -> (i32, i32) {
    %c0_i32 = arith.constant 0 : i32
    %c0_i32_0 = arith.constant 0 : i32
    return %c0_i32, %arg0 : i32, i32
  }
}

module attributes {stable_mosaic.version = 14 : i64} {
  func.func @_fc_body(%arg0: i32, %arg1: memref<2048x128xf32, #tpu.memory_space<vmem>>, %arg2: memref<128x256xf32, #tpu.memory_space<vmem>>, %arg3: memref<256x1xf32, #tpu.memory_space<vmem>>, %arg4: memref<32x2048xf32, #tpu.memory_space<vmem>>, %arg5: memref<256x2048xf32, #tpu.memory_space<vmem>>, %arg6: memref<1x2048xf32, #tpu.memory_space<vmem>>) attributes {dimension_semantics = [#tpu.dimension_semantics<arbitrary>], iteration_bounds = array<i64: 5>, scalar_prefetch = 0 : i64, scratch_operands = 0 : i64, tpu.core_type = #tpu.core_type<tc>, window_params = [{transform_indices = @transform_0, window_bounds = array<i64: 2048, 128>}, {pipeline_mode = #tpu.pipeline_mode<synchronous>, transform_indices = @transform_1, window_bounds = array<i64: 128, 256>}, {pipeline_mode = #tpu.pipeline_mode<synchronous>, transform_indices = @transform_2, window_bounds = array<i64: 256, 1>}, {transform_indices = @transform_3, window_bounds = array<i64: 32, 2048>}, {transform_indices = @transform_4, window_bounds = array<i64: 256, 2048>}, {transform_indices = @transform_5, window_bounds = array<i64: 1, 2048>}]} {
    %get3A = arith.constant 0 : index
    %get3A_0 = arith.constant 0 : index
    %get3A_1 = vector.load %arg2[%get3A, %get3A_0] : memref<128x256xf32, #tpu.memory_space<vmem>>, vector<128x256xf32>
    %get3A_2 = arith.constant 0 : index
    %get3A_3 = arith.constant 0 : index
    %get3A_4 = vector.load %arg1[%get3A_2, %get3A_3] : memref<2048x128xf32, #tpu.memory_space<vmem>>, vector<2048x128xf32>
    %dot_general3A = arith.constant dense<0.000000e+00> : vector<256x2048xf32>
    %dot_general3A_5 = tpu.matmul %get3A_1, %get3A_4, %dot_general3A {dimension_numbers = #tpu.dot_dimension_numbers<[0], [1], [1], [0], [0, 1, 1, 0], [], []>, transpose_lhs_hint = false} : vector<128x256xf32>, vector<2048x128xf32>, vector<256x2048xf32> -> vector<256x2048xf32>
    %get3A_6 = arith.constant 0 : index
    %get3A_7 = arith.constant 0 : index
    %get3A_8 = vector.load %arg3[%get3A_6, %get3A_7] : memref<256x1xf32, #tpu.memory_space<vmem>>, vector<256x1xf32>
    %add3A = vector.broadcast %get3A_8 : vector<256x1xf32> to vector<256x2048xf32>
    %add3A_9 = arith.addf %dot_general3A_5, %add3A : vector<256x2048xf32>
    %swap3A = arith.constant 0 : index
    %swap3A_10 = arith.constant 0 : index
    %swap3A_11 = vector.load %arg5[%swap3A, %swap3A_10] : memref<256x2048xf32, #tpu.memory_space<vmem>>, vector<256x2048xf32>
    tpu.vector_store %arg5[%swap3A, %swap3A_10], %add3A_9 {strides = array<i32>} : memref<256x2048xf32, #tpu.memory_space<vmem>>, vector<256x2048xf32>,
    %get3A_12 = arith.constant 0 : index
    %get3A_13 = arith.constant 0 : index
    %get3A_14 = vector.load %arg4[%get3A_12, %get3A_13] : memref<32x2048xf32, #tpu.memory_space<vmem>>, vector<32x2048xf32>
    %reduce_sum3A = arith.constant dense<0.000000e+00> : vector<2048xf32>
    %reduce_sum3A_15 = vector.multi_reduction <add>, %get3A_14, %reduce_sum3A [0] : vector<32x2048xf32> to vector<2048xf32>
    %broadcast_in_dim3A = vector.shape_cast %reduce_sum3A_15 : vector<2048xf32> to vector<1x2048xf32>
    %max3A = arith.constant 1.000000e+00 : f32
    %max3A_16 = vector.broadcast %max3A : f32 to vector<1x2048xf32>
    %max3A_17 = arith.maximumf %broadcast_in_dim3A, %max3A_16 : vector<1x2048xf32>
    %div3A = arith.constant 1.000000e+00 : f32
    %div3A_18 = vector.broadcast %div3A : f32 to vector<1x2048xf32>
    %div3A_19 = arith.divf %div3A_18, %max3A_17 : vector<1x2048xf32>
    %swap3A_20 = arith.constant 0 : index
    %swap3A_21 = arith.constant 0 : index
    %swap3A_22 = vector.load %arg6[%swap3A_20, %swap3A_21] : memref<1x2048xf32, #tpu.memory_space<vmem>>, vector<1x2048xf32>
    tpu.vector_store %arg6[%swap3A_20, %swap3A_21], %div3A_19 {strides = array<i32>} : memref<1x2048xf32, #tpu.memory_space<vmem>>, vector<1x2048xf32>,
    return
  }
  func.func @transform_0(%arg0: i32) -> (i32, i32) {
    %c0_i32 = arith.constant 0 : i32
    %c0_i32_0 = arith.constant 0 : i32
    return %arg0, %c0_i32 : i32, i32
  }
  func.func @transform_1(%arg0: i32) -> (i32, i32) {
    %c0_i32 = arith.constant 0 : i32
    %c0_i32_0 = arith.constant 0 : i32
    %c0_i32_1 = arith.constant 0 : i32
    return %c0_i32, %c0_i32_0 : i32, i32
  }
  func.func @transform_2(%arg0: i32) -> (i32, i32) {
    %c0_i32 = arith.constant 0 : i32
    %c0_i32_0 = arith.constant 0 : i32
    %c0_i32_1 = arith.constant 0 : i32
    return %c0_i32, %c0_i32_0 : i32, i32
  }
  func.func @transform_3(%arg0: i32) -> (i32, i32) {
    %c0_i32 = arith.constant 0 : i32
    %c0_i32_0 = arith.constant 0 : i32
    return %c0_i32, %arg0 : i32, i32
  }
  func.func @transform_4(%arg0: i32) -> (i32, i32) {
    %c0_i32 = arith.constant 0 : i32
    %c0_i32_0 = arith.constant 0 : i32
    return %c0_i32, %arg0 : i32, i32
  }
  func.func @transform_5(%arg0: i32) -> (i32, i32) {
    %c0_i32 = arith.constant 0 : i32
    %c0_i32_0 = arith.constant 0 : i32
    return %c0_i32, %arg0 : i32, i32
  }
}

module attributes {stable_mosaic.version = 14 : i64} {
  func.func @_last_layer_body(%arg0: i32, %arg1: memref<128x2048xf32, #tpu.memory_space<vmem>>, %arg2: memref<128x2048xf32, #tpu.memory_space<vmem>>, %arg3: memref<128x2048xf32, #tpu.memory_space<vmem>>, %arg4: memref<128x2048xf32, #tpu.memory_space<vmem>>, %arg5: memref<1x2048xf32, #tpu.memory_space<vmem>>, %arg6: memref<128x128xf32, #tpu.memory_space<vmem>>, %arg7: memref<128x128xf32, #tpu.memory_space<vmem>>, %arg8: memref<128x1xf32, #tpu.memory_space<vmem>>, %arg9: memref<1x2048xi32, #tpu.memory_space<vmem>>, %arg10: memref<128x128xf32, #tpu.memory_space<vmem>>, %arg11: memref<1x128xf32, #tpu.memory_space<vmem>>) attributes {dimension_semantics = [#tpu.dimension_semantics<arbitrary>], iteration_bounds = array<i64: 5>, scalar_prefetch = 0 : i64, scratch_operands = 0 : i64, tpu.core_type = #tpu.core_type<tc>, window_params = [{transform_indices = @transform_0, window_bounds = array<i64: 128, 2048>}, {transform_indices = @transform_1, window_bounds = array<i64: 128, 2048>}, {transform_indices = @transform_2, window_bounds = array<i64: 128, 2048>}, {transform_indices = @transform_3, window_bounds = array<i64: 128, 2048>}, {transform_indices = @transform_4, window_bounds = array<i64: 1, 2048>}, {pipeline_mode = #tpu.pipeline_mode<synchronous>, transform_indices = @transform_5, window_bounds = array<i64: 128, 128>}, {pipeline_mode = #tpu.pipeline_mode<synchronous>, transform_indices = @transform_6, window_bounds = array<i64: 128, 128>}, {pipeline_mode = #tpu.pipeline_mode<synchronous>, transform_indices = @transform_7, window_bounds = array<i64: 128, 1>}, {transform_indices = @transform_8, window_bounds = array<i64: 1, 2048>}, {pipeline_mode = #tpu.pipeline_mode<synchronous>, transform_indices = @transform_9, window_bounds = array<i64: 128, 128>}, {pipeline_mode = #tpu.pipeline_mode<synchronous>, transform_indices = @transform_10, window_bounds = array<i64: 1, 128>}]} {
    %get3A = arith.constant 0 : index
    %get3A_0 = arith.constant 0 : index
    %get3A_1 = vector.load %arg2[%get3A, %get3A_0] : memref<128x2048xf32, #tpu.memory_space<vmem>>, vector<128x2048xf32>
    %get3A_2 = arith.constant 0 : index
    %get3A_3 = arith.constant 0 : index
    %get3A_4 = vector.load %arg5[%get3A_2, %get3A_3] : memref<1x2048xf32, #tpu.memory_space<vmem>>, vector<1x2048xf32>
    %mul3A = vector.broadcast %get3A_4 : vector<1x2048xf32> to vector<128x2048xf32>
    %mul3A_5 = arith.mulf %get3A_1, %mul3A : vector<128x2048xf32>
    %get3A_6 = arith.constant 0 : index
    %get3A_7 = arith.constant 0 : index
    %get3A_8 = vector.load %arg6[%get3A_6, %get3A_7] : memref<128x128xf32, #tpu.memory_space<vmem>>, vector<128x128xf32>
    %get3A_9 = arith.constant 0 : index
    %get3A_10 = arith.constant 0 : index
    %get3A_11 = vector.load %arg1[%get3A_9, %get3A_10] : memref<128x2048xf32, #tpu.memory_space<vmem>>, vector<128x2048xf32>
    %dot_general3A = arith.constant dense<0.000000e+00> : vector<128x2048xf32>
    %dot_general3A_12 = tpu.matmul %get3A_8, %get3A_11, %dot_general3A {dimension_numbers = #tpu.dot_dimension_numbers<[0], [0], [1], [1], [0, 1, 1, 1], [], []>, transpose_lhs_hint = false} : vector<128x128xf32>, vector<128x2048xf32>, vector<128x2048xf32> -> vector<128x2048xf32>
    %get3A_13 = arith.constant 0 : index
    %get3A_14 = arith.constant 0 : index
    %get3A_15 = vector.load %arg7[%get3A_13, %get3A_14] : memref<128x128xf32, #tpu.memory_space<vmem>>, vector<128x128xf32>
    %dot_general3A_16 = arith.constant dense<0.000000e+00> : vector<128x2048xf32>
    %dot_general3A_17 = tpu.matmul %get3A_15, %mul3A_5, %dot_general3A_16 {dimension_numbers = #tpu.dot_dimension_numbers<[0], [0], [1], [1], [0, 1, 1, 1], [], []>, transpose_lhs_hint = false} : vector<128x128xf32>, vector<128x2048xf32>, vector<128x2048xf32> -> vector<128x2048xf32>
    %add3A = arith.addf %dot_general3A_12, %dot_general3A_17 : vector<128x2048xf32>
    %get3A_18 = arith.constant 0 : index
    %get3A_19 = arith.constant 0 : index
    %get3A_20 = vector.load %arg8[%get3A_18, %get3A_19] : memref<128x1xf32, #tpu.memory_space<vmem>>, vector<128x1xf32>
    %add3A_21 = vector.broadcast %get3A_20 : vector<128x1xf32> to vector<128x2048xf32>
    %add3A_22 = arith.addf %add3A, %add3A_21 : vector<128x2048xf32>
    %get3A_23 = arith.constant 0 : index
    %get3A_24 = arith.constant 0 : index
    %get3A_25 = vector.load %arg3[%get3A_23, %get3A_24] : memref<128x2048xf32, #tpu.memory_space<vmem>>, vector<128x2048xf32>
    %mul3A_26 = arith.mulf %get3A_25, %add3A_22 : vector<128x2048xf32>
    %get3A_27 = arith.constant 0 : index
    %get3A_28 = arith.constant 0 : index
    %get3A_29 = vector.load %arg4[%get3A_27, %get3A_28] : memref<128x2048xf32, #tpu.memory_space<vmem>>, vector<128x2048xf32>
    %add3A_30 = arith.addf %mul3A_26, %get3A_29 : vector<128x2048xf32>
    %max3A = arith.constant 0.000000e+00 : f32
    %max3A_31 = vector.broadcast %max3A : f32 to vector<128x2048xf32>
    %max3A_32 = arith.maximumf %add3A_30, %max3A_31 : vector<128x2048xf32>
    %get3A_33 = arith.constant 0 : index
    %get3A_34 = arith.constant 0 : index
    %get3A_35 = vector.load %arg9[%get3A_33, %get3A_34] : memref<1x2048xi32, #tpu.memory_space<vmem>>, vector<1x2048xi32>
    %squeeze3A = vector.shape_cast %get3A_35 : vector<1x2048xi32> to vector<2048xi32>
    %broadcast_in_dim3A = vector.shape_cast %squeeze3A : vector<2048xi32> to vector<2048x1xi32>
    %iota3A = tpu.iota {dimensions = array<i32: 1>} : vector<2048x128xi32>
    %iota3A_36 = tpu.iota {dimensions = array<i32: 0>} : vector<2048x128xi32>
    %mul3A_37 = arith.constant 2048 : i32
    %mul3A_38 = arith.muli %arg0, %mul3A_37 : i32
    %add3A_39 = vector.broadcast %mul3A_38 : i32 to vector<2048x128xi32>
    %add3A_40 = arith.addi %iota3A_36, %add3A_39 : vector<2048x128xi32>
    %eq3A = vector.broadcast %broadcast_in_dim3A : vector<2048x1xi32> to vector<2048x128xi32>
    %eq3A_41 = arith.cmpi eq, %eq3A, %iota3A : vector<2048x128xi32>
    %lt3A = arith.constant 10000 : i32
    %lt3A_42 = vector.broadcast %lt3A : i32 to vector<2048x128xi32>
    %lt3A_43 = arith.cmpi slt, %add3A_40, %lt3A_42 : vector<2048x128xi32>
    %and3A = arith.andi %eq3A_41, %lt3A_43 : vector<2048x128xi1>
    %jit3A = arith.constant 1.000000e+00 : f32
    %jit3A_44 = arith.constant 0.000000e+00 : f32
    %broadcast_in_dim3A_45 = vector.broadcast %jit3A : f32 to vector<2048x128xf32>
    %broadcast_in_dim3A_46 = vector.broadcast %jit3A_44 : f32 to vector<2048x128xf32>
    %select_n3A = arith.select %and3A, %broadcast_in_dim3A_45, %broadcast_in_dim3A_46 : vector<2048x128xi1>, vector<2048x128xf32>
    %dot_general3A_47 = arith.constant dense<0.000000e+00> : vector<128x128xf32>
    %dot_general3A_48 = tpu.matmul %max3A_32, %select_n3A, %dot_general3A_47 {dimension_numbers = #tpu.dot_dimension_numbers<[1], [0], [0], [1], [0, 0, 1, 1], [], []>, transpose_lhs_hint = false} : vector<128x2048xf32>, vector<2048x128xf32>, vector<128x128xf32> -> vector<128x128xf32>
    %reduce_sum3A = arith.constant dense<0.000000e+00> : vector<128xf32>
    %reduce_sum3A_49 = vector.multi_reduction <add>, %select_n3A, %reduce_sum3A [0] : vector<2048x128xf32> to vector<128xf32>
    %broadcast_in_dim3A_50 = vector.shape_cast %reduce_sum3A_49 : vector<128xf32> to vector<1x128xf32>
    %eq3A_51 = arith.constant 0 : i32
    %eq3A_52 = arith.cmpi eq, %arg0, %eq3A_51 : i32
    %convert_element_type3A = arith.extui %eq3A_52 : i1 to i32
    %cond3A = arith.constant 0 : i32
    %cond3A_53 = arith.cmpi ne, %convert_element_type3A, %cond3A : i32
    scf.if %cond3A_53 {
      %broadcast_in_dim3A_67 = arith.constant 0.000000e+00 : f32
      %broadcast_in_dim3A_68 = vector.broadcast %broadcast_in_dim3A_67 : f32 to vector<128x128xf32>
      %swap3A_69 = arith.constant 0 : index
      %swap3A_70 = arith.constant 0 : index
      %swap3A_71 = vector.load %arg10[%swap3A_69, %swap3A_70] : memref<128x128xf32, #tpu.memory_space<vmem>>, vector<128x128xf32>
      tpu.vector_store %arg10[%swap3A_69, %swap3A_70], %broadcast_in_dim3A_68 {strides = array<i32>} : memref<128x128xf32, #tpu.memory_space<vmem>>, vector<128x128xf32>,
      %broadcast_in_dim3A_72 = arith.constant 0.000000e+00 : f32
      %broadcast_in_dim3A_73 = vector.broadcast %broadcast_in_dim3A_72 : f32 to vector<1x128xf32>
      %swap3A_74 = arith.constant 0 : index
      %swap3A_75 = arith.constant 0 : index
      %swap3A_76 = vector.load %arg11[%swap3A_74, %swap3A_75] : memref<1x128xf32, #tpu.memory_space<vmem>>, vector<1x128xf32>
      tpu.vector_store %arg11[%swap3A_74, %swap3A_75], %broadcast_in_dim3A_73 {strides = array<i32>} : memref<1x128xf32, #tpu.memory_space<vmem>>, vector<1x128xf32>,
    } else {
    }
    %get3A_54 = arith.constant 0 : index
    %get3A_55 = arith.constant 0 : index
    %get3A_56 = vector.load %arg10[%get3A_54, %get3A_55] : memref<128x128xf32, #tpu.memory_space<vmem>>, vector<128x128xf32>
    %add3A_57 = arith.addf %get3A_56, %dot_general3A_48 : vector<128x128xf32>
    %swap3A = arith.constant 0 : index
    %swap3A_58 = arith.constant 0 : index
    %swap3A_59 = vector.load %arg10[%swap3A, %swap3A_58] : memref<128x128xf32, #tpu.memory_space<vmem>>, vector<128x128xf32>
    tpu.vector_store %arg10[%swap3A, %swap3A_58], %add3A_57 {strides = array<i32>} : memref<128x128xf32, #tpu.memory_space<vmem>>, vector<128x128xf32>,
    %get3A_60 = arith.constant 0 : index
    %get3A_61 = arith.constant 0 : index
    %get3A_62 = vector.load %arg11[%get3A_60, %get3A_61] : memref<1x128xf32, #tpu.memory_space<vmem>>, vector<1x128xf32>
    %add3A_63 = arith.addf %get3A_62, %broadcast_in_dim3A_50 : vector<1x128xf32>
    %swap3A_64 = arith.constant 0 : index
    %swap3A_65 = arith.constant 0 : index
    %swap3A_66 = vector.load %arg11[%swap3A_64, %swap3A_65] : memref<1x128xf32, #tpu.memory_space<vmem>>, vector<1x128xf32>
    tpu.vector_store %arg11[%swap3A_64, %swap3A_65], %add3A_63 {strides = array<i32>} : memref<1x128xf32, #tpu.memory_space<vmem>>, vector<1x128xf32>,
    return
  }
  func.func @transform_0(%arg0: i32) -> (i32, i32) {
    %c0_i32 = arith.constant 0 : i32
    %c0_i32_0 = arith.constant 0 : i32
    return %c0_i32, %arg0 : i32, i32
  }
  func.func @transform_1(%arg0: i32) -> (i32, i32) {
    %c0_i32 = arith.constant 0 : i32
    %c0_i32_0 = arith.constant 0 : i32
    return %c0_i32, %arg0 : i32, i32
  }
  func.func @transform_2(%arg0: i32) -> (i32, i32) {
    %c0_i32 = arith.constant 0 : i32
    %c0_i32_0 = arith.constant 0 : i32
    return %c0_i32, %arg0 : i32, i32
  }
  func.func @transform_3(%arg0: i32) -> (i32, i32) {
    %c1_i32 = arith.constant 1 : i32
    %c0_i32 = arith.constant 0 : i32
    return %c1_i32, %arg0 : i32, i32
  }
  func.func @transform_4(%arg0: i32) -> (i32, i32) {
    %c0_i32 = arith.constant 0 : i32
    %c0_i32_0 = arith.constant 0 : i32
    return %c0_i32, %arg0 : i32, i32
  }
  func.func @transform_5(%arg0: i32) -> (i32, i32) {
    %c0_i32 = arith.constant 0 : i32
    %c0_i32_0 = arith.constant 0 : i32
    %c0_i32_1 = arith.constant 0 : i32
    return %c0_i32, %c0_i32_0 : i32, i32
  }
  func.func @transform_6(%arg0: i32) -> (i32, i32) {
    %c0_i32 = arith.constant 0 : i32
    %c0_i32_0 = arith.constant 0 : i32
    %c0_i32_1 = arith.constant 0 : i32
    return %c0_i32, %c0_i32_0 : i32, i32
  }
  func.func @transform_7(%arg0: i32) -> (i32, i32) {
    %c0_i32 = arith.constant 0 : i32
    %c0_i32_0 = arith.constant 0 : i32
    %c0_i32_1 = arith.constant 0 : i32
    return %c0_i32, %c0_i32_0 : i32, i32
  }
  func.func @transform_8(%arg0: i32) -> (i32, i32) {
    %c0_i32 = arith.constant 0 : i32
    %c0_i32_0 = arith.constant 0 : i32
    return %c0_i32, %arg0 : i32, i32
  }
  func.func @transform_9(%arg0: i32) -> (i32, i32) {
    %c0_i32 = arith.constant 0 : i32
    %c0_i32_0 = arith.constant 0 : i32
    %c0_i32_1 = arith.constant 0 : i32
    return %c0_i32, %c0_i32_0 : i32, i32
  }
  func.func @transform_10(%arg0: i32) -> (i32, i32) {
    %c0_i32 = arith.constant 0 : i32
    %c0_i32_0 = arith.constant 0 : i32
    %c0_i32_1 = arith.constant 0 : i32
    return %c0_i32, %c0_i32_0 : i32, i32
  }
}

module attributes {stable_mosaic.version = 14 : i64} {
  func.func @_unpool_body(%arg0: i32, %arg1: memref<1x2048xi32, #tpu.memory_space<vmem>>, %arg2: memref<128x128xf32, #tpu.memory_space<vmem>>, %arg3: memref<1x128xf32, #tpu.memory_space<vmem>>, %arg4: memref<2048x128xf32, #tpu.memory_space<vmem>>) attributes {dimension_semantics = [#tpu.dimension_semantics<arbitrary>], iteration_bounds = array<i64: 5>, scalar_prefetch = 0 : i64, scratch_operands = 0 : i64, tpu.core_type = #tpu.core_type<tc>, window_params = [{transform_indices = @transform_0, window_bounds = array<i64: 1, 2048>}, {pipeline_mode = #tpu.pipeline_mode<synchronous>, transform_indices = @transform_1, window_bounds = array<i64: 128, 128>}, {pipeline_mode = #tpu.pipeline_mode<synchronous>, transform_indices = @transform_2, window_bounds = array<i64: 1, 128>}, {transform_indices = @transform_3, window_bounds = array<i64: 2048, 128>}]} {
    %get3A = arith.constant 0 : index
    %get3A_0 = arith.constant 0 : index
    %get3A_1 = vector.load %arg2[%get3A, %get3A_0] : memref<128x128xf32, #tpu.memory_space<vmem>>, vector<128x128xf32>
    %get3A_2 = arith.constant 0 : index
    %get3A_3 = arith.constant 0 : index
    %get3A_4 = vector.load %arg3[%get3A_2, %get3A_3] : memref<1x128xf32, #tpu.memory_space<vmem>>, vector<1x128xf32>
    %max3A = arith.constant 1.000000e+00 : f32
    %max3A_5 = vector.broadcast %max3A : f32 to vector<1x128xf32>
    %max3A_6 = arith.maximumf %get3A_4, %max3A_5 : vector<1x128xf32>
    %div3A = vector.broadcast %max3A_6 : vector<1x128xf32> to vector<128x128xf32>
    %div3A_7 = arith.divf %get3A_1, %div3A : vector<128x128xf32>
    %get3A_8 = arith.constant 0 : index
    %get3A_9 = arith.constant 0 : index
    %get3A_10 = vector.load %arg1[%get3A_8, %get3A_9] : memref<1x2048xi32, #tpu.memory_space<vmem>>, vector<1x2048xi32>
    %squeeze3A = vector.shape_cast %get3A_10 : vector<1x2048xi32> to vector<2048xi32>
    %broadcast_in_dim3A = vector.shape_cast %squeeze3A : vector<2048xi32> to vector<2048x1xi32>
    %iota3A = tpu.iota {dimensions = array<i32: 1>} : vector<2048x128xi32>
    %eq3A = vector.broadcast %broadcast_in_dim3A : vector<2048x1xi32> to vector<2048x128xi32>
    %eq3A_11 = arith.cmpi eq, %eq3A, %iota3A : vector<2048x128xi32>
    %jit3A = arith.constant 1.000000e+00 : f32
    %jit3A_12 = arith.constant 0.000000e+00 : f32
    %broadcast_in_dim3A_13 = vector.broadcast %jit3A : f32 to vector<2048x128xf32>
    %broadcast_in_dim3A_14 = vector.broadcast %jit3A_12 : f32 to vector<2048x128xf32>
    %select_n3A = arith.select %eq3A_11, %broadcast_in_dim3A_13, %broadcast_in_dim3A_14 : vector<2048x128xi1>, vector<2048x128xf32>
    %dot_general3A = arith.constant dense<0.000000e+00> : vector<2048x128xf32>
    %dot_general3A_15 = tpu.matmul %select_n3A, %div3A_7, %dot_general3A {dimension_numbers = #tpu.dot_dimension_numbers<[1], [1], [0], [0], [0, 0, 1, 0], [], []>, transpose_lhs_hint = false} : vector<2048x128xf32>, vector<128x128xf32>, vector<2048x128xf32> -> vector<2048x128xf32>
    %swap3A = arith.constant 0 : index
    %swap3A_16 = arith.constant 0 : index
    %swap3A_17 = vector.load %arg4[%swap3A, %swap3A_16] : memref<2048x128xf32, #tpu.memory_space<vmem>>, vector<2048x128xf32>
    tpu.vector_store %arg4[%swap3A, %swap3A_16], %dot_general3A_15 {strides = array<i32>} : memref<2048x128xf32, #tpu.memory_space<vmem>>, vector<2048x128xf32>,
    return
  }
  func.func @transform_0(%arg0: i32) -> (i32, i32) {
    %c0_i32 = arith.constant 0 : i32
    %c0_i32_0 = arith.constant 0 : i32
    return %c0_i32, %arg0 : i32, i32
  }
  func.func @transform_1(%arg0: i32) -> (i32, i32) {
    %c0_i32 = arith.constant 0 : i32
    %c0_i32_0 = arith.constant 0 : i32
    %c0_i32_1 = arith.constant 0 : i32
    return %c0_i32, %c0_i32_0 : i32, i32
  }
  func.func @transform_2(%arg0: i32) -> (i32, i32) {
    %c0_i32 = arith.constant 0 : i32
    %c0_i32_0 = arith.constant 0 : i32
    %c0_i32_1 = arith.constant 0 : i32
    return %c0_i32, %c0_i32_0 : i32, i32
  }
  func.func @transform_3(%arg0: i32) -> (i32, i32) {
    %c0_i32 = arith.constant 0 : i32
    %c0_i32_0 = arith.constant 0 : i32
    return %arg0, %c0_i32 : i32, i32
  }
}

</mosaic_0001>

<sc_bundles>
// kernel: kernel.11.cloned.1.call-start
scs
__scs_entry_jumppad:
0x0: {  	(pc) =	sbr.rel $0x88, $3  }
0x1: {  	(tag) =	ssettag $0x0;
	lr =	simm.s32 $0x1  }
0x2: {  	[smem:$0x3F98] =	sst lr;
	_ =	strace $0xD0000000  }
0x3: {  	_ = 	snop  }
0x4: {  	_ = 	snop  }
0x5: {  	_ = 	snop  }
0x6: {  	_ = 	snop  }
0x7: {  	_ = 	snop  }
__scs_overlays_trampoline_lowered:
0x8: {  	[smem:$0x3FA7] =	sst s0  }
0x9: {  	[smem:$0x3FA8] =	sst s1  }
0xa: {  	[smem:$0x3FA9] =	sst s2  }
0xb: {  	[smem:$0x3FAA] =	sst s3  }
0xc: {  	[smem:$0x3FAB] =	sst s4  }
0xd: {  	[smem:$0x3FAC] =	sst s5  }
0xe: {  	[smem:$0x3FAD] =	sst s6  }
0xf: {  	[smem:$0x3FAE] =	sst s7  }
0x10: {  	[smem:$0x3FAF] =	sst s8  }
0x11: {  	[smem:$0x3FB0] =	sst s9;
	s0 =	simm.s32 @!p0 $0x0  }
0x12: {  	s1 =	sld [smem:$0x3F96];
	s0 =	simm.s32 @p0 $0x1  }
0x13: {  	[smem:$0x3FB1] =	sst s0;
	s0 =	simm.s32 @!p1 $0x0  }
0x14: {  	s2 =	sld [smem:$0x3F95];
	s0 =	simm.s32 @p1 $0x1  }
0x15: {  	[smem:$0x3FB2] =	sst s0;
	s0 =	simm.s32 @!p2 $0x0  }
0x16: {  	s3 =	sld [smem:$0x3FDB];
	s0 =	simm.s32 @p2 $0x1  }
0x17: {  	s4 =	simm.s32 $0x1BF5;
	[smem:$0x3FB4] =	sst s0  }
0x18: {  	s0 =	sld [smem:$0x3F97];
	_ =	swait.ge [sflag:s4], $0x0  }
0x19: {  	s7 =	sld [smem:$0x3F98]  }
0x1a: {  	s8 =	sadd.s32 $0xFFFFE003, lr  }
0x1b: {  	s9 =	sadd.s32 $0xFFFFFEF7, lr;
	s5 =	simm.s32 $0xFFFFFFFF;
	p2 =	slt.u32 s8, $0xFFFFF086  }
0x1c: {  	p1 =	slt.u32 s9, $0xF7A;
	s5 =	simm.s32 @!p2 $0x0  }
0x1d: {  	s5 =	simm.s32 @p1 $0x1;
	p0 =	seq.s32 s7, s2  }
0x1e: {  	s7 =	smul.u32 @!p0 $0xF7A, s2;
	p2 =	seq.s32 @!p0 s5, $0x0  }
0x1f: {  	s9 =	smul.u32 $0xF7A, s1;
	s8 =	simm.s32 @!p0 $0x1BF5;
	p2 =	por !p2, p0  }
0x20: {  	[sflag:s8] =	ssyncset.s32 @!p0 $0xFFFFF086;
	s6 =	sadd.s32 @!p0 s3, s7;
	s7 =	simm.s32 @!p0 $0x108  }
0x21: {  	s3 =	sadd.s32 s3, s9;
	s6 =	sadd.s32 @!p0 $0x88, s6;
	s7 =	simm.s32 @p2 $0x1082  }
0x22: {  	[simem:s7], [sflag:s8] =	dma.local @!p0 [hbm:s6], $0xF7A  }
0x23: {  	s9 =	sor.u32 $0xD0000000, s2;
	s6 =	simm.s32 $0x108;
	_ =	swait.ge @!p0 [sflag:s8], $0x0  }
0x24: {  	s3 =	sadd.s32 $0x88, s3;
	s6 =	simm.s32 @!p1 $0x1082;
	[sflag:s4] =	ssyncset.s32 $0xFFFFF086  }
0x25: {  	[simem:s6], [sflag:s4] =	dma.local [hbm:s3], $0xF7A  }
0x26: {  	[smem:$0x3F98] =	sst s1;
	(tag) =	ssettag s2;
	_ =	strace s9  }
0x27: {  	s1 =	sld [smem:$0x3FA8]  }
0x28: {  	s2 =	sld [smem:$0x3FA9]  }
0x29: {  	s4 =	sld [smem:$0x3FAB]  }
0x2a: {  	p0 =	seq.s32 s5, $0x0;
	s5 =	sld [smem:$0x3FAC]  }
0x2b: {  	s6 =	sld [smem:$0x3FAD]  }
0x2c: {  	s7 =	sld [smem:$0x3FAE]  }
0x2d: {  	s3 =	simm.s32 $0x108;
	s8 =	sld [smem:$0x3FAF]  }
0x2e: {  	s3 =	simm.s32 @!p0 $0x1082;
	s9 =	sld [smem:$0x3FB0]  }
0x2f: {  	lr =	sadd.s32 s0, s3;
	s0 =	sld [smem:$0x3FA7]  }
0x30: {  	s3 =	sld [smem:$0x3FAA]  }
0x31: {  	[smem:$0x3FB3] =	sst s10  }
0x32: {  	s10 =	sld [smem:$0x3FB1];
	_ =	sdelay $0x3  }
0x33: {  	p0 =	seq.s32 s10, $0x1;
	s10 =	sld [smem:$0x3FB3];
	_ =	sdelay $0x3  }
0x34: {  	[smem:$0x3FB3] =	sst s10  }
0x35: {  	s10 =	sld [smem:$0x3FB2];
	_ =	sdelay $0x3  }
0x36: {  	p1 =	seq.s32 s10, $0x1;
	s10 =	sld [smem:$0x3FB3];
	_ =	sdelay $0x3  }
0x37: {  	[smem:$0x3FB3] =	sst s10  }
0x38: {  	s10 =	sld [smem:$0x3FB4]  }
0x39: {  	_ = 	snop;
	(pc) =	sbr.ind lr, $3  }
0x3a: {  	_ = 	snop  }
0x3b: {  	_ = 	snop  }
0x3c: {  	p2 =	seq.s32 s10, $0x1;
	s10 =	sld [smem:$0x3FB3]  }
0x3d: {  	_ =	shalt  }
0x3e: {  	_ =	shalt  }
0x3f: {  	_ =	shalt  }
0x40: {  	_ =	shalt  }
0x41: {  	_ =	shalt  }
0x42: {  	_ =	shalt  }
0x43: {  	_ =	shalt  }
0x44: {  	_ =	shalt  }
0x45: {  	_ =	shalt  }
0x46: {  	_ =	shalt  }
0x47: {  	_ =	shalt  }
0x48: {  	_ =	shalt  }
0x49: {  	_ =	shalt  }
0x4a: {  	_ =	shalt  }
0x4b: {  	_ =	shalt  }
0x4c: {  	_ =	shalt  }
0x4d: {  	_ =	shalt  }
0x4e: {  	_ =	shalt  }
0x4f: {  	_ =	shalt  }
0x50: {  	_ =	shalt  }
0x51: {  	_ =	shalt  }
0x52: {  	_ =	shalt  }
0x53: {  	_ =	shalt  }
0x54: {  	_ =	shalt  }
0x55: {  	_ =	shalt  }
0x56: {  	_ =	shalt  }
0x57: {  	_ =	shalt  }
0x58: {  	_ =	shalt  }
0x59: {  	_ =	shalt  }
0x5a: {  	_ =	shalt  }
0x5b: {  	_ =	shalt  }
0x5c: {  	_ =	shalt  }
0x5d: {  	_ =	shalt  }
0x5e: {  	_ =	shalt  }
0x5f: {  	_ =	shalt  }
0x60: {  	_ =	shalt  }
0x61: {  	_ =	shalt  }
0x62: {  	_ =	shalt  }
0x63: {  	_ =	shalt  }
0x64: {  	_ =	shalt  }
0x65: {  	_ =	shalt  }
0x66: {  	_ =	shalt  }
0x67: {  	_ =	shalt  }
0x68: {  	_ =	shalt  }
0x69: {  	_ =	shalt  }
0x6a: {  	_ =	shalt  }
0x6b: {  	_ =	shalt  }
0x6c: {  	_ =	shalt  }
0x6d: {  	_ =	shalt  }
0x6e: {  	_ =	shalt  }
0x6f: {  	_ =	shalt  }
0x70: {  	_ =	shalt  }
0x71: {  	_ =	shalt  }
0x72: {  	_ =	shalt  }
0x73: {  	_ =	shalt  }
0x74: {  	_ =	shalt  }
0x75: {  	_ =	shalt  }
0x76: {  	_ =	shalt  }
0x77: {  	_ =	shalt  }
0x78: {  	_ =	shalt  }
0x79: {  	_ =	shalt  }
0x7a: {  	_ =	shalt  }
0x7b: {  	_ =	shalt  }
0x7c: {  	_ =	shalt  }
0x7d: {  	_ =	shalt  }
0x7e: {  	_ =	shalt  }
0x7f: {  	_ =	shalt  }
0x80: {  	_ =	shalt  }
0x81: {  	_ =	shalt  }
0x82: {  	_ =	shalt  }
0x83: {  	_ =	shalt  }
0x84: {  	_ =	shalt  }
0x85: {  	_ =	shalt  }
0x86: {  	_ =	shalt  }
0x87: {  	_ =	shalt  }
.Lfunc_end0:
.L_simem_size_0:
called_computation_lowered:
.L_overlay_start_0:
0x88: {  	s2 =	sld [smem:$0x3FD9]  }
0x89: {  	s3 =	sld [smem:$0x3FFE];
	_ =	sdelay $0x1  }
0x8a: {  	s1 =	srdreg.scid  }
0x8b: {  	s0 =	sand.u32 $0x1, s1  }
0x8c: {  	s17 =	sshll.u32 s0, $0xA;
	s2 =	sadd.s32 s3, s2  }
0x8d: {  	s2 =	sadd.s32 s2, s17  }
0x8e: {  	[smem:$0x3FBF] =	sst s2  }
0x8f: {  	_ = 	snop  }
0x90: {  	s2 =	sld [smem:$0x3FD0];
	(tm) =	ssettm $0x1  }
0x91: {  	s18 =	sld [smem:$0x3FFB];
	_ =	sdelay $0x3  }
0x92: {  	_ =	strace s18  }
0x93: {  	s3 =	sld [smem:$0x3FFC];
	_ =	sdelay $0x3  }
0x94: {  	_ =	strace s3  }
0x95: {  	s3 =	sld [smem:$0x3FFD];
	_ =	sdelay $0x3  }
0x96: {  	_ =	strace s3  }
0x97: {  	_ =	strace $0x8FFFFFFF  }
0x98: {  	s19 =	sld [smem:$0x3FDB];
	_ =	sdelay $0x1  }
0x99: {  	s4 =	simm.s32 $_scs_section_size  }
0x9a: {  	s5 =	simm.s32 $_size__tile_overlayer_lowered;
	s6 =	simm.s32 $_tile_overlayer_lowered  }
0x9b: {  	s22 =	simm.s32 $0x1BFF;
	s21 =	sshll.u32 s6, $0x1;
	s3 =	sadd.s32 s4, s19  }
0x9c: {  	s7 =	simm.s32 $0x0;
	s20 =	sshll.u32 s5, $0x1;
	s5 =	sadd.s32 s21, s3  }
0x9d: {  	[timem:s7], [sflag:s22] =	dma.local [hbm:s5], s20  }
0x9e: {  	_ =	swait.ge [sflag:s22], s20  }
0x9f: {  	s4 =	ssub.s32 $0x0, s20;
	[sflag:s22] =	ssyncset.done $0x0  }
0xa0: {  	[sflag:s22] =	ssyncadd.s32 s4;
	_ =	sdelay $0x1  }
0xa1: {  	s23 =	simm.s32 $0x1B8B  }
0xa2: {  	_ =	swait.ge [sflag:s23], $0x1  }
0xa3: {  	[sflag:s23] =	ssyncset.done $0x0  }
0xa4: {  	s25 =	simm.s32 $0x1B8E;
	s24 =	sld [smem:$0x3FFE];
	[sflag:s23] =	ssyncadd.s32 $0xFFFFFFFF  }
0xa5: {  	s26 =	simm.s32 $execute0_lowered;
	[smem:$0x3FD2] =	sst s25  }
0xa6: {  	s5 =	sshll.u32 s26, $0x1;
	_ =	strace $0x80000046;
	[dreg:$0x1] =	wrdreg $0xFFFFFFFF  }
0xa7: {  	s28 =	simm.s32 $_size_execute0_lowered;
	s3 =	sadd.s32 s3, s5;
	[dreg:$0x0] =	wrdreg $0x0  }
0xa8: {  	s5 =	sshll.u32 s28, $0x1;
	[dreg:$0x2] =	wrdreg s3  }
0xa9: {  	[dreg:$0x3] =	wrdreg s5  }
0xaa: {  	[dreg:$0x4] =	wrdreg $0xC0  }
0xab: {  	_ =	task [dreg:s7], $0x5FFFF  }
0xac: {  	[dreg:$0x1] =	wrdreg $0xFFFFFFFF  }
0xad: {  	[dreg:$0x0] =	wrdreg $0x60  }
0xae: {  	[dreg:$0x2] =	wrdreg s24  }
0xaf: {  	[dreg:$0x3] =	wrdreg s2  }
0xb0: {  	[dreg:$0x4] =	wrdreg $0x9  }
0xb1: {  	_ =	task.clear_ibuf [dreg:s7], $0x5FFFF;
	_ =	strace $0x90000046  }
0xb2: {  	s29 =	simm.s32 $0x9;
	_ =	strace $0x80000048  }
0xb3: {  	_ =	swait.ge [sflag:s29], $0x1  }
0xb4: {  	[sflag:s29] =	ssyncadd.s32 $0xFFFFFFFF  }
0xb5: {  	_ =	strace $0x90000048  }
0xb6: {  	_ =	sfence  }
0xb7: {  	s30 =	sld [smem:$0x0];
	_ =	sdelay $0x2  }
0xb8: {  	s31 =	sshll.u32 s1, $0xD;
	s1 =	sshrl.u32 s1, $0x2  }
0xb9: {  	s3 =	sand.u32 $0x4000, s31;
	s1 =	sadd.s32 s1, s30  }
0xba: {  	s0 =	sor.u32 s3, s0;
	s1 =	sshll.u32 s1, $0x11  }
0xbb: {  	s0 =	sor.u32 s1, s0  }
0xbc: {  	s0 =	sadd.s32 $0x8F2B, s0  }
0xbd: {  	[sflag:s0] =	ssyncadd.remote.s32 $0x1  }
0xbe: {  	_ =	sfence.sel $0xFFFF  }
0xbf: {  	[dreg:$0x0] =	wrdreg $0xFFFFFFFF;
	(pc) =	sbr.abs _section_cstart, $3  }
0xc0: {  	[dreg:$0x1] =	wrdreg $0xFFFFFFFF  }
0xc1: {  	_ =	task.clear_ibuf [dreg:s7], $0x2FFFF;
	_ =	strace $0x9FFFFFFF  }
0xc2: {  	(tm) =	ssettm $0x7FFFFFFF  }
0xc3: {  	_ =	shalt  }
tec
execute0_lowered:
.L_overlay_start_1:
0x0: {  	(tag) =	ssettag $0x1  }
0x1: {  	s3 =	rddreg [dreg:$0x0]  }
0x2: {  	s6 =	rddreg [dreg:$0x1]  }
0x3: {  	s0 =	rddreg [dreg:$0x2];
	s4 =	srdreg.scid  }
0x4: {  	s1 =	stileid.u32;
	s2 =	simm.s32 $0x0;
	s10 =	simm.s32 $0x4F00  }
0x5: {  	s11 =	simm.s32 $0x7680;
	s12 =	simm.s32 $0x80;
	s13 =	simm.s32 $0x400  }
0x6: {  	s14 =	simm.s32 $0x0;
	s4 =	sand.u32 $0x1, s4;
	s5 =	sshll.u32 s1, $0x1  }
0x7: {  	[smem:$0x7FF] =	sst s2;
	s8 =	sshrl.u32 s1, $0x2;
	s5 =	sor.u32 s4, s5  }
0x8: {  	_ =	strace $0x80000047;
	s4 =	ssub.s32 $0x2, s4;
	s7 =	smul.u32 $0x4E2, s5  }
0x9: {  	s8 =	smul.u32 $0x13C00, s8;
	s5 =	sshll.u32 s5, $0x7;
	s30 =	sshrl.u32 s4, $0x1  }
0xa: {  	s5 =	sand.u32 $0x380, s5;
	s9 =	ssub.s32 s4, s30;
	s7 =	sadd.s32 s7, s3  }
0xb: {  	s8 =	sor.u32 s8, s5;
	s3 =	sadd.s32 $0xF400, s7;
	s4 =	sadd.s32 $0x5600, s7  }
0xc: {  	s5 =	sadd.s32 $0x19200, s7;
	s31 =	sshrl.u32 s8, $0x3;
	s7 =	smax.u32 s9, $0x1  }
0xd: {  	v0 =	vimm.f32 $0.0e+00;
	v1 =	vimm.f32 $1.000000000e+00;
	s8 =	simm.s32 $0x2780;
	s9 =	simm.s32 $0x1;
	s6 =	sadd.s32 s6, s31  }
.LBB2_1:
0xe: {  	[tilespmem:s8], [sflag:$0x1] =	stream.linear.gather [hbm4b:s3+s2], $0x2710, $0x38;
	[tilespmem:$0x9E00] =	vst v63  }
0xf: {  	_ =	swait.ge [sflag:s9], $0x2710  }
0x10: {  	[sflag:s9] =	ssyncset.done $0x0  }
0x11: {  	[sflag:s9] =	ssyncadd.s32 $0xFFFFD8F0  }
0x12: {  	[tilespmem:s10], [sflag:$0x1] =	stream.linear.gather [hbm4b:s4+s2], $0x2710, $0x38;
	[tilespmem:$0x9E00] =	vst v63  }
0x13: {  	_ =	swait.ge [sflag:s9], $0x2710  }
0x14: {  	[sflag:s9] =	ssyncset.done $0x0  }
0x15: {  	s15 =	simm.s32 $0x40;
	[sflag:s9] =	ssyncadd.s32 $0xFFFFD8F0  }
0x16: {  	[tilespmem:s15+$0xFFFFFFC0] =	vst v0  }
0x17: {  	[tilespmem:s15+$0x30] =	vst v0  }
0x18: {  	[tilespmem:s15+$0x20] =	vst v0  }
0x19: {  	[tilespmem:s15+$0x10] =	vst v0  }
0x1a: {  	[tilespmem:s15+$0x0] =	vst v0  }
0x1b: {  	[tilespmem:s15+$0xFFFFFFF0] =	vst v0  }
0x1c: {  	s16 =	simm.s32 $0x0;
	[tilespmem:s15+$0xFFFFFFE0] =	vst v0  }
.LBB2_2:
0x1d: {  	s16 =	sadd.s32 $0x8, s16;
	[tilespmem:s15+$0xFFFFFFD0] =	vst v0;
	s15 =	sadd.s32 $0x80, s15  }
0x1e: {  	[tilespmem:s15+$0xFFFFFFC0] =	vst v0;
	p0 =	slt.u32 s16, $0x268  }
0x1f: {  	[tilespmem:s15+$0x30] =	vst v0  }
.Ltmp0:
0x20: {  	[tilespmem:s15+$0x20] =	vst v0;
	(pc) =	sbr.rel @p0 .LBB2_2-.Ltmp0, $4  }
0x21: {  	[tilespmem:s15+$0x10] =	vst v0  }
0x22: {  	[tilespmem:s15+$0x0] =	vst v0  }
0x23: {  	[tilespmem:s15+$0xFFFFFFF0] =	vst v0  }
0x24: {  	[tilespmem:s15+$0xFFFFFFE0] =	vst v0  }
0x25: {  	[tilespmem:s15+$0xFFFFFFD0] =	vst v0  }
0x26: {  	s17 =	simm.s32 $0x4F40;
	[tilespmem:$0x2700] =	vst v0  }
0x27: {  	s15 =	simm.s32 $0x27C0;
	v16 =	vld [tilespmem:s17+$0x20]  }
0x28: {  	v8 =	vld [tilespmem:s15+$0x0]  }
0x29: {  	v4 =	vld [tilespmem:s17+$0x10]  }
0x2a: {  	v6 =	vld [tilespmem:s15+$0x20]  }
0x2b: {  	v12 =	vld [tilespmem:s15+$0x10]  }
0x2c: {  	v17 =	vld [tilespmem:s15+$0xFFFFFFD0]  }
0x2d: {  	v2 =	vld [tilespmem:s17+$0xFFFFFFD0]  }
0x2e: {  	v11 =	vld [tilespmem:s15+$0xFFFFFFE0]  }
0x2f: {  	v5 =	vld [tilespmem:s17+$0xFFFFFFE0]  }
0x30: {  	v7 =	vld [tilespmem:s17+$0x0]  }
0x31: {  	v3 =	vld [tilespmem:s17+$0xFFFFFFC0]  }
0x32: {  	v13 =	vld [tilespmem:s15+$0xFFFFFFC0]  }
0x33: {  	v9 =	vld [tilespmem:s15+$0x30];
	v14 =	vshll.u32 v16, $0x10  }
0x34: {  	v15 =	vshll.u32 v4, $0x10;
	v18 =	vshll.u32 v5, $0x10;
	v19 =	vor.u32 v6, v14;
	v6 =	vld [tilespmem:s17+$0x30]  }
0x35: {  	s16 =	simm.s32 $0x76C0;
	v10 =	vld [tilespmem:s15+$0xFFFFFFF0];
	v63 =	vshll.u32 v7, $0x10;
	v20 =	vshll.u32 v2, $0x10;
	v11 =	vor.u32 v11, v18  }
0x36: {  	v14 =	vor.u32 v12, v15;
	v12 =	vshll.u32 v3, $0x10;
	v15 =	vor.u32 v8, v63;
	v8 =	vld [tilespmem:s17+$0xFFFFFFF0];
	[tilespmem:s16+$0x20] =	vst v19  }
0x37: {  	s18 =	simm.s32 $0x4FC0;
	s19 =	simm.s32 $0x76C0;
	s17 =	simm.s32 $0x0;
	v13 =	vor.u32 v13, v12;
	v12 =	vor.u32 v17, v20;
	[tilespmem:v16+s2+$0x0] =	vst.idx.add.f32.msk $0xffff, v1  }
.LBB2_4:
0x38: {  	v16 =	vld [tilespmem:s18+$0x20];
	s17 =	sadd.s32 $0x8, s17;
	[tilespmem:s16+$0x0] =	vst v15;
	s15 =	sadd.s32 $0x80, s15;
	s19 =	sadd.s32 $0x80, s19  }
0x39: {  	v15 =	vld [tilespmem:s15+$0x0];
	p0 =	slt.u32 s17, $0x268;
	[tilespmem:s16+$0x10] =	vst v14;
	v14 =	vshll.u32 v6, $0x10  }
0x3a: {  	[tilespmem:v4+s2+$0x0] =	vst.idx.add.f32.msk $0xffff, v1;
	v9 =	vor.u32 v9, v14  }
0x3b: {  	v4 =	vld [tilespmem:s18+$0x10];
	v14 =	vshll.u32 v8, $0x10;
	[tilespmem:s16+$0x30] =	vst v9  }
0x3c: {  	v17 =	vld [tilespmem:s15+$0x20];
	[tilespmem:s16+$0xFFFFFFE0] =	vst v11;
	v9 =	vor.u32 v10, v14  }
0x3d: {  	v14 =	vld [tilespmem:s15+$0x10];
	[tilespmem:s16+$0xFFFFFFF0] =	vst v9  }
0x3e: {  	[tilespmem:v7+s2+$0x0] =	vst.idx.add.f32.msk $0xffff, v1  }
0x3f: {  	v18 =	vld [tilespmem:s15+$0xFFFFFFD0];
	[tilespmem:s16+$0xFFFFFFC0] =	vst v13  }
0x40: {  	v13 =	vld [tilespmem:s18+$0xFFFFFFD0];
	[tilespmem:s16+$0xFFFFFFD0] =	vst v12;
	s16 =	smov.u32 s19  }
0x41: {  	v19 =	vld [tilespmem:s18+$0xFFFFFFC0]  }
0x42: {  	v12 =	vld [tilespmem:s15+$0xFFFFFFC0]  }
0x43: {  	v9 =	vld [tilespmem:s15+$0x30]  }
0x44: {  	[tilespmem:v6+s2+$0x0] =	vst.idx.add.f32.msk $0xffff, v1  }
0x45: {  	v11 =	vld [tilespmem:s15+$0xFFFFFFE0]  }
0x46: {  	v20 =	vld [tilespmem:s18+$0xFFFFFFE0]  }
0x47: {  	v7 =	vld [tilespmem:s18+$0x0]  }
0x48: {  	[tilespmem:v5+s2+$0x0] =	vst.idx.add.f32.msk $0xffff, v1  }
0x49: {  	v23 =	vshll.u32 v16, $0x10;
	v10 =	vld [tilespmem:s15+$0xFFFFFFF0]  }
0x4a: {  	v21 =	vshll.u32 v4, $0x10;
	v6 =	vld [tilespmem:s18+$0x30]  }
.Ltmp1:
0x4b: {  	v17 =	vor.u32 v17, v23;
	v22 =	vshll.u32 v20, $0x10;
	[tilespmem:v8+s2+$0x0] =	vst.idx.add.f32.msk $0xffff, v1;
	v5 =	vmov v20;
	(pc) =	sbr.rel @p0 .LBB2_4-.Ltmp1, $4  }
0x4c: {  	v14 =	vor.u32 v14, v21;
	v11 =	vor.u32 v11, v22;
	v8 =	vshll.u32 v7, $0x10;
	[tilespmem:v2+s2+$0x0] =	vst.idx.add.f32.msk $0xffff, v1  }
0x4d: {  	v21 =	vshll.u32 v13, $0x10;
	v20 =	vshll.u32 v19, $0x10;
	v2 =	vmovc v13;
	v15 =	vor.u32 v15, v8;
	[tilespmem:v3+s2+$0x0] =	vst.idx.add.f32.msk $0xffff, v1  }
0x4e: {  	v13 =	vor.u32 v12, v20;
	v12 =	vor.u32 v18, v21;
	v3 =	vmov v19;
	v8 =	vld [tilespmem:s18+$0xFFFFFFF0];
	[tilespmem:s19+$0x20] =	vst v17  }
0x4f: {  	s18 =	sadd.s32 $0x80, s18;
	[tilespmem:v16+s2+$0x0] =	vst.idx.add.f32.msk $0xffff, v1  }
0x50: {  	[tilespmem:s16+$0x0] =	vst v15  }
0x51: {  	[tilespmem:s16+$0x10] =	vst v14  }
0x52: {  	[tilespmem:s16+$0xFFFFFFE0] =	vst v11  }
0x53: {  	[tilespmem:s16+$0xFFFFFFC0] =	vst v13  }
0x54: {  	[tilespmem:s16+$0xFFFFFFD0] =	vst v12  }
0x55: {  	[tilespmem:v4+s2+$0x0] =	vst.idx.add.f32.msk $0xffff, v1  }
0x56: {  	[tilespmem:v7+s2+$0x0] =	vst.idx.add.f32.msk $0xffff, v1  }
0x57: {  	[tilespmem:v5+s2+$0x0] =	vst.idx.add.f32.msk $0xffff, v1  }
0x58: {  	v59 =	vshll.u32 v6, $0x10;
	[tilespmem:v2+s2+$0x0] =	vst.idx.add.f32.msk $0xffff, v1  }
0x59: {  	v60 =	vor.u32 v9, v59;
	[tilespmem:v3+s2+$0x0] =	vst.idx.add.f32.msk $0xffff, v1  }
0x5a: {  	[tilespmem:s16+$0x30] =	vst v60;
	v61 =	vshll.u32 v8, $0x10  }
0x5b: {  	[tilespmem:v6+s2+$0x0] =	vst.idx.add.f32.msk $0xffff, v1;
	v62 =	vor.u32 v10, v61  }
0x5c: {  	[tilespmem:s16+$0xFFFFFFF0] =	vst v62  }
0x5d: {  	[tilespmem:v8+s2+$0x0] =	vst.idx.add.f32.msk $0xffff, v1  }
0x5e: {  	v2 =	vld [tilespmem:$0x7600]  }
0x5f: {  	v3 =	vld [tilespmem:$0x4E80];
	_ =	sdelay $0x3  }
0x60: {  	v63 =	vshll.u32 v2, $0x10  }
0x61: {  	v3 =	vor.u32 v3, v63  }
0x62: {  	[tilespmem:$0x9D80] =	vst v3  }
0x63: {  	[tilespmem:v2+s2+$0x0] =	vst.idx.add.f32.msk $0xffff, v1  }
0x64: {  	[hbm4b:s5+s2] =	stream.linear.scatter [tilespmem:s11], [sflag:$0x1], $0x2710, $0x38;
	[tilespmem:$0x9E00] =	vst v63  }
0x65: {  	s14 =	sadd.s32 $0x1, s14;
	_ =	swait.ge [sflag:s9], $0x2710  }
0x66: {  	p0 =	sne.s32 s14, s7;
	[sflag:s9] =	ssyncset.done $0x0  }
.Ltmp2:
0x67: {  	[sflag:s9] =	ssyncadd.s32 $0xFFFFD8F0;
	(pc) =	sbr.rel @p0 .LBB2_1-.Ltmp2, $4  }
0x68: {  	[hbm4b:s6+s12] =	stream.strided.scatter [tilespmem:s2], [sflag:$0x1], $0x2780, s13, s12, $0x38;
	[tilespmem:$0x9E00] =	vst v63  }
0x69: {  	_ =	swait.ge [sflag:s9], $0x2780  }
0x6a: {  	[sflag:s9] =	ssyncset.done $0x0  }
0x6b: {  	[sflag:s9] =	ssyncadd.s32 $0xFFFFD880  }
0x6c: {  	_ =	sfence.sel $0x180000  }
0x6d: {  	[bflag:$0x0] =	sbarrier.arrive $0xFFFF  }
0x6e: {  	p0 =	sne.s32 s1, $0x0;
	_ =	strace $0x90000047  }
0x6f: {  	s0 =	sadd.s32 @!p0 $0x100000, s0;
	[bflag:$0x2] =	sbarrier.arrive $0xFFFF  }
0x70: {  	[sflag:s0] =	ssyncadd.tile.s32 @!p0 $0x1;
	_ =	shalt  }
.Lfunc_end2:
_tile_overlayer_lowered:
.L_overlay_start_2:
0x71: {  	(tag) =	ssettag $0x2  }
0x72: {  	s0 =	rddreg [dreg:$0x0];
	s2 =	stileid.u32  }
0x73: {  	s1 =	rddreg [dreg:$0x1];
	p0 =	sne.s32 s2, $0x0  }
0x74: {  	s3 =	rddreg [dreg:$0x2];
	[bflag:$0x3] =	sbarrier.arrive $0xFFFF;
	s2 =	simm.s32 @!p0 $0x1C01  }
0x75: {  	[timem:s3], [sflag:s2] =	dma.local @!p0 [hbm:s0], s1  }
0x76: {  	s0 =	simm.s32 @!p0 $0x1  }
0x77: {  	_ =	swait.ge @!p0 [sflag:s0], s1  }
0x78: {  	s1 =	ssub.s32 @!p0 $0x0, s1;
	[sflag:s0] =	ssyncset.done @!p0 $0x0  }
0x79: {  	[sflag:s0] =	ssyncadd.s32 @!p0 s1  }
0x7a: {  	[bflag:$0x3] =	sbarrier.arrive $0xFFFF  }
0x7b: {  	_ =	shalt  }

// kernel: kernel.14.cloned.1.call-start
scs
__scs_entry_jumppad:
0x0: {  	(pc) =	sbr.rel $0x88, $3  }
0x1: {  	(tag) =	ssettag $0x0;
	lr =	simm.s32 $0x1  }
0x2: {  	[smem:$0x3F98] =	sst lr;
	_ =	strace $0xD0000000  }
0x3: {  	_ = 	snop  }
0x4: {  	_ = 	snop  }
0x5: {  	_ = 	snop  }
0x6: {  	_ = 	snop  }
0x7: {  	_ = 	snop  }
__scs_overlays_trampoline_lowered:
0x8: {  	[smem:$0x3FA7] =	sst s0  }
0x9: {  	[smem:$0x3FA8] =	sst s1  }
0xa: {  	[smem:$0x3FA9] =	sst s2  }
0xb: {  	[smem:$0x3FAA] =	sst s3  }
0xc: {  	[smem:$0x3FAB] =	sst s4  }
0xd: {  	[smem:$0x3FAC] =	sst s5  }
0xe: {  	[smem:$0x3FAD] =	sst s6  }
0xf: {  	[smem:$0x3FAE] =	sst s7  }
0x10: {  	[smem:$0x3FAF] =	sst s8  }
0x11: {  	[smem:$0x3FB0] =	sst s9;
	s0 =	simm.s32 @!p0 $0x0  }
0x12: {  	s1 =	sld [smem:$0x3F96];
	s0 =	simm.s32 @p0 $0x1  }
0x13: {  	[smem:$0x3FB1] =	sst s0;
	s0 =	simm.s32 @!p1 $0x0  }
0x14: {  	s2 =	sld [smem:$0x3F95];
	s0 =	simm.s32 @p1 $0x1  }
0x15: {  	[smem:$0x3FB2] =	sst s0;
	s0 =	simm.s32 @!p2 $0x0  }
0x16: {  	s3 =	sld [smem:$0x3FDB];
	s0 =	simm.s32 @p2 $0x1  }
0x17: {  	s4 =	simm.s32 $0x1BF5;
	[smem:$0x3FB4] =	sst s0  }
0x18: {  	s0 =	sld [smem:$0x3F97];
	_ =	swait.ge [sflag:s4], $0x0  }
0x19: {  	s7 =	sld [smem:$0x3F98]  }
0x1a: {  	s8 =	sadd.s32 $0xFFFFE003, lr  }
0x1b: {  	s9 =	sadd.s32 $0xFFFFFEF7, lr;
	s5 =	simm.s32 $0xFFFFFFFF;
	p2 =	slt.u32 s8, $0xFFFFF086  }
0x1c: {  	p1 =	slt.u32 s9, $0xF7A;
	s5 =	simm.s32 @!p2 $0x0  }
0x1d: {  	s5 =	simm.s32 @p1 $0x1;
	p0 =	seq.s32 s7, s2  }
0x1e: {  	s7 =	smul.u32 @!p0 $0xF7A, s2;
	p2 =	seq.s32 @!p0 s5, $0x0  }
0x1f: {  	s9 =	smul.u32 $0xF7A, s1;
	s8 =	simm.s32 @!p0 $0x1BF5;
	p2 =	por !p2, p0  }
0x20: {  	[sflag:s8] =	ssyncset.s32 @!p0 $0xFFFFF086;
	s6 =	sadd.s32 @!p0 s3, s7;
	s7 =	simm.s32 @!p0 $0x108  }
0x21: {  	s3 =	sadd.s32 s3, s9;
	s6 =	sadd.s32 @!p0 $0x88, s6;
	s7 =	simm.s32 @p2 $0x1082  }
0x22: {  	[simem:s7], [sflag:s8] =	dma.local @!p0 [hbm:s6], $0xF7A  }
0x23: {  	s9 =	sor.u32 $0xD0000000, s2;
	s6 =	simm.s32 $0x108;
	_ =	swait.ge @!p0 [sflag:s8], $0x0  }
0x24: {  	s3 =	sadd.s32 $0x88, s3;
	s6 =	simm.s32 @!p1 $0x1082;
	[sflag:s4] =	ssyncset.s32 $0xFFFFF086  }
0x25: {  	[simem:s6], [sflag:s4] =	dma.local [hbm:s3], $0xF7A  }
0x26: {  	[smem:$0x3F98] =	sst s1;
	(tag) =	ssettag s2;
	_ =	strace s9  }
0x27: {  	s1 =	sld [smem:$0x3FA8]  }
0x28: {  	s2 =	sld [smem:$0x3FA9]  }
0x29: {  	s4 =	sld [smem:$0x3FAB]  }
0x2a: {  	p0 =	seq.s32 s5, $0x0;
	s5 =	sld [smem:$0x3FAC]  }
0x2b: {  	s6 =	sld [smem:$0x3FAD]  }
0x2c: {  	s7 =	sld [smem:$0x3FAE]  }
0x2d: {  	s3 =	simm.s32 $0x108;
	s8 =	sld [smem:$0x3FAF]  }
0x2e: {  	s3 =	simm.s32 @!p0 $0x1082;
	s9 =	sld [smem:$0x3FB0]  }
0x2f: {  	lr =	sadd.s32 s0, s3;
	s0 =	sld [smem:$0x3FA7]  }
0x30: {  	s3 =	sld [smem:$0x3FAA]  }
0x31: {  	[smem:$0x3FB3] =	sst s10  }
0x32: {  	s10 =	sld [smem:$0x3FB1];
	_ =	sdelay $0x3  }
0x33: {  	p0 =	seq.s32 s10, $0x1;
	s10 =	sld [smem:$0x3FB3];
	_ =	sdelay $0x3  }
0x34: {  	[smem:$0x3FB3] =	sst s10  }
0x35: {  	s10 =	sld [smem:$0x3FB2];
	_ =	sdelay $0x3  }
0x36: {  	p1 =	seq.s32 s10, $0x1;
	s10 =	sld [smem:$0x3FB3];
	_ =	sdelay $0x3  }
0x37: {  	[smem:$0x3FB3] =	sst s10  }
0x38: {  	s10 =	sld [smem:$0x3FB4]  }
0x39: {  	_ = 	snop;
	(pc) =	sbr.ind lr, $3  }
0x3a: {  	_ = 	snop  }
0x3b: {  	_ = 	snop  }
0x3c: {  	p2 =	seq.s32 s10, $0x1;
	s10 =	sld [smem:$0x3FB3]  }
0x3d: {  	_ =	shalt  }
0x3e: {  	_ =	shalt  }
0x3f: {  	_ =	shalt  }
0x40: {  	_ =	shalt  }
0x41: {  	_ =	shalt  }
0x42: {  	_ =	shalt  }
0x43: {  	_ =	shalt  }
0x44: {  	_ =	shalt  }
0x45: {  	_ =	shalt  }
0x46: {  	_ =	shalt  }
0x47: {  	_ =	shalt  }
0x48: {  	_ =	shalt  }
0x49: {  	_ =	shalt  }
0x4a: {  	_ =	shalt  }
0x4b: {  	_ =	shalt  }
0x4c: {  	_ =	shalt  }
0x4d: {  	_ =	shalt  }
0x4e: {  	_ =	shalt  }
0x4f: {  	_ =	shalt  }
0x50: {  	_ =	shalt  }
0x51: {  	_ =	shalt  }
0x52: {  	_ =	shalt  }
0x53: {  	_ =	shalt  }
0x54: {  	_ =	shalt  }
0x55: {  	_ =	shalt  }
0x56: {  	_ =	shalt  }
0x57: {  	_ =	shalt  }
0x58: {  	_ =	shalt  }
0x59: {  	_ =	shalt  }
0x5a: {  	_ =	shalt  }
0x5b: {  	_ =	shalt  }
0x5c: {  	_ =	shalt  }
0x5d: {  	_ =	shalt  }
0x5e: {  	_ =	shalt  }
0x5f: {  	_ =	shalt  }
0x60: {  	_ =	shalt  }
0x61: {  	_ =	shalt  }
0x62: {  	_ =	shalt  }
0x63: {  	_ =	shalt  }
0x64: {  	_ =	shalt  }
0x65: {  	_ =	shalt  }
0x66: {  	_ =	shalt  }
0x67: {  	_ =	shalt  }
0x68: {  	_ =	shalt  }
0x69: {  	_ =	shalt  }
0x6a: {  	_ =	shalt  }
0x6b: {  	_ =	shalt  }
0x6c: {  	_ =	shalt  }
0x6d: {  	_ =	shalt  }
0x6e: {  	_ =	shalt  }
0x6f: {  	_ =	shalt  }
0x70: {  	_ =	shalt  }
0x71: {  	_ =	shalt  }
0x72: {  	_ =	shalt  }
0x73: {  	_ =	shalt  }
0x74: {  	_ =	shalt  }
0x75: {  	_ =	shalt  }
0x76: {  	_ =	shalt  }
0x77: {  	_ =	shalt  }
0x78: {  	_ =	shalt  }
0x79: {  	_ =	shalt  }
0x7a: {  	_ =	shalt  }
0x7b: {  	_ =	shalt  }
0x7c: {  	_ =	shalt  }
0x7d: {  	_ =	shalt  }
0x7e: {  	_ =	shalt  }
0x7f: {  	_ =	shalt  }
0x80: {  	_ =	shalt  }
0x81: {  	_ =	shalt  }
0x82: {  	_ =	shalt  }
0x83: {  	_ =	shalt  }
0x84: {  	_ =	shalt  }
0x85: {  	_ =	shalt  }
0x86: {  	_ =	shalt  }
0x87: {  	_ =	shalt  }
.Lfunc_end0:
.L_simem_size_0:
called_computation.1_lowered:
.L_overlay_start_0:
0x88: {  	s2 =	sld [smem:$0x3FD9]  }
0x89: {  	s3 =	sld [smem:$0x3FFE];
	_ =	sdelay $0x1  }
0x8a: {  	s1 =	srdreg.scid  }
0x8b: {  	s0 =	sand.u32 $0x1, s1  }
0x8c: {  	s16 =	sshll.u32 s0, $0xA;
	s2 =	sadd.s32 s3, s2  }
0x8d: {  	s2 =	sadd.s32 s2, s16  }
0x8e: {  	[smem:$0x3FBF] =	sst s2  }
0x8f: {  	_ = 	snop  }
0x90: {  	(tm) =	ssettm $0x1  }
0x91: {  	s17 =	sld [smem:$0x3FFB];
	_ =	sdelay $0x3  }
0x92: {  	_ =	strace s17  }
0x93: {  	s2 =	sld [smem:$0x3FFC];
	_ =	sdelay $0x3  }
0x94: {  	_ =	strace s2  }
0x95: {  	s2 =	sld [smem:$0x3FFD];
	_ =	sdelay $0x3  }
0x96: {  	_ =	strace s2  }
0x97: {  	_ =	strace $0x8FFFFFFF  }
0x98: {  	s18 =	sld [smem:$0x3FDB];
	_ =	sdelay $0x1  }
0x99: {  	s19 =	simm.s32 $_scs_section_size  }
0x9a: {  	s4 =	simm.s32 $_size__tile_overlayer_lowered;
	s5 =	simm.s32 $_tile_overlayer_lowered  }
0x9b: {  	s22 =	simm.s32 $0x1BFF;
	s21 =	sshll.u32 s5, $0x1;
	s2 =	sadd.s32 s19, s18  }
0x9c: {  	s6 =	simm.s32 $0x0;
	s20 =	sshll.u32 s4, $0x1;
	s4 =	sadd.s32 s21, s2  }
0x9d: {  	[timem:s6], [sflag:s22] =	dma.local [hbm:s4], s20  }
0x9e: {  	_ =	swait.ge [sflag:s22], s20  }
0x9f: {  	s3 =	ssub.s32 $0x0, s20;
	[sflag:s22] =	ssyncset.done $0x0  }
0xa0: {  	[sflag:s22] =	ssyncadd.s32 s3;
	_ =	sdelay $0x1  }
0xa1: {  	s23 =	simm.s32 $0x1B8B  }
0xa2: {  	_ =	swait.ge [sflag:s23], $0x1  }
0xa3: {  	[sflag:s23] =	ssyncset.done $0x0  }
0xa4: {  	s25 =	simm.s32 $0x1B8E;
	s24 =	sld [smem:$0x3FFE];
	[sflag:s23] =	ssyncadd.s32 $0xFFFFFFFF  }
0xa5: {  	s26 =	simm.s32 $execute0_lowered;
	[smem:$0x3FD2] =	sst s25  }
0xa6: {  	s4 =	sshll.u32 s26, $0x1;
	_ =	strace $0x80000049;
	[dreg:$0x1] =	wrdreg $0xFFFFFFFF  }
0xa7: {  	s28 =	simm.s32 $_size_execute0_lowered;
	s2 =	sadd.s32 s2, s4;
	[dreg:$0x0] =	wrdreg $0x0  }
0xa8: {  	s4 =	sshll.u32 s28, $0x1;
	[dreg:$0x2] =	wrdreg s2  }
0xa9: {  	[dreg:$0x3] =	wrdreg s4  }
0xaa: {  	[dreg:$0x4] =	wrdreg $0xC0  }
0xab: {  	_ =	task [dreg:s6], $0x5FFFF  }
0xac: {  	[dreg:$0x1] =	wrdreg $0xFFFFFFFF  }
0xad: {  	[dreg:$0x0] =	wrdreg $0x60  }
0xae: {  	[dreg:$0x2] =	wrdreg s24  }
0xaf: {  	[dreg:$0x3] =	wrdreg $0x9  }
0xb0: {  	_ =	task.clear_ibuf [dreg:s6], $0x4FFFF;
	_ =	strace $0x90000049  }
0xb1: {  	s29 =	simm.s32 $0x9;
	_ =	strace $0x8000004B  }
0xb2: {  	_ =	swait.ge [sflag:s29], $0x1  }
0xb3: {  	[sflag:s29] =	ssyncadd.s32 $0xFFFFFFFF  }
0xb4: {  	_ =	strace $0x9000004B  }
0xb5: {  	_ =	sfence  }
0xb6: {  	s30 =	sld [smem:$0x0];
	_ =	sdelay $0x2  }
0xb7: {  	s31 =	sshll.u32 s1, $0xD;
	s1 =	sshrl.u32 s1, $0x2  }
0xb8: {  	s3 =	sand.u32 $0x4000, s31;
	s1 =	sadd.s32 s1, s30  }
0xb9: {  	s0 =	sor.u32 s3, s0;
	s1 =	sshll.u32 s1, $0x11  }
0xba: {  	s0 =	sor.u32 s1, s0  }
0xbb: {  	s0 =	sadd.s32 $0x8F2B, s0  }
0xbc: {  	[sflag:s0] =	ssyncadd.remote.s32 $0x1  }
0xbd: {  	_ =	sfence.sel $0xFFFF  }
0xbe: {  	[dreg:$0x0] =	wrdreg $0xFFFFFFFF;
	(pc) =	sbr.abs _section_cstart, $3  }
0xbf: {  	[dreg:$0x1] =	wrdreg $0xFFFFFFFF  }
0xc0: {  	_ =	task.clear_ibuf [dreg:s6], $0x2FFFF;
	_ =	strace $0x9FFFFFFF  }
0xc1: {  	(tm) =	ssettm $0x7FFFFFFF  }
tec
execute0_lowered:
.L_overlay_start_1:
0x0: {  	(tag) =	ssettag $0x1  }
0x1: {  	s1 =	srdreg.scid  }
0x2: {  	s0 =	stileid.u32;
	s5 =	rddreg [dreg:$0x0];
	s2 =	simm.s32 $0x0  }
0x3: {  	s9 =	simm.s32 $0x400;
	s10 =	simm.s32 $0x3;
	s11 =	simm.s32 $0x13C00  }
0x4: {  	s12 =	simm.s32 $0x17A80;
	s13 =	simm.s32 $0x1;
	s14 =	simm.s32 $0x9E00  }
0x5: {  	s15 =	simm.s32 $0x2;
	s3 =	sand.u32 $0x1, s1;
	s4 =	smul.u32 $0x13C00, s0  }
0x6: {  	s16 =	simm.s32 $0x0;
	s1 =	rddreg [dreg:$0x1];
	s6 =	sshll.u32 s3, $0x9  }
.Ltmp0:
0x7: {  	[smem:$0x7FF] =	sst s2;
	s4 =	sor.u32 s6, s4;
	(pc) =	sbr.rel .LBB2_1-.Ltmp0, $4  }
0x8: {  	s30 =	ssub.s32 $0x2, s3;
	_ =	strace $0x8000004A;
	s4 =	sshrl.u32 s4, $0x3  }
0x9: {  	s3 =	sadd.s32 $0x19200, s5;
	s31 =	sshrl.u32 s30, $0x1;
	s7 =	sadd.s32 s4, s5  }
0xa: {  	s8 =	ssub.s32 s30, s31;
	s5 =	sadd.s32 $0x199D0, s5;
	s4 =	sadd.s32 $0x23000, s7  }
0xb: {  	v0 =	vimm.f32 $0.0e+00;
	s6 =	sadd.s32 $0x4A800, s7;
	s7 =	smax.u32 s8, $0x1;
	s8 =	simm.s32 $0x200  }
.LBB2_10:
0xc: {  	s16 =	sadd.s32 $0x1, s16  }
0xd: {  	p0 =	sne.s32 s16, s7  }
.Ltmp1:
0xe: {  	_ = 	snop;
	(pc) =	sbr.rel @!p0 .LBB2_11-.Ltmp1, $4  }
0xf: {  	[hbm4b:s6+s8] =	stream.strided.scatter [tilespmem:s14], [sflag:$0x3], $0x9E00, s9, s8, $0x38;
	[tilespmem:$0x1B900] =	vst v63  }
0x10: {  	_ =	swait.ge [sflag:s10], $0x9E00  }
0x11: {  	[sflag:s10] =	ssyncset.done $0x0  }
0x12: {  	[sflag:s10] =	ssyncadd.s32 $0xFFFF6200  }
.LBB2_1:
0x13: {  	[tilespmem:s2], [sflag:$0x3] =	stream.strided.gather [hbm4b:s4+s8], $0x9E00, s9, s8, $0x38;
	[tilespmem:$0x1B900] =	vst v63  }
0x14: {  	_ =	swait.ge [sflag:s10], $0x9E00  }
0x15: {  	[sflag:s10] =	ssyncset.done $0x0  }
0x16: {  	s17 =	simm.s32 $0x9F00;
	[sflag:s10] =	ssyncadd.s32 $0xFFFF6200  }
0x17: {  	[tilespmem:s17+$0xFFFFFF00] =	vst v0  }
0x18: {  	[tilespmem:s17+$0xF0] =	vst v0  }
0x19: {  	[tilespmem:s17+$0x70] =	vst v0  }
0x1a: {  	[tilespmem:s17+$0xFFFFFFF0] =	vst v0  }
0x1b: {  	[tilespmem:s17+$0xFFFFFF70] =	vst v0  }
0x1c: {  	[tilespmem:s17+$0xE0] =	vst v0  }
0x1d: {  	[tilespmem:s17+$0x60] =	vst v0  }
0x1e: {  	[tilespmem:s17+$0xFFFFFFE0] =	vst v0  }
0x1f: {  	[tilespmem:s17+$0xFFFFFF60] =	vst v0  }
0x20: {  	[tilespmem:s17+$0xD0] =	vst v0  }
0x21: {  	[tilespmem:s17+$0x50] =	vst v0  }
0x22: {  	[tilespmem:s17+$0xFFFFFFD0] =	vst v0  }
0x23: {  	[tilespmem:s17+$0xFFFFFF50] =	vst v0  }
0x24: {  	[tilespmem:s17+$0xC0] =	vst v0  }
0x25: {  	[tilespmem:s17+$0x40] =	vst v0  }
0x26: {  	[tilespmem:s17+$0xFFFFFFC0] =	vst v0  }
0x27: {  	[tilespmem:s17+$0xFFFFFF40] =	vst v0  }
0x28: {  	[tilespmem:s17+$0xB0] =	vst v0  }
0x29: {  	[tilespmem:s17+$0x30] =	vst v0  }
0x2a: {  	[tilespmem:s17+$0xFFFFFFB0] =	vst v0  }
0x2b: {  	[tilespmem:s17+$0xFFFFFF30] =	vst v0  }
0x2c: {  	[tilespmem:s17+$0xA0] =	vst v0  }
0x2d: {  	[tilespmem:s17+$0x20] =	vst v0  }
0x2e: {  	[tilespmem:s17+$0xFFFFFFA0] =	vst v0  }
0x2f: {  	[tilespmem:s17+$0xFFFFFF20] =	vst v0  }
0x30: {  	[tilespmem:s17+$0x90] =	vst v0  }
0x31: {  	[tilespmem:s17+$0x10] =	vst v0  }
0x32: {  	[tilespmem:s17+$0xFFFFFF90] =	vst v0  }
0x33: {  	[tilespmem:s17+$0xFFFFFF10] =	vst v0  }
0x34: {  	[tilespmem:s17+$0x80] =	vst v0  }
0x35: {  	s18 =	simm.s32 $0x0;
	[tilespmem:s17+$0x0] =	vst v0  }
.LBB2_2:
0x36: {  	s18 =	sadd.s32 $0x8, s18;
	[tilespmem:s17+$0xFFFFFF80] =	vst v0;
	s17 =	sadd.s32 $0x200, s17  }
0x37: {  	[tilespmem:s17+$0xFFFFFF00] =	vst v0;
	p0 =	slt.u32 s18, $0x268  }
0x38: {  	[tilespmem:s17+$0xF0] =	vst v0  }
0x39: {  	[tilespmem:s17+$0x70] =	vst v0  }
0x3a: {  	[tilespmem:s17+$0xFFFFFFF0] =	vst v0  }
0x3b: {  	[tilespmem:s17+$0xFFFFFF70] =	vst v0  }
0x3c: {  	[tilespmem:s17+$0xE0] =	vst v0  }
0x3d: {  	[tilespmem:s17+$0x60] =	vst v0  }
0x3e: {  	[tilespmem:s17+$0xFFFFFFE0] =	vst v0  }
0x3f: {  	[tilespmem:s17+$0xFFFFFF60] =	vst v0  }
0x40: {  	[tilespmem:s17+$0xD0] =	vst v0  }
0x41: {  	[tilespmem:s17+$0x50] =	vst v0  }
0x42: {  	[tilespmem:s17+$0xFFFFFFD0] =	vst v0  }
0x43: {  	[tilespmem:s17+$0xFFFFFF50] =	vst v0  }
0x44: {  	[tilespmem:s17+$0xC0] =	vst v0  }
0x45: {  	[tilespmem:s17+$0x40] =	vst v0  }
0x46: {  	[tilespmem:s17+$0xFFFFFFC0] =	vst v0  }
0x47: {  	[tilespmem:s17+$0xFFFFFF40] =	vst v0  }
0x48: {  	[tilespmem:s17+$0xB0] =	vst v0  }
0x49: {  	[tilespmem:s17+$0x30] =	vst v0  }
0x4a: {  	[tilespmem:s17+$0xFFFFFFB0] =	vst v0  }
0x4b: {  	[tilespmem:s17+$0xFFFFFF30] =	vst v0  }
0x4c: {  	[tilespmem:s17+$0xA0] =	vst v0  }
0x4d: {  	[tilespmem:s17+$0x20] =	vst v0  }
0x4e: {  	[tilespmem:s17+$0xFFFFFFA0] =	vst v0  }
0x4f: {  	[tilespmem:s17+$0xFFFFFF20] =	vst v0  }
0x50: {  	[tilespmem:s17+$0x90] =	vst v0  }
.Ltmp2:
0x51: {  	[tilespmem:s17+$0x10] =	vst v0;
	(pc) =	sbr.rel @p0 .LBB2_2-.Ltmp2, $4  }
0x52: {  	[tilespmem:s17+$0xFFFFFF90] =	vst v0  }
0x53: {  	[tilespmem:s17+$0xFFFFFF10] =	vst v0  }
0x54: {  	[tilespmem:s17+$0x80] =	vst v0  }
0x55: {  	[tilespmem:s17+$0x0] =	vst v0  }
0x56: {  	[tilespmem:s17+$0xFFFFFF80] =	vst v0  }
0x57: {  	[tilespmem:$0x13A00] =	vst v0  }
0x58: {  	[tilespmem:$0x13A80] =	vst v0  }
0x59: {  	[tilespmem:$0x13B00] =	vst v0  }
0x5a: {  	s17 =	simm.s32 $0x0;
	[tilespmem:$0x13B80] =	vst v0  }
0x5b: {  	[tilespmem:s11], [sflag:$0x1] =	stream.linear.gather [hbm4b:s3+s17], $0x3E80, $0x38;
	[tilespmem:$0x1B900] =	vst v63  }
0x5c: {  	_ = 	snop  }
0x5d: {  	[tilespmem:s12], [sflag:$0x2] =	stream.linear.gather [hbm4b:s5+s17], $0x3E80, $0x38;
	[tilespmem:$0x1B900] =	vst v63  }
.LBB2_4:
0x5e: {  	_ =	swait.ge [sflag:s13], $0x3E80  }
0x5f: {  	[sflag:s13] =	ssyncset.done $0x0  }
0x60: {  	s18 =	simm.s32 $0x13C40;
	[sflag:s13] =	ssyncadd.s32 $0xFFFFC180  }
0x61: {  	v1 =	vld [tilespmem:s18+$0xFFFFFFC0]  }
0x62: {  	v3 =	vld [tilespmem:s18+$0x10]  }
0x63: {  	v4 =	vld [tilespmem:s18+$0x30]  }
0x64: {  	v8 =	vld [tilespmem:s18+$0x20]  }
0x65: {  	v16 =	vld [tilespmem:s18+$0x0]  }
0x66: {  	v19 =	vld [tilespmem:s18+$0xFFFFFFD0];
	_ =	sdelay $0x1  }
0x67: {  	v2 =	vshll.u32 v1, $0x2;
	v5 =	vand.u32 $0x7F, v1;
	v6 =	vshrl.u32 v1, $0x10  }
0x68: {  	v1 =	vshrl.u32 v1, $0xE;
	v15 =	vshrl.u32 v3, $0x10;
	v7 =	vshll.u32 v4, $0x2  }
0x69: {  	v9 =	vand.u32 $0x7F, v8;
	v10 =	vshll.u32 v8, $0x2;
	v20 =	vshrl.u32 v4, $0xE  }
0x6a: {  	v13 =	vld [tilespmem:s18+$0xFFFFFFE0];
	v21 =	vshll.u32 v16, $0x2;
	v25 =	vand.u32 $0x7F, v19;
	v2 =	vand.u32 $0x3FE00, v2  }
0x6b: {  	v27 =	vshrl.u32 v16, $0xE;
	v1 =	vand.u32 $0x3FE00, v1;
	v2 =	vor.u32 v5, v2  }
0x6c: {  	v10 =	vand.u32 $0x3FE00, v10;
	v7 =	vand.u32 $0x3FE00, v7;
	v21 =	vand.u32 $0x3FE00, v21  }
0x6d: {  	v17 =	vld [tilespmem:s18+$0xFFFFFFF0];
	v27 =	vand.u32 $0x3FE00, v27;
	v5 =	vand.u32 $0x7F, v6;
	v6 =	vand.u32 $0x7F, v4  }
0x6e: {  	v9 =	vor.u32 v9, v10;
	v10 =	vand.u32 $0x7F, v3;
	v1 =	vor.u32 v5, v1  }
0x6f: {  	v14 =	vor.u32 $0x80, v2;
	v5 =	vshrl.u32 v4, $0x10;
	v4 =	vshll.u32 v13, $0x2  }
0x70: {  	v11 =	vor.u32 v6, v7;
	v6 =	vand.u32 $0x7F, v13;
	v12 =	vand.u32 $0x7F, v5;
	v18 =	vld.idx.msk [tilespmem:v2+s2+$0x0], $0xffff  }
0x71: {  	v5 =	vshll.u32 v3, $0x2;
	v4 =	vand.u32 $0x3FE00, v4;
	v3 =	vshrl.u32 v3, $0xE  }
0x72: {  	v7 =	vand.u32 $0x3FE00, v5;
	v5 =	vor.u32 v6, v4;
	v6 =	vshll.u32 v17, $0x2  }
0x73: {  	v3 =	vand.u32 $0x3FE00, v3;
	v4 =	vor.u32 v10, v7;
	v10 =	vshrl.u32 v8, $0x10  }
0x74: {  	v6 =	vand.u32 $0x3FE00, v6;
	v7 =	vand.u32 $0x7F, v17;
	v8 =	vshrl.u32 v8, $0xE;
	v23 =	vld.idx.msk [tilespmem:v9+s2+$0x0], $0xffff  }
0x75: {  	v7 =	vor.u32 v7, v6;
	v24 =	vand.u32 $0x7F, v10;
	[tilespmem:v1+s14+$0x0] =	vst.idx.add.f32.msk $0xffff, v18;
	v18 =	vand.u32 $0x3FE00, v20  }
0x76: {  	v8 =	vand.u32 $0x3FE00, v8;
	v22 =	vld.idx.msk [tilespmem:v11+s2+$0x0], $0xffff;
	v20 =	vshll.u32 v19, $0x2;
	v6 =	vor.u32 v12, v18  }
0x77: {  	v26 =	vld.idx.msk [tilespmem:v5+s2+$0x0], $0xffff;
	v18 =	vand.u32 $0x3FE00, v20;
	v20 =	vor.u32 $0x80, v11;
	v12 =	vand.u32 $0x7F, v16  }
0x78: {  	v16 =	vshrl.u32 v16, $0x10;
	v10 =	vor.u32 v12, v21;
	v21 =	vld.idx.msk [tilespmem:v4+s2+$0x0], $0xffff;
	v12 =	vor.u32 v24, v8  }
0x79: {  	v24 =	vld.idx.msk [tilespmem:v14+s2+$0x0], $0xffff;
	v8 =	vand.u32 $0x7F, v15;
	v15 =	vor.u32 v25, v18;
	v14 =	vshrl.u32 v17, $0xE  }
0x7a: {  	v18 =	vld.idx.msk [tilespmem:v7+s2+$0x0], $0xffff;
	v25 =	vor.u32 $0x80, v9;
	v16 =	vand.u32 $0x7F, v16;
	v8 =	vor.u32 v8, v3  }
0x7b: {  	v3 =	vshrl.u32 v17, $0x10;
	v30 =	vand.u32 $0x3FE00, v14;
	v14 =	vor.u32 v16, v27;
	[tilespmem:v6+s14+$0x0] =	vst.idx.add.f32.msk $0xffff, v22  }
0x7c: {  	v16 =	vshrl.u32 v13, $0xE;
	v13 =	vshrl.u32 v13, $0x10;
	v3 =	vand.u32 $0x7F, v3;
	v20 =	vld.idx.msk [tilespmem:v20+s2+$0x0], $0xffff  }
0x7d: {  	v16 =	vand.u32 $0x3FE00, v16;
	v13 =	vand.u32 $0x7F, v13;
	v3 =	vor.u32 v3, v30;
	v17 =	vld.idx.msk [tilespmem:v10+s2+$0x0], $0xffff  }
0x7e: {  	v13 =	vor.u32 v13, v16;
	[tilespmem:v12+s14+$0x0] =	vst.idx.add.f32.msk $0xffff, v23  }
0x7f: {  	v22 =	vor.u32 $0x80, v1;
	v28 =	vld.idx.msk [tilespmem:v15+s2+$0x0], $0xffff  }
0x80: {  	v16 =	vshrl.u32 v19, $0xE;
	v19 =	vshrl.u32 v19, $0x10;
	v23 =	vor.u32 $0x80, v6;
	[tilespmem:v8+s14+$0x0] =	vst.idx.add.f32.msk $0xffff, v21  }
0x81: {  	v16 =	vand.u32 $0x3FE00, v16;
	v19 =	vand.u32 $0x7F, v19;
	v25 =	vld.idx.msk [tilespmem:v25+s2+$0x0], $0xffff  }
0x82: {  	v16 =	vor.u32 v19, v16;
	[tilespmem:v3+s14+$0x0] =	vst.idx.add.f32.msk $0xffff, v18  }
0x83: {  	v21 =	vor.u32 $0x80, v7;
	[tilespmem:v13+s14+$0x0] =	vst.idx.add.f32.msk $0xffff, v26  }
0x84: {  	[tilespmem:v22+s14+$0x0] =	vst.idx.add.f32.msk $0xffff, v24;
	v22 =	vor.u32 $0x80, v10  }
0x85: {  	[tilespmem:v23+s14+$0x0] =	vst.idx.add.f32.msk $0xffff, v20;
	v20 =	vor.u32 $0x80, v5  }
0x86: {  	[tilespmem:v14+s14+$0x0] =	vst.idx.add.f32.msk $0xffff, v17;
	v17 =	vor.u32 $0x100, v2  }
0x87: {  	v29 =	vor.u32 $0x100, v11;
	[tilespmem:v16+s14+$0x0] =	vst.idx.add.f32.msk $0xffff, v28  }
0x88: {  	v27 =	vor.u32 $0x80, v3;
	v21 =	vld.idx.msk [tilespmem:v21+s2+$0x0], $0xffff  }
0x89: {  	v30 =	vor.u32 $0x80, v4;
	v19 =	vld.idx.msk [tilespmem:v22+s2+$0x0], $0xffff  }
0x8a: {  	v26 =	vld.idx.msk [tilespmem:v20+s2+$0x0], $0xffff;
	v20 =	vor.u32 $0x80, v15  }
0x8b: {  	v22 =	vld.idx.msk [tilespmem:v17+s2+$0x0], $0xffff;
	v17 =	vor.u32 $0x80, v14  }
0x8c: {  	v24 =	vld.idx.msk [tilespmem:v29+s2+$0x0], $0xffff  }
0x8d: {  	v18 =	vor.u32 $0x80, v13;
	v29 =	vor.u32 $0x100, v1;
	[tilespmem:v27+s14+$0x0] =	vst.idx.add.f32.msk $0xffff, v21  }
0x8e: {  	s19 =	simm.s32 $0x0;
	v23 =	vor.u32 $0x80, v8;
	v28 =	vor.u32 $0x80, v16;
	v21 =	vor.u32 $0x100, v10;
	v27 =	vld.idx.msk [tilespmem:v30+s2+$0x0], $0xffff  }
.LBB2_5:
0x8f: {  	s19 =	sadd.s32 $0x8, s19;
	v30 =	vld.idx.msk [tilespmem:v20+s2+$0x0], $0xffff;
	s18 =	sadd.s32 $0x80, s18  }
0x90: {  	p0 =	slt.u32 s19, $0x3E0;
	[tilespmem:v17+s14+$0x0] =	vst.idx.add.f32.msk $0xffff, v19  }
0x91: {  	v2 =	vor.u32 $0x180, v2;
	v31 =	vld [tilespmem:s18+$0xFFFFFFC0]  }
0x92: {  	[tilespmem:v29+s14+$0x0] =	vst.idx.add.f32.msk $0xffff, v22  }
0x93: {  	v29 =	vor.u32 $0x80, v12;
	v17 =	vld [tilespmem:s18+$0xFFFFFFD0]  }
0x94: {  	v20 =	vld [tilespmem:s18+$0x20]  }
0x95: {  	v32 =	vor.u32 $0x180, v1;
	v22 =	vld [tilespmem:s18+$0xFFFFFFE0]  }
0x96: {  	v1 =	vshrl.u32 v31, $0x10;
	v33 =	vand.u32 $0x7F, v31;
	v19 =	vshll.u32 v31, $0x2;
	v34 =	vld.idx.msk [tilespmem:v2+s2+$0x0], $0xffff  }
0x97: {  	v35 =	vor.u32 $0x100, v7;
	v2 =	vand.u32 $0x3FE00, v19;
	v1 =	vand.u32 $0x7F, v1;
	v19 =	vld [tilespmem:s18+$0x0]  }
0x98: {  	v31 =	vshrl.u32 v31, $0xE;
	v2 =	vor.u32 v33, v2;
	v33 =	vld [tilespmem:s18+$0xFFFFFFF0]  }
0x99: {  	v31 =	vand.u32 $0x3FE00, v31;
	[tilespmem:v29+s14+$0x0] =	vst.idx.add.f32.msk $0xffff, v25  }
0x9a: {  	v1 =	vor.u32 v1, v31;
	v29 =	vor.u32 $0x100, v6;
	v25 =	vld [tilespmem:s18+$0x30]  }
0x9b: {  	v31 =	vld [tilespmem:s18+$0x10]  }
0x9c: {  	[tilespmem:v32+s14+$0x0] =	vst.idx.add.f32.msk $0xffff, v34;
	v32 =	vor.u32 $0x100, v9  }
0x9d: {  	v34 =	vshrl.u32 v33, $0x10;
	v36 =	vshrl.u32 v33, $0xE;
	[tilespmem:v28+s14+$0x0] =	vst.idx.add.f32.msk $0xffff, v30;
	v28 =	vor.u32 $0x100, v15  }
0x9e: {  	v30 =	vand.u32 $0x7F, v34;
	v34 =	vand.u32 $0x3FE00, v36;
	v35 =	vld.idx.msk [tilespmem:v35+s2+$0x0], $0xffff  }
0x9f: {  	v30 =	vor.u32 v30, v34;
	[tilespmem:v29+s14+$0x0] =	vst.idx.add.f32.msk $0xffff, v24  }
0xa0: {  	v11 =	vor.u32 $0x180, v11;
	[tilespmem:v23+s14+$0x0] =	vst.idx.add.f32.msk $0xffff, v27  }
0xa1: {  	[tilespmem:v18+s14+$0x0] =	vst.idx.add.f32.msk $0xffff, v26;
	v18 =	vor.u32 $0x100, v5  }
0xa2: {  	v23 =	vor.u32 $0x100, v4;
	v24 =	vld.idx.msk [tilespmem:v32+s2+$0x0], $0xffff  }
0xa3: {  	v27 =	vor.u32 $0x100, v12;
	v26 =	vld.idx.msk [tilespmem:v28+s2+$0x0], $0xffff  }
0xa4: {  	v9 =	vor.u32 $0x180, v9;
	v29 =	vor.u32 $0x100, v16;
	v28 =	vld.idx.msk [tilespmem:v2+s2+$0x0], $0xffff  }
0xa5: {  	v11 =	vld.idx.msk [tilespmem:v11+s2+$0x0], $0xffff  }
0xa6: {  	v18 =	vld.idx.msk [tilespmem:v18+s2+$0x0], $0xffff  }
0xa7: {  	v6 =	vor.u32 $0x180, v6;
	v23 =	vld.idx.msk [tilespmem:v23+s2+$0x0], $0xffff  }
0xa8: {  	v15 =	vor.u32 $0x180, v15;
	[tilespmem:v27+s14+$0x0] =	vst.idx.add.f32.msk $0xffff, v24  }
0xa9: {  	v24 =	vor.u32 $0x180, v3;
	v9 =	vld.idx.msk [tilespmem:v9+s2+$0x0], $0xffff  }
0xaa: {  	v27 =	vor.u32 $0x100, v3;
	v3 =	vmovc v30;
	[tilespmem:v29+s14+$0x0] =	vst.idx.add.f32.msk $0xffff, v26;
	v26 =	vor.u32 $0x100, v13;
	v29 =	vor.u32 $0x180, v8  }
0xab: {  	v13 =	vor.u32 $0x180, v13;
	v8 =	vor.u32 $0x100, v8;
	[tilespmem:v1+s14+$0x0] =	vst.idx.add.f32.msk $0xffff, v28;
	v28 =	vor.u32 $0x180, v14  }
0xac: {  	v7 =	vor.u32 $0x180, v7;
	v12 =	vor.u32 $0x180, v12;
	v5 =	vor.u32 $0x180, v5;
	[tilespmem:v6+s14+$0x0] =	vst.idx.add.f32.msk $0xffff, v11  }
0xad: {  	v10 =	vor.u32 $0x180, v10;
	v4 =	vor.u32 $0x180, v4;
	v11 =	vor.u32 $0x100, v14;
	v15 =	vld.idx.msk [tilespmem:v15+s2+$0x0], $0xffff  }
0xae: {  	v16 =	vor.u32 $0x180, v16;
	v30 =	vshrl.u32 v31, $0x10;
	v14 =	vor.u32 $0x80, v2;
	v21 =	vld.idx.msk [tilespmem:v21+s2+$0x0], $0xffff  }
0xaf: {  	v34 =	vshll.u32 v25, $0x2;
	v32 =	vand.u32 $0x7F, v25;
	v6 =	vshrl.u32 v25, $0x10;
	[tilespmem:v26+s14+$0x0] =	vst.idx.add.f32.msk $0xffff, v18  }
0xb0: {  	v6 =	vand.u32 $0x7F, v6;
	v18 =	vand.u32 $0x7F, v20;
	v26 =	vshll.u32 v20, $0x2;
	[tilespmem:v8+s14+$0x0] =	vst.idx.add.f32.msk $0xffff, v23  }
0xb1: {  	v25 =	vshrl.u32 v25, $0xE;
	v8 =	vshll.u32 v31, $0x2;
	v23 =	vand.u32 $0x3FE00, v26;
	v5 =	vld.idx.msk [tilespmem:v5+s2+$0x0], $0xffff  }
0xb2: {  	v36 =	vshrl.u32 v20, $0x10;
	v26 =	vshll.u32 v19, $0x2;
	v8 =	vand.u32 $0x3FE00, v8;
	[tilespmem:v27+s14+$0x0] =	vst.idx.add.f32.msk $0xffff, v35  }
0xb3: {  	v25 =	vand.u32 $0x3FE00, v25;
	v27 =	vshll.u32 v33, $0x2;
	v35 =	vand.u32 $0x7F, v31;
	v4 =	vld.idx.msk [tilespmem:v4+s2+$0x0], $0xffff  }
0xb4: {  	v37 =	vshll.u32 v22, $0x2;
	v38 =	vshrl.u32 v22, $0xE;
	v6 =	vor.u32 v6, v25;
	[tilespmem:v11+s14+$0x0] =	vst.idx.add.f32.msk $0xffff, v21  }
0xb5: {  	v25 =	vand.u32 $0x3FE00, v34;
	v11 =	vshll.u32 v17, $0x2;
	v21 =	vand.u32 $0x3FE00, v38;
	v10 =	vld.idx.msk [tilespmem:v10+s2+$0x0], $0xffff  }
0xb6: {  	v31 =	vshrl.u32 v31, $0xE;
	v27 =	vand.u32 $0x3FE00, v27;
	v34 =	vand.u32 $0x3FE00, v11;
	v38 =	vld.idx.msk [tilespmem:v7+s2+$0x0], $0xffff  }
0xb7: {  	v39 =	vand.u32 $0x7F, v17;
	v11 =	vor.u32 v32, v25;
	v7 =	vand.u32 $0x3FE00, v37;
	[tilespmem:v13+s14+$0x0] =	vst.idx.add.f32.msk $0xffff, v5  }
0xb8: {  	v25 =	vand.u32 $0x7F, v33;
	v32 =	vor.u32 $0x80, v11;
	v13 =	vshrl.u32 v22, $0x10;
	[tilespmem:v12+s14+$0x0] =	vst.idx.add.f32.msk $0xffff, v9  }
0xb9: {  	v5 =	vand.u32 $0x7F, v22;
	v12 =	vand.u32 $0x7F, v30;
	v9 =	vor.u32 v18, v23;
	[tilespmem:v16+s14+$0x0] =	vst.idx.add.f32.msk $0xffff, v15  }
0xba: {  	v5 =	vor.u32 v5, v7;
	v7 =	vand.u32 $0x3FE00, v31;
	v15 =	vshrl.u32 v17, $0xE;
	[tilespmem:v29+s14+$0x0] =	vst.idx.add.f32.msk $0xffff, v4  }
0xbb: {  	v13 =	vand.u32 $0x7F, v13;
	v4 =	vor.u32 v35, v8;
	v8 =	vor.u32 v12, v7;
	[tilespmem:v28+s14+$0x0] =	vst.idx.add.f32.msk $0xffff, v10  }
0xbc: {  	v13 =	vor.u32 v13, v21;
	v16 =	vand.u32 $0x3FE00, v15;
	v10 =	vand.u32 $0x7F, v19;
	v21 =	vld.idx.msk [tilespmem:v11+s2+$0x0], $0xffff  }
0xbd: {  	v18 =	vor.u32 $0x80, v13;
	v7 =	vor.u32 v25, v27;
	v12 =	vand.u32 $0x3FE00, v26;
	[tilespmem:v24+s14+$0x0] =	vst.idx.add.f32.msk $0xffff, v38  }
0xbe: {  	v20 =	vshrl.u32 v20, $0xE;
	v22 =	vshrl.u32 v19, $0xE;
	v23 =	vand.u32 $0x7F, v36;
	v24 =	vld.idx.msk [tilespmem:v9+s2+$0x0], $0xffff  }
0xbf: {  	v15 =	vor.u32 v39, v34;
	v10 =	vor.u32 v10, v12;
	v12 =	vand.u32 $0x3FE00, v20;
	v26 =	vld.idx.msk [tilespmem:v5+s2+$0x0], $0xffff  }
0xc0: {  	v17 =	vshrl.u32 v17, $0x10;
	v12 =	vor.u32 v23, v12;
	v20 =	vld.idx.msk [tilespmem:v4+s2+$0x0], $0xffff  }
0xc1: {  	v25 =	vld.idx.msk [tilespmem:v14+s2+$0x0], $0xffff;
	v14 =	vshrl.u32 v19, $0x10  }
0xc2: {  	v22 =	vand.u32 $0x3FE00, v22;
	v19 =	vld.idx.msk [tilespmem:v7+s2+$0x0], $0xffff;
	v14 =	vand.u32 $0x7F, v14  }
0xc3: {  	v23 =	vor.u32 $0x80, v8;
	v14 =	vor.u32 v14, v22;
	[tilespmem:v6+s14+$0x0] =	vst.idx.add.f32.msk $0xffff, v21  }
0xc4: {  	v21 =	vor.u32 $0x80, v1;
	v22 =	vld.idx.msk [tilespmem:v32+s2+$0x0], $0xffff  }
0xc5: {  	v28 =	vor.u32 $0x80, v9;
	v27 =	vld.idx.msk [tilespmem:v10+s2+$0x0], $0xffff  }
0xc6: {  	v29 =	vor.u32 $0x80, v7;
	[tilespmem:v12+s14+$0x0] =	vst.idx.add.f32.msk $0xffff, v24;
	v24 =	vor.u32 $0x80, v6  }
0xc7: {  	v31 =	vor.u32 $0x80, v5;
	v32 =	vor.u32 $0x100, v11;
	v30 =	vld.idx.msk [tilespmem:v15+s2+$0x0], $0xffff  }
0xc8: {  	v17 =	vand.u32 $0x7F, v17;
	[tilespmem:v8+s14+$0x0] =	vst.idx.add.f32.msk $0xffff, v20  }
0xc9: {  	v16 =	vor.u32 v17, v16;
	[tilespmem:v21+s14+$0x0] =	vst.idx.add.f32.msk $0xffff, v25  }
0xca: {  	v33 =	vor.u32 $0x80, v10;
	v17 =	vor.u32 $0x80, v14;
	v25 =	vld.idx.msk [tilespmem:v28+s2+$0x0], $0xffff  }
0xcb: {  	[tilespmem:v24+s14+$0x0] =	vst.idx.add.f32.msk $0xffff, v22  }
0xcc: {  	v24 =	vld.idx.msk [tilespmem:v32+s2+$0x0], $0xffff  }
0xcd: {  	[tilespmem:v14+s14+$0x0] =	vst.idx.add.f32.msk $0xffff, v27  }
0xce: {  	v27 =	vor.u32 $0x80, v4;
	[tilespmem:v3+s14+$0x0] =	vst.idx.add.f32.msk $0xffff, v19  }
0xcf: {  	v20 =	vor.u32 $0x80, v15;
	v22 =	vor.u32 $0x100, v2;
	v32 =	vld.idx.msk [tilespmem:v29+s2+$0x0], $0xffff  }
0xd0: {  	v34 =	vor.u32 $0x80, v3;
	[tilespmem:v13+s14+$0x0] =	vst.idx.add.f32.msk $0xffff, v26  }
0xd1: {  	v21 =	vor.u32 $0x100, v10;
	v26 =	vld.idx.msk [tilespmem:v31+s2+$0x0], $0xffff  }
.Ltmp3:
0xd2: {  	v19 =	vld.idx.msk [tilespmem:v33+s2+$0x0], $0xffff;
	(pc) =	sbr.rel @p0 .LBB2_5-.Ltmp3, $4  }
0xd3: {  	[tilespmem:v16+s14+$0x0] =	vst.idx.add.f32.msk $0xffff, v30  }
0xd4: {  	v22 =	vld.idx.msk [tilespmem:v22+s2+$0x0], $0xffff  }
0xd5: {  	v28 =	vor.u32 $0x80, v16;
	v29 =	vor.u32 $0x100, v1;
	[tilespmem:v34+s14+$0x0] =	vst.idx.add.f32.msk $0xffff, v32  }
0xd6: {  	v27 =	vld.idx.msk [tilespmem:v27+s2+$0x0], $0xffff  }
0xd7: {  	_ = 	snop  }
0xd8: {  	v2 =	vor.u32 $0x180, v2;
	_ =	sdelay $0x2  }
0xd9: {  	v20 =	vld.idx.msk [tilespmem:v20+s2+$0x0], $0xffff  }
0xda: {  	[tilespmem:v29+s14+$0x0] =	vst.idx.add.f32.msk $0xffff, v22  }
0xdb: {  	v1 =	vor.u32 $0x180, v1;
	v2 =	vld.idx.msk [tilespmem:v2+s2+$0x0], $0xffff  }
0xdc: {  	[tilespmem:v17+s14+$0x0] =	vst.idx.add.f32.msk $0xffff, v19;
	v17 =	vor.u32 $0x100, v6  }
0xdd: {  	[tilespmem:v18+s14+$0x0] =	vst.idx.add.f32.msk $0xffff, v26;
	v18 =	vor.u32 $0x100, v4  }
0xde: {  	v11 =	vor.u32 $0x180, v11;
	[tilespmem:v23+s14+$0x0] =	vst.idx.add.f32.msk $0xffff, v27  }
0xdf: {  	v22 =	vor.u32 $0x80, v12;
	[tilespmem:v28+s14+$0x0] =	vst.idx.add.f32.msk $0xffff, v20  }
0xe0: {  	[tilespmem:v1+s14+$0x0] =	vst.idx.add.f32.msk $0xffff, v2;
	v1 =	vor.u32 $0x100, v9  }
0xe1: {  	[tilespmem:v17+s14+$0x0] =	vst.idx.add.f32.msk $0xffff, v24;
	v2 =	vor.u32 $0x100, v15  }
0xe2: {  	v29 =	vor.u32 $0x100, v7;
	v18 =	vld.idx.msk [tilespmem:v18+s2+$0x0], $0xffff  }
0xe3: {  	v17 =	vor.u32 $0x100, v5;
	v11 =	vld.idx.msk [tilespmem:v11+s2+$0x0], $0xffff  }
0xe4: {  	v6 =	vor.u32 $0x180, v6;
	[tilespmem:v22+s14+$0x0] =	vst.idx.add.f32.msk $0xffff, v25  }
0xe5: {  	v20 =	vor.u32 $0x100, v12;
	v1 =	vld.idx.msk [tilespmem:v1+s2+$0x0], $0xffff  }
0xe6: {  	v22 =	vor.u32 $0x100, v16;
	v2 =	vld.idx.msk [tilespmem:v2+s2+$0x0], $0xffff  }
0xe7: {  	v19 =	vld.idx.msk [tilespmem:v29+s2+$0x0], $0xffff;
	v9 =	vor.u32 $0x180, v9  }
0xe8: {  	v17 =	vld.idx.msk [tilespmem:v17+s2+$0x0], $0xffff;
	v15 =	vor.u32 $0x180, v15  }
0xe9: {  	[tilespmem:v6+s14+$0x0] =	vst.idx.add.f32.msk $0xffff, v11  }
0xea: {  	v6 =	vor.u32 $0x100, v3;
	[tilespmem:v20+s14+$0x0] =	vst.idx.add.f32.msk $0xffff, v1  }
0xeb: {  	[tilespmem:v22+s14+$0x0] =	vst.idx.add.f32.msk $0xffff, v2;
	v2 =	vor.u32 $0x100, v8  }
0xec: {  	v1 =	vld.idx.msk [tilespmem:v9+s2+$0x0], $0xffff;
	v9 =	vor.u32 $0x100, v13  }
0xed: {  	v4 =	vor.u32 $0x180, v4;
	v11 =	vld.idx.msk [tilespmem:v15+s2+$0x0], $0xffff  }
0xee: {  	v20 =	vor.u32 $0x100, v14;
	v15 =	vld.idx.msk [tilespmem:v21+s2+$0x0], $0xffff  }
0xef: {  	[tilespmem:v6+s14+$0x0] =	vst.idx.add.f32.msk $0xffff, v19;
	v6 =	vor.u32 $0x180, v12  }
0xf0: {  	v5 =	vor.u32 $0x180, v5;
	[tilespmem:v2+s14+$0x0] =	vst.idx.add.f32.msk $0xffff, v18  }
0xf1: {  	v2 =	vor.u32 $0x180, v7;
	[tilespmem:v9+s14+$0x0] =	vst.idx.add.f32.msk $0xffff, v17  }
0xf2: {  	v9 =	vor.u32 $0x180, v10;
	v4 =	vld.idx.msk [tilespmem:v4+s2+$0x0], $0xffff  }
0xf3: {  	v10 =	vor.u32 $0x180, v16;
	[tilespmem:v20+s14+$0x0] =	vst.idx.add.f32.msk $0xffff, v15  }
0xf4: {  	v8 =	vor.u32 $0x180, v8;
	[tilespmem:v6+s14+$0x0] =	vst.idx.add.f32.msk $0xffff, v1  }
0xf5: {  	v7 =	vor.u32 $0x180, v13;
	v5 =	vld.idx.msk [tilespmem:v5+s2+$0x0], $0xffff  }
0xf6: {  	v3 =	vor.u32 $0x180, v3;
	v2 =	vld.idx.msk [tilespmem:v2+s2+$0x0], $0xffff  }
0xf7: {  	p0 =	seq.s32 s17, $0x9;
	v12 =	vor.u32 $0x180, v14;
	v9 =	vld.idx.msk [tilespmem:v9+s2+$0x0], $0xffff  }
0xf8: {  	s18 =	smul.u32 @!p0 $0x7D00, s17;
	[tilespmem:v10+s14+$0x0] =	vst.idx.add.f32.msk $0xffff, v11  }
0xf9: {  	[tilespmem:v8+s14+$0x0] =	vst.idx.add.f32.msk $0xffff, v4  }
0xfa: {  	s18 =	sshrl.u32 @!p0 s18, $0x3;
	[tilespmem:v7+s14+$0x0] =	vst.idx.add.f32.msk $0xffff, v5  }
0xfb: {  	s18 =	sadd.s32 @!p0 s3, s18;
	[tilespmem:v3+s14+$0x0] =	vst.idx.add.f32.msk $0xffff, v2  }
0xfc: {  	s19 =	simm.s32 @!p0 $0x0;
	s20 =	simm.s32 @!p0 $0x13C00;
	s18 =	sadd.s32 @!p0 $0xFA0, s18;
	[tilespmem:v12+s14+$0x0] =	vst.idx.add.f32.msk $0xffff, v9  }
0xfd: {  	[tilespmem:s20], [sflag:$0x1] =	stream.linear.gather @!p0 [hbm4b:s18+s19], $0x3E80, $0x38;
	[tilespmem:$0x1B900] =	vst v63  }
0xfe: {  	_ =	swait.ge [sflag:s15], $0x3E80  }
0xff: {  	[sflag:s15] =	ssyncset.done $0x0  }
0x100: {  	s18 =	simm.s32 $0x17AC0;
	[sflag:s15] =	ssyncadd.s32 $0xFFFFC180  }
0x101: {  	v1 =	vld [tilespmem:s18+$0xFFFFFFC0]  }
0x102: {  	v3 =	vld [tilespmem:s18+$0x10]  }
0x103: {  	v4 =	vld [tilespmem:s18+$0x30]  }
0x104: {  	v8 =	vld [tilespmem:s18+$0x20]  }
0x105: {  	v16 =	vld [tilespmem:s18+$0x0]  }
0x106: {  	v19 =	vld [tilespmem:s18+$0xFFFFFFD0];
	_ =	sdelay $0x1  }
0x107: {  	v2 =	vshll.u32 v1, $0x2;
	v5 =	vand.u32 $0x7F, v1;
	v6 =	vshrl.u32 v1, $0x10  }
0x108: {  	v1 =	vshrl.u32 v1, $0xE;
	v15 =	vshrl.u32 v3, $0x10;
	v7 =	vshll.u32 v4, $0x2  }
0x109: {  	v9 =	vand.u32 $0x7F, v8;
	v10 =	vshll.u32 v8, $0x2;
	v20 =	vshrl.u32 v4, $0xE  }
0x10a: {  	v13 =	vld [tilespmem:s18+$0xFFFFFFE0];
	v21 =	vshll.u32 v16, $0x2;
	v25 =	vand.u32 $0x7F, v19;
	v2 =	vand.u32 $0x3FE00, v2  }
0x10b: {  	v27 =	vshrl.u32 v16, $0xE;
	v1 =	vand.u32 $0x3FE00, v1;
	v2 =	vor.u32 v5, v2  }
0x10c: {  	v10 =	vand.u32 $0x3FE00, v10;
	v7 =	vand.u32 $0x3FE00, v7;
	v21 =	vand.u32 $0x3FE00, v21  }
0x10d: {  	v17 =	vld [tilespmem:s18+$0xFFFFFFF0];
	v27 =	vand.u32 $0x3FE00, v27;
	v5 =	vand.u32 $0x7F, v6;
	v6 =	vand.u32 $0x7F, v4  }
0x10e: {  	v9 =	vor.u32 v9, v10;
	v10 =	vand.u32 $0x7F, v3;
	v1 =	vor.u32 v5, v1  }
0x10f: {  	v14 =	vor.u32 $0x80, v2;
	v5 =	vshrl.u32 v4, $0x10;
	v4 =	vshll.u32 v13, $0x2  }
0x110: {  	v11 =	vor.u32 v6, v7;
	v6 =	vand.u32 $0x7F, v13;
	v12 =	vand.u32 $0x7F, v5;
	v18 =	vld.idx.msk [tilespmem:v2+s2+$0x0], $0xffff  }
0x111: {  	v5 =	vshll.u32 v3, $0x2;
	v4 =	vand.u32 $0x3FE00, v4;
	v3 =	vshrl.u32 v3, $0xE  }
0x112: {  	v7 =	vand.u32 $0x3FE00, v5;
	v5 =	vor.u32 v6, v4;
	v6 =	vshll.u32 v17, $0x2  }
0x113: {  	v3 =	vand.u32 $0x3FE00, v3;
	v4 =	vor.u32 v10, v7;
	v10 =	vshrl.u32 v8, $0x10  }
0x114: {  	v6 =	vand.u32 $0x3FE00, v6;
	v7 =	vand.u32 $0x7F, v17;
	v8 =	vshrl.u32 v8, $0xE;
	v23 =	vld.idx.msk [tilespmem:v9+s2+$0x0], $0xffff  }
0x115: {  	v7 =	vor.u32 v7, v6;
	v24 =	vand.u32 $0x7F, v10;
	[tilespmem:v1+s14+$0x0] =	vst.idx.add.f32.msk $0xffff, v18;
	v18 =	vand.u32 $0x3FE00, v20  }
0x116: {  	v8 =	vand.u32 $0x3FE00, v8;
	v22 =	vld.idx.msk [tilespmem:v11+s2+$0x0], $0xffff;
	v20 =	vshll.u32 v19, $0x2;
	v6 =	vor.u32 v12, v18  }
0x117: {  	v26 =	vld.idx.msk [tilespmem:v5+s2+$0x0], $0xffff;
	v18 =	vand.u32 $0x3FE00, v20;
	v20 =	vor.u32 $0x80, v11;
	v12 =	vand.u32 $0x7F, v16  }
0x118: {  	v16 =	vshrl.u32 v16, $0x10;
	v10 =	vor.u32 v12, v21;
	v21 =	vld.idx.msk [tilespmem:v4+s2+$0x0], $0xffff;
	v12 =	vor.u32 v24, v8  }
0x119: {  	v24 =	vld.idx.msk [tilespmem:v14+s2+$0x0], $0xffff;
	v8 =	vand.u32 $0x7F, v15;
	v15 =	vor.u32 v25, v18;
	v14 =	vshrl.u32 v17, $0xE  }
0x11a: {  	v18 =	vld.idx.msk [tilespmem:v7+s2+$0x0], $0xffff;
	v25 =	vor.u32 $0x80, v9;
	v16 =	vand.u32 $0x7F, v16;
	v8 =	vor.u32 v8, v3  }
0x11b: {  	v3 =	vshrl.u32 v17, $0x10;
	v30 =	vand.u32 $0x3FE00, v14;
	v14 =	vor.u32 v16, v27;
	[tilespmem:v6+s14+$0x0] =	vst.idx.add.f32.msk $0xffff, v22  }
0x11c: {  	v16 =	vshrl.u32 v13, $0xE;
	v13 =	vshrl.u32 v13, $0x10;
	v3 =	vand.u32 $0x7F, v3;
	v20 =	vld.idx.msk [tilespmem:v20+s2+$0x0], $0xffff  }
0x11d: {  	v16 =	vand.u32 $0x3FE00, v16;
	v13 =	vand.u32 $0x7F, v13;
	v3 =	vor.u32 v3, v30;
	v17 =	vld.idx.msk [tilespmem:v10+s2+$0x0], $0xffff  }
0x11e: {  	v13 =	vor.u32 v13, v16;
	[tilespmem:v12+s14+$0x0] =	vst.idx.add.f32.msk $0xffff, v23  }
0x11f: {  	v22 =	vor.u32 $0x80, v1;
	v28 =	vld.idx.msk [tilespmem:v15+s2+$0x0], $0xffff  }
0x120: {  	v16 =	vshrl.u32 v19, $0xE;
	v19 =	vshrl.u32 v19, $0x10;
	v23 =	vor.u32 $0x80, v6;
	[tilespmem:v8+s14+$0x0] =	vst.idx.add.f32.msk $0xffff, v21  }
0x121: {  	v16 =	vand.u32 $0x3FE00, v16;
	v19 =	vand.u32 $0x7F, v19;
	v25 =	vld.idx.msk [tilespmem:v25+s2+$0x0], $0xffff  }
0x122: {  	v16 =	vor.u32 v19, v16;
	[tilespmem:v3+s14+$0x0] =	vst.idx.add.f32.msk $0xffff, v18  }
0x123: {  	v21 =	vor.u32 $0x80, v7;
	[tilespmem:v13+s14+$0x0] =	vst.idx.add.f32.msk $0xffff, v26  }
0x124: {  	[tilespmem:v22+s14+$0x0] =	vst.idx.add.f32.msk $0xffff, v24;
	v22 =	vor.u32 $0x80, v10  }
0x125: {  	[tilespmem:v23+s14+$0x0] =	vst.idx.add.f32.msk $0xffff, v20;
	v20 =	vor.u32 $0x80, v5  }
0x126: {  	[tilespmem:v14+s14+$0x0] =	vst.idx.add.f32.msk $0xffff, v17;
	v17 =	vor.u32 $0x100, v2  }
0x127: {  	v29 =	vor.u32 $0x100, v11;
	[tilespmem:v16+s14+$0x0] =	vst.idx.add.f32.msk $0xffff, v28  }
0x128: {  	v27 =	vor.u32 $0x80, v3;
	v21 =	vld.idx.msk [tilespmem:v21+s2+$0x0], $0xffff  }
0x129: {  	v30 =	vor.u32 $0x80, v4;
	v19 =	vld.idx.msk [tilespmem:v22+s2+$0x0], $0xffff  }
0x12a: {  	v26 =	vld.idx.msk [tilespmem:v20+s2+$0x0], $0xffff;
	v20 =	vor.u32 $0x80, v15  }
0x12b: {  	v22 =	vld.idx.msk [tilespmem:v17+s2+$0x0], $0xffff;
	v17 =	vor.u32 $0x80, v14  }
0x12c: {  	v24 =	vld.idx.msk [tilespmem:v29+s2+$0x0], $0xffff  }
0x12d: {  	v18 =	vor.u32 $0x80, v13;
	v29 =	vor.u32 $0x100, v1;
	[tilespmem:v27+s14+$0x0] =	vst.idx.add.f32.msk $0xffff, v21  }
0x12e: {  	s19 =	simm.s32 $0x0;
	v23 =	vor.u32 $0x80, v8;
	v28 =	vor.u32 $0x80, v16;
	v21 =	vor.u32 $0x100, v10;
	v27 =	vld.idx.msk [tilespmem:v30+s2+$0x0], $0xffff  }
.LBB2_7:
0x12f: {  	s19 =	sadd.s32 $0x8, s19;
	v30 =	vld.idx.msk [tilespmem:v20+s2+$0x0], $0xffff;
	s18 =	sadd.s32 $0x80, s18  }
0x130: {  	p1 =	slt.u32 s19, $0x3E0;
	[tilespmem:v17+s14+$0x0] =	vst.idx.add.f32.msk $0xffff, v19  }
0x131: {  	v2 =	vor.u32 $0x180, v2;
	v31 =	vld [tilespmem:s18+$0xFFFFFFC0]  }
0x132: {  	[tilespmem:v29+s14+$0x0] =	vst.idx.add.f32.msk $0xffff, v22  }
0x133: {  	v29 =	vor.u32 $0x80, v12;
	v17 =	vld [tilespmem:s18+$0xFFFFFFD0]  }
0x134: {  	v20 =	vld [tilespmem:s18+$0x20]  }
0x135: {  	v32 =	vor.u32 $0x180, v1;
	v22 =	vld [tilespmem:s18+$0xFFFFFFE0]  }
0x136: {  	v1 =	vshrl.u32 v31, $0x10;
	v33 =	vand.u32 $0x7F, v31;
	v19 =	vshll.u32 v31, $0x2;
	v34 =	vld.idx.msk [tilespmem:v2+s2+$0x0], $0xffff  }
0x137: {  	v35 =	vor.u32 $0x100, v7;
	v2 =	vand.u32 $0x3FE00, v19;
	v1 =	vand.u32 $0x7F, v1;
	v19 =	vld [tilespmem:s18+$0x0]  }
0x138: {  	v31 =	vshrl.u32 v31, $0xE;
	v2 =	vor.u32 v33, v2;
	v33 =	vld [tilespmem:s18+$0xFFFFFFF0]  }
0x139: {  	v31 =	vand.u32 $0x3FE00, v31;
	[tilespmem:v29+s14+$0x0] =	vst.idx.add.f32.msk $0xffff, v25  }
0x13a: {  	v1 =	vor.u32 v1, v31;
	v29 =	vor.u32 $0x100, v6;
	v25 =	vld [tilespmem:s18+$0x30]  }
0x13b: {  	v31 =	vld [tilespmem:s18+$0x10]  }
0x13c: {  	[tilespmem:v32+s14+$0x0] =	vst.idx.add.f32.msk $0xffff, v34;
	v32 =	vor.u32 $0x100, v9  }
0x13d: {  	v34 =	vshrl.u32 v33, $0x10;
	v36 =	vshrl.u32 v33, $0xE;
	[tilespmem:v28+s14+$0x0] =	vst.idx.add.f32.msk $0xffff, v30;
	v28 =	vor.u32 $0x100, v15  }
0x13e: {  	v30 =	vand.u32 $0x7F, v34;
	v34 =	vand.u32 $0x3FE00, v36;
	v35 =	vld.idx.msk [tilespmem:v35+s2+$0x0], $0xffff  }
0x13f: {  	v30 =	vor.u32 v30, v34;
	[tilespmem:v29+s14+$0x0] =	vst.idx.add.f32.msk $0xffff, v24  }
0x140: {  	v11 =	vor.u32 $0x180, v11;
	[tilespmem:v23+s14+$0x0] =	vst.idx.add.f32.msk $0xffff, v27  }
0x141: {  	[tilespmem:v18+s14+$0x0] =	vst.idx.add.f32.msk $0xffff, v26;
	v18 =	vor.u32 $0x100, v5  }
0x142: {  	v23 =	vor.u32 $0x100, v4;
	v24 =	vld.idx.msk [tilespmem:v32+s2+$0x0], $0xffff  }
0x143: {  	v27 =	vor.u32 $0x100, v12;
	v26 =	vld.idx.msk [tilespmem:v28+s2+$0x0], $0xffff  }
0x144: {  	v9 =	vor.u32 $0x180, v9;
	v29 =	vor.u32 $0x100, v16;
	v28 =	vld.idx.msk [tilespmem:v2+s2+$0x0], $0xffff  }
0x145: {  	v11 =	vld.idx.msk [tilespmem:v11+s2+$0x0], $0xffff  }
0x146: {  	v18 =	vld.idx.msk [tilespmem:v18+s2+$0x0], $0xffff  }
0x147: {  	v6 =	vor.u32 $0x180, v6;
	v23 =	vld.idx.msk [tilespmem:v23+s2+$0x0], $0xffff  }
0x148: {  	v15 =	vor.u32 $0x180, v15;
	[tilespmem:v27+s14+$0x0] =	vst.idx.add.f32.msk $0xffff, v24  }
0x149: {  	v24 =	vor.u32 $0x180, v3;
	v9 =	vld.idx.msk [tilespmem:v9+s2+$0x0], $0xffff  }
0x14a: {  	v27 =	vor.u32 $0x100, v3;
	v3 =	vmovc v30;
	[tilespmem:v29+s14+$0x0] =	vst.idx.add.f32.msk $0xffff, v26;
	v26 =	vor.u32 $0x100, v13;
	v29 =	vor.u32 $0x180, v8  }
0x14b: {  	v13 =	vor.u32 $0x180, v13;
	v8 =	vor.u32 $0x100, v8;
	[tilespmem:v1+s14+$0x0] =	vst.idx.add.f32.msk $0xffff, v28;
	v28 =	vor.u32 $0x180, v14  }
0x14c: {  	v7 =	vor.u32 $0x180, v7;
	v12 =	vor.u32 $0x180, v12;
	v5 =	vor.u32 $0x180, v5;
	[tilespmem:v6+s14+$0x0] =	vst.idx.add.f32.msk $0xffff, v11  }
0x14d: {  	v10 =	vor.u32 $0x180, v10;
	v4 =	vor.u32 $0x180, v4;
	v11 =	vor.u32 $0x100, v14;
	v15 =	vld.idx.msk [tilespmem:v15+s2+$0x0], $0xffff  }
0x14e: {  	v16 =	vor.u32 $0x180, v16;
	v30 =	vshrl.u32 v31, $0x10;
	v14 =	vor.u32 $0x80, v2;
	v21 =	vld.idx.msk [tilespmem:v21+s2+$0x0], $0xffff  }
0x14f: {  	v34 =	vshll.u32 v25, $0x2;
	v32 =	vand.u32 $0x7F, v25;
	v6 =	vshrl.u32 v25, $0x10;
	[tilespmem:v26+s14+$0x0] =	vst.idx.add.f32.msk $0xffff, v18  }
0x150: {  	v6 =	vand.u32 $0x7F, v6;
	v18 =	vand.u32 $0x7F, v20;
	v26 =	vshll.u32 v20, $0x2;
	[tilespmem:v8+s14+$0x0] =	vst.idx.add.f32.msk $0xffff, v23  }
0x151: {  	v25 =	vshrl.u32 v25, $0xE;
	v8 =	vshll.u32 v31, $0x2;
	v23 =	vand.u32 $0x3FE00, v26;
	v5 =	vld.idx.msk [tilespmem:v5+s2+$0x0], $0xffff  }
0x152: {  	v36 =	vshrl.u32 v20, $0x10;
	v26 =	vshll.u32 v19, $0x2;
	v8 =	vand.u32 $0x3FE00, v8;
	[tilespmem:v27+s14+$0x0] =	vst.idx.add.f32.msk $0xffff, v35  }
0x153: {  	v25 =	vand.u32 $0x3FE00, v25;
	v27 =	vshll.u32 v33, $0x2;
	v35 =	vand.u32 $0x7F, v31;
	v4 =	vld.idx.msk [tilespmem:v4+s2+$0x0], $0xffff  }
0x154: {  	v37 =	vshll.u32 v22, $0x2;
	v38 =	vshrl.u32 v22, $0xE;
	v6 =	vor.u32 v6, v25;
	[tilespmem:v11+s14+$0x0] =	vst.idx.add.f32.msk $0xffff, v21  }
0x155: {  	v25 =	vand.u32 $0x3FE00, v34;
	v11 =	vshll.u32 v17, $0x2;
	v21 =	vand.u32 $0x3FE00, v38;
	v10 =	vld.idx.msk [tilespmem:v10+s2+$0x0], $0xffff  }
0x156: {  	v31 =	vshrl.u32 v31, $0xE;
	v27 =	vand.u32 $0x3FE00, v27;
	v34 =	vand.u32 $0x3FE00, v11;
	v38 =	vld.idx.msk [tilespmem:v7+s2+$0x0], $0xffff  }
0x157: {  	v39 =	vand.u32 $0x7F, v17;
	v11 =	vor.u32 v32, v25;
	v7 =	vand.u32 $0x3FE00, v37;
	[tilespmem:v13+s14+$0x0] =	vst.idx.add.f32.msk $0xffff, v5  }
0x158: {  	v25 =	vand.u32 $0x7F, v33;
	v32 =	vor.u32 $0x80, v11;
	v13 =	vshrl.u32 v22, $0x10;
	[tilespmem:v12+s14+$0x0] =	vst.idx.add.f32.msk $0xffff, v9  }
0x159: {  	v5 =	vand.u32 $0x7F, v22;
	v12 =	vand.u32 $0x7F, v30;
	v9 =	vor.u32 v18, v23;
	[tilespmem:v16+s14+$0x0] =	vst.idx.add.f32.msk $0xffff, v15  }
0x15a: {  	v5 =	vor.u32 v5, v7;
	v7 =	vand.u32 $0x3FE00, v31;
	v15 =	vshrl.u32 v17, $0xE;
	[tilespmem:v29+s14+$0x0] =	vst.idx.add.f32.msk $0xffff, v4  }
0x15b: {  	v13 =	vand.u32 $0x7F, v13;
	v4 =	vor.u32 v35, v8;
	v8 =	vor.u32 v12, v7;
	[tilespmem:v28+s14+$0x0] =	vst.idx.add.f32.msk $0xffff, v10  }
0x15c: {  	v13 =	vor.u32 v13, v21;
	v16 =	vand.u32 $0x3FE00, v15;
	v10 =	vand.u32 $0x7F, v19;
	v21 =	vld.idx.msk [tilespmem:v11+s2+$0x0], $0xffff  }
0x15d: {  	v18 =	vor.u32 $0x80, v13;
	v7 =	vor.u32 v25, v27;
	v12 =	vand.u32 $0x3FE00, v26;
	[tilespmem:v24+s14+$0x0] =	vst.idx.add.f32.msk $0xffff, v38  }
0x15e: {  	v20 =	vshrl.u32 v20, $0xE;
	v22 =	vshrl.u32 v19, $0xE;
	v23 =	vand.u32 $0x7F, v36;
	v24 =	vld.idx.msk [tilespmem:v9+s2+$0x0], $0xffff  }
0x15f: {  	v15 =	vor.u32 v39, v34;
	v10 =	vor.u32 v10, v12;
	v12 =	vand.u32 $0x3FE00, v20;
	v26 =	vld.idx.msk [tilespmem:v5+s2+$0x0], $0xffff  }
0x160: {  	v17 =	vshrl.u32 v17, $0x10;
	v12 =	vor.u32 v23, v12;
	v20 =	vld.idx.msk [tilespmem:v4+s2+$0x0], $0xffff  }
0x161: {  	v25 =	vld.idx.msk [tilespmem:v14+s2+$0x0], $0xffff;
	v14 =	vshrl.u32 v19, $0x10  }
0x162: {  	v22 =	vand.u32 $0x3FE00, v22;
	v19 =	vld.idx.msk [tilespmem:v7+s2+$0x0], $0xffff;
	v14 =	vand.u32 $0x7F, v14  }
0x163: {  	v23 =	vor.u32 $0x80, v8;
	v14 =	vor.u32 v14, v22;
	[tilespmem:v6+s14+$0x0] =	vst.idx.add.f32.msk $0xffff, v21  }
0x164: {  	v21 =	vor.u32 $0x80, v1;
	v22 =	vld.idx.msk [tilespmem:v32+s2+$0x0], $0xffff  }
0x165: {  	v28 =	vor.u32 $0x80, v9;
	v27 =	vld.idx.msk [tilespmem:v10+s2+$0x0], $0xffff  }
0x166: {  	v29 =	vor.u32 $0x80, v7;
	[tilespmem:v12+s14+$0x0] =	vst.idx.add.f32.msk $0xffff, v24;
	v24 =	vor.u32 $0x80, v6  }
0x167: {  	v31 =	vor.u32 $0x80, v5;
	v32 =	vor.u32 $0x100, v11;
	v30 =	vld.idx.msk [tilespmem:v15+s2+$0x0], $0xffff  }
0x168: {  	v17 =	vand.u32 $0x7F, v17;
	[tilespmem:v8+s14+$0x0] =	vst.idx.add.f32.msk $0xffff, v20  }
0x169: {  	v16 =	vor.u32 v17, v16;
	[tilespmem:v21+s14+$0x0] =	vst.idx.add.f32.msk $0xffff, v25  }
0x16a: {  	v33 =	vor.u32 $0x80, v10;
	v17 =	vor.u32 $0x80, v14;
	v25 =	vld.idx.msk [tilespmem:v28+s2+$0x0], $0xffff  }
0x16b: {  	[tilespmem:v24+s14+$0x0] =	vst.idx.add.f32.msk $0xffff, v22  }
0x16c: {  	v24 =	vld.idx.msk [tilespmem:v32+s2+$0x0], $0xffff  }
0x16d: {  	[tilespmem:v14+s14+$0x0] =	vst.idx.add.f32.msk $0xffff, v27  }
0x16e: {  	v27 =	vor.u32 $0x80, v4;
	[tilespmem:v3+s14+$0x0] =	vst.idx.add.f32.msk $0xffff, v19  }
0x16f: {  	v20 =	vor.u32 $0x80, v15;
	v22 =	vor.u32 $0x100, v2;
	v32 =	vld.idx.msk [tilespmem:v29+s2+$0x0], $0xffff  }
0x170: {  	v34 =	vor.u32 $0x80, v3;
	[tilespmem:v13+s14+$0x0] =	vst.idx.add.f32.msk $0xffff, v26  }
0x171: {  	v21 =	vor.u32 $0x100, v10;
	v26 =	vld.idx.msk [tilespmem:v31+s2+$0x0], $0xffff  }
.Ltmp4:
0x172: {  	v19 =	vld.idx.msk [tilespmem:v33+s2+$0x0], $0xffff;
	(pc) =	sbr.rel @p1 .LBB2_7-.Ltmp4, $4  }
0x173: {  	[tilespmem:v16+s14+$0x0] =	vst.idx.add.f32.msk $0xffff, v30  }
0x174: {  	v22 =	vld.idx.msk [tilespmem:v22+s2+$0x0], $0xffff  }
0x175: {  	v28 =	vor.u32 $0x80, v16;
	v29 =	vor.u32 $0x100, v1;
	[tilespmem:v34+s14+$0x0] =	vst.idx.add.f32.msk $0xffff, v32  }
0x176: {  	v27 =	vld.idx.msk [tilespmem:v27+s2+$0x0], $0xffff  }
0x177: {  	_ =	sdelay $0x3  }
0x178: {  	v2 =	vor.u32 $0x180, v2;
	v20 =	vld.idx.msk [tilespmem:v20+s2+$0x0], $0xffff  }
0x179: {  	[tilespmem:v17+s14+$0x0] =	vst.idx.add.f32.msk $0xffff, v19  }
0x17a: {  	v40 =	vor.u32 $0x80, v12;
	[tilespmem:v18+s14+$0x0] =	vst.idx.add.f32.msk $0xffff, v26  }
0x17b: {  	v56 =	vld.idx.msk [tilespmem:v21+s2+$0x0], $0xffff  }
0x17c: {  	v41 =	vor.u32 $0x100, v7;
	[tilespmem:v29+s14+$0x0] =	vst.idx.add.f32.msk $0xffff, v22  }
0x17d: {  	v1 =	vor.u32 $0x180, v1;
	v2 =	vld.idx.msk [tilespmem:v2+s2+$0x0], $0xffff  }
0x17e: {  	v42 =	vor.u32 $0x100, v6;
	[tilespmem:v23+s14+$0x0] =	vst.idx.add.f32.msk $0xffff, v27  }
0x17f: {  	v44 =	vor.u32 $0x100, v5;
	[tilespmem:v40+s14+$0x0] =	vst.idx.add.f32.msk $0xffff, v25  }
0x180: {  	v45 =	vor.u32 $0x100, v4;
	[tilespmem:v28+s14+$0x0] =	vst.idx.add.f32.msk $0xffff, v20  }
0x181: {  	v11 =	vor.u32 $0x180, v11;
	v43 =	vld.idx.msk [tilespmem:v41+s2+$0x0], $0xffff  }
0x182: {  	[tilespmem:v1+s14+$0x0] =	vst.idx.add.f32.msk $0xffff, v2;
	v2 =	vor.u32 $0x100, v15  }
0x183: {  	v57 =	vor.u32 $0x100, v14;
	[tilespmem:v42+s14+$0x0] =	vst.idx.add.f32.msk $0xffff, v24  }
0x184: {  	v51 =	vor.u32 $0x100, v13;
	v17 =	vld.idx.msk [tilespmem:v44+s2+$0x0], $0xffff  }
0x185: {  	v53 =	vor.u32 $0x100, v3;
	v18 =	vld.idx.msk [tilespmem:v45+s2+$0x0], $0xffff  }
0x186: {  	v58 =	vor.u32 $0x180, v10;
	v11 =	vld.idx.msk [tilespmem:v11+s2+$0x0], $0xffff  }
0x187: {  	v48 =	vor.u32 $0x100, v16;
	v2 =	vld.idx.msk [tilespmem:v2+s2+$0x0], $0xffff  }
0x188: {  	[tilespmem:v57+s14+$0x0] =	vst.idx.add.f32.msk $0xffff, v56;
	v1 =	vor.u32 $0x100, v9  }
0x189: {  	v49 =	vor.u32 $0x180, v6;
	[tilespmem:v51+s14+$0x0] =	vst.idx.add.f32.msk $0xffff, v17  }
0x18a: {  	v52 =	vor.u32 $0x180, v5;
	[tilespmem:v53+s14+$0x0] =	vst.idx.add.f32.msk $0xffff, v43  }
0x18b: {  	v47 =	vor.u32 $0x180, v9;
	v63 =	vor.u32 $0x180, v14;
	v9 =	vld.idx.msk [tilespmem:v58+s2+$0x0], $0xffff  }
0x18c: {  	[tilespmem:v48+s14+$0x0] =	vst.idx.add.f32.msk $0xffff, v2;
	v2 =	vor.u32 $0x100, v8  }
0x18d: {  	v46 =	vor.u32 $0x100, v12;
	v1 =	vld.idx.msk [tilespmem:v1+s2+$0x0], $0xffff  }
0x18e: {  	[tilespmem:v49+s14+$0x0] =	vst.idx.add.f32.msk $0xffff, v11  }
0x18f: {  	v50 =	vor.u32 $0x180, v15;
	v5 =	vld.idx.msk [tilespmem:v52+s2+$0x0], $0xffff  }
0x190: {  	v55 =	vor.u32 $0x180, v4;
	[tilespmem:v63+s14+$0x0] =	vst.idx.add.f32.msk $0xffff, v9  }
0x191: {  	[tilespmem:v2+s14+$0x0] =	vst.idx.add.f32.msk $0xffff, v18;
	v2 =	vor.u32 $0x180, v7  }
0x192: {  	v59 =	vor.u32 $0x180, v13;
	[tilespmem:v46+s14+$0x0] =	vst.idx.add.f32.msk $0xffff, v1  }
0x193: {  	v60 =	vor.u32 $0x180, v12;
	v1 =	vld.idx.msk [tilespmem:v47+s2+$0x0], $0xffff  }
0x194: {  	v61 =	vor.u32 $0x180, v16;
	v54 =	vld.idx.msk [tilespmem:v50+s2+$0x0], $0xffff  }
0x195: {  	v62 =	vor.u32 $0x180, v8;
	v4 =	vld.idx.msk [tilespmem:v55+s2+$0x0], $0xffff  }
0x196: {  	v3 =	vor.u32 $0x180, v3;
	v2 =	vld.idx.msk [tilespmem:v2+s2+$0x0], $0xffff  }
.Ltmp5:
0x197: {  	[tilespmem:v59+s14+$0x0] =	vst.idx.add.f32.msk $0xffff, v5;
	(pc) =	sbr.rel @p0 .LBB2_10-.Ltmp5, $4  }
0x198: {  	[tilespmem:v60+s14+$0x0] =	vst.idx.add.f32.msk $0xffff, v1  }
0x199: {  	[tilespmem:v61+s14+$0x0] =	vst.idx.add.f32.msk $0xffff, v54  }
0x19a: {  	[tilespmem:v62+s14+$0x0] =	vst.idx.add.f32.msk $0xffff, v4  }
0x19b: {  	[tilespmem:v3+s14+$0x0] =	vst.idx.add.f32.msk $0xffff, v2  }
0x19c: {  	s18 =	smul.u32 $0x7D00, s17  }
.Ltmp6:
0x19d: {  	_ = 	snop;
	(pc) =	sbr.rel .LBB2_4-.Ltmp6, $4  }
0x19e: {  	s18 =	sshrl.u32 s18, $0x3  }
0x19f: {  	s18 =	sadd.s32 s3, s18  }
0x1a0: {  	s17 =	sadd.s32 $0x1, s17;
	s18 =	sadd.s32 $0x1770, s18  }
0x1a1: {  	[tilespmem:s12], [sflag:$0x2] =	stream.linear.gather [hbm4b:s18+s2], $0x3E80, $0x38;
	[tilespmem:$0x1B900] =	vst v63  }
.LBB2_11:
0x1a2: {  	_ =	sfence.sel $0x180000  }
0x1a3: {  	[bflag:$0x0] =	sbarrier.arrive $0xFFFF  }
0x1a4: {  	p0 =	sne.s32 s0, $0x0;
	_ =	strace $0x9000004A  }
0x1a5: {  	s0 =	sadd.s32 @!p0 $0x100000, s1;
	[bflag:$0x2] =	sbarrier.arrive $0xFFFF  }
0x1a6: {  	[sflag:s0] =	ssyncadd.tile.s32 @!p0 $0x1;
	_ =	shalt  }
.Lfunc_end2:
_tile_overlayer_lowered:
.L_overlay_start_2:
0x1a7: {  	(tag) =	ssettag $0x2  }
0x1a8: {  	s0 =	rddreg [dreg:$0x0];
	s2 =	stileid.u32  }
0x1a9: {  	s1 =	rddreg [dreg:$0x1];
	p0 =	sne.s32 s2, $0x0  }
0x1aa: {  	s3 =	rddreg [dreg:$0x2];
	[bflag:$0x3] =	sbarrier.arrive $0xFFFF;
	s2 =	simm.s32 @!p0 $0x1C03  }
0x1ab: {  	[timem:s3], [sflag:s2] =	dma.local @!p0 [hbm:s0], s1  }
0x1ac: {  	s0 =	simm.s32 @!p0 $0x3  }
0x1ad: {  	_ =	swait.ge @!p0 [sflag:s0], s1  }
0x1ae: {  	s1 =	ssub.s32 @!p0 $0x0, s1;
	[sflag:s0] =	ssyncset.done @!p0 $0x0  }
0x1af: {  	[sflag:s0] =	ssyncadd.s32 @!p0 s1  }
0x1b0: {  	[bflag:$0x3] =	sbarrier.arrive $0xFFFF  }
0x1b1: {  	_ =	shalt  }

// kernel: kernel.17.cloned.1.call-start
scs
__scs_entry_jumppad:
0x0: {  	(pc) =	sbr.rel $0x88, $3  }
0x1: {  	(tag) =	ssettag $0x0;
	lr =	simm.s32 $0x1  }
0x2: {  	[smem:$0x3F98] =	sst lr;
	_ =	strace $0xD0000000  }
0x3: {  	_ = 	snop  }
0x4: {  	_ = 	snop  }
0x5: {  	_ = 	snop  }
0x6: {  	_ = 	snop  }
0x7: {  	_ = 	snop  }
__scs_overlays_trampoline_lowered:
0x8: {  	[smem:$0x3FA7] =	sst s0  }
0x9: {  	[smem:$0x3FA8] =	sst s1  }
0xa: {  	[smem:$0x3FA9] =	sst s2  }
0xb: {  	[smem:$0x3FAA] =	sst s3  }
0xc: {  	[smem:$0x3FAB] =	sst s4  }
0xd: {  	[smem:$0x3FAC] =	sst s5  }
0xe: {  	[smem:$0x3FAD] =	sst s6  }
0xf: {  	[smem:$0x3FAE] =	sst s7  }
0x10: {  	[smem:$0x3FAF] =	sst s8  }
0x11: {  	[smem:$0x3FB0] =	sst s9;
	s0 =	simm.s32 @!p0 $0x0  }
0x12: {  	s1 =	sld [smem:$0x3F96];
	s0 =	simm.s32 @p0 $0x1  }
0x13: {  	[smem:$0x3FB1] =	sst s0;
	s0 =	simm.s32 @!p1 $0x0  }
0x14: {  	s2 =	sld [smem:$0x3F95];
	s0 =	simm.s32 @p1 $0x1  }
0x15: {  	[smem:$0x3FB2] =	sst s0;
	s0 =	simm.s32 @!p2 $0x0  }
0x16: {  	s3 =	sld [smem:$0x3FDB];
	s0 =	simm.s32 @p2 $0x1  }
0x17: {  	s4 =	simm.s32 $0x1BF5;
	[smem:$0x3FB4] =	sst s0  }
0x18: {  	s0 =	sld [smem:$0x3F97];
	_ =	swait.ge [sflag:s4], $0x0  }
0x19: {  	s7 =	sld [smem:$0x3F98]  }
0x1a: {  	s8 =	sadd.s32 $0xFFFFE003, lr  }
0x1b: {  	s9 =	sadd.s32 $0xFFFFFEF7, lr;
	s5 =	simm.s32 $0xFFFFFFFF;
	p2 =	slt.u32 s8, $0xFFFFF086  }
0x1c: {  	p1 =	slt.u32 s9, $0xF7A;
	s5 =	simm.s32 @!p2 $0x0  }
0x1d: {  	s5 =	simm.s32 @p1 $0x1;
	p0 =	seq.s32 s7, s2  }
0x1e: {  	s7 =	smul.u32 @!p0 $0xF7A, s2;
	p2 =	seq.s32 @!p0 s5, $0x0  }
0x1f: {  	s9 =	smul.u32 $0xF7A, s1;
	s8 =	simm.s32 @!p0 $0x1BF5;
	p2 =	por !p2, p0  }
0x20: {  	[sflag:s8] =	ssyncset.s32 @!p0 $0xFFFFF086;
	s6 =	sadd.s32 @!p0 s3, s7;
	s7 =	simm.s32 @!p0 $0x108  }
0x21: {  	s3 =	sadd.s32 s3, s9;
	s6 =	sadd.s32 @!p0 $0x88, s6;
	s7 =	simm.s32 @p2 $0x1082  }
0x22: {  	[simem:s7], [sflag:s8] =	dma.local @!p0 [hbm:s6], $0xF7A  }
0x23: {  	s9 =	sor.u32 $0xD0000000, s2;
	s6 =	simm.s32 $0x108;
	_ =	swait.ge @!p0 [sflag:s8], $0x0  }
0x24: {  	s3 =	sadd.s32 $0x88, s3;
	s6 =	simm.s32 @!p1 $0x1082;
	[sflag:s4] =	ssyncset.s32 $0xFFFFF086  }
0x25: {  	[simem:s6], [sflag:s4] =	dma.local [hbm:s3], $0xF7A  }
0x26: {  	[smem:$0x3F98] =	sst s1;
	(tag) =	ssettag s2;
	_ =	strace s9  }
0x27: {  	s1 =	sld [smem:$0x3FA8]  }
0x28: {  	s2 =	sld [smem:$0x3FA9]  }
0x29: {  	s4 =	sld [smem:$0x3FAB]  }
0x2a: {  	p0 =	seq.s32 s5, $0x0;
	s5 =	sld [smem:$0x3FAC]  }
0x2b: {  	s6 =	sld [smem:$0x3FAD]  }
0x2c: {  	s7 =	sld [smem:$0x3FAE]  }
0x2d: {  	s3 =	simm.s32 $0x108;
	s8 =	sld [smem:$0x3FAF]  }
0x2e: {  	s3 =	simm.s32 @!p0 $0x1082;
	s9 =	sld [smem:$0x3FB0]  }
0x2f: {  	lr =	sadd.s32 s0, s3;
	s0 =	sld [smem:$0x3FA7]  }
0x30: {  	s3 =	sld [smem:$0x3FAA]  }
0x31: {  	[smem:$0x3FB3] =	sst s10  }
0x32: {  	s10 =	sld [smem:$0x3FB1];
	_ =	sdelay $0x3  }
0x33: {  	p0 =	seq.s32 s10, $0x1;
	s10 =	sld [smem:$0x3FB3];
	_ =	sdelay $0x3  }
0x34: {  	[smem:$0x3FB3] =	sst s10  }
0x35: {  	s10 =	sld [smem:$0x3FB2];
	_ =	sdelay $0x3  }
0x36: {  	p1 =	seq.s32 s10, $0x1;
	s10 =	sld [smem:$0x3FB3];
	_ =	sdelay $0x3  }
0x37: {  	[smem:$0x3FB3] =	sst s10  }
0x38: {  	s10 =	sld [smem:$0x3FB4]  }
0x39: {  	_ = 	snop;
	(pc) =	sbr.ind lr, $3  }
0x3a: {  	_ = 	snop  }
0x3b: {  	_ = 	snop  }
0x3c: {  	p2 =	seq.s32 s10, $0x1;
	s10 =	sld [smem:$0x3FB3]  }
0x3d: {  	_ =	shalt  }
0x3e: {  	_ =	shalt  }
0x3f: {  	_ =	shalt  }
0x40: {  	_ =	shalt  }
0x41: {  	_ =	shalt  }
0x42: {  	_ =	shalt  }
0x43: {  	_ =	shalt  }
0x44: {  	_ =	shalt  }
0x45: {  	_ =	shalt  }
0x46: {  	_ =	shalt  }
0x47: {  	_ =	shalt  }
0x48: {  	_ =	shalt  }
0x49: {  	_ =	shalt  }
0x4a: {  	_ =	shalt  }
0x4b: {  	_ =	shalt  }
0x4c: {  	_ =	shalt  }
0x4d: {  	_ =	shalt  }
0x4e: {  	_ =	shalt  }
0x4f: {  	_ =	shalt  }
0x50: {  	_ =	shalt  }
0x51: {  	_ =	shalt  }
0x52: {  	_ =	shalt  }
0x53: {  	_ =	shalt  }
0x54: {  	_ =	shalt  }
0x55: {  	_ =	shalt  }
0x56: {  	_ =	shalt  }
0x57: {  	_ =	shalt  }
0x58: {  	_ =	shalt  }
0x59: {  	_ =	shalt  }
0x5a: {  	_ =	shalt  }
0x5b: {  	_ =	shalt  }
0x5c: {  	_ =	shalt  }
0x5d: {  	_ =	shalt  }
0x5e: {  	_ =	shalt  }
0x5f: {  	_ =	shalt  }
0x60: {  	_ =	shalt  }
0x61: {  	_ =	shalt  }
0x62: {  	_ =	shalt  }
0x63: {  	_ =	shalt  }
0x64: {  	_ =	shalt  }
0x65: {  	_ =	shalt  }
0x66: {  	_ =	shalt  }
0x67: {  	_ =	shalt  }
0x68: {  	_ =	shalt  }
0x69: {  	_ =	shalt  }
0x6a: {  	_ =	shalt  }
0x6b: {  	_ =	shalt  }
0x6c: {  	_ =	shalt  }
0x6d: {  	_ =	shalt  }
0x6e: {  	_ =	shalt  }
0x6f: {  	_ =	shalt  }
0x70: {  	_ =	shalt  }
0x71: {  	_ =	shalt  }
0x72: {  	_ =	shalt  }
0x73: {  	_ =	shalt  }
0x74: {  	_ =	shalt  }
0x75: {  	_ =	shalt  }
0x76: {  	_ =	shalt  }
0x77: {  	_ =	shalt  }
0x78: {  	_ =	shalt  }
0x79: {  	_ =	shalt  }
0x7a: {  	_ =	shalt  }
0x7b: {  	_ =	shalt  }
0x7c: {  	_ =	shalt  }
0x7d: {  	_ =	shalt  }
0x7e: {  	_ =	shalt  }
0x7f: {  	_ =	shalt  }
0x80: {  	_ =	shalt  }
0x81: {  	_ =	shalt  }
0x82: {  	_ =	shalt  }
0x83: {  	_ =	shalt  }
0x84: {  	_ =	shalt  }
0x85: {  	_ =	shalt  }
0x86: {  	_ =	shalt  }
0x87: {  	_ =	shalt  }
.Lfunc_end0:
.L_simem_size_0:
called_computation.2_lowered:
.L_overlay_start_0:
0x88: {  	s2 =	sld [smem:$0x3FD9]  }
0x89: {  	s3 =	sld [smem:$0x3FFE];
	_ =	sdelay $0x1  }
0x8a: {  	s1 =	srdreg.scid  }
0x8b: {  	s0 =	sand.u32 $0x1, s1  }
0x8c: {  	s16 =	sshll.u32 s0, $0xA;
	s2 =	sadd.s32 s3, s2  }
0x8d: {  	s2 =	sadd.s32 s2, s16  }
0x8e: {  	[smem:$0x3FBF] =	sst s2  }
0x8f: {  	_ = 	snop  }
0x90: {  	(tm) =	ssettm $0x1  }
0x91: {  	s17 =	sld [smem:$0x3FFB];
	_ =	sdelay $0x3  }
0x92: {  	_ =	strace s17  }
0x93: {  	s2 =	sld [smem:$0x3FFC];
	_ =	sdelay $0x3  }
0x94: {  	_ =	strace s2  }
0x95: {  	s2 =	sld [smem:$0x3FFD];
	_ =	sdelay $0x3  }
0x96: {  	_ =	strace s2  }
0x97: {  	_ =	strace $0x8FFFFFFF  }
0x98: {  	s18 =	sld [smem:$0x3FDB];
	_ =	sdelay $0x1  }
0x99: {  	s19 =	simm.s32 $_scs_section_size  }
0x9a: {  	s4 =	simm.s32 $_size__tile_overlayer_lowered;
	s5 =	simm.s32 $_tile_overlayer_lowered  }
0x9b: {  	s22 =	simm.s32 $0x1BFF;
	s21 =	sshll.u32 s5, $0x1;
	s2 =	sadd.s32 s19, s18  }
0x9c: {  	s6 =	simm.s32 $0x0;
	s20 =	sshll.u32 s4, $0x1;
	s4 =	sadd.s32 s21, s2  }
0x9d: {  	[timem:s6], [sflag:s22] =	dma.local [hbm:s4], s20  }
0x9e: {  	_ =	swait.ge [sflag:s22], s20  }
0x9f: {  	s3 =	ssub.s32 $0x0, s20;
	[sflag:s22] =	ssyncset.done $0x0  }
0xa0: {  	[sflag:s22] =	ssyncadd.s32 s3;
	_ =	sdelay $0x1  }
0xa1: {  	s23 =	simm.s32 $0x1B8B  }
0xa2: {  	_ =	swait.ge [sflag:s23], $0x1  }
0xa3: {  	[sflag:s23] =	ssyncset.done $0x0  }
0xa4: {  	s25 =	simm.s32 $0x1B8E;
	s24 =	sld [smem:$0x3FFE];
	[sflag:s23] =	ssyncadd.s32 $0xFFFFFFFF  }
0xa5: {  	s26 =	simm.s32 $execute0_lowered;
	[smem:$0x3FD2] =	sst s25  }
0xa6: {  	s4 =	sshll.u32 s26, $0x1;
	_ =	strace $0x8000004C;
	[dreg:$0x1] =	wrdreg $0xFFFFFFFF  }
0xa7: {  	s28 =	simm.s32 $_size_execute0_lowered;
	s2 =	sadd.s32 s2, s4;
	[dreg:$0x0] =	wrdreg $0x0  }
0xa8: {  	s4 =	sshll.u32 s28, $0x1;
	[dreg:$0x2] =	wrdreg s2  }
0xa9: {  	[dreg:$0x3] =	wrdreg s4  }
0xaa: {  	[dreg:$0x4] =	wrdreg $0xC0  }
0xab: {  	_ =	task [dreg:s6], $0x5FFFF  }
0xac: {  	[dreg:$0x1] =	wrdreg $0xFFFFFFFF  }
0xad: {  	[dreg:$0x0] =	wrdreg $0x60  }
0xae: {  	[dreg:$0x2] =	wrdreg s24  }
0xaf: {  	[dreg:$0x3] =	wrdreg $0x9  }
0xb0: {  	_ =	task.clear_ibuf [dreg:s6], $0x4FFFF;
	_ =	strace $0x9000004C  }
0xb1: {  	s29 =	simm.s32 $0x9;
	_ =	strace $0x8000004E  }
0xb2: {  	_ =	swait.ge [sflag:s29], $0x1  }
0xb3: {  	[sflag:s29] =	ssyncadd.s32 $0xFFFFFFFF  }
0xb4: {  	_ =	strace $0x9000004E  }
0xb5: {  	_ =	sfence  }
0xb6: {  	s30 =	sld [smem:$0x0];
	_ =	sdelay $0x2  }
0xb7: {  	s31 =	sshll.u32 s1, $0xD;
	s1 =	sshrl.u32 s1, $0x2  }
0xb8: {  	s3 =	sand.u32 $0x4000, s31;
	s1 =	sadd.s32 s1, s30  }
0xb9: {  	s0 =	sor.u32 s3, s0;
	s1 =	sshll.u32 s1, $0x11  }
0xba: {  	s0 =	sor.u32 s1, s0  }
0xbb: {  	s0 =	sadd.s32 $0x8F2B, s0  }
0xbc: {  	[sflag:s0] =	ssyncadd.remote.s32 $0x1  }
0xbd: {  	_ =	sfence.sel $0xFFFF  }
0xbe: {  	[dreg:$0x0] =	wrdreg $0xFFFFFFFF;
	(pc) =	sbr.abs _section_cstart, $3  }
0xbf: {  	[dreg:$0x1] =	wrdreg $0xFFFFFFFF  }
0xc0: {  	_ =	task.clear_ibuf [dreg:s6], $0x2FFFF;
	_ =	strace $0x9FFFFFFF  }
0xc1: {  	(tm) =	ssettm $0x7FFFFFFF  }
tec
execute0_lowered:
.L_overlay_start_1:
0x0: {  	(tag) =	ssettag $0x1  }
0x1: {  	s1 =	srdreg.scid  }
0x2: {  	s0 =	stileid.u32;
	s5 =	rddreg [dreg:$0x0];
	s2 =	simm.s32 $0x0  }
0x3: {  	s9 =	simm.s32 $0x400;
	s10 =	simm.s32 $0x3;
	s11 =	simm.s32 $0x13C00  }
0x4: {  	s12 =	simm.s32 $0x17A80;
	s13 =	simm.s32 $0x1;
	s14 =	simm.s32 $0x9E00  }
0x5: {  	s15 =	simm.s32 $0x2;
	s3 =	sand.u32 $0x1, s1;
	s4 =	smul.u32 $0x13C00, s0  }
0x6: {  	s16 =	simm.s32 $0x0;
	s1 =	rddreg [dreg:$0x1];
	s6 =	sshll.u32 s3, $0x9  }
.Ltmp0:
0x7: {  	[smem:$0x7FF] =	sst s2;
	s4 =	sor.u32 s6, s4;
	(pc) =	sbr.rel .LBB2_1-.Ltmp0, $4  }
0x8: {  	s30 =	ssub.s32 $0x2, s3;
	_ =	strace $0x8000004D;
	s4 =	sshrl.u32 s4, $0x3  }
0x9: {  	s3 =	sadd.s32 $0x19200, s5;
	s31 =	sshrl.u32 s30, $0x1;
	s7 =	sadd.s32 s4, s5  }
0xa: {  	s8 =	ssub.s32 s30, s31;
	s5 =	sadd.s32 $0x199D0, s5;
	s4 =	sadd.s32 $0x23000, s7  }
0xb: {  	v0 =	vimm.f32 $0.0e+00;
	s6 =	sadd.s32 $0x4A800, s7;
	s7 =	smax.u32 s8, $0x1;
	s8 =	simm.s32 $0x200  }
.LBB2_10:
0xc: {  	s16 =	sadd.s32 $0x1, s16  }
0xd: {  	p0 =	sne.s32 s16, s7  }
.Ltmp1:
0xe: {  	_ = 	snop;
	(pc) =	sbr.rel @!p0 .LBB2_11-.Ltmp1, $4  }
0xf: {  	[hbm4b:s6+s8] =	stream.strided.scatter [tilespmem:s14], [sflag:$0x3], $0x9E00, s9, s8, $0x38;
	[tilespmem:$0x1B900] =	vst v63  }
0x10: {  	_ =	swait.ge [sflag:s10], $0x9E00  }
0x11: {  	[sflag:s10] =	ssyncset.done $0x0  }
0x12: {  	[sflag:s10] =	ssyncadd.s32 $0xFFFF6200  }
.LBB2_1:
0x13: {  	[tilespmem:s2], [sflag:$0x3] =	stream.strided.gather [hbm4b:s4+s8], $0x9E00, s9, s8, $0x38;
	[tilespmem:$0x1B900] =	vst v63  }
0x14: {  	_ =	swait.ge [sflag:s10], $0x9E00  }
0x15: {  	[sflag:s10] =	ssyncset.done $0x0  }
0x16: {  	s17 =	simm.s32 $0x9F00;
	[sflag:s10] =	ssyncadd.s32 $0xFFFF6200  }
0x17: {  	[tilespmem:s17+$0xFFFFFF00] =	vst v0  }
0x18: {  	[tilespmem:s17+$0xF0] =	vst v0  }
0x19: {  	[tilespmem:s17+$0x70] =	vst v0  }
0x1a: {  	[tilespmem:s17+$0xFFFFFFF0] =	vst v0  }
0x1b: {  	[tilespmem:s17+$0xFFFFFF70] =	vst v0  }
0x1c: {  	[tilespmem:s17+$0xE0] =	vst v0  }
0x1d: {  	[tilespmem:s17+$0x60] =	vst v0  }
0x1e: {  	[tilespmem:s17+$0xFFFFFFE0] =	vst v0  }
0x1f: {  	[tilespmem:s17+$0xFFFFFF60] =	vst v0  }
0x20: {  	[tilespmem:s17+$0xD0] =	vst v0  }
0x21: {  	[tilespmem:s17+$0x50] =	vst v0  }
0x22: {  	[tilespmem:s17+$0xFFFFFFD0] =	vst v0  }
0x23: {  	[tilespmem:s17+$0xFFFFFF50] =	vst v0  }
0x24: {  	[tilespmem:s17+$0xC0] =	vst v0  }
0x25: {  	[tilespmem:s17+$0x40] =	vst v0  }
0x26: {  	[tilespmem:s17+$0xFFFFFFC0] =	vst v0  }
0x27: {  	[tilespmem:s17+$0xFFFFFF40] =	vst v0  }
0x28: {  	[tilespmem:s17+$0xB0] =	vst v0  }
0x29: {  	[tilespmem:s17+$0x30] =	vst v0  }
0x2a: {  	[tilespmem:s17+$0xFFFFFFB0] =	vst v0  }
0x2b: {  	[tilespmem:s17+$0xFFFFFF30] =	vst v0  }
0x2c: {  	[tilespmem:s17+$0xA0] =	vst v0  }
0x2d: {  	[tilespmem:s17+$0x20] =	vst v0  }
0x2e: {  	[tilespmem:s17+$0xFFFFFFA0] =	vst v0  }
0x2f: {  	[tilespmem:s17+$0xFFFFFF20] =	vst v0  }
0x30: {  	[tilespmem:s17+$0x90] =	vst v0  }
0x31: {  	[tilespmem:s17+$0x10] =	vst v0  }
0x32: {  	[tilespmem:s17+$0xFFFFFF90] =	vst v0  }
0x33: {  	[tilespmem:s17+$0xFFFFFF10] =	vst v0  }
0x34: {  	[tilespmem:s17+$0x80] =	vst v0  }
0x35: {  	s18 =	simm.s32 $0x0;
	[tilespmem:s17+$0x0] =	vst v0  }
.LBB2_2:
0x36: {  	s18 =	sadd.s32 $0x8, s18;
	[tilespmem:s17+$0xFFFFFF80] =	vst v0;
	s17 =	sadd.s32 $0x200, s17  }
0x37: {  	[tilespmem:s17+$0xFFFFFF00] =	vst v0;
	p0 =	slt.u32 s18, $0x268  }
0x38: {  	[tilespmem:s17+$0xF0] =	vst v0  }
0x39: {  	[tilespmem:s17+$0x70] =	vst v0  }
0x3a: {  	[tilespmem:s17+$0xFFFFFFF0] =	vst v0  }
0x3b: {  	[tilespmem:s17+$0xFFFFFF70] =	vst v0  }
0x3c: {  	[tilespmem:s17+$0xE0] =	vst v0  }
0x3d: {  	[tilespmem:s17+$0x60] =	vst v0  }
0x3e: {  	[tilespmem:s17+$0xFFFFFFE0] =	vst v0  }
0x3f: {  	[tilespmem:s17+$0xFFFFFF60] =	vst v0  }
0x40: {  	[tilespmem:s17+$0xD0] =	vst v0  }
0x41: {  	[tilespmem:s17+$0x50] =	vst v0  }
0x42: {  	[tilespmem:s17+$0xFFFFFFD0] =	vst v0  }
0x43: {  	[tilespmem:s17+$0xFFFFFF50] =	vst v0  }
0x44: {  	[tilespmem:s17+$0xC0] =	vst v0  }
0x45: {  	[tilespmem:s17+$0x40] =	vst v0  }
0x46: {  	[tilespmem:s17+$0xFFFFFFC0] =	vst v0  }
0x47: {  	[tilespmem:s17+$0xFFFFFF40] =	vst v0  }
0x48: {  	[tilespmem:s17+$0xB0] =	vst v0  }
0x49: {  	[tilespmem:s17+$0x30] =	vst v0  }
0x4a: {  	[tilespmem:s17+$0xFFFFFFB0] =	vst v0  }
0x4b: {  	[tilespmem:s17+$0xFFFFFF30] =	vst v0  }
0x4c: {  	[tilespmem:s17+$0xA0] =	vst v0  }
0x4d: {  	[tilespmem:s17+$0x20] =	vst v0  }
0x4e: {  	[tilespmem:s17+$0xFFFFFFA0] =	vst v0  }
0x4f: {  	[tilespmem:s17+$0xFFFFFF20] =	vst v0  }
0x50: {  	[tilespmem:s17+$0x90] =	vst v0  }
.Ltmp2:
0x51: {  	[tilespmem:s17+$0x10] =	vst v0;
	(pc) =	sbr.rel @p0 .LBB2_2-.Ltmp2, $4  }
0x52: {  	[tilespmem:s17+$0xFFFFFF90] =	vst v0  }
0x53: {  	[tilespmem:s17+$0xFFFFFF10] =	vst v0  }
0x54: {  	[tilespmem:s17+$0x80] =	vst v0  }
0x55: {  	[tilespmem:s17+$0x0] =	vst v0  }
0x56: {  	[tilespmem:s17+$0xFFFFFF80] =	vst v0  }
0x57: {  	[tilespmem:$0x13A00] =	vst v0  }
0x58: {  	[tilespmem:$0x13A80] =	vst v0  }
0x59: {  	[tilespmem:$0x13B00] =	vst v0  }
0x5a: {  	s17 =	simm.s32 $0x0;
	[tilespmem:$0x13B80] =	vst v0  }
0x5b: {  	[tilespmem:s11], [sflag:$0x1] =	stream.linear.gather [hbm4b:s3+s17], $0x3E80, $0x38;
	[tilespmem:$0x1B900] =	vst v63  }
0x5c: {  	_ = 	snop  }
0x5d: {  	[tilespmem:s12], [sflag:$0x2] =	stream.linear.gather [hbm4b:s5+s17], $0x3E80, $0x38;
	[tilespmem:$0x1B900] =	vst v63  }
.LBB2_4:
0x5e: {  	_ =	swait.ge [sflag:s13], $0x3E80  }
0x5f: {  	[sflag:s13] =	ssyncset.done $0x0  }
0x60: {  	s18 =	simm.s32 $0x13C40;
	[sflag:s13] =	ssyncadd.s32 $0xFFFFC180  }
0x61: {  	v1 =	vld [tilespmem:s18+$0xFFFFFFC0]  }
0x62: {  	v3 =	vld [tilespmem:s18+$0x10]  }
0x63: {  	v4 =	vld [tilespmem:s18+$0x30]  }
0x64: {  	v8 =	vld [tilespmem:s18+$0x20]  }
0x65: {  	v16 =	vld [tilespmem:s18+$0x0]  }
0x66: {  	v19 =	vld [tilespmem:s18+$0xFFFFFFD0];
	_ =	sdelay $0x1  }
0x67: {  	v2 =	vshll.u32 v1, $0x2;
	v5 =	vand.u32 $0x7F, v1;
	v6 =	vshrl.u32 v1, $0x10  }
0x68: {  	v1 =	vshrl.u32 v1, $0xE;
	v15 =	vshrl.u32 v3, $0x10;
	v7 =	vshll.u32 v4, $0x2  }
0x69: {  	v9 =	vand.u32 $0x7F, v8;
	v10 =	vshll.u32 v8, $0x2;
	v20 =	vshrl.u32 v4, $0xE  }
0x6a: {  	v13 =	vld [tilespmem:s18+$0xFFFFFFE0];
	v21 =	vshll.u32 v16, $0x2;
	v25 =	vand.u32 $0x7F, v19;
	v2 =	vand.u32 $0x3FE00, v2  }
0x6b: {  	v27 =	vshrl.u32 v16, $0xE;
	v1 =	vand.u32 $0x3FE00, v1;
	v2 =	vor.u32 v5, v2  }
0x6c: {  	v10 =	vand.u32 $0x3FE00, v10;
	v7 =	vand.u32 $0x3FE00, v7;
	v21 =	vand.u32 $0x3FE00, v21  }
0x6d: {  	v17 =	vld [tilespmem:s18+$0xFFFFFFF0];
	v27 =	vand.u32 $0x3FE00, v27;
	v5 =	vand.u32 $0x7F, v6;
	v6 =	vand.u32 $0x7F, v4  }
0x6e: {  	v9 =	vor.u32 v9, v10;
	v10 =	vand.u32 $0x7F, v3;
	v1 =	vor.u32 v5, v1  }
0x6f: {  	v14 =	vor.u32 $0x80, v2;
	v5 =	vshrl.u32 v4, $0x10;
	v4 =	vshll.u32 v13, $0x2  }
0x70: {  	v11 =	vor.u32 v6, v7;
	v6 =	vand.u32 $0x7F, v13;
	v12 =	vand.u32 $0x7F, v5;
	v18 =	vld.idx.msk [tilespmem:v2+s2+$0x0], $0xffff  }
0x71: {  	v5 =	vshll.u32 v3, $0x2;
	v4 =	vand.u32 $0x3FE00, v4;
	v3 =	vshrl.u32 v3, $0xE  }
0x72: {  	v7 =	vand.u32 $0x3FE00, v5;
	v5 =	vor.u32 v6, v4;
	v6 =	vshll.u32 v17, $0x2  }
0x73: {  	v3 =	vand.u32 $0x3FE00, v3;
	v4 =	vor.u32 v10, v7;
	v10 =	vshrl.u32 v8, $0x10  }
0x74: {  	v6 =	vand.u32 $0x3FE00, v6;
	v7 =	vand.u32 $0x7F, v17;
	v8 =	vshrl.u32 v8, $0xE;
	v23 =	vld.idx.msk [tilespmem:v9+s2+$0x0], $0xffff  }
0x75: {  	v7 =	vor.u32 v7, v6;
	v24 =	vand.u32 $0x7F, v10;
	[tilespmem:v1+s14+$0x0] =	vst.idx.add.f32.msk $0xffff, v18;
	v18 =	vand.u32 $0x3FE00, v20  }
0x76: {  	v8 =	vand.u32 $0x3FE00, v8;
	v22 =	vld.idx.msk [tilespmem:v11+s2+$0x0], $0xffff;
	v20 =	vshll.u32 v19, $0x2;
	v6 =	vor.u32 v12, v18  }
0x77: {  	v26 =	vld.idx.msk [tilespmem:v5+s2+$0x0], $0xffff;
	v18 =	vand.u32 $0x3FE00, v20;
	v20 =	vor.u32 $0x80, v11;
	v12 =	vand.u32 $0x7F, v16  }
0x78: {  	v16 =	vshrl.u32 v16, $0x10;
	v10 =	vor.u32 v12, v21;
	v21 =	vld.idx.msk [tilespmem:v4+s2+$0x0], $0xffff;
	v12 =	vor.u32 v24, v8  }
0x79: {  	v24 =	vld.idx.msk [tilespmem:v14+s2+$0x0], $0xffff;
	v8 =	vand.u32 $0x7F, v15;
	v15 =	vor.u32 v25, v18;
	v14 =	vshrl.u32 v17, $0xE  }
0x7a: {  	v18 =	vld.idx.msk [tilespmem:v7+s2+$0x0], $0xffff;
	v25 =	vor.u32 $0x80, v9;
	v16 =	vand.u32 $0x7F, v16;
	v8 =	vor.u32 v8, v3  }
0x7b: {  	v3 =	vshrl.u32 v17, $0x10;
	v30 =	vand.u32 $0x3FE00, v14;
	v14 =	vor.u32 v16, v27;
	[tilespmem:v6+s14+$0x0] =	vst.idx.add.f32.msk $0xffff, v22  }
0x7c: {  	v16 =	vshrl.u32 v13, $0xE;
	v13 =	vshrl.u32 v13, $0x10;
	v3 =	vand.u32 $0x7F, v3;
	v20 =	vld.idx.msk [tilespmem:v20+s2+$0x0], $0xffff  }
0x7d: {  	v16 =	vand.u32 $0x3FE00, v16;
	v13 =	vand.u32 $0x7F, v13;
	v3 =	vor.u32 v3, v30;
	v17 =	vld.idx.msk [tilespmem:v10+s2+$0x0], $0xffff  }
0x7e: {  	v13 =	vor.u32 v13, v16;
	[tilespmem:v12+s14+$0x0] =	vst.idx.add.f32.msk $0xffff, v23  }
0x7f: {  	v22 =	vor.u32 $0x80, v1;
	v28 =	vld.idx.msk [tilespmem:v15+s2+$0x0], $0xffff  }
0x80: {  	v16 =	vshrl.u32 v19, $0xE;
	v19 =	vshrl.u32 v19, $0x10;
	v23 =	vor.u32 $0x80, v6;
	[tilespmem:v8+s14+$0x0] =	vst.idx.add.f32.msk $0xffff, v21  }
0x81: {  	v16 =	vand.u32 $0x3FE00, v16;
	v19 =	vand.u32 $0x7F, v19;
	v25 =	vld.idx.msk [tilespmem:v25+s2+$0x0], $0xffff  }
0x82: {  	v16 =	vor.u32 v19, v16;
	[tilespmem:v3+s14+$0x0] =	vst.idx.add.f32.msk $0xffff, v18  }
0x83: {  	v21 =	vor.u32 $0x80, v7;
	[tilespmem:v13+s14+$0x0] =	vst.idx.add.f32.msk $0xffff, v26  }
0x84: {  	[tilespmem:v22+s14+$0x0] =	vst.idx.add.f32.msk $0xffff, v24;
	v22 =	vor.u32 $0x80, v10  }
0x85: {  	[tilespmem:v23+s14+$0x0] =	vst.idx.add.f32.msk $0xffff, v20;
	v20 =	vor.u32 $0x80, v5  }
0x86: {  	[tilespmem:v14+s14+$0x0] =	vst.idx.add.f32.msk $0xffff, v17;
	v17 =	vor.u32 $0x100, v2  }
0x87: {  	v29 =	vor.u32 $0x100, v11;
	[tilespmem:v16+s14+$0x0] =	vst.idx.add.f32.msk $0xffff, v28  }
0x88: {  	v27 =	vor.u32 $0x80, v3;
	v21 =	vld.idx.msk [tilespmem:v21+s2+$0x0], $0xffff  }
0x89: {  	v30 =	vor.u32 $0x80, v4;
	v19 =	vld.idx.msk [tilespmem:v22+s2+$0x0], $0xffff  }
0x8a: {  	v26 =	vld.idx.msk [tilespmem:v20+s2+$0x0], $0xffff;
	v20 =	vor.u32 $0x80, v15  }
0x8b: {  	v22 =	vld.idx.msk [tilespmem:v17+s2+$0x0], $0xffff;
	v17 =	vor.u32 $0x80, v14  }
0x8c: {  	v24 =	vld.idx.msk [tilespmem:v29+s2+$0x0], $0xffff  }
0x8d: {  	v18 =	vor.u32 $0x80, v13;
	v29 =	vor.u32 $0x100, v1;
	[tilespmem:v27+s14+$0x0] =	vst.idx.add.f32.msk $0xffff, v21  }
0x8e: {  	s19 =	simm.s32 $0x0;
	v23 =	vor.u32 $0x80, v8;
	v28 =	vor.u32 $0x80, v16;
	v21 =	vor.u32 $0x100, v10;
	v27 =	vld.idx.msk [tilespmem:v30+s2+$0x0], $0xffff  }
.LBB2_5:
0x8f: {  	s19 =	sadd.s32 $0x8, s19;
	v30 =	vld.idx.msk [tilespmem:v20+s2+$0x0], $0xffff;
	s18 =	sadd.s32 $0x80, s18  }
0x90: {  	p0 =	slt.u32 s19, $0x3E0;
	[tilespmem:v17+s14+$0x0] =	vst.idx.add.f32.msk $0xffff, v19  }
0x91: {  	v2 =	vor.u32 $0x180, v2;
	v31 =	vld [tilespmem:s18+$0xFFFFFFC0]  }
0x92: {  	[tilespmem:v29+s14+$0x0] =	vst.idx.add.f32.msk $0xffff, v22  }
0x93: {  	v29 =	vor.u32 $0x80, v12;
	v17 =	vld [tilespmem:s18+$0xFFFFFFD0]  }
0x94: {  	v20 =	vld [tilespmem:s18+$0x20]  }
0x95: {  	v32 =	vor.u32 $0x180, v1;
	v22 =	vld [tilespmem:s18+$0xFFFFFFE0]  }
0x96: {  	v1 =	vshrl.u32 v31, $0x10;
	v33 =	vand.u32 $0x7F, v31;
	v19 =	vshll.u32 v31, $0x2;
	v34 =	vld.idx.msk [tilespmem:v2+s2+$0x0], $0xffff  }
0x97: {  	v35 =	vor.u32 $0x100, v7;
	v2 =	vand.u32 $0x3FE00, v19;
	v1 =	vand.u32 $0x7F, v1;
	v19 =	vld [tilespmem:s18+$0x0]  }
0x98: {  	v31 =	vshrl.u32 v31, $0xE;
	v2 =	vor.u32 v33, v2;
	v33 =	vld [tilespmem:s18+$0xFFFFFFF0]  }
0x99: {  	v31 =	vand.u32 $0x3FE00, v31;
	[tilespmem:v29+s14+$0x0] =	vst.idx.add.f32.msk $0xffff, v25  }
0x9a: {  	v1 =	vor.u32 v1, v31;
	v29 =	vor.u32 $0x100, v6;
	v25 =	vld [tilespmem:s18+$0x30]  }
0x9b: {  	v31 =	vld [tilespmem:s18+$0x10]  }
0x9c: {  	[tilespmem:v32+s14+$0x0] =	vst.idx.add.f32.msk $0xffff, v34;
	v32 =	vor.u32 $0x100, v9  }
0x9d: {  	v34 =	vshrl.u32 v33, $0x10;
	v36 =	vshrl.u32 v33, $0xE;
	[tilespmem:v28+s14+$0x0] =	vst.idx.add.f32.msk $0xffff, v30;
	v28 =	vor.u32 $0x100, v15  }
0x9e: {  	v30 =	vand.u32 $0x7F, v34;
	v34 =	vand.u32 $0x3FE00, v36;
	v35 =	vld.idx.msk [tilespmem:v35+s2+$0x0], $0xffff  }
0x9f: {  	v30 =	vor.u32 v30, v34;
	[tilespmem:v29+s14+$0x0] =	vst.idx.add.f32.msk $0xffff, v24  }
0xa0: {  	v11 =	vor.u32 $0x180, v11;
	[tilespmem:v23+s14+$0x0] =	vst.idx.add.f32.msk $0xffff, v27  }
0xa1: {  	[tilespmem:v18+s14+$0x0] =	vst.idx.add.f32.msk $0xffff, v26;
	v18 =	vor.u32 $0x100, v5  }
0xa2: {  	v23 =	vor.u32 $0x100, v4;
	v24 =	vld.idx.msk [tilespmem:v32+s2+$0x0], $0xffff  }
0xa3: {  	v27 =	vor.u32 $0x100, v12;
	v26 =	vld.idx.msk [tilespmem:v28+s2+$0x0], $0xffff  }
0xa4: {  	v9 =	vor.u32 $0x180, v9;
	v29 =	vor.u32 $0x100, v16;
	v28 =	vld.idx.msk [tilespmem:v2+s2+$0x0], $0xffff  }
0xa5: {  	v11 =	vld.idx.msk [tilespmem:v11+s2+$0x0], $0xffff  }
0xa6: {  	v18 =	vld.idx.msk [tilespmem:v18+s2+$0x0], $0xffff  }
0xa7: {  	v6 =	vor.u32 $0x180, v6;
	v23 =	vld.idx.msk [tilespmem:v23+s2+$0x0], $0xffff  }
0xa8: {  	v15 =	vor.u32 $0x180, v15;
	[tilespmem:v27+s14+$0x0] =	vst.idx.add.f32.msk $0xffff, v24  }
0xa9: {  	v24 =	vor.u32 $0x180, v3;
	v9 =	vld.idx.msk [tilespmem:v9+s2+$0x0], $0xffff  }
0xaa: {  	v27 =	vor.u32 $0x100, v3;
	v3 =	vmovc v30;
	[tilespmem:v29+s14+$0x0] =	vst.idx.add.f32.msk $0xffff, v26;
	v26 =	vor.u32 $0x100, v13;
	v29 =	vor.u32 $0x180, v8  }
0xab: {  	v13 =	vor.u32 $0x180, v13;
	v8 =	vor.u32 $0x100, v8;
	[tilespmem:v1+s14+$0x0] =	vst.idx.add.f32.msk $0xffff, v28;
	v28 =	vor.u32 $0x180, v14  }
0xac: {  	v7 =	vor.u32 $0x180, v7;
	v12 =	vor.u32 $0x180, v12;
	v5 =	vor.u32 $0x180, v5;
	[tilespmem:v6+s14+$0x0] =	vst.idx.add.f32.msk $0xffff, v11  }
0xad: {  	v10 =	vor.u32 $0x180, v10;
	v4 =	vor.u32 $0x180, v4;
	v11 =	vor.u32 $0x100, v14;
	v15 =	vld.idx.msk [tilespmem:v15+s2+$0x0], $0xffff  }
0xae: {  	v16 =	vor.u32 $0x180, v16;
	v30 =	vshrl.u32 v31, $0x10;
	v14 =	vor.u32 $0x80, v2;
	v21 =	vld.idx.msk [tilespmem:v21+s2+$0x0], $0xffff  }
0xaf: {  	v34 =	vshll.u32 v25, $0x2;
	v32 =	vand.u32 $0x7F, v25;
	v6 =	vshrl.u32 v25, $0x10;
	[tilespmem:v26+s14+$0x0] =	vst.idx.add.f32.msk $0xffff, v18  }
0xb0: {  	v6 =	vand.u32 $0x7F, v6;
	v18 =	vand.u32 $0x7F, v20;
	v26 =	vshll.u32 v20, $0x2;
	[tilespmem:v8+s14+$0x0] =	vst.idx.add.f32.msk $0xffff, v23  }
0xb1: {  	v25 =	vshrl.u32 v25, $0xE;
	v8 =	vshll.u32 v31, $0x2;
	v23 =	vand.u32 $0x3FE00, v26;
	v5 =	vld.idx.msk [tilespmem:v5+s2+$0x0], $0xffff  }
0xb2: {  	v36 =	vshrl.u32 v20, $0x10;
	v26 =	vshll.u32 v19, $0x2;
	v8 =	vand.u32 $0x3FE00, v8;
	[tilespmem:v27+s14+$0x0] =	vst.idx.add.f32.msk $0xffff, v35  }
0xb3: {  	v25 =	vand.u32 $0x3FE00, v25;
	v27 =	vshll.u32 v33, $0x2;
	v35 =	vand.u32 $0x7F, v31;
	v4 =	vld.idx.msk [tilespmem:v4+s2+$0x0], $0xffff  }
0xb4: {  	v37 =	vshll.u32 v22, $0x2;
	v38 =	vshrl.u32 v22, $0xE;
	v6 =	vor.u32 v6, v25;
	[tilespmem:v11+s14+$0x0] =	vst.idx.add.f32.msk $0xffff, v21  }
0xb5: {  	v25 =	vand.u32 $0x3FE00, v34;
	v11 =	vshll.u32 v17, $0x2;
	v21 =	vand.u32 $0x3FE00, v38;
	v10 =	vld.idx.msk [tilespmem:v10+s2+$0x0], $0xffff  }
0xb6: {  	v31 =	vshrl.u32 v31, $0xE;
	v27 =	vand.u32 $0x3FE00, v27;
	v34 =	vand.u32 $0x3FE00, v11;
	v38 =	vld.idx.msk [tilespmem:v7+s2+$0x0], $0xffff  }
0xb7: {  	v39 =	vand.u32 $0x7F, v17;
	v11 =	vor.u32 v32, v25;
	v7 =	vand.u32 $0x3FE00, v37;
	[tilespmem:v13+s14+$0x0] =	vst.idx.add.f32.msk $0xffff, v5  }
0xb8: {  	v25 =	vand.u32 $0x7F, v33;
	v32 =	vor.u32 $0x80, v11;
	v13 =	vshrl.u32 v22, $0x10;
	[tilespmem:v12+s14+$0x0] =	vst.idx.add.f32.msk $0xffff, v9  }
0xb9: {  	v5 =	vand.u32 $0x7F, v22;
	v12 =	vand.u32 $0x7F, v30;
	v9 =	vor.u32 v18, v23;
	[tilespmem:v16+s14+$0x0] =	vst.idx.add.f32.msk $0xffff, v15  }
0xba: {  	v5 =	vor.u32 v5, v7;
	v7 =	vand.u32 $0x3FE00, v31;
	v15 =	vshrl.u32 v17, $0xE;
	[tilespmem:v29+s14+$0x0] =	vst.idx.add.f32.msk $0xffff, v4  }
0xbb: {  	v13 =	vand.u32 $0x7F, v13;
	v4 =	vor.u32 v35, v8;
	v8 =	vor.u32 v12, v7;
	[tilespmem:v28+s14+$0x0] =	vst.idx.add.f32.msk $0xffff, v10  }
0xbc: {  	v13 =	vor.u32 v13, v21;
	v16 =	vand.u32 $0x3FE00, v15;
	v10 =	vand.u32 $0x7F, v19;
	v21 =	vld.idx.msk [tilespmem:v11+s2+$0x0], $0xffff  }
0xbd: {  	v18 =	vor.u32 $0x80, v13;
	v7 =	vor.u32 v25, v27;
	v12 =	vand.u32 $0x3FE00, v26;
	[tilespmem:v24+s14+$0x0] =	vst.idx.add.f32.msk $0xffff, v38  }
0xbe: {  	v20 =	vshrl.u32 v20, $0xE;
	v22 =	vshrl.u32 v19, $0xE;
	v23 =	vand.u32 $0x7F, v36;
	v24 =	vld.idx.msk [tilespmem:v9+s2+$0x0], $0xffff  }
0xbf: {  	v15 =	vor.u32 v39, v34;
	v10 =	vor.u32 v10, v12;
	v12 =	vand.u32 $0x3FE00, v20;
	v26 =	vld.idx.msk [tilespmem:v5+s2+$0x0], $0xffff  }
0xc0: {  	v17 =	vshrl.u32 v17, $0x10;
	v12 =	vor.u32 v23, v12;
	v20 =	vld.idx.msk [tilespmem:v4+s2+$0x0], $0xffff  }
0xc1: {  	v25 =	vld.idx.msk [tilespmem:v14+s2+$0x0], $0xffff;
	v14 =	vshrl.u32 v19, $0x10  }
0xc2: {  	v22 =	vand.u32 $0x3FE00, v22;
	v19 =	vld.idx.msk [tilespmem:v7+s2+$0x0], $0xffff;
	v14 =	vand.u32 $0x7F, v14  }
0xc3: {  	v23 =	vor.u32 $0x80, v8;
	v14 =	vor.u32 v14, v22;
	[tilespmem:v6+s14+$0x0] =	vst.idx.add.f32.msk $0xffff, v21  }
0xc4: {  	v21 =	vor.u32 $0x80, v1;
	v22 =	vld.idx.msk [tilespmem:v32+s2+$0x0], $0xffff  }
0xc5: {  	v28 =	vor.u32 $0x80, v9;
	v27 =	vld.idx.msk [tilespmem:v10+s2+$0x0], $0xffff  }
0xc6: {  	v29 =	vor.u32 $0x80, v7;
	[tilespmem:v12+s14+$0x0] =	vst.idx.add.f32.msk $0xffff, v24;
	v24 =	vor.u32 $0x80, v6  }
0xc7: {  	v31 =	vor.u32 $0x80, v5;
	v32 =	vor.u32 $0x100, v11;
	v30 =	vld.idx.msk [tilespmem:v15+s2+$0x0], $0xffff  }
0xc8: {  	v17 =	vand.u32 $0x7F, v17;
	[tilespmem:v8+s14+$0x0] =	vst.idx.add.f32.msk $0xffff, v20  }
0xc9: {  	v16 =	vor.u32 v17, v16;
	[tilespmem:v21+s14+$0x0] =	vst.idx.add.f32.msk $0xffff, v25  }
0xca: {  	v33 =	vor.u32 $0x80, v10;
	v17 =	vor.u32 $0x80, v14;
	v25 =	vld.idx.msk [tilespmem:v28+s2+$0x0], $0xffff  }
0xcb: {  	[tilespmem:v24+s14+$0x0] =	vst.idx.add.f32.msk $0xffff, v22  }
0xcc: {  	v24 =	vld.idx.msk [tilespmem:v32+s2+$0x0], $0xffff  }
0xcd: {  	[tilespmem:v14+s14+$0x0] =	vst.idx.add.f32.msk $0xffff, v27  }
0xce: {  	v27 =	vor.u32 $0x80, v4;
	[tilespmem:v3+s14+$0x0] =	vst.idx.add.f32.msk $0xffff, v19  }
0xcf: {  	v20 =	vor.u32 $0x80, v15;
	v22 =	vor.u32 $0x100, v2;
	v32 =	vld.idx.msk [tilespmem:v29+s2+$0x0], $0xffff  }
0xd0: {  	v34 =	vor.u32 $0x80, v3;
	[tilespmem:v13+s14+$0x0] =	vst.idx.add.f32.msk $0xffff, v26  }
0xd1: {  	v21 =	vor.u32 $0x100, v10;
	v26 =	vld.idx.msk [tilespmem:v31+s2+$0x0], $0xffff  }
.Ltmp3:
0xd2: {  	v19 =	vld.idx.msk [tilespmem:v33+s2+$0x0], $0xffff;
	(pc) =	sbr.rel @p0 .LBB2_5-.Ltmp3, $4  }
0xd3: {  	[tilespmem:v16+s14+$0x0] =	vst.idx.add.f32.msk $0xffff, v30  }
0xd4: {  	v22 =	vld.idx.msk [tilespmem:v22+s2+$0x0], $0xffff  }
0xd5: {  	v28 =	vor.u32 $0x80, v16;
	v29 =	vor.u32 $0x100, v1;
	[tilespmem:v34+s14+$0x0] =	vst.idx.add.f32.msk $0xffff, v32  }
0xd6: {  	v27 =	vld.idx.msk [tilespmem:v27+s2+$0x0], $0xffff  }
0xd7: {  	_ = 	snop  }
0xd8: {  	v2 =	vor.u32 $0x180, v2;
	_ =	sdelay $0x2  }
0xd9: {  	v20 =	vld.idx.msk [tilespmem:v20+s2+$0x0], $0xffff  }
0xda: {  	[tilespmem:v29+s14+$0x0] =	vst.idx.add.f32.msk $0xffff, v22  }
0xdb: {  	v1 =	vor.u32 $0x180, v1;
	v2 =	vld.idx.msk [tilespmem:v2+s2+$0x0], $0xffff  }
0xdc: {  	[tilespmem:v17+s14+$0x0] =	vst.idx.add.f32.msk $0xffff, v19;
	v17 =	vor.u32 $0x100, v6  }
0xdd: {  	[tilespmem:v18+s14+$0x0] =	vst.idx.add.f32.msk $0xffff, v26;
	v18 =	vor.u32 $0x100, v4  }
0xde: {  	v11 =	vor.u32 $0x180, v11;
	[tilespmem:v23+s14+$0x0] =	vst.idx.add.f32.msk $0xffff, v27  }
0xdf: {  	v22 =	vor.u32 $0x80, v12;
	[tilespmem:v28+s14+$0x0] =	vst.idx.add.f32.msk $0xffff, v20  }
0xe0: {  	[tilespmem:v1+s14+$0x0] =	vst.idx.add.f32.msk $0xffff, v2;
	v1 =	vor.u32 $0x100, v9  }
0xe1: {  	[tilespmem:v17+s14+$0x0] =	vst.idx.add.f32.msk $0xffff, v24;
	v2 =	vor.u32 $0x100, v15  }
0xe2: {  	v29 =	vor.u32 $0x100, v7;
	v18 =	vld.idx.msk [tilespmem:v18+s2+$0x0], $0xffff  }
0xe3: {  	v17 =	vor.u32 $0x100, v5;
	v11 =	vld.idx.msk [tilespmem:v11+s2+$0x0], $0xffff  }
0xe4: {  	v6 =	vor.u32 $0x180, v6;
	[tilespmem:v22+s14+$0x0] =	vst.idx.add.f32.msk $0xffff, v25  }
0xe5: {  	v20 =	vor.u32 $0x100, v12;
	v1 =	vld.idx.msk [tilespmem:v1+s2+$0x0], $0xffff  }
0xe6: {  	v22 =	vor.u32 $0x100, v16;
	v2 =	vld.idx.msk [tilespmem:v2+s2+$0x0], $0xffff  }
0xe7: {  	v19 =	vld.idx.msk [tilespmem:v29+s2+$0x0], $0xffff;
	v9 =	vor.u32 $0x180, v9  }
0xe8: {  	v17 =	vld.idx.msk [tilespmem:v17+s2+$0x0], $0xffff;
	v15 =	vor.u32 $0x180, v15  }
0xe9: {  	[tilespmem:v6+s14+$0x0] =	vst.idx.add.f32.msk $0xffff, v11  }
0xea: {  	v6 =	vor.u32 $0x100, v3;
	[tilespmem:v20+s14+$0x0] =	vst.idx.add.f32.msk $0xffff, v1  }
0xeb: {  	[tilespmem:v22+s14+$0x0] =	vst.idx.add.f32.msk $0xffff, v2;
	v2 =	vor.u32 $0x100, v8  }
0xec: {  	v1 =	vld.idx.msk [tilespmem:v9+s2+$0x0], $0xffff;
	v9 =	vor.u32 $0x100, v13  }
0xed: {  	v4 =	vor.u32 $0x180, v4;
	v11 =	vld.idx.msk [tilespmem:v15+s2+$0x0], $0xffff  }
0xee: {  	v20 =	vor.u32 $0x100, v14;
	v15 =	vld.idx.msk [tilespmem:v21+s2+$0x0], $0xffff  }
0xef: {  	[tilespmem:v6+s14+$0x0] =	vst.idx.add.f32.msk $0xffff, v19;
	v6 =	vor.u32 $0x180, v12  }
0xf0: {  	v5 =	vor.u32 $0x180, v5;
	[tilespmem:v2+s14+$0x0] =	vst.idx.add.f32.msk $0xffff, v18  }
0xf1: {  	v2 =	vor.u32 $0x180, v7;
	[tilespmem:v9+s14+$0x0] =	vst.idx.add.f32.msk $0xffff, v17  }
0xf2: {  	v9 =	vor.u32 $0x180, v10;
	v4 =	vld.idx.msk [tilespmem:v4+s2+$0x0], $0xffff  }
0xf3: {  	v10 =	vor.u32 $0x180, v16;
	[tilespmem:v20+s14+$0x0] =	vst.idx.add.f32.msk $0xffff, v15  }
0xf4: {  	v8 =	vor.u32 $0x180, v8;
	[tilespmem:v6+s14+$0x0] =	vst.idx.add.f32.msk $0xffff, v1  }
0xf5: {  	v7 =	vor.u32 $0x180, v13;
	v5 =	vld.idx.msk [tilespmem:v5+s2+$0x0], $0xffff  }
0xf6: {  	v3 =	vor.u32 $0x180, v3;
	v2 =	vld.idx.msk [tilespmem:v2+s2+$0x0], $0xffff  }
0xf7: {  	p0 =	seq.s32 s17, $0x9;
	v12 =	vor.u32 $0x180, v14;
	v9 =	vld.idx.msk [tilespmem:v9+s2+$0x0], $0xffff  }
0xf8: {  	s18 =	smul.u32 @!p0 $0x7D00, s17;
	[tilespmem:v10+s14+$0x0] =	vst.idx.add.f32.msk $0xffff, v11  }
0xf9: {  	[tilespmem:v8+s14+$0x0] =	vst.idx.add.f32.msk $0xffff, v4  }
0xfa: {  	s18 =	sshrl.u32 @!p0 s18, $0x3;
	[tilespmem:v7+s14+$0x0] =	vst.idx.add.f32.msk $0xffff, v5  }
0xfb: {  	s18 =	sadd.s32 @!p0 s3, s18;
	[tilespmem:v3+s14+$0x0] =	vst.idx.add.f32.msk $0xffff, v2  }
0xfc: {  	s19 =	simm.s32 @!p0 $0x0;
	s20 =	simm.s32 @!p0 $0x13C00;
	s18 =	sadd.s32 @!p0 $0xFA0, s18;
	[tilespmem:v12+s14+$0x0] =	vst.idx.add.f32.msk $0xffff, v9  }
0xfd: {  	[tilespmem:s20], [sflag:$0x1] =	stream.linear.gather @!p0 [hbm4b:s18+s19], $0x3E80, $0x38;
	[tilespmem:$0x1B900] =	vst v63  }
0xfe: {  	_ =	swait.ge [sflag:s15], $0x3E80  }
0xff: {  	[sflag:s15] =	ssyncset.done $0x0  }
0x100: {  	s18 =	simm.s32 $0x17AC0;
	[sflag:s15] =	ssyncadd.s32 $0xFFFFC180  }
0x101: {  	v1 =	vld [tilespmem:s18+$0xFFFFFFC0]  }
0x102: {  	v3 =	vld [tilespmem:s18+$0x10]  }
0x103: {  	v4 =	vld [tilespmem:s18+$0x30]  }
0x104: {  	v8 =	vld [tilespmem:s18+$0x20]  }
0x105: {  	v16 =	vld [tilespmem:s18+$0x0]  }
0x106: {  	v19 =	vld [tilespmem:s18+$0xFFFFFFD0];
	_ =	sdelay $0x1  }
0x107: {  	v2 =	vshll.u32 v1, $0x2;
	v5 =	vand.u32 $0x7F, v1;
	v6 =	vshrl.u32 v1, $0x10  }
0x108: {  	v1 =	vshrl.u32 v1, $0xE;
	v15 =	vshrl.u32 v3, $0x10;
	v7 =	vshll.u32 v4, $0x2  }
0x109: {  	v9 =	vand.u32 $0x7F, v8;
	v10 =	vshll.u32 v8, $0x2;
	v20 =	vshrl.u32 v4, $0xE  }
0x10a: {  	v13 =	vld [tilespmem:s18+$0xFFFFFFE0];
	v21 =	vshll.u32 v16, $0x2;
	v25 =	vand.u32 $0x7F, v19;
	v2 =	vand.u32 $0x3FE00, v2  }
0x10b: {  	v27 =	vshrl.u32 v16, $0xE;
	v1 =	vand.u32 $0x3FE00, v1;
	v2 =	vor.u32 v5, v2  }
0x10c: {  	v10 =	vand.u32 $0x3FE00, v10;
	v7 =	vand.u32 $0x3FE00, v7;
	v21 =	vand.u32 $0x3FE00, v21  }
0x10d: {  	v17 =	vld [tilespmem:s18+$0xFFFFFFF0];
	v27 =	vand.u32 $0x3FE00, v27;
	v5 =	vand.u32 $0x7F, v6;
	v6 =	vand.u32 $0x7F, v4  }
0x10e: {  	v9 =	vor.u32 v9, v10;
	v10 =	vand.u32 $0x7F, v3;
	v1 =	vor.u32 v5, v1  }
0x10f: {  	v14 =	vor.u32 $0x80, v2;
	v5 =	vshrl.u32 v4, $0x10;
	v4 =	vshll.u32 v13, $0x2  }
0x110: {  	v11 =	vor.u32 v6, v7;
	v6 =	vand.u32 $0x7F, v13;
	v12 =	vand.u32 $0x7F, v5;
	v18 =	vld.idx.msk [tilespmem:v2+s2+$0x0], $0xffff  }
0x111: {  	v5 =	vshll.u32 v3, $0x2;
	v4 =	vand.u32 $0x3FE00, v4;
	v3 =	vshrl.u32 v3, $0xE  }
0x112: {  	v7 =	vand.u32 $0x3FE00, v5;
	v5 =	vor.u32 v6, v4;
	v6 =	vshll.u32 v17, $0x2  }
0x113: {  	v3 =	vand.u32 $0x3FE00, v3;
	v4 =	vor.u32 v10, v7;
	v10 =	vshrl.u32 v8, $0x10  }
0x114: {  	v6 =	vand.u32 $0x3FE00, v6;
	v7 =	vand.u32 $0x7F, v17;
	v8 =	vshrl.u32 v8, $0xE;
	v23 =	vld.idx.msk [tilespmem:v9+s2+$0x0], $0xffff  }
0x115: {  	v7 =	vor.u32 v7, v6;
	v24 =	vand.u32 $0x7F, v10;
	[tilespmem:v1+s14+$0x0] =	vst.idx.add.f32.msk $0xffff, v18;
	v18 =	vand.u32 $0x3FE00, v20  }
0x116: {  	v8 =	vand.u32 $0x3FE00, v8;
	v22 =	vld.idx.msk [tilespmem:v11+s2+$0x0], $0xffff;
	v20 =	vshll.u32 v19, $0x2;
	v6 =	vor.u32 v12, v18  }
0x117: {  	v26 =	vld.idx.msk [tilespmem:v5+s2+$0x0], $0xffff;
	v18 =	vand.u32 $0x3FE00, v20;
	v20 =	vor.u32 $0x80, v11;
	v12 =	vand.u32 $0x7F, v16  }
0x118: {  	v16 =	vshrl.u32 v16, $0x10;
	v10 =	vor.u32 v12, v21;
	v21 =	vld.idx.msk [tilespmem:v4+s2+$0x0], $0xffff;
	v12 =	vor.u32 v24, v8  }
0x119: {  	v24 =	vld.idx.msk [tilespmem:v14+s2+$0x0], $0xffff;
	v8 =	vand.u32 $0x7F, v15;
	v15 =	vor.u32 v25, v18;
	v14 =	vshrl.u32 v17, $0xE  }
0x11a: {  	v18 =	vld.idx.msk [tilespmem:v7+s2+$0x0], $0xffff;
	v25 =	vor.u32 $0x80, v9;
	v16 =	vand.u32 $0x7F, v16;
	v8 =	vor.u32 v8, v3  }
0x11b: {  	v3 =	vshrl.u32 v17, $0x10;
	v30 =	vand.u32 $0x3FE00, v14;
	v14 =	vor.u32 v16, v27;
	[tilespmem:v6+s14+$0x0] =	vst.idx.add.f32.msk $0xffff, v22  }
0x11c: {  	v16 =	vshrl.u32 v13, $0xE;
	v13 =	vshrl.u32 v13, $0x10;
	v3 =	vand.u32 $0x7F, v3;
	v20 =	vld.idx.msk [tilespmem:v20+s2+$0x0], $0xffff  }
0x11d: {  	v16 =	vand.u32 $0x3FE00, v16;
	v13 =	vand.u32 $0x7F, v13;
	v3 =	vor.u32 v3, v30;
	v17 =	vld.idx.msk [tilespmem:v10+s2+$0x0], $0xffff  }
0x11e: {  	v13 =	vor.u32 v13, v16;
	[tilespmem:v12+s14+$0x0] =	vst.idx.add.f32.msk $0xffff, v23  }
0x11f: {  	v22 =	vor.u32 $0x80, v1;
	v28 =	vld.idx.msk [tilespmem:v15+s2+$0x0], $0xffff  }
0x120: {  	v16 =	vshrl.u32 v19, $0xE;
	v19 =	vshrl.u32 v19, $0x10;
	v23 =	vor.u32 $0x80, v6;
	[tilespmem:v8+s14+$0x0] =	vst.idx.add.f32.msk $0xffff, v21  }
0x121: {  	v16 =	vand.u32 $0x3FE00, v16;
	v19 =	vand.u32 $0x7F, v19;
	v25 =	vld.idx.msk [tilespmem:v25+s2+$0x0], $0xffff  }
0x122: {  	v16 =	vor.u32 v19, v16;
	[tilespmem:v3+s14+$0x0] =	vst.idx.add.f32.msk $0xffff, v18  }
0x123: {  	v21 =	vor.u32 $0x80, v7;
	[tilespmem:v13+s14+$0x0] =	vst.idx.add.f32.msk $0xffff, v26  }
0x124: {  	[tilespmem:v22+s14+$0x0] =	vst.idx.add.f32.msk $0xffff, v24;
	v22 =	vor.u32 $0x80, v10  }
0x125: {  	[tilespmem:v23+s14+$0x0] =	vst.idx.add.f32.msk $0xffff, v20;
	v20 =	vor.u32 $0x80, v5  }
0x126: {  	[tilespmem:v14+s14+$0x0] =	vst.idx.add.f32.msk $0xffff, v17;
	v17 =	vor.u32 $0x100, v2  }
0x127: {  	v29 =	vor.u32 $0x100, v11;
	[tilespmem:v16+s14+$0x0] =	vst.idx.add.f32.msk $0xffff, v28  }
0x128: {  	v27 =	vor.u32 $0x80, v3;
	v21 =	vld.idx.msk [tilespmem:v21+s2+$0x0], $0xffff  }
0x129: {  	v30 =	vor.u32 $0x80, v4;
	v19 =	vld.idx.msk [tilespmem:v22+s2+$0x0], $0xffff  }
0x12a: {  	v26 =	vld.idx.msk [tilespmem:v20+s2+$0x0], $0xffff;
	v20 =	vor.u32 $0x80, v15  }
0x12b: {  	v22 =	vld.idx.msk [tilespmem:v17+s2+$0x0], $0xffff;
	v17 =	vor.u32 $0x80, v14  }
0x12c: {  	v24 =	vld.idx.msk [tilespmem:v29+s2+$0x0], $0xffff  }
0x12d: {  	v18 =	vor.u32 $0x80, v13;
	v29 =	vor.u32 $0x100, v1;
	[tilespmem:v27+s14+$0x0] =	vst.idx.add.f32.msk $0xffff, v21  }
0x12e: {  	s19 =	simm.s32 $0x0;
	v23 =	vor.u32 $0x80, v8;
	v28 =	vor.u32 $0x80, v16;
	v21 =	vor.u32 $0x100, v10;
	v27 =	vld.idx.msk [tilespmem:v30+s2+$0x0], $0xffff  }
.LBB2_7:
0x12f: {  	s19 =	sadd.s32 $0x8, s19;
	v30 =	vld.idx.msk [tilespmem:v20+s2+$0x0], $0xffff;
	s18 =	sadd.s32 $0x80, s18  }
0x130: {  	p1 =	slt.u32 s19, $0x3E0;
	[tilespmem:v17+s14+$0x0] =	vst.idx.add.f32.msk $0xffff, v19  }
0x131: {  	v2 =	vor.u32 $0x180, v2;
	v31 =	vld [tilespmem:s18+$0xFFFFFFC0]  }
0x132: {  	[tilespmem:v29+s14+$0x0] =	vst.idx.add.f32.msk $0xffff, v22  }
0x133: {  	v29 =	vor.u32 $0x80, v12;
	v17 =	vld [tilespmem:s18+$0xFFFFFFD0]  }
0x134: {  	v20 =	vld [tilespmem:s18+$0x20]  }
0x135: {  	v32 =	vor.u32 $0x180, v1;
	v22 =	vld [tilespmem:s18+$0xFFFFFFE0]  }
0x136: {  	v1 =	vshrl.u32 v31, $0x10;
	v33 =	vand.u32 $0x7F, v31;
	v19 =	vshll.u32 v31, $0x2;
	v34 =	vld.idx.msk [tilespmem:v2+s2+$0x0], $0xffff  }
0x137: {  	v35 =	vor.u32 $0x100, v7;
	v2 =	vand.u32 $0x3FE00, v19;
	v1 =	vand.u32 $0x7F, v1;
	v19 =	vld [tilespmem:s18+$0x0]  }
0x138: {  	v31 =	vshrl.u32 v31, $0xE;
	v2 =	vor.u32 v33, v2;
	v33 =	vld [tilespmem:s18+$0xFFFFFFF0]  }
0x139: {  	v31 =	vand.u32 $0x3FE00, v31;
	[tilespmem:v29+s14+$0x0] =	vst.idx.add.f32.msk $0xffff, v25  }
0x13a: {  	v1 =	vor.u32 v1, v31;
	v29 =	vor.u32 $0x100, v6;
	v25 =	vld [tilespmem:s18+$0x30]  }
0x13b: {  	v31 =	vld [tilespmem:s18+$0x10]  }
0x13c: {  	[tilespmem:v32+s14+$0x0] =	vst.idx.add.f32.msk $0xffff, v34;
	v32 =	vor.u32 $0x100, v9  }
0x13d: {  	v34 =	vshrl.u32 v33, $0x10;
	v36 =	vshrl.u32 v33, $0xE;
	[tilespmem:v28+s14+$0x0] =	vst.idx.add.f32.msk $0xffff, v30;
	v28 =	vor.u32 $0x100, v15  }
0x13e: {  	v30 =	vand.u32 $0x7F, v34;
	v34 =	vand.u32 $0x3FE00, v36;
	v35 =	vld.idx.msk [tilespmem:v35+s2+$0x0], $0xffff  }
0x13f: {  	v30 =	vor.u32 v30, v34;
	[tilespmem:v29+s14+$0x0] =	vst.idx.add.f32.msk $0xffff, v24  }
0x140: {  	v11 =	vor.u32 $0x180, v11;
	[tilespmem:v23+s14+$0x0] =	vst.idx.add.f32.msk $0xffff, v27  }
0x141: {  	[tilespmem:v18+s14+$0x0] =	vst.idx.add.f32.msk $0xffff, v26;
	v18 =	vor.u32 $0x100, v5  }
0x142: {  	v23 =	vor.u32 $0x100, v4;
	v24 =	vld.idx.msk [tilespmem:v32+s2+$0x0], $0xffff  }
0x143: {  	v27 =	vor.u32 $0x100, v12;
	v26 =	vld.idx.msk [tilespmem:v28+s2+$0x0], $0xffff  }
0x144: {  	v9 =	vor.u32 $0x180, v9;
	v29 =	vor.u32 $0x100, v16;
	v28 =	vld.idx.msk [tilespmem:v2+s2+$0x0], $0xffff  }
0x145: {  	v11 =	vld.idx.msk [tilespmem:v11+s2+$0x0], $0xffff  }
0x146: {  	v18 =	vld.idx.msk [tilespmem:v18+s2+$0x0], $0xffff  }
0x147: {  	v6 =	vor.u32 $0x180, v6;
	v23 =	vld.idx.msk [tilespmem:v23+s2+$0x0], $0xffff  }
0x148: {  	v15 =	vor.u32 $0x180, v15;
	[tilespmem:v27+s14+$0x0] =	vst.idx.add.f32.msk $0xffff, v24  }
0x149: {  	v24 =	vor.u32 $0x180, v3;
	v9 =	vld.idx.msk [tilespmem:v9+s2+$0x0], $0xffff  }
0x14a: {  	v27 =	vor.u32 $0x100, v3;
	v3 =	vmovc v30;
	[tilespmem:v29+s14+$0x0] =	vst.idx.add.f32.msk $0xffff, v26;
	v26 =	vor.u32 $0x100, v13;
	v29 =	vor.u32 $0x180, v8  }
0x14b: {  	v13 =	vor.u32 $0x180, v13;
	v8 =	vor.u32 $0x100, v8;
	[tilespmem:v1+s14+$0x0] =	vst.idx.add.f32.msk $0xffff, v28;
	v28 =	vor.u32 $0x180, v14  }
0x14c: {  	v7 =	vor.u32 $0x180, v7;
	v12 =	vor.u32 $0x180, v12;
	v5 =	vor.u32 $0x180, v5;
	[tilespmem:v6+s14+$0x0] =	vst.idx.add.f32.msk $0xffff, v11  }
0x14d: {  	v10 =	vor.u32 $0x180, v10;
	v4 =	vor.u32 $0x180, v4;
	v11 =	vor.u32 $0x100, v14;
	v15 =	vld.idx.msk [tilespmem:v15+s2+$0x0], $0xffff  }
0x14e: {  	v16 =	vor.u32 $0x180, v16;
	v30 =	vshrl.u32 v31, $0x10;
	v14 =	vor.u32 $0x80, v2;
	v21 =	vld.idx.msk [tilespmem:v21+s2+$0x0], $0xffff  }
0x14f: {  	v34 =	vshll.u32 v25, $0x2;
	v32 =	vand.u32 $0x7F, v25;
	v6 =	vshrl.u32 v25, $0x10;
	[tilespmem:v26+s14+$0x0] =	vst.idx.add.f32.msk $0xffff, v18  }
0x150: {  	v6 =	vand.u32 $0x7F, v6;
	v18 =	vand.u32 $0x7F, v20;
	v26 =	vshll.u32 v20, $0x2;
	[tilespmem:v8+s14+$0x0] =	vst.idx.add.f32.msk $0xffff, v23  }
0x151: {  	v25 =	vshrl.u32 v25, $0xE;
	v8 =	vshll.u32 v31, $0x2;
	v23 =	vand.u32 $0x3FE00, v26;
	v5 =	vld.idx.msk [tilespmem:v5+s2+$0x0], $0xffff  }
0x152: {  	v36 =	vshrl.u32 v20, $0x10;
	v26 =	vshll.u32 v19, $0x2;
	v8 =	vand.u32 $0x3FE00, v8;
	[tilespmem:v27+s14+$0x0] =	vst.idx.add.f32.msk $0xffff, v35  }
0x153: {  	v25 =	vand.u32 $0x3FE00, v25;
	v27 =	vshll.u32 v33, $0x2;
	v35 =	vand.u32 $0x7F, v31;
	v4 =	vld.idx.msk [tilespmem:v4+s2+$0x0], $0xffff  }
0x154: {  	v37 =	vshll.u32 v22, $0x2;
	v38 =	vshrl.u32 v22, $0xE;
	v6 =	vor.u32 v6, v25;
	[tilespmem:v11+s14+$0x0] =	vst.idx.add.f32.msk $0xffff, v21  }
0x155: {  	v25 =	vand.u32 $0x3FE00, v34;
	v11 =	vshll.u32 v17, $0x2;
	v21 =	vand.u32 $0x3FE00, v38;
	v10 =	vld.idx.msk [tilespmem:v10+s2+$0x0], $0xffff  }
0x156: {  	v31 =	vshrl.u32 v31, $0xE;
	v27 =	vand.u32 $0x3FE00, v27;
	v34 =	vand.u32 $0x3FE00, v11;
	v38 =	vld.idx.msk [tilespmem:v7+s2+$0x0], $0xffff  }
0x157: {  	v39 =	vand.u32 $0x7F, v17;
	v11 =	vor.u32 v32, v25;
	v7 =	vand.u32 $0x3FE00, v37;
	[tilespmem:v13+s14+$0x0] =	vst.idx.add.f32.msk $0xffff, v5  }
0x158: {  	v25 =	vand.u32 $0x7F, v33;
	v32 =	vor.u32 $0x80, v11;
	v13 =	vshrl.u32 v22, $0x10;
	[tilespmem:v12+s14+$0x0] =	vst.idx.add.f32.msk $0xffff, v9  }
0x159: {  	v5 =	vand.u32 $0x7F, v22;
	v12 =	vand.u32 $0x7F, v30;
	v9 =	vor.u32 v18, v23;
	[tilespmem:v16+s14+$0x0] =	vst.idx.add.f32.msk $0xffff, v15  }
0x15a: {  	v5 =	vor.u32 v5, v7;
	v7 =	vand.u32 $0x3FE00, v31;
	v15 =	vshrl.u32 v17, $0xE;
	[tilespmem:v29+s14+$0x0] =	vst.idx.add.f32.msk $0xffff, v4  }
0x15b: {  	v13 =	vand.u32 $0x7F, v13;
	v4 =	vor.u32 v35, v8;
	v8 =	vor.u32 v12, v7;
	[tilespmem:v28+s14+$0x0] =	vst.idx.add.f32.msk $0xffff, v10  }
0x15c: {  	v13 =	vor.u32 v13, v21;
	v16 =	vand.u32 $0x3FE00, v15;
	v10 =	vand.u32 $0x7F, v19;
	v21 =	vld.idx.msk [tilespmem:v11+s2+$0x0], $0xffff  }
0x15d: {  	v18 =	vor.u32 $0x80, v13;
	v7 =	vor.u32 v25, v27;
	v12 =	vand.u32 $0x3FE00, v26;
	[tilespmem:v24+s14+$0x0] =	vst.idx.add.f32.msk $0xffff, v38  }
0x15e: {  	v20 =	vshrl.u32 v20, $0xE;
	v22 =	vshrl.u32 v19, $0xE;
	v23 =	vand.u32 $0x7F, v36;
	v24 =	vld.idx.msk [tilespmem:v9+s2+$0x0], $0xffff  }
0x15f: {  	v15 =	vor.u32 v39, v34;
	v10 =	vor.u32 v10, v12;
	v12 =	vand.u32 $0x3FE00, v20;
	v26 =	vld.idx.msk [tilespmem:v5+s2+$0x0], $0xffff  }
0x160: {  	v17 =	vshrl.u32 v17, $0x10;
	v12 =	vor.u32 v23, v12;
	v20 =	vld.idx.msk [tilespmem:v4+s2+$0x0], $0xffff  }
0x161: {  	v25 =	vld.idx.msk [tilespmem:v14+s2+$0x0], $0xffff;
	v14 =	vshrl.u32 v19, $0x10  }
0x162: {  	v22 =	vand.u32 $0x3FE00, v22;
	v19 =	vld.idx.msk [tilespmem:v7+s2+$0x0], $0xffff;
	v14 =	vand.u32 $0x7F, v14  }
0x163: {  	v23 =	vor.u32 $0x80, v8;
	v14 =	vor.u32 v14, v22;
	[tilespmem:v6+s14+$0x0] =	vst.idx.add.f32.msk $0xffff, v21  }
0x164: {  	v21 =	vor.u32 $0x80, v1;
	v22 =	vld.idx.msk [tilespmem:v32+s2+$0x0], $0xffff  }
0x165: {  	v28 =	vor.u32 $0x80, v9;
	v27 =	vld.idx.msk [tilespmem:v10+s2+$0x0], $0xffff  }
0x166: {  	v29 =	vor.u32 $0x80, v7;
	[tilespmem:v12+s14+$0x0] =	vst.idx.add.f32.msk $0xffff, v24;
	v24 =	vor.u32 $0x80, v6  }
0x167: {  	v31 =	vor.u32 $0x80, v5;
	v32 =	vor.u32 $0x100, v11;
	v30 =	vld.idx.msk [tilespmem:v15+s2+$0x0], $0xffff  }
0x168: {  	v17 =	vand.u32 $0x7F, v17;
	[tilespmem:v8+s14+$0x0] =	vst.idx.add.f32.msk $0xffff, v20  }
0x169: {  	v16 =	vor.u32 v17, v16;
	[tilespmem:v21+s14+$0x0] =	vst.idx.add.f32.msk $0xffff, v25  }
0x16a: {  	v33 =	vor.u32 $0x80, v10;
	v17 =	vor.u32 $0x80, v14;
	v25 =	vld.idx.msk [tilespmem:v28+s2+$0x0], $0xffff  }
0x16b: {  	[tilespmem:v24+s14+$0x0] =	vst.idx.add.f32.msk $0xffff, v22  }
0x16c: {  	v24 =	vld.idx.msk [tilespmem:v32+s2+$0x0], $0xffff  }
0x16d: {  	[tilespmem:v14+s14+$0x0] =	vst.idx.add.f32.msk $0xffff, v27  }
0x16e: {  	v27 =	vor.u32 $0x80, v4;
	[tilespmem:v3+s14+$0x0] =	vst.idx.add.f32.msk $0xffff, v19  }
0x16f: {  	v20 =	vor.u32 $0x80, v15;
	v22 =	vor.u32 $0x100, v2;
	v32 =	vld.idx.msk [tilespmem:v29+s2+$0x0], $0xffff  }
0x170: {  	v34 =	vor.u32 $0x80, v3;
	[tilespmem:v13+s14+$0x0] =	vst.idx.add.f32.msk $0xffff, v26  }
0x171: {  	v21 =	vor.u32 $0x100, v10;
	v26 =	vld.idx.msk [tilespmem:v31+s2+$0x0], $0xffff  }
.Ltmp4:
0x172: {  	v19 =	vld.idx.msk [tilespmem:v33+s2+$0x0], $0xffff;
	(pc) =	sbr.rel @p1 .LBB2_7-.Ltmp4, $4  }
0x173: {  	[tilespmem:v16+s14+$0x0] =	vst.idx.add.f32.msk $0xffff, v30  }
0x174: {  	v22 =	vld.idx.msk [tilespmem:v22+s2+$0x0], $0xffff  }
0x175: {  	v28 =	vor.u32 $0x80, v16;
	v29 =	vor.u32 $0x100, v1;
	[tilespmem:v34+s14+$0x0] =	vst.idx.add.f32.msk $0xffff, v32  }
0x176: {  	v27 =	vld.idx.msk [tilespmem:v27+s2+$0x0], $0xffff  }
0x177: {  	_ =	sdelay $0x3  }
0x178: {  	v2 =	vor.u32 $0x180, v2;
	v20 =	vld.idx.msk [tilespmem:v20+s2+$0x0], $0xffff  }
0x179: {  	[tilespmem:v17+s14+$0x0] =	vst.idx.add.f32.msk $0xffff, v19  }
0x17a: {  	v40 =	vor.u32 $0x80, v12;
	[tilespmem:v18+s14+$0x0] =	vst.idx.add.f32.msk $0xffff, v26  }
0x17b: {  	v56 =	vld.idx.msk [tilespmem:v21+s2+$0x0], $0xffff  }
0x17c: {  	v41 =	vor.u32 $0x100, v7;
	[tilespmem:v29+s14+$0x0] =	vst.idx.add.f32.msk $0xffff, v22  }
0x17d: {  	v1 =	vor.u32 $0x180, v1;
	v2 =	vld.idx.msk [tilespmem:v2+s2+$0x0], $0xffff  }
0x17e: {  	v42 =	vor.u32 $0x100, v6;
	[tilespmem:v23+s14+$0x0] =	vst.idx.add.f32.msk $0xffff, v27  }
0x17f: {  	v44 =	vor.u32 $0x100, v5;
	[tilespmem:v40+s14+$0x0] =	vst.idx.add.f32.msk $0xffff, v25  }
0x180: {  	v45 =	vor.u32 $0x100, v4;
	[tilespmem:v28+s14+$0x0] =	vst.idx.add.f32.msk $0xffff, v20  }
0x181: {  	v11 =	vor.u32 $0x180, v11;
	v43 =	vld.idx.msk [tilespmem:v41+s2+$0x0], $0xffff  }
0x182: {  	[tilespmem:v1+s14+$0x0] =	vst.idx.add.f32.msk $0xffff, v2;
	v2 =	vor.u32 $0x100, v15  }
0x183: {  	v57 =	vor.u32 $0x100, v14;
	[tilespmem:v42+s14+$0x0] =	vst.idx.add.f32.msk $0xffff, v24  }
0x184: {  	v51 =	vor.u32 $0x100, v13;
	v17 =	vld.idx.msk [tilespmem:v44+s2+$0x0], $0xffff  }
0x185: {  	v53 =	vor.u32 $0x100, v3;
	v18 =	vld.idx.msk [tilespmem:v45+s2+$0x0], $0xffff  }
0x186: {  	v58 =	vor.u32 $0x180, v10;
	v11 =	vld.idx.msk [tilespmem:v11+s2+$0x0], $0xffff  }
0x187: {  	v48 =	vor.u32 $0x100, v16;
	v2 =	vld.idx.msk [tilespmem:v2+s2+$0x0], $0xffff  }
0x188: {  	[tilespmem:v57+s14+$0x0] =	vst.idx.add.f32.msk $0xffff, v56;
	v1 =	vor.u32 $0x100, v9  }
0x189: {  	v49 =	vor.u32 $0x180, v6;
	[tilespmem:v51+s14+$0x0] =	vst.idx.add.f32.msk $0xffff, v17  }
0x18a: {  	v52 =	vor.u32 $0x180, v5;
	[tilespmem:v53+s14+$0x0] =	vst.idx.add.f32.msk $0xffff, v43  }
0x18b: {  	v47 =	vor.u32 $0x180, v9;
	v63 =	vor.u32 $0x180, v14;
	v9 =	vld.idx.msk [tilespmem:v58+s2+$0x0], $0xffff  }
0x18c: {  	[tilespmem:v48+s14+$0x0] =	vst.idx.add.f32.msk $0xffff, v2;
	v2 =	vor.u32 $0x100, v8  }
0x18d: {  	v46 =	vor.u32 $0x100, v12;
	v1 =	vld.idx.msk [tilespmem:v1+s2+$0x0], $0xffff  }
0x18e: {  	[tilespmem:v49+s14+$0x0] =	vst.idx.add.f32.msk $0xffff, v11  }
0x18f: {  	v50 =	vor.u32 $0x180, v15;
	v5 =	vld.idx.msk [tilespmem:v52+s2+$0x0], $0xffff  }
0x190: {  	v55 =	vor.u32 $0x180, v4;
	[tilespmem:v63+s14+$0x0] =	vst.idx.add.f32.msk $0xffff, v9  }
0x191: {  	[tilespmem:v2+s14+$0x0] =	vst.idx.add.f32.msk $0xffff, v18;
	v2 =	vor.u32 $0x180, v7  }
0x192: {  	v59 =	vor.u32 $0x180, v13;
	[tilespmem:v46+s14+$0x0] =	vst.idx.add.f32.msk $0xffff, v1  }
0x193: {  	v60 =	vor.u32 $0x180, v12;
	v1 =	vld.idx.msk [tilespmem:v47+s2+$0x0], $0xffff  }
0x194: {  	v61 =	vor.u32 $0x180, v16;
	v54 =	vld.idx.msk [tilespmem:v50+s2+$0x0], $0xffff  }
0x195: {  	v62 =	vor.u32 $0x180, v8;
	v4 =	vld.idx.msk [tilespmem:v55+s2+$0x0], $0xffff  }
0x196: {  	v3 =	vor.u32 $0x180, v3;
	v2 =	vld.idx.msk [tilespmem:v2+s2+$0x0], $0xffff  }
.Ltmp5:
0x197: {  	[tilespmem:v59+s14+$0x0] =	vst.idx.add.f32.msk $0xffff, v5;
	(pc) =	sbr.rel @p0 .LBB2_10-.Ltmp5, $4  }
0x198: {  	[tilespmem:v60+s14+$0x0] =	vst.idx.add.f32.msk $0xffff, v1  }
0x199: {  	[tilespmem:v61+s14+$0x0] =	vst.idx.add.f32.msk $0xffff, v54  }
0x19a: {  	[tilespmem:v62+s14+$0x0] =	vst.idx.add.f32.msk $0xffff, v4  }
0x19b: {  	[tilespmem:v3+s14+$0x0] =	vst.idx.add.f32.msk $0xffff, v2  }
0x19c: {  	s18 =	smul.u32 $0x7D00, s17  }
.Ltmp6:
0x19d: {  	_ = 	snop;
	(pc) =	sbr.rel .LBB2_4-.Ltmp6, $4  }
0x19e: {  	s18 =	sshrl.u32 s18, $0x3  }
0x19f: {  	s18 =	sadd.s32 s3, s18  }
0x1a0: {  	s17 =	sadd.s32 $0x1, s17;
	s18 =	sadd.s32 $0x1770, s18  }
0x1a1: {  	[tilespmem:s12], [sflag:$0x2] =	stream.linear.gather [hbm4b:s18+s2], $0x3E80, $0x38;
	[tilespmem:$0x1B900] =	vst v63  }
.LBB2_11:
0x1a2: {  	_ =	sfence.sel $0x180000  }
0x1a3: {  	[bflag:$0x0] =	sbarrier.arrive $0xFFFF  }
0x1a4: {  	p0 =	sne.s32 s0, $0x0;
	_ =	strace $0x9000004D  }
0x1a5: {  	s0 =	sadd.s32 @!p0 $0x100000, s1;
	[bflag:$0x2] =	sbarrier.arrive $0xFFFF  }
0x1a6: {  	[sflag:s0] =	ssyncadd.tile.s32 @!p0 $0x1;
	_ =	shalt  }
.Lfunc_end2:
_tile_overlayer_lowered:
.L_overlay_start_2:
0x1a7: {  	(tag) =	ssettag $0x2  }
0x1a8: {  	s0 =	rddreg [dreg:$0x0];
	s2 =	stileid.u32  }
0x1a9: {  	s1 =	rddreg [dreg:$0x1];
	p0 =	sne.s32 s2, $0x0  }
0x1aa: {  	s3 =	rddreg [dreg:$0x2];
	[bflag:$0x3] =	sbarrier.arrive $0xFFFF;
	s2 =	simm.s32 @!p0 $0x1C03  }
0x1ab: {  	[timem:s3], [sflag:s2] =	dma.local @!p0 [hbm:s0], s1  }
0x1ac: {  	s0 =	simm.s32 @!p0 $0x3  }
0x1ad: {  	_ =	swait.ge @!p0 [sflag:s0], s1  }
0x1ae: {  	s1 =	ssub.s32 @!p0 $0x0, s1;
	[sflag:s0] =	ssyncset.done @!p0 $0x0  }
0x1af: {  	[sflag:s0] =	ssyncadd.s32 @!p0 s1  }
0x1b0: {  	[bflag:$0x3] =	sbarrier.arrive $0xFFFF  }
0x1b1: {  	_ =	shalt  }

// kernel: kernel.20.cloned.1.call-start
scs
__scs_entry_jumppad:
0x0: {  	(pc) =	sbr.rel $0x88, $3  }
0x1: {  	(tag) =	ssettag $0x0;
	lr =	simm.s32 $0x1  }
0x2: {  	[smem:$0x3F98] =	sst lr;
	_ =	strace $0xD0000000  }
0x3: {  	_ = 	snop  }
0x4: {  	_ = 	snop  }
0x5: {  	_ = 	snop  }
0x6: {  	_ = 	snop  }
0x7: {  	_ = 	snop  }
__scs_overlays_trampoline_lowered:
0x8: {  	[smem:$0x3FA7] =	sst s0  }
0x9: {  	[smem:$0x3FA8] =	sst s1  }
0xa: {  	[smem:$0x3FA9] =	sst s2  }
0xb: {  	[smem:$0x3FAA] =	sst s3  }
0xc: {  	[smem:$0x3FAB] =	sst s4  }
0xd: {  	[smem:$0x3FAC] =	sst s5  }
0xe: {  	[smem:$0x3FAD] =	sst s6  }
0xf: {  	[smem:$0x3FAE] =	sst s7  }
0x10: {  	[smem:$0x3FAF] =	sst s8  }
0x11: {  	[smem:$0x3FB0] =	sst s9;
	s0 =	simm.s32 @!p0 $0x0  }
0x12: {  	s1 =	sld [smem:$0x3F96];
	s0 =	simm.s32 @p0 $0x1  }
0x13: {  	[smem:$0x3FB1] =	sst s0;
	s0 =	simm.s32 @!p1 $0x0  }
0x14: {  	s2 =	sld [smem:$0x3F95];
	s0 =	simm.s32 @p1 $0x1  }
0x15: {  	[smem:$0x3FB2] =	sst s0;
	s0 =	simm.s32 @!p2 $0x0  }
0x16: {  	s3 =	sld [smem:$0x3FDB];
	s0 =	simm.s32 @p2 $0x1  }
0x17: {  	s4 =	simm.s32 $0x1BF5;
	[smem:$0x3FB4] =	sst s0  }
0x18: {  	s0 =	sld [smem:$0x3F97];
	_ =	swait.ge [sflag:s4], $0x0  }
0x19: {  	s7 =	sld [smem:$0x3F98]  }
0x1a: {  	s8 =	sadd.s32 $0xFFFFE003, lr  }
0x1b: {  	s9 =	sadd.s32 $0xFFFFFEF7, lr;
	s5 =	simm.s32 $0xFFFFFFFF;
	p2 =	slt.u32 s8, $0xFFFFF086  }
0x1c: {  	p1 =	slt.u32 s9, $0xF7A;
	s5 =	simm.s32 @!p2 $0x0  }
0x1d: {  	s5 =	simm.s32 @p1 $0x1;
	p0 =	seq.s32 s7, s2  }
0x1e: {  	s7 =	smul.u32 @!p0 $0xF7A, s2;
	p2 =	seq.s32 @!p0 s5, $0x0  }
0x1f: {  	s9 =	smul.u32 $0xF7A, s1;
	s8 =	simm.s32 @!p0 $0x1BF5;
	p2 =	por !p2, p0  }
0x20: {  	[sflag:s8] =	ssyncset.s32 @!p0 $0xFFFFF086;
	s6 =	sadd.s32 @!p0 s3, s7;
	s7 =	simm.s32 @!p0 $0x108  }
0x21: {  	s3 =	sadd.s32 s3, s9;
	s6 =	sadd.s32 @!p0 $0x88, s6;
	s7 =	simm.s32 @p2 $0x1082  }
0x22: {  	[simem:s7], [sflag:s8] =	dma.local @!p0 [hbm:s6], $0xF7A  }
0x23: {  	s9 =	sor.u32 $0xD0000000, s2;
	s6 =	simm.s32 $0x108;
	_ =	swait.ge @!p0 [sflag:s8], $0x0  }
0x24: {  	s3 =	sadd.s32 $0x88, s3;
	s6 =	simm.s32 @!p1 $0x1082;
	[sflag:s4] =	ssyncset.s32 $0xFFFFF086  }
0x25: {  	[simem:s6], [sflag:s4] =	dma.local [hbm:s3], $0xF7A  }
0x26: {  	[smem:$0x3F98] =	sst s1;
	(tag) =	ssettag s2;
	_ =	strace s9  }
0x27: {  	s1 =	sld [smem:$0x3FA8]  }
0x28: {  	s2 =	sld [smem:$0x3FA9]  }
0x29: {  	s4 =	sld [smem:$0x3FAB]  }
0x2a: {  	p0 =	seq.s32 s5, $0x0;
	s5 =	sld [smem:$0x3FAC]  }
0x2b: {  	s6 =	sld [smem:$0x3FAD]  }
0x2c: {  	s7 =	sld [smem:$0x3FAE]  }
0x2d: {  	s3 =	simm.s32 $0x108;
	s8 =	sld [smem:$0x3FAF]  }
0x2e: {  	s3 =	simm.s32 @!p0 $0x1082;
	s9 =	sld [smem:$0x3FB0]  }
0x2f: {  	lr =	sadd.s32 s0, s3;
	s0 =	sld [smem:$0x3FA7]  }
0x30: {  	s3 =	sld [smem:$0x3FAA]  }
0x31: {  	[smem:$0x3FB3] =	sst s10  }
0x32: {  	s10 =	sld [smem:$0x3FB1];
	_ =	sdelay $0x3  }
0x33: {  	p0 =	seq.s32 s10, $0x1;
	s10 =	sld [smem:$0x3FB3];
	_ =	sdelay $0x3  }
0x34: {  	[smem:$0x3FB3] =	sst s10  }
0x35: {  	s10 =	sld [smem:$0x3FB2];
	_ =	sdelay $0x3  }
0x36: {  	p1 =	seq.s32 s10, $0x1;
	s10 =	sld [smem:$0x3FB3];
	_ =	sdelay $0x3  }
0x37: {  	[smem:$0x3FB3] =	sst s10  }
0x38: {  	s10 =	sld [smem:$0x3FB4]  }
0x39: {  	_ = 	snop;
	(pc) =	sbr.ind lr, $3  }
0x3a: {  	_ = 	snop  }
0x3b: {  	_ = 	snop  }
0x3c: {  	p2 =	seq.s32 s10, $0x1;
	s10 =	sld [smem:$0x3FB3]  }
0x3d: {  	_ =	shalt  }
0x3e: {  	_ =	shalt  }
0x3f: {  	_ =	shalt  }
0x40: {  	_ =	shalt  }
0x41: {  	_ =	shalt  }
0x42: {  	_ =	shalt  }
0x43: {  	_ =	shalt  }
0x44: {  	_ =	shalt  }
0x45: {  	_ =	shalt  }
0x46: {  	_ =	shalt  }
0x47: {  	_ =	shalt  }
0x48: {  	_ =	shalt  }
0x49: {  	_ =	shalt  }
0x4a: {  	_ =	shalt  }
0x4b: {  	_ =	shalt  }
0x4c: {  	_ =	shalt  }
0x4d: {  	_ =	shalt  }
0x4e: {  	_ =	shalt  }
0x4f: {  	_ =	shalt  }
0x50: {  	_ =	shalt  }
0x51: {  	_ =	shalt  }
0x52: {  	_ =	shalt  }
0x53: {  	_ =	shalt  }
0x54: {  	_ =	shalt  }
0x55: {  	_ =	shalt  }
0x56: {  	_ =	shalt  }
0x57: {  	_ =	shalt  }
0x58: {  	_ =	shalt  }
0x59: {  	_ =	shalt  }
0x5a: {  	_ =	shalt  }
0x5b: {  	_ =	shalt  }
0x5c: {  	_ =	shalt  }
0x5d: {  	_ =	shalt  }
0x5e: {  	_ =	shalt  }
0x5f: {  	_ =	shalt  }
0x60: {  	_ =	shalt  }
0x61: {  	_ =	shalt  }
0x62: {  	_ =	shalt  }
0x63: {  	_ =	shalt  }
0x64: {  	_ =	shalt  }
0x65: {  	_ =	shalt  }
0x66: {  	_ =	shalt  }
0x67: {  	_ =	shalt  }
0x68: {  	_ =	shalt  }
0x69: {  	_ =	shalt  }
0x6a: {  	_ =	shalt  }
0x6b: {  	_ =	shalt  }
0x6c: {  	_ =	shalt  }
0x6d: {  	_ =	shalt  }
0x6e: {  	_ =	shalt  }
0x6f: {  	_ =	shalt  }
0x70: {  	_ =	shalt  }
0x71: {  	_ =	shalt  }
0x72: {  	_ =	shalt  }
0x73: {  	_ =	shalt  }
0x74: {  	_ =	shalt  }
0x75: {  	_ =	shalt  }
0x76: {  	_ =	shalt  }
0x77: {  	_ =	shalt  }
0x78: {  	_ =	shalt  }
0x79: {  	_ =	shalt  }
0x7a: {  	_ =	shalt  }
0x7b: {  	_ =	shalt  }
0x7c: {  	_ =	shalt  }
0x7d: {  	_ =	shalt  }
0x7e: {  	_ =	shalt  }
0x7f: {  	_ =	shalt  }
0x80: {  	_ =	shalt  }
0x81: {  	_ =	shalt  }
0x82: {  	_ =	shalt  }
0x83: {  	_ =	shalt  }
0x84: {  	_ =	shalt  }
0x85: {  	_ =	shalt  }
0x86: {  	_ =	shalt  }
0x87: {  	_ =	shalt  }
.Lfunc_end0:
.L_simem_size_0:
called_computation.3_lowered:
.L_overlay_start_0:
0x88: {  	s2 =	sld [smem:$0x3FD9]  }
0x89: {  	s3 =	sld [smem:$0x3FFE];
	_ =	sdelay $0x1  }
0x8a: {  	s1 =	srdreg.scid  }
0x8b: {  	s0 =	sand.u32 $0x1, s1  }
0x8c: {  	s16 =	sshll.u32 s0, $0xA;
	s2 =	sadd.s32 s3, s2  }
0x8d: {  	s2 =	sadd.s32 s2, s16  }
0x8e: {  	[smem:$0x3FBF] =	sst s2  }
0x8f: {  	_ = 	snop  }
0x90: {  	(tm) =	ssettm $0x1  }
0x91: {  	s17 =	sld [smem:$0x3FFB];
	_ =	sdelay $0x3  }
0x92: {  	_ =	strace s17  }
0x93: {  	s2 =	sld [smem:$0x3FFC];
	_ =	sdelay $0x3  }
0x94: {  	_ =	strace s2  }
0x95: {  	s2 =	sld [smem:$0x3FFD];
	_ =	sdelay $0x3  }
0x96: {  	_ =	strace s2  }
0x97: {  	_ =	strace $0x8FFFFFFF  }
0x98: {  	s18 =	sld [smem:$0x3FDB];
	_ =	sdelay $0x1  }
0x99: {  	s19 =	simm.s32 $_scs_section_size  }
0x9a: {  	s4 =	simm.s32 $_size__tile_overlayer_lowered;
	s5 =	simm.s32 $_tile_overlayer_lowered  }
0x9b: {  	s22 =	simm.s32 $0x1BFF;
	s21 =	sshll.u32 s5, $0x1;
	s2 =	sadd.s32 s19, s18  }
0x9c: {  	s6 =	simm.s32 $0x0;
	s20 =	sshll.u32 s4, $0x1;
	s4 =	sadd.s32 s21, s2  }
0x9d: {  	[timem:s6], [sflag:s22] =	dma.local [hbm:s4], s20  }
0x9e: {  	_ =	swait.ge [sflag:s22], s20  }
0x9f: {  	s3 =	ssub.s32 $0x0, s20;
	[sflag:s22] =	ssyncset.done $0x0  }
0xa0: {  	[sflag:s22] =	ssyncadd.s32 s3;
	_ =	sdelay $0x1  }
0xa1: {  	s23 =	simm.s32 $0x1B8B  }
0xa2: {  	_ =	swait.ge [sflag:s23], $0x1  }
0xa3: {  	[sflag:s23] =	ssyncset.done $0x0  }
0xa4: {  	s25 =	simm.s32 $0x1B8E;
	s24 =	sld [smem:$0x3FFE];
	[sflag:s23] =	ssyncadd.s32 $0xFFFFFFFF  }
0xa5: {  	s26 =	simm.s32 $execute0_lowered;
	[smem:$0x3FD2] =	sst s25  }
0xa6: {  	s4 =	sshll.u32 s26, $0x1;
	_ =	strace $0x8000004F;
	[dreg:$0x1] =	wrdreg $0xFFFFFFFF  }
0xa7: {  	s28 =	simm.s32 $_size_execute0_lowered;
	s2 =	sadd.s32 s2, s4;
	[dreg:$0x0] =	wrdreg $0x0  }
0xa8: {  	s4 =	sshll.u32 s28, $0x1;
	[dreg:$0x2] =	wrdreg s2  }
0xa9: {  	[dreg:$0x3] =	wrdreg s4  }
0xaa: {  	[dreg:$0x4] =	wrdreg $0xC0  }
0xab: {  	_ =	task [dreg:s6], $0x5FFFF  }
0xac: {  	[dreg:$0x1] =	wrdreg $0xFFFFFFFF  }
0xad: {  	[dreg:$0x0] =	wrdreg $0x60  }
0xae: {  	[dreg:$0x2] =	wrdreg s24  }
0xaf: {  	[dreg:$0x3] =	wrdreg $0x9  }
0xb0: {  	_ =	task.clear_ibuf [dreg:s6], $0x4FFFF;
	_ =	strace $0x9000004F  }
0xb1: {  	s29 =	simm.s32 $0x9;
	_ =	strace $0x80000051  }
0xb2: {  	_ =	swait.ge [sflag:s29], $0x1  }
0xb3: {  	[sflag:s29] =	ssyncadd.s32 $0xFFFFFFFF  }
0xb4: {  	_ =	strace $0x90000051  }
0xb5: {  	_ =	sfence  }
0xb6: {  	s30 =	sld [smem:$0x0];
	_ =	sdelay $0x2  }
0xb7: {  	s31 =	sshll.u32 s1, $0xD;
	s1 =	sshrl.u32 s1, $0x2  }
0xb8: {  	s3 =	sand.u32 $0x4000, s31;
	s1 =	sadd.s32 s1, s30  }
0xb9: {  	s0 =	sor.u32 s3, s0;
	s1 =	sshll.u32 s1, $0x11  }
0xba: {  	s0 =	sor.u32 s1, s0  }
0xbb: {  	s0 =	sadd.s32 $0x8F2B, s0  }
0xbc: {  	[sflag:s0] =	ssyncadd.remote.s32 $0x1  }
0xbd: {  	_ =	sfence.sel $0xFFFF  }
0xbe: {  	[dreg:$0x0] =	wrdreg $0xFFFFFFFF;
	(pc) =	sbr.abs _section_cstart, $3  }
0xbf: {  	[dreg:$0x1] =	wrdreg $0xFFFFFFFF  }
0xc0: {  	_ =	task.clear_ibuf [dreg:s6], $0x2FFFF;
	_ =	strace $0x9FFFFFFF  }
0xc1: {  	(tm) =	ssettm $0x7FFFFFFF  }
tec
execute0_lowered:
.L_overlay_start_1:
0x0: {  	(tag) =	ssettag $0x1  }
0x1: {  	s1 =	srdreg.scid  }
0x2: {  	s0 =	stileid.u32;
	s5 =	rddreg [dreg:$0x0];
	s2 =	simm.s32 $0x0  }
0x3: {  	s9 =	simm.s32 $0x400;
	s10 =	simm.s32 $0x3;
	s11 =	simm.s32 $0x13C00  }
0x4: {  	s12 =	simm.s32 $0x17A80;
	s13 =	simm.s32 $0x1;
	s14 =	simm.s32 $0x9E00  }
0x5: {  	s15 =	simm.s32 $0x2;
	s3 =	sand.u32 $0x1, s1;
	s4 =	smul.u32 $0x13C00, s0  }
0x6: {  	s16 =	simm.s32 $0x0;
	s1 =	rddreg [dreg:$0x1];
	s6 =	sshll.u32 s3, $0x9  }
.Ltmp0:
0x7: {  	[smem:$0x7FF] =	sst s2;
	s4 =	sor.u32 s6, s4;
	(pc) =	sbr.rel .LBB2_1-.Ltmp0, $4  }
0x8: {  	s30 =	ssub.s32 $0x2, s3;
	_ =	strace $0x80000050;
	s4 =	sshrl.u32 s4, $0x3  }
0x9: {  	s3 =	sadd.s32 $0x19200, s5;
	s31 =	sshrl.u32 s30, $0x1;
	s7 =	sadd.s32 s4, s5  }
0xa: {  	s8 =	ssub.s32 s30, s31;
	s5 =	sadd.s32 $0x199D0, s5;
	s4 =	sadd.s32 $0x23000, s7  }
0xb: {  	v0 =	vimm.f32 $0.0e+00;
	s6 =	sadd.s32 $0x4A800, s7;
	s7 =	smax.u32 s8, $0x1;
	s8 =	simm.s32 $0x200  }
.LBB2_10:
0xc: {  	s16 =	sadd.s32 $0x1, s16  }
0xd: {  	p0 =	sne.s32 s16, s7  }
.Ltmp1:
0xe: {  	_ = 	snop;
	(pc) =	sbr.rel @!p0 .LBB2_11-.Ltmp1, $4  }
0xf: {  	[hbm4b:s6+s8] =	stream.strided.scatter [tilespmem:s14], [sflag:$0x3], $0x9E00, s9, s8, $0x38;
	[tilespmem:$0x1B900] =	vst v63  }
0x10: {  	_ =	swait.ge [sflag:s10], $0x9E00  }
0x11: {  	[sflag:s10] =	ssyncset.done $0x0  }
0x12: {  	[sflag:s10] =	ssyncadd.s32 $0xFFFF6200  }
.LBB2_1:
0x13: {  	[tilespmem:s2], [sflag:$0x3] =	stream.strided.gather [hbm4b:s4+s8], $0x9E00, s9, s8, $0x38;
	[tilespmem:$0x1B900] =	vst v63  }
0x14: {  	_ =	swait.ge [sflag:s10], $0x9E00  }
0x15: {  	[sflag:s10] =	ssyncset.done $0x0  }
0x16: {  	s17 =	simm.s32 $0x9F00;
	[sflag:s10] =	ssyncadd.s32 $0xFFFF6200  }
0x17: {  	[tilespmem:s17+$0xFFFFFF00] =	vst v0  }
0x18: {  	[tilespmem:s17+$0xF0] =	vst v0  }
0x19: {  	[tilespmem:s17+$0x70] =	vst v0  }
0x1a: {  	[tilespmem:s17+$0xFFFFFFF0] =	vst v0  }
0x1b: {  	[tilespmem:s17+$0xFFFFFF70] =	vst v0  }
0x1c: {  	[tilespmem:s17+$0xE0] =	vst v0  }
0x1d: {  	[tilespmem:s17+$0x60] =	vst v0  }
0x1e: {  	[tilespmem:s17+$0xFFFFFFE0] =	vst v0  }
0x1f: {  	[tilespmem:s17+$0xFFFFFF60] =	vst v0  }
0x20: {  	[tilespmem:s17+$0xD0] =	vst v0  }
0x21: {  	[tilespmem:s17+$0x50] =	vst v0  }
0x22: {  	[tilespmem:s17+$0xFFFFFFD0] =	vst v0  }
0x23: {  	[tilespmem:s17+$0xFFFFFF50] =	vst v0  }
0x24: {  	[tilespmem:s17+$0xC0] =	vst v0  }
0x25: {  	[tilespmem:s17+$0x40] =	vst v0  }
0x26: {  	[tilespmem:s17+$0xFFFFFFC0] =	vst v0  }
0x27: {  	[tilespmem:s17+$0xFFFFFF40] =	vst v0  }
0x28: {  	[tilespmem:s17+$0xB0] =	vst v0  }
0x29: {  	[tilespmem:s17+$0x30] =	vst v0  }
0x2a: {  	[tilespmem:s17+$0xFFFFFFB0] =	vst v0  }
0x2b: {  	[tilespmem:s17+$0xFFFFFF30] =	vst v0  }
0x2c: {  	[tilespmem:s17+$0xA0] =	vst v0  }
0x2d: {  	[tilespmem:s17+$0x20] =	vst v0  }
0x2e: {  	[tilespmem:s17+$0xFFFFFFA0] =	vst v0  }
0x2f: {  	[tilespmem:s17+$0xFFFFFF20] =	vst v0  }
0x30: {  	[tilespmem:s17+$0x90] =	vst v0  }
0x31: {  	[tilespmem:s17+$0x10] =	vst v0  }
0x32: {  	[tilespmem:s17+$0xFFFFFF90] =	vst v0  }
0x33: {  	[tilespmem:s17+$0xFFFFFF10] =	vst v0  }
0x34: {  	[tilespmem:s17+$0x80] =	vst v0  }
0x35: {  	s18 =	simm.s32 $0x0;
	[tilespmem:s17+$0x0] =	vst v0  }
.LBB2_2:
0x36: {  	s18 =	sadd.s32 $0x8, s18;
	[tilespmem:s17+$0xFFFFFF80] =	vst v0;
	s17 =	sadd.s32 $0x200, s17  }
0x37: {  	[tilespmem:s17+$0xFFFFFF00] =	vst v0;
	p0 =	slt.u32 s18, $0x268  }
0x38: {  	[tilespmem:s17+$0xF0] =	vst v0  }
0x39: {  	[tilespmem:s17+$0x70] =	vst v0  }
0x3a: {  	[tilespmem:s17+$0xFFFFFFF0] =	vst v0  }
0x3b: {  	[tilespmem:s17+$0xFFFFFF70] =	vst v0  }
0x3c: {  	[tilespmem:s17+$0xE0] =	vst v0  }
0x3d: {  	[tilespmem:s17+$0x60] =	vst v0  }
0x3e: {  	[tilespmem:s17+$0xFFFFFFE0] =	vst v0  }
0x3f: {  	[tilespmem:s17+$0xFFFFFF60] =	vst v0  }
0x40: {  	[tilespmem:s17+$0xD0] =	vst v0  }
0x41: {  	[tilespmem:s17+$0x50] =	vst v0  }
0x42: {  	[tilespmem:s17+$0xFFFFFFD0] =	vst v0  }
0x43: {  	[tilespmem:s17+$0xFFFFFF50] =	vst v0  }
0x44: {  	[tilespmem:s17+$0xC0] =	vst v0  }
0x45: {  	[tilespmem:s17+$0x40] =	vst v0  }
0x46: {  	[tilespmem:s17+$0xFFFFFFC0] =	vst v0  }
0x47: {  	[tilespmem:s17+$0xFFFFFF40] =	vst v0  }
0x48: {  	[tilespmem:s17+$0xB0] =	vst v0  }
0x49: {  	[tilespmem:s17+$0x30] =	vst v0  }
0x4a: {  	[tilespmem:s17+$0xFFFFFFB0] =	vst v0  }
0x4b: {  	[tilespmem:s17+$0xFFFFFF30] =	vst v0  }
0x4c: {  	[tilespmem:s17+$0xA0] =	vst v0  }
0x4d: {  	[tilespmem:s17+$0x20] =	vst v0  }
0x4e: {  	[tilespmem:s17+$0xFFFFFFA0] =	vst v0  }
0x4f: {  	[tilespmem:s17+$0xFFFFFF20] =	vst v0  }
0x50: {  	[tilespmem:s17+$0x90] =	vst v0  }
.Ltmp2:
0x51: {  	[tilespmem:s17+$0x10] =	vst v0;
	(pc) =	sbr.rel @p0 .LBB2_2-.Ltmp2, $4  }
0x52: {  	[tilespmem:s17+$0xFFFFFF90] =	vst v0  }
0x53: {  	[tilespmem:s17+$0xFFFFFF10] =	vst v0  }
0x54: {  	[tilespmem:s17+$0x80] =	vst v0  }
0x55: {  	[tilespmem:s17+$0x0] =	vst v0  }
0x56: {  	[tilespmem:s17+$0xFFFFFF80] =	vst v0  }
0x57: {  	[tilespmem:$0x13A00] =	vst v0  }
0x58: {  	[tilespmem:$0x13A80] =	vst v0  }
0x59: {  	[tilespmem:$0x13B00] =	vst v0  }
0x5a: {  	s17 =	simm.s32 $0x0;
	[tilespmem:$0x13B80] =	vst v0  }
0x5b: {  	[tilespmem:s11], [sflag:$0x1] =	stream.linear.gather [hbm4b:s3+s17], $0x3E80, $0x38;
	[tilespmem:$0x1B900] =	vst v63  }
0x5c: {  	_ = 	snop  }
0x5d: {  	[tilespmem:s12], [sflag:$0x2] =	stream.linear.gather [hbm4b:s5+s17], $0x3E80, $0x38;
	[tilespmem:$0x1B900] =	vst v63  }
.LBB2_4:
0x5e: {  	_ =	swait.ge [sflag:s13], $0x3E80  }
0x5f: {  	[sflag:s13] =	ssyncset.done $0x0  }
0x60: {  	s18 =	simm.s32 $0x13C40;
	[sflag:s13] =	ssyncadd.s32 $0xFFFFC180  }
0x61: {  	v1 =	vld [tilespmem:s18+$0xFFFFFFC0]  }
0x62: {  	v3 =	vld [tilespmem:s18+$0x10]  }
0x63: {  	v4 =	vld [tilespmem:s18+$0x30]  }
0x64: {  	v8 =	vld [tilespmem:s18+$0x20]  }
0x65: {  	v16 =	vld [tilespmem:s18+$0x0]  }
0x66: {  	v19 =	vld [tilespmem:s18+$0xFFFFFFD0];
	_ =	sdelay $0x1  }
0x67: {  	v2 =	vshll.u32 v1, $0x2;
	v5 =	vand.u32 $0x7F, v1;
	v6 =	vshrl.u32 v1, $0x10  }
0x68: {  	v1 =	vshrl.u32 v1, $0xE;
	v15 =	vshrl.u32 v3, $0x10;
	v7 =	vshll.u32 v4, $0x2  }
0x69: {  	v9 =	vand.u32 $0x7F, v8;
	v10 =	vshll.u32 v8, $0x2;
	v20 =	vshrl.u32 v4, $0xE  }
0x6a: {  	v13 =	vld [tilespmem:s18+$0xFFFFFFE0];
	v21 =	vshll.u32 v16, $0x2;
	v25 =	vand.u32 $0x7F, v19;
	v2 =	vand.u32 $0x3FE00, v2  }
0x6b: {  	v27 =	vshrl.u32 v16, $0xE;
	v1 =	vand.u32 $0x3FE00, v1;
	v2 =	vor.u32 v5, v2  }
0x6c: {  	v10 =	vand.u32 $0x3FE00, v10;
	v7 =	vand.u32 $0x3FE00, v7;
	v21 =	vand.u32 $0x3FE00, v21  }
0x6d: {  	v17 =	vld [tilespmem:s18+$0xFFFFFFF0];
	v27 =	vand.u32 $0x3FE00, v27;
	v5 =	vand.u32 $0x7F, v6;
	v6 =	vand.u32 $0x7F, v4  }
0x6e: {  	v9 =	vor.u32 v9, v10;
	v10 =	vand.u32 $0x7F, v3;
	v1 =	vor.u32 v5, v1  }
0x6f: {  	v14 =	vor.u32 $0x80, v2;
	v5 =	vshrl.u32 v4, $0x10;
	v4 =	vshll.u32 v13, $0x2  }
0x70: {  	v11 =	vor.u32 v6, v7;
	v6 =	vand.u32 $0x7F, v13;
	v12 =	vand.u32 $0x7F, v5;
	v18 =	vld.idx.msk [tilespmem:v2+s2+$0x0], $0xffff  }
0x71: {  	v5 =	vshll.u32 v3, $0x2;
	v4 =	vand.u32 $0x3FE00, v4;
	v3 =	vshrl.u32 v3, $0xE  }
0x72: {  	v7 =	vand.u32 $0x3FE00, v5;
	v5 =	vor.u32 v6, v4;
	v6 =	vshll.u32 v17, $0x2  }
0x73: {  	v3 =	vand.u32 $0x3FE00, v3;
	v4 =	vor.u32 v10, v7;
	v10 =	vshrl.u32 v8, $0x10  }
0x74: {  	v6 =	vand.u32 $0x3FE00, v6;
	v7 =	vand.u32 $0x7F, v17;
	v8 =	vshrl.u32 v8, $0xE;
	v23 =	vld.idx.msk [tilespmem:v9+s2+$0x0], $0xffff  }
0x75: {  	v7 =	vor.u32 v7, v6;
	v24 =	vand.u32 $0x7F, v10;
	[tilespmem:v1+s14+$0x0] =	vst.idx.add.f32.msk $0xffff, v18;
	v18 =	vand.u32 $0x3FE00, v20  }
0x76: {  	v8 =	vand.u32 $0x3FE00, v8;
	v22 =	vld.idx.msk [tilespmem:v11+s2+$0x0], $0xffff;
	v20 =	vshll.u32 v19, $0x2;
	v6 =	vor.u32 v12, v18  }
0x77: {  	v26 =	vld.idx.msk [tilespmem:v5+s2+$0x0], $0xffff;
	v18 =	vand.u32 $0x3FE00, v20;
	v20 =	vor.u32 $0x80, v11;
	v12 =	vand.u32 $0x7F, v16  }
0x78: {  	v16 =	vshrl.u32 v16, $0x10;
	v10 =	vor.u32 v12, v21;
	v21 =	vld.idx.msk [tilespmem:v4+s2+$0x0], $0xffff;
	v12 =	vor.u32 v24, v8  }
0x79: {  	v24 =	vld.idx.msk [tilespmem:v14+s2+$0x0], $0xffff;
	v8 =	vand.u32 $0x7F, v15;
	v15 =	vor.u32 v25, v18;
	v14 =	vshrl.u32 v17, $0xE  }
0x7a: {  	v18 =	vld.idx.msk [tilespmem:v7+s2+$0x0], $0xffff;
	v25 =	vor.u32 $0x80, v9;
	v16 =	vand.u32 $0x7F, v16;
	v8 =	vor.u32 v8, v3  }
0x7b: {  	v3 =	vshrl.u32 v17, $0x10;
	v30 =	vand.u32 $0x3FE00, v14;
	v14 =	vor.u32 v16, v27;
	[tilespmem:v6+s14+$0x0] =	vst.idx.add.f32.msk $0xffff, v22  }
0x7c: {  	v16 =	vshrl.u32 v13, $0xE;
	v13 =	vshrl.u32 v13, $0x10;
	v3 =	vand.u32 $0x7F, v3;
	v20 =	vld.idx.msk [tilespmem:v20+s2+$0x0], $0xffff  }
0x7d: {  	v16 =	vand.u32 $0x3FE00, v16;
	v13 =	vand.u32 $0x7F, v13;
	v3 =	vor.u32 v3, v30;
	v17 =	vld.idx.msk [tilespmem:v10+s2+$0x0], $0xffff  }
0x7e: {  	v13 =	vor.u32 v13, v16;
	[tilespmem:v12+s14+$0x0] =	vst.idx.add.f32.msk $0xffff, v23  }
0x7f: {  	v22 =	vor.u32 $0x80, v1;
	v28 =	vld.idx.msk [tilespmem:v15+s2+$0x0], $0xffff  }
0x80: {  	v16 =	vshrl.u32 v19, $0xE;
	v19 =	vshrl.u32 v19, $0x10;
	v23 =	vor.u32 $0x80, v6;
	[tilespmem:v8+s14+$0x0] =	vst.idx.add.f32.msk $0xffff, v21  }
0x81: {  	v16 =	vand.u32 $0x3FE00, v16;
	v19 =	vand.u32 $0x7F, v19;
	v25 =	vld.idx.msk [tilespmem:v25+s2+$0x0], $0xffff  }
0x82: {  	v16 =	vor.u32 v19, v16;
	[tilespmem:v3+s14+$0x0] =	vst.idx.add.f32.msk $0xffff, v18  }
0x83: {  	v21 =	vor.u32 $0x80, v7;
	[tilespmem:v13+s14+$0x0] =	vst.idx.add.f32.msk $0xffff, v26  }
0x84: {  	[tilespmem:v22+s14+$0x0] =	vst.idx.add.f32.msk $0xffff, v24;
	v22 =	vor.u32 $0x80, v10  }
0x85: {  	[tilespmem:v23+s14+$0x0] =	vst.idx.add.f32.msk $0xffff, v20;
	v20 =	vor.u32 $0x80, v5  }
0x86: {  	[tilespmem:v14+s14+$0x0] =	vst.idx.add.f32.msk $0xffff, v17;
	v17 =	vor.u32 $0x100, v2  }
0x87: {  	v29 =	vor.u32 $0x100, v11;
	[tilespmem:v16+s14+$0x0] =	vst.idx.add.f32.msk $0xffff, v28  }
0x88: {  	v27 =	vor.u32 $0x80, v3;
	v21 =	vld.idx.msk [tilespmem:v21+s2+$0x0], $0xffff  }
0x89: {  	v30 =	vor.u32 $0x80, v4;
	v19 =	vld.idx.msk [tilespmem:v22+s2+$0x0], $0xffff  }
0x8a: {  	v26 =	vld.idx.msk [tilespmem:v20+s2+$0x0], $0xffff;
	v20 =	vor.u32 $0x80, v15  }
0x8b: {  	v22 =	vld.idx.msk [tilespmem:v17+s2+$0x0], $0xffff;
	v17 =	vor.u32 $0x80, v14  }
0x8c: {  	v24 =	vld.idx.msk [tilespmem:v29+s2+$0x0], $0xffff  }
0x8d: {  	v18 =	vor.u32 $0x80, v13;
	v29 =	vor.u32 $0x100, v1;
	[tilespmem:v27+s14+$0x0] =	vst.idx.add.f32.msk $0xffff, v21  }
0x8e: {  	s19 =	simm.s32 $0x0;
	v23 =	vor.u32 $0x80, v8;
	v28 =	vor.u32 $0x80, v16;
	v21 =	vor.u32 $0x100, v10;
	v27 =	vld.idx.msk [tilespmem:v30+s2+$0x0], $0xffff  }
.LBB2_5:
0x8f: {  	s19 =	sadd.s32 $0x8, s19;
	v30 =	vld.idx.msk [tilespmem:v20+s2+$0x0], $0xffff;
	s18 =	sadd.s32 $0x80, s18  }
0x90: {  	p0 =	slt.u32 s19, $0x3E0;
	[tilespmem:v17+s14+$0x0] =	vst.idx.add.f32.msk $0xffff, v19  }
0x91: {  	v2 =	vor.u32 $0x180, v2;
	v31 =	vld [tilespmem:s18+$0xFFFFFFC0]  }
0x92: {  	[tilespmem:v29+s14+$0x0] =	vst.idx.add.f32.msk $0xffff, v22  }
0x93: {  	v29 =	vor.u32 $0x80, v12;
	v17 =	vld [tilespmem:s18+$0xFFFFFFD0]  }
0x94: {  	v20 =	vld [tilespmem:s18+$0x20]  }
0x95: {  	v32 =	vor.u32 $0x180, v1;
	v22 =	vld [tilespmem:s18+$0xFFFFFFE0]  }
0x96: {  	v1 =	vshrl.u32 v31, $0x10;
	v33 =	vand.u32 $0x7F, v31;
	v19 =	vshll.u32 v31, $0x2;
	v34 =	vld.idx.msk [tilespmem:v2+s2+$0x0], $0xffff  }
0x97: {  	v35 =	vor.u32 $0x100, v7;
	v2 =	vand.u32 $0x3FE00, v19;
	v1 =	vand.u32 $0x7F, v1;
	v19 =	vld [tilespmem:s18+$0x0]  }
0x98: {  	v31 =	vshrl.u32 v31, $0xE;
	v2 =	vor.u32 v33, v2;
	v33 =	vld [tilespmem:s18+$0xFFFFFFF0]  }
0x99: {  	v31 =	vand.u32 $0x3FE00, v31;
	[tilespmem:v29+s14+$0x0] =	vst.idx.add.f32.msk $0xffff, v25  }
0x9a: {  	v1 =	vor.u32 v1, v31;
	v29 =	vor.u32 $0x100, v6;
	v25 =	vld [tilespmem:s18+$0x30]  }
0x9b: {  	v31 =	vld [tilespmem:s18+$0x10]  }
0x9c: {  	[tilespmem:v32+s14+$0x0] =	vst.idx.add.f32.msk $0xffff, v34;
	v32 =	vor.u32 $0x100, v9  }
0x9d: {  	v34 =	vshrl.u32 v33, $0x10;
	v36 =	vshrl.u32 v33, $0xE;
	[tilespmem:v28+s14+$0x0] =	vst.idx.add.f32.msk $0xffff, v30;
	v28 =	vor.u32 $0x100, v15  }
0x9e: {  	v30 =	vand.u32 $0x7F, v34;
	v34 =	vand.u32 $0x3FE00, v36;
	v35 =	vld.idx.msk [tilespmem:v35+s2+$0x0], $0xffff  }
0x9f: {  	v30 =	vor.u32 v30, v34;
	[tilespmem:v29+s14+$0x0] =	vst.idx.add.f32.msk $0xffff, v24  }
0xa0: {  	v11 =	vor.u32 $0x180, v11;
	[tilespmem:v23+s14+$0x0] =	vst.idx.add.f32.msk $0xffff, v27  }
0xa1: {  	[tilespmem:v18+s14+$0x0] =	vst.idx.add.f32.msk $0xffff, v26;
	v18 =	vor.u32 $0x100, v5  }
0xa2: {  	v23 =	vor.u32 $0x100, v4;
	v24 =	vld.idx.msk [tilespmem:v32+s2+$0x0], $0xffff  }
0xa3: {  	v27 =	vor.u32 $0x100, v12;
	v26 =	vld.idx.msk [tilespmem:v28+s2+$0x0], $0xffff  }
0xa4: {  	v9 =	vor.u32 $0x180, v9;
	v29 =	vor.u32 $0x100, v16;
	v28 =	vld.idx.msk [tilespmem:v2+s2+$0x0], $0xffff  }
0xa5: {  	v11 =	vld.idx.msk [tilespmem:v11+s2+$0x0], $0xffff  }
0xa6: {  	v18 =	vld.idx.msk [tilespmem:v18+s2+$0x0], $0xffff  }
0xa7: {  	v6 =	vor.u32 $0x180, v6;
	v23 =	vld.idx.msk [tilespmem:v23+s2+$0x0], $0xffff  }
0xa8: {  	v15 =	vor.u32 $0x180, v15;
	[tilespmem:v27+s14+$0x0] =	vst.idx.add.f32.msk $0xffff, v24  }
0xa9: {  	v24 =	vor.u32 $0x180, v3;
	v9 =	vld.idx.msk [tilespmem:v9+s2+$0x0], $0xffff  }
0xaa: {  	v27 =	vor.u32 $0x100, v3;
	v3 =	vmovc v30;
	[tilespmem:v29+s14+$0x0] =	vst.idx.add.f32.msk $0xffff, v26;
	v26 =	vor.u32 $0x100, v13;
	v29 =	vor.u32 $0x180, v8  }
0xab: {  	v13 =	vor.u32 $0x180, v13;
	v8 =	vor.u32 $0x100, v8;
	[tilespmem:v1+s14+$0x0] =	vst.idx.add.f32.msk $0xffff, v28;
	v28 =	vor.u32 $0x180, v14  }
0xac: {  	v7 =	vor.u32 $0x180, v7;
	v12 =	vor.u32 $0x180, v12;
	v5 =	vor.u32 $0x180, v5;
	[tilespmem:v6+s14+$0x0] =	vst.idx.add.f32.msk $0xffff, v11  }
0xad: {  	v10 =	vor.u32 $0x180, v10;
	v4 =	vor.u32 $0x180, v4;
	v11 =	vor.u32 $0x100, v14;
	v15 =	vld.idx.msk [tilespmem:v15+s2+$0x0], $0xffff  }
0xae: {  	v16 =	vor.u32 $0x180, v16;
	v30 =	vshrl.u32 v31, $0x10;
	v14 =	vor.u32 $0x80, v2;
	v21 =	vld.idx.msk [tilespmem:v21+s2+$0x0], $0xffff  }
0xaf: {  	v34 =	vshll.u32 v25, $0x2;
	v32 =	vand.u32 $0x7F, v25;
	v6 =	vshrl.u32 v25, $0x10;
	[tilespmem:v26+s14+$0x0] =	vst.idx.add.f32.msk $0xffff, v18  }
0xb0: {  	v6 =	vand.u32 $0x7F, v6;
	v18 =	vand.u32 $0x7F, v20;
	v26 =	vshll.u32 v20, $0x2;
	[tilespmem:v8+s14+$0x0] =	vst.idx.add.f32.msk $0xffff, v23  }
0xb1: {  	v25 =	vshrl.u32 v25, $0xE;
	v8 =	vshll.u32 v31, $0x2;
	v23 =	vand.u32 $0x3FE00, v26;
	v5 =	vld.idx.msk [tilespmem:v5+s2+$0x0], $0xffff  }
0xb2: {  	v36 =	vshrl.u32 v20, $0x10;
	v26 =	vshll.u32 v19, $0x2;
	v8 =	vand.u32 $0x3FE00, v8;
	[tilespmem:v27+s14+$0x0] =	vst.idx.add.f32.msk $0xffff, v35  }
0xb3: {  	v25 =	vand.u32 $0x3FE00, v25;
	v27 =	vshll.u32 v33, $0x2;
	v35 =	vand.u32 $0x7F, v31;
	v4 =	vld.idx.msk [tilespmem:v4+s2+$0x0], $0xffff  }
0xb4: {  	v37 =	vshll.u32 v22, $0x2;
	v38 =	vshrl.u32 v22, $0xE;
	v6 =	vor.u32 v6, v25;
	[tilespmem:v11+s14+$0x0] =	vst.idx.add.f32.msk $0xffff, v21  }
0xb5: {  	v25 =	vand.u32 $0x3FE00, v34;
	v11 =	vshll.u32 v17, $0x2;
	v21 =	vand.u32 $0x3FE00, v38;
	v10 =	vld.idx.msk [tilespmem:v10+s2+$0x0], $0xffff  }
0xb6: {  	v31 =	vshrl.u32 v31, $0xE;
	v27 =	vand.u32 $0x3FE00, v27;
	v34 =	vand.u32 $0x3FE00, v11;
	v38 =	vld.idx.msk [tilespmem:v7+s2+$0x0], $0xffff  }
0xb7: {  	v39 =	vand.u32 $0x7F, v17;
	v11 =	vor.u32 v32, v25;
	v7 =	vand.u32 $0x3FE00, v37;
	[tilespmem:v13+s14+$0x0] =	vst.idx.add.f32.msk $0xffff, v5  }
0xb8: {  	v25 =	vand.u32 $0x7F, v33;
	v32 =	vor.u32 $0x80, v11;
	v13 =	vshrl.u32 v22, $0x10;
	[tilespmem:v12+s14+$0x0] =	vst.idx.add.f32.msk $0xffff, v9  }
0xb9: {  	v5 =	vand.u32 $0x7F, v22;
	v12 =	vand.u32 $0x7F, v30;
	v9 =	vor.u32 v18, v23;
	[tilespmem:v16+s14+$0x0] =	vst.idx.add.f32.msk $0xffff, v15  }
0xba: {  	v5 =	vor.u32 v5, v7;
	v7 =	vand.u32 $0x3FE00, v31;
	v15 =	vshrl.u32 v17, $0xE;
	[tilespmem:v29+s14+$0x0] =	vst.idx.add.f32.msk $0xffff, v4  }
0xbb: {  	v13 =	vand.u32 $0x7F, v13;
	v4 =	vor.u32 v35, v8;
	v8 =	vor.u32 v12, v7;
	[tilespmem:v28+s14+$0x0] =	vst.idx.add.f32.msk $0xffff, v10  }
0xbc: {  	v13 =	vor.u32 v13, v21;
	v16 =	vand.u32 $0x3FE00, v15;
	v10 =	vand.u32 $0x7F, v19;
	v21 =	vld.idx.msk [tilespmem:v11+s2+$0x0], $0xffff  }
0xbd: {  	v18 =	vor.u32 $0x80, v13;
	v7 =	vor.u32 v25, v27;
	v12 =	vand.u32 $0x3FE00, v26;
	[tilespmem:v24+s14+$0x0] =	vst.idx.add.f32.msk $0xffff, v38  }
0xbe: {  	v20 =	vshrl.u32 v20, $0xE;
	v22 =	vshrl.u32 v19, $0xE;
	v23 =	vand.u32 $0x7F, v36;
	v24 =	vld.idx.msk [tilespmem:v9+s2+$0x0], $0xffff  }
0xbf: {  	v15 =	vor.u32 v39, v34;
	v10 =	vor.u32 v10, v12;
	v12 =	vand.u32 $0x3FE00, v20;
	v26 =	vld.idx.msk [tilespmem:v5+s2+$0x0], $0xffff  }
0xc0: {  	v17 =	vshrl.u32 v17, $0x10;
	v12 =	vor.u32 v23, v12;
	v20 =	vld.idx.msk [tilespmem:v4+s2+$0x0], $0xffff  }
0xc1: {  	v25 =	vld.idx.msk [tilespmem:v14+s2+$0x0], $0xffff;
	v14 =	vshrl.u32 v19, $0x10  }
0xc2: {  	v22 =	vand.u32 $0x3FE00, v22;
	v19 =	vld.idx.msk [tilespmem:v7+s2+$0x0], $0xffff;
	v14 =	vand.u32 $0x7F, v14  }
0xc3: {  	v23 =	vor.u32 $0x80, v8;
	v14 =	vor.u32 v14, v22;
	[tilespmem:v6+s14+$0x0] =	vst.idx.add.f32.msk $0xffff, v21  }
0xc4: {  	v21 =	vor.u32 $0x80, v1;
	v22 =	vld.idx.msk [tilespmem:v32+s2+$0x0], $0xffff  }
0xc5: {  	v28 =	vor.u32 $0x80, v9;
	v27 =	vld.idx.msk [tilespmem:v10+s2+$0x0], $0xffff  }
0xc6: {  	v29 =	vor.u32 $0x80, v7;
	[tilespmem:v12+s14+$0x0] =	vst.idx.add.f32.msk $0xffff, v24;
	v24 =	vor.u32 $0x80, v6  }
0xc7: {  	v31 =	vor.u32 $0x80, v5;
	v32 =	vor.u32 $0x100, v11;
	v30 =	vld.idx.msk [tilespmem:v15+s2+$0x0], $0xffff  }
0xc8: {  	v17 =	vand.u32 $0x7F, v17;
	[tilespmem:v8+s14+$0x0] =	vst.idx.add.f32.msk $0xffff, v20  }
0xc9: {  	v16 =	vor.u32 v17, v16;
	[tilespmem:v21+s14+$0x0] =	vst.idx.add.f32.msk $0xffff, v25  }
0xca: {  	v33 =	vor.u32 $0x80, v10;
	v17 =	vor.u32 $0x80, v14;
	v25 =	vld.idx.msk [tilespmem:v28+s2+$0x0], $0xffff  }
0xcb: {  	[tilespmem:v24+s14+$0x0] =	vst.idx.add.f32.msk $0xffff, v22  }
0xcc: {  	v24 =	vld.idx.msk [tilespmem:v32+s2+$0x0], $0xffff  }
0xcd: {  	[tilespmem:v14+s14+$0x0] =	vst.idx.add.f32.msk $0xffff, v27  }
0xce: {  	v27 =	vor.u32 $0x80, v4;
	[tilespmem:v3+s14+$0x0] =	vst.idx.add.f32.msk $0xffff, v19  }
0xcf: {  	v20 =	vor.u32 $0x80, v15;
	v22 =	vor.u32 $0x100, v2;
	v32 =	vld.idx.msk [tilespmem:v29+s2+$0x0], $0xffff  }
0xd0: {  	v34 =	vor.u32 $0x80, v3;
	[tilespmem:v13+s14+$0x0] =	vst.idx.add.f32.msk $0xffff, v26  }
0xd1: {  	v21 =	vor.u32 $0x100, v10;
	v26 =	vld.idx.msk [tilespmem:v31+s2+$0x0], $0xffff  }
.Ltmp3:
0xd2: {  	v19 =	vld.idx.msk [tilespmem:v33+s2+$0x0], $0xffff;
	(pc) =	sbr.rel @p0 .LBB2_5-.Ltmp3, $4  }
0xd3: {  	[tilespmem:v16+s14+$0x0] =	vst.idx.add.f32.msk $0xffff, v30  }
0xd4: {  	v22 =	vld.idx.msk [tilespmem:v22+s2+$0x0], $0xffff  }
0xd5: {  	v28 =	vor.u32 $0x80, v16;
	v29 =	vor.u32 $0x100, v1;
	[tilespmem:v34+s14+$0x0] =	vst.idx.add.f32.msk $0xffff, v32  }
0xd6: {  	v27 =	vld.idx.msk [tilespmem:v27+s2+$0x0], $0xffff  }
0xd7: {  	_ = 	snop  }
0xd8: {  	v2 =	vor.u32 $0x180, v2;
	_ =	sdelay $0x2  }
0xd9: {  	v20 =	vld.idx.msk [tilespmem:v20+s2+$0x0], $0xffff  }
0xda: {  	[tilespmem:v29+s14+$0x0] =	vst.idx.add.f32.msk $0xffff, v22  }
0xdb: {  	v1 =	vor.u32 $0x180, v1;
	v2 =	vld.idx.msk [tilespmem:v2+s2+$0x0], $0xffff  }
0xdc: {  	[tilespmem:v17+s14+$0x0] =	vst.idx.add.f32.msk $0xffff, v19;
	v17 =	vor.u32 $0x100, v6  }
0xdd: {  	[tilespmem:v18+s14+$0x0] =	vst.idx.add.f32.msk $0xffff, v26;
	v18 =	vor.u32 $0x100, v4  }
0xde: {  	v11 =	vor.u32 $0x180, v11;
	[tilespmem:v23+s14+$0x0] =	vst.idx.add.f32.msk $0xffff, v27  }
0xdf: {  	v22 =	vor.u32 $0x80, v12;
	[tilespmem:v28+s14+$0x0] =	vst.idx.add.f32.msk $0xffff, v20  }
0xe0: {  	[tilespmem:v1+s14+$0x0] =	vst.idx.add.f32.msk $0xffff, v2;
	v1 =	vor.u32 $0x100, v9  }
0xe1: {  	[tilespmem:v17+s14+$0x0] =	vst.idx.add.f32.msk $0xffff, v24;
	v2 =	vor.u32 $0x100, v15  }
0xe2: {  	v29 =	vor.u32 $0x100, v7;
	v18 =	vld.idx.msk [tilespmem:v18+s2+$0x0], $0xffff  }
0xe3: {  	v17 =	vor.u32 $0x100, v5;
	v11 =	vld.idx.msk [tilespmem:v11+s2+$0x0], $0xffff  }
0xe4: {  	v6 =	vor.u32 $0x180, v6;
	[tilespmem:v22+s14+$0x0] =	vst.idx.add.f32.msk $0xffff, v25  }
0xe5: {  	v20 =	vor.u32 $0x100, v12;
	v1 =	vld.idx.msk [tilespmem:v1+s2+$0x0], $0xffff  }
0xe6: {  	v22 =	vor.u32 $0x100, v16;
	v2 =	vld.idx.msk [tilespmem:v2+s2+$0x0], $0xffff  }
0xe7: {  	v19 =	vld.idx.msk [tilespmem:v29+s2+$0x0], $0xffff;
	v9 =	vor.u32 $0x180, v9  }
0xe8: {  	v17 =	vld.idx.msk [tilespmem:v17+s2+$0x0], $0xffff;
	v15 =	vor.u32 $0x180, v15  }
0xe9: {  	[tilespmem:v6+s14+$0x0] =	vst.idx.add.f32.msk $0xffff, v11  }
0xea: {  	v6 =	vor.u32 $0x100, v3;
	[tilespmem:v20+s14+$0x0] =	vst.idx.add.f32.msk $0xffff, v1  }
0xeb: {  	[tilespmem:v22+s14+$0x0] =	vst.idx.add.f32.msk $0xffff, v2;
	v2 =	vor.u32 $0x100, v8  }
0xec: {  	v1 =	vld.idx.msk [tilespmem:v9+s2+$0x0], $0xffff;
	v9 =	vor.u32 $0x100, v13  }
0xed: {  	v4 =	vor.u32 $0x180, v4;
	v11 =	vld.idx.msk [tilespmem:v15+s2+$0x0], $0xffff  }
0xee: {  	v20 =	vor.u32 $0x100, v14;
	v15 =	vld.idx.msk [tilespmem:v21+s2+$0x0], $0xffff  }
0xef: {  	[tilespmem:v6+s14+$0x0] =	vst.idx.add.f32.msk $0xffff, v19;
	v6 =	vor.u32 $0x180, v12  }
0xf0: {  	v5 =	vor.u32 $0x180, v5;
	[tilespmem:v2+s14+$0x0] =	vst.idx.add.f32.msk $0xffff, v18  }
0xf1: {  	v2 =	vor.u32 $0x180, v7;
	[tilespmem:v9+s14+$0x0] =	vst.idx.add.f32.msk $0xffff, v17  }
0xf2: {  	v9 =	vor.u32 $0x180, v10;
	v4 =	vld.idx.msk [tilespmem:v4+s2+$0x0], $0xffff  }
0xf3: {  	v10 =	vor.u32 $0x180, v16;
	[tilespmem:v20+s14+$0x0] =	vst.idx.add.f32.msk $0xffff, v15  }
0xf4: {  	v8 =	vor.u32 $0x180, v8;
	[tilespmem:v6+s14+$0x0] =	vst.idx.add.f32.msk $0xffff, v1  }
0xf5: {  	v7 =	vor.u32 $0x180, v13;
	v5 =	vld.idx.msk [tilespmem:v5+s2+$0x0], $0xffff  }
0xf6: {  	v3 =	vor.u32 $0x180, v3;
	v2 =	vld.idx.msk [tilespmem:v2+s2+$0x0], $0xffff  }
0xf7: {  	p0 =	seq.s32 s17, $0x9;
	v12 =	vor.u32 $0x180, v14;
	v9 =	vld.idx.msk [tilespmem:v9+s2+$0x0], $0xffff  }
0xf8: {  	s18 =	smul.u32 @!p0 $0x7D00, s17;
	[tilespmem:v10+s14+$0x0] =	vst.idx.add.f32.msk $0xffff, v11  }
0xf9: {  	[tilespmem:v8+s14+$0x0] =	vst.idx.add.f32.msk $0xffff, v4  }
0xfa: {  	s18 =	sshrl.u32 @!p0 s18, $0x3;
	[tilespmem:v7+s14+$0x0] =	vst.idx.add.f32.msk $0xffff, v5  }
0xfb: {  	s18 =	sadd.s32 @!p0 s3, s18;
	[tilespmem:v3+s14+$0x0] =	vst.idx.add.f32.msk $0xffff, v2  }
0xfc: {  	s19 =	simm.s32 @!p0 $0x0;
	s20 =	simm.s32 @!p0 $0x13C00;
	s18 =	sadd.s32 @!p0 $0xFA0, s18;
	[tilespmem:v12+s14+$0x0] =	vst.idx.add.f32.msk $0xffff, v9  }
0xfd: {  	[tilespmem:s20], [sflag:$0x1] =	stream.linear.gather @!p0 [hbm4b:s18+s19], $0x3E80, $0x38;
	[tilespmem:$0x1B900] =	vst v63  }
0xfe: {  	_ =	swait.ge [sflag:s15], $0x3E80  }
0xff: {  	[sflag:s15] =	ssyncset.done $0x0  }
0x100: {  	s18 =	simm.s32 $0x17AC0;
	[sflag:s15] =	ssyncadd.s32 $0xFFFFC180  }
0x101: {  	v1 =	vld [tilespmem:s18+$0xFFFFFFC0]  }
0x102: {  	v3 =	vld [tilespmem:s18+$0x10]  }
0x103: {  	v4 =	vld [tilespmem:s18+$0x30]  }
0x104: {  	v8 =	vld [tilespmem:s18+$0x20]  }
0x105: {  	v16 =	vld [tilespmem:s18+$0x0]  }
0x106: {  	v19 =	vld [tilespmem:s18+$0xFFFFFFD0];
	_ =	sdelay $0x1  }
0x107: {  	v2 =	vshll.u32 v1, $0x2;
	v5 =	vand.u32 $0x7F, v1;
	v6 =	vshrl.u32 v1, $0x10  }
0x108: {  	v1 =	vshrl.u32 v1, $0xE;
	v15 =	vshrl.u32 v3, $0x10;
	v7 =	vshll.u32 v4, $0x2  }
0x109: {  	v9 =	vand.u32 $0x7F, v8;
	v10 =	vshll.u32 v8, $0x2;
	v20 =	vshrl.u32 v4, $0xE  }
0x10a: {  	v13 =	vld [tilespmem:s18+$0xFFFFFFE0];
	v21 =	vshll.u32 v16, $0x2;
	v25 =	vand.u32 $0x7F, v19;
	v2 =	vand.u32 $0x3FE00, v2  }
0x10b: {  	v27 =	vshrl.u32 v16, $0xE;
	v1 =	vand.u32 $0x3FE00, v1;
	v2 =	vor.u32 v5, v2  }
0x10c: {  	v10 =	vand.u32 $0x3FE00, v10;
	v7 =	vand.u32 $0x3FE00, v7;
	v21 =	vand.u32 $0x3FE00, v21  }
0x10d: {  	v17 =	vld [tilespmem:s18+$0xFFFFFFF0];
	v27 =	vand.u32 $0x3FE00, v27;
	v5 =	vand.u32 $0x7F, v6;
	v6 =	vand.u32 $0x7F, v4  }
0x10e: {  	v9 =	vor.u32 v9, v10;
	v10 =	vand.u32 $0x7F, v3;
	v1 =	vor.u32 v5, v1  }
0x10f: {  	v14 =	vor.u32 $0x80, v2;
	v5 =	vshrl.u32 v4, $0x10;
	v4 =	vshll.u32 v13, $0x2  }
0x110: {  	v11 =	vor.u32 v6, v7;
	v6 =	vand.u32 $0x7F, v13;
	v12 =	vand.u32 $0x7F, v5;
	v18 =	vld.idx.msk [tilespmem:v2+s2+$0x0], $0xffff  }
0x111: {  	v5 =	vshll.u32 v3, $0x2;
	v4 =	vand.u32 $0x3FE00, v4;
	v3 =	vshrl.u32 v3, $0xE  }
0x112: {  	v7 =	vand.u32 $0x3FE00, v5;
	v5 =	vor.u32 v6, v4;
	v6 =	vshll.u32 v17, $0x2  }
0x113: {  	v3 =	vand.u32 $0x3FE00, v3;
	v4 =	vor.u32 v10, v7;
	v10 =	vshrl.u32 v8, $0x10  }
0x114: {  	v6 =	vand.u32 $0x3FE00, v6;
	v7 =	vand.u32 $0x7F, v17;
	v8 =	vshrl.u32 v8, $0xE;
	v23 =	vld.idx.msk [tilespmem:v9+s2+$0x0], $0xffff  }
0x115: {  	v7 =	vor.u32 v7, v6;
	v24 =	vand.u32 $0x7F, v10;
	[tilespmem:v1+s14+$0x0] =	vst.idx.add.f32.msk $0xffff, v18;
	v18 =	vand.u32 $0x3FE00, v20  }
0x116: {  	v8 =	vand.u32 $0x3FE00, v8;
	v22 =	vld.idx.msk [tilespmem:v11+s2+$0x0], $0xffff;
	v20 =	vshll.u32 v19, $0x2;
	v6 =	vor.u32 v12, v18  }
0x117: {  	v26 =	vld.idx.msk [tilespmem:v5+s2+$0x0], $0xffff;
	v18 =	vand.u32 $0x3FE00, v20;
	v20 =	vor.u32 $0x80, v11;
	v12 =	vand.u32 $0x7F, v16  }
0x118: {  	v16 =	vshrl.u32 v16, $0x10;
	v10 =	vor.u32 v12, v21;
	v21 =	vld.idx.msk [tilespmem:v4+s2+$0x0], $0xffff;
	v12 =	vor.u32 v24, v8  }
0x119: {  	v24 =	vld.idx.msk [tilespmem:v14+s2+$0x0], $0xffff;
	v8 =	vand.u32 $0x7F, v15;
	v15 =	vor.u32 v25, v18;
	v14 =	vshrl.u32 v17, $0xE  }
0x11a: {  	v18 =	vld.idx.msk [tilespmem:v7+s2+$0x0], $0xffff;
	v25 =	vor.u32 $0x80, v9;
	v16 =	vand.u32 $0x7F, v16;
	v8 =	vor.u32 v8, v3  }
0x11b: {  	v3 =	vshrl.u32 v17, $0x10;
	v30 =	vand.u32 $0x3FE00, v14;
	v14 =	vor.u32 v16, v27;
	[tilespmem:v6+s14+$0x0] =	vst.idx.add.f32.msk $0xffff, v22  }
0x11c: {  	v16 =	vshrl.u32 v13, $0xE;
	v13 =	vshrl.u32 v13, $0x10;
	v3 =	vand.u32 $0x7F, v3;
	v20 =	vld.idx.msk [tilespmem:v20+s2+$0x0], $0xffff  }
0x11d: {  	v16 =	vand.u32 $0x3FE00, v16;
	v13 =	vand.u32 $0x7F, v13;
	v3 =	vor.u32 v3, v30;
	v17 =	vld.idx.msk [tilespmem:v10+s2+$0x0], $0xffff  }
0x11e: {  	v13 =	vor.u32 v13, v16;
	[tilespmem:v12+s14+$0x0] =	vst.idx.add.f32.msk $0xffff, v23  }
0x11f: {  	v22 =	vor.u32 $0x80, v1;
	v28 =	vld.idx.msk [tilespmem:v15+s2+$0x0], $0xffff  }
0x120: {  	v16 =	vshrl.u32 v19, $0xE;
	v19 =	vshrl.u32 v19, $0x10;
	v23 =	vor.u32 $0x80, v6;
	[tilespmem:v8+s14+$0x0] =	vst.idx.add.f32.msk $0xffff, v21  }
0x121: {  	v16 =	vand.u32 $0x3FE00, v16;
	v19 =	vand.u32 $0x7F, v19;
	v25 =	vld.idx.msk [tilespmem:v25+s2+$0x0], $0xffff  }
0x122: {  	v16 =	vor.u32 v19, v16;
	[tilespmem:v3+s14+$0x0] =	vst.idx.add.f32.msk $0xffff, v18  }
0x123: {  	v21 =	vor.u32 $0x80, v7;
	[tilespmem:v13+s14+$0x0] =	vst.idx.add.f32.msk $0xffff, v26  }
0x124: {  	[tilespmem:v22+s14+$0x0] =	vst.idx.add.f32.msk $0xffff, v24;
	v22 =	vor.u32 $0x80, v10  }
0x125: {  	[tilespmem:v23+s14+$0x0] =	vst.idx.add.f32.msk $0xffff, v20;
	v20 =	vor.u32 $0x80, v5  }
0x126: {  	[tilespmem:v14+s14+$0x0] =	vst.idx.add.f32.msk $0xffff, v17;
	v17 =	vor.u32 $0x100, v2  }
0x127: {  	v29 =	vor.u32 $0x100, v11;
	[tilespmem:v16+s14+$0x0] =	vst.idx.add.f32.msk $0xffff, v28  }
0x128: {  	v27 =	vor.u32 $0x80, v3;
	v21 =	vld.idx.msk [tilespmem:v21+s2+$0x0], $0xffff  }
0x129: {  	v30 =	vor.u32 $0x80, v4;
	v19 =	vld.idx.msk [tilespmem:v22+s2+$0x0], $0xffff  }
0x12a: {  	v26 =	vld.idx.msk [tilespmem:v20+s2+$0x0], $0xffff;
	v20 =	vor.u32 $0x80, v15  }
0x12b: {  	v22 =	vld.idx.msk [tilespmem:v17+s2+$0x0], $0xffff;
	v17 =	vor.u32 $0x80, v14  }
0x12c: {  	v24 =	vld.idx.msk [tilespmem:v29+s2+$0x0], $0xffff  }
0x12d: {  	v18 =	vor.u32 $0x80, v13;
	v29 =	vor.u32 $0x100, v1;
	[tilespmem:v27+s14+$0x0] =	vst.idx.add.f32.msk $0xffff, v21  }
0x12e: {  	s19 =	simm.s32 $0x0;
	v23 =	vor.u32 $0x80, v8;
	v28 =	vor.u32 $0x80, v16;
	v21 =	vor.u32 $0x100, v10;
	v27 =	vld.idx.msk [tilespmem:v30+s2+$0x0], $0xffff  }
.LBB2_7:
0x12f: {  	s19 =	sadd.s32 $0x8, s19;
	v30 =	vld.idx.msk [tilespmem:v20+s2+$0x0], $0xffff;
	s18 =	sadd.s32 $0x80, s18  }
0x130: {  	p1 =	slt.u32 s19, $0x3E0;
	[tilespmem:v17+s14+$0x0] =	vst.idx.add.f32.msk $0xffff, v19  }
0x131: {  	v2 =	vor.u32 $0x180, v2;
	v31 =	vld [tilespmem:s18+$0xFFFFFFC0]  }
0x132: {  	[tilespmem:v29+s14+$0x0] =	vst.idx.add.f32.msk $0xffff, v22  }
0x133: {  	v29 =	vor.u32 $0x80, v12;
	v17 =	vld [tilespmem:s18+$0xFFFFFFD0]  }
0x134: {  	v20 =	vld [tilespmem:s18+$0x20]  }
0x135: {  	v32 =	vor.u32 $0x180, v1;
	v22 =	vld [tilespmem:s18+$0xFFFFFFE0]  }
0x136: {  	v1 =	vshrl.u32 v31, $0x10;
	v33 =	vand.u32 $0x7F, v31;
	v19 =	vshll.u32 v31, $0x2;
	v34 =	vld.idx.msk [tilespmem:v2+s2+$0x0], $0xffff  }
0x137: {  	v35 =	vor.u32 $0x100, v7;
	v2 =	vand.u32 $0x3FE00, v19;
	v1 =	vand.u32 $0x7F, v1;
	v19 =	vld [tilespmem:s18+$0x0]  }
0x138: {  	v31 =	vshrl.u32 v31, $0xE;
	v2 =	vor.u32 v33, v2;
	v33 =	vld [tilespmem:s18+$0xFFFFFFF0]  }
0x139: {  	v31 =	vand.u32 $0x3FE00, v31;
	[tilespmem:v29+s14+$0x0] =	vst.idx.add.f32.msk $0xffff, v25  }
0x13a: {  	v1 =	vor.u32 v1, v31;
	v29 =	vor.u32 $0x100, v6;
	v25 =	vld [tilespmem:s18+$0x30]  }
0x13b: {  	v31 =	vld [tilespmem:s18+$0x10]  }
0x13c: {  	[tilespmem:v32+s14+$0x0] =	vst.idx.add.f32.msk $0xffff, v34;
	v32 =	vor.u32 $0x100, v9  }
0x13d: {  	v34 =	vshrl.u32 v33, $0x10;
	v36 =	vshrl.u32 v33, $0xE;
	[tilespmem:v28+s14+$0x0] =	vst.idx.add.f32.msk $0xffff, v30;
	v28 =	vor.u32 $0x100, v15  }
0x13e: {  	v30 =	vand.u32 $0x7F, v34;
	v34 =	vand.u32 $0x3FE00, v36;
	v35 =	vld.idx.msk [tilespmem:v35+s2+$0x0], $0xffff  }
0x13f: {  	v30 =	vor.u32 v30, v34;
	[tilespmem:v29+s14+$0x0] =	vst.idx.add.f32.msk $0xffff, v24  }
0x140: {  	v11 =	vor.u32 $0x180, v11;
	[tilespmem:v23+s14+$0x0] =	vst.idx.add.f32.msk $0xffff, v27  }
0x141: {  	[tilespmem:v18+s14+$0x0] =	vst.idx.add.f32.msk $0xffff, v26;
	v18 =	vor.u32 $0x100, v5  }
0x142: {  	v23 =	vor.u32 $0x100, v4;
	v24 =	vld.idx.msk [tilespmem:v32+s2+$0x0], $0xffff  }
0x143: {  	v27 =	vor.u32 $0x100, v12;
	v26 =	vld.idx.msk [tilespmem:v28+s2+$0x0], $0xffff  }
0x144: {  	v9 =	vor.u32 $0x180, v9;
	v29 =	vor.u32 $0x100, v16;
	v28 =	vld.idx.msk [tilespmem:v2+s2+$0x0], $0xffff  }
0x145: {  	v11 =	vld.idx.msk [tilespmem:v11+s2+$0x0], $0xffff  }
0x146: {  	v18 =	vld.idx.msk [tilespmem:v18+s2+$0x0], $0xffff  }
0x147: {  	v6 =	vor.u32 $0x180, v6;
	v23 =	vld.idx.msk [tilespmem:v23+s2+$0x0], $0xffff  }
0x148: {  	v15 =	vor.u32 $0x180, v15;
	[tilespmem:v27+s14+$0x0] =	vst.idx.add.f32.msk $0xffff, v24  }
0x149: {  	v24 =	vor.u32 $0x180, v3;
	v9 =	vld.idx.msk [tilespmem:v9+s2+$0x0], $0xffff  }
0x14a: {  	v27 =	vor.u32 $0x100, v3;
	v3 =	vmovc v30;
	[tilespmem:v29+s14+$0x0] =	vst.idx.add.f32.msk $0xffff, v26;
	v26 =	vor.u32 $0x100, v13;
	v29 =	vor.u32 $0x180, v8  }
0x14b: {  	v13 =	vor.u32 $0x180, v13;
	v8 =	vor.u32 $0x100, v8;
	[tilespmem:v1+s14+$0x0] =	vst.idx.add.f32.msk $0xffff, v28;
	v28 =	vor.u32 $0x180, v14  }
0x14c: {  	v7 =	vor.u32 $0x180, v7;
	v12 =	vor.u32 $0x180, v12;
	v5 =	vor.u32 $0x180, v5;
	[tilespmem:v6+s14+$0x0] =	vst.idx.add.f32.msk $0xffff, v11  }
0x14d: {  	v10 =	vor.u32 $0x180, v10;
	v4 =	vor.u32 $0x180, v4;
	v11 =	vor.u32 $0x100, v14;
	v15 =	vld.idx.msk [tilespmem:v15+s2+$0x0], $0xffff  }
0x14e: {  	v16 =	vor.u32 $0x180, v16;
	v30 =	vshrl.u32 v31, $0x10;
	v14 =	vor.u32 $0x80, v2;
	v21 =	vld.idx.msk [tilespmem:v21+s2+$0x0], $0xffff  }
0x14f: {  	v34 =	vshll.u32 v25, $0x2;
	v32 =	vand.u32 $0x7F, v25;
	v6 =	vshrl.u32 v25, $0x10;
	[tilespmem:v26+s14+$0x0] =	vst.idx.add.f32.msk $0xffff, v18  }
0x150: {  	v6 =	vand.u32 $0x7F, v6;
	v18 =	vand.u32 $0x7F, v20;
	v26 =	vshll.u32 v20, $0x2;
	[tilespmem:v8+s14+$0x0] =	vst.idx.add.f32.msk $0xffff, v23  }
0x151: {  	v25 =	vshrl.u32 v25, $0xE;
	v8 =	vshll.u32 v31, $0x2;
	v23 =	vand.u32 $0x3FE00, v26;
	v5 =	vld.idx.msk [tilespmem:v5+s2+$0x0], $0xffff  }
0x152: {  	v36 =	vshrl.u32 v20, $0x10;
	v26 =	vshll.u32 v19, $0x2;
	v8 =	vand.u32 $0x3FE00, v8;
	[tilespmem:v27+s14+$0x0] =	vst.idx.add.f32.msk $0xffff, v35  }
0x153: {  	v25 =	vand.u32 $0x3FE00, v25;
	v27 =	vshll.u32 v33, $0x2;
	v35 =	vand.u32 $0x7F, v31;
	v4 =	vld.idx.msk [tilespmem:v4+s2+$0x0], $0xffff  }
0x154: {  	v37 =	vshll.u32 v22, $0x2;
	v38 =	vshrl.u32 v22, $0xE;
	v6 =	vor.u32 v6, v25;
	[tilespmem:v11+s14+$0x0] =	vst.idx.add.f32.msk $0xffff, v21  }
0x155: {  	v25 =	vand.u32 $0x3FE00, v34;
	v11 =	vshll.u32 v17, $0x2;
	v21 =	vand.u32 $0x3FE00, v38;
	v10 =	vld.idx.msk [tilespmem:v10+s2+$0x0], $0xffff  }
0x156: {  	v31 =	vshrl.u32 v31, $0xE;
	v27 =	vand.u32 $0x3FE00, v27;
	v34 =	vand.u32 $0x3FE00, v11;
	v38 =	vld.idx.msk [tilespmem:v7+s2+$0x0], $0xffff  }
0x157: {  	v39 =	vand.u32 $0x7F, v17;
	v11 =	vor.u32 v32, v25;
	v7 =	vand.u32 $0x3FE00, v37;
	[tilespmem:v13+s14+$0x0] =	vst.idx.add.f32.msk $0xffff, v5  }
0x158: {  	v25 =	vand.u32 $0x7F, v33;
	v32 =	vor.u32 $0x80, v11;
	v13 =	vshrl.u32 v22, $0x10;
	[tilespmem:v12+s14+$0x0] =	vst.idx.add.f32.msk $0xffff, v9  }
0x159: {  	v5 =	vand.u32 $0x7F, v22;
	v12 =	vand.u32 $0x7F, v30;
	v9 =	vor.u32 v18, v23;
	[tilespmem:v16+s14+$0x0] =	vst.idx.add.f32.msk $0xffff, v15  }
0x15a: {  	v5 =	vor.u32 v5, v7;
	v7 =	vand.u32 $0x3FE00, v31;
	v15 =	vshrl.u32 v17, $0xE;
	[tilespmem:v29+s14+$0x0] =	vst.idx.add.f32.msk $0xffff, v4  }
0x15b: {  	v13 =	vand.u32 $0x7F, v13;
	v4 =	vor.u32 v35, v8;
	v8 =	vor.u32 v12, v7;
	[tilespmem:v28+s14+$0x0] =	vst.idx.add.f32.msk $0xffff, v10  }
0x15c: {  	v13 =	vor.u32 v13, v21;
	v16 =	vand.u32 $0x3FE00, v15;
	v10 =	vand.u32 $0x7F, v19;
	v21 =	vld.idx.msk [tilespmem:v11+s2+$0x0], $0xffff  }
0x15d: {  	v18 =	vor.u32 $0x80, v13;
	v7 =	vor.u32 v25, v27;
	v12 =	vand.u32 $0x3FE00, v26;
	[tilespmem:v24+s14+$0x0] =	vst.idx.add.f32.msk $0xffff, v38  }
0x15e: {  	v20 =	vshrl.u32 v20, $0xE;
	v22 =	vshrl.u32 v19, $0xE;
	v23 =	vand.u32 $0x7F, v36;
	v24 =	vld.idx.msk [tilespmem:v9+s2+$0x0], $0xffff  }
0x15f: {  	v15 =	vor.u32 v39, v34;
	v10 =	vor.u32 v10, v12;
	v12 =	vand.u32 $0x3FE00, v20;
	v26 =	vld.idx.msk [tilespmem:v5+s2+$0x0], $0xffff  }
0x160: {  	v17 =	vshrl.u32 v17, $0x10;
	v12 =	vor.u32 v23, v12;
	v20 =	vld.idx.msk [tilespmem:v4+s2+$0x0], $0xffff  }
0x161: {  	v25 =	vld.idx.msk [tilespmem:v14+s2+$0x0], $0xffff;
	v14 =	vshrl.u32 v19, $0x10  }
0x162: {  	v22 =	vand.u32 $0x3FE00, v22;
	v19 =	vld.idx.msk [tilespmem:v7+s2+$0x0], $0xffff;
	v14 =	vand.u32 $0x7F, v14  }
0x163: {  	v23 =	vor.u32 $0x80, v8;
	v14 =	vor.u32 v14, v22;
	[tilespmem:v6+s14+$0x0] =	vst.idx.add.f32.msk $0xffff, v21  }
0x164: {  	v21 =	vor.u32 $0x80, v1;
	v22 =	vld.idx.msk [tilespmem:v32+s2+$0x0], $0xffff  }
0x165: {  	v28 =	vor.u32 $0x80, v9;
	v27 =	vld.idx.msk [tilespmem:v10+s2+$0x0], $0xffff  }
0x166: {  	v29 =	vor.u32 $0x80, v7;
	[tilespmem:v12+s14+$0x0] =	vst.idx.add.f32.msk $0xffff, v24;
	v24 =	vor.u32 $0x80, v6  }
0x167: {  	v31 =	vor.u32 $0x80, v5;
	v32 =	vor.u32 $0x100, v11;
	v30 =	vld.idx.msk [tilespmem:v15+s2+$0x0], $0xffff  }
0x168: {  	v17 =	vand.u32 $0x7F, v17;
	[tilespmem:v8+s14+$0x0] =	vst.idx.add.f32.msk $0xffff, v20  }
0x169: {  	v16 =	vor.u32 v17, v16;
	[tilespmem:v21+s14+$0x0] =	vst.idx.add.f32.msk $0xffff, v25  }
0x16a: {  	v33 =	vor.u32 $0x80, v10;
	v17 =	vor.u32 $0x80, v14;
	v25 =	vld.idx.msk [tilespmem:v28+s2+$0x0], $0xffff  }
0x16b: {  	[tilespmem:v24+s14+$0x0] =	vst.idx.add.f32.msk $0xffff, v22  }
0x16c: {  	v24 =	vld.idx.msk [tilespmem:v32+s2+$0x0], $0xffff  }
0x16d: {  	[tilespmem:v14+s14+$0x0] =	vst.idx.add.f32.msk $0xffff, v27  }
0x16e: {  	v27 =	vor.u32 $0x80, v4;
	[tilespmem:v3+s14+$0x0] =	vst.idx.add.f32.msk $0xffff, v19  }
0x16f: {  	v20 =	vor.u32 $0x80, v15;
	v22 =	vor.u32 $0x100, v2;
	v32 =	vld.idx.msk [tilespmem:v29+s2+$0x0], $0xffff  }
0x170: {  	v34 =	vor.u32 $0x80, v3;
	[tilespmem:v13+s14+$0x0] =	vst.idx.add.f32.msk $0xffff, v26  }
0x171: {  	v21 =	vor.u32 $0x100, v10;
	v26 =	vld.idx.msk [tilespmem:v31+s2+$0x0], $0xffff  }
.Ltmp4:
0x172: {  	v19 =	vld.idx.msk [tilespmem:v33+s2+$0x0], $0xffff;
	(pc) =	sbr.rel @p1 .LBB2_7-.Ltmp4, $4  }
0x173: {  	[tilespmem:v16+s14+$0x0] =	vst.idx.add.f32.msk $0xffff, v30  }
0x174: {  	v22 =	vld.idx.msk [tilespmem:v22+s2+$0x0], $0xffff  }
0x175: {  	v28 =	vor.u32 $0x80, v16;
	v29 =	vor.u32 $0x100, v1;
	[tilespmem:v34+s14+$0x0] =	vst.idx.add.f32.msk $0xffff, v32  }
0x176: {  	v27 =	vld.idx.msk [tilespmem:v27+s2+$0x0], $0xffff  }
0x177: {  	_ =	sdelay $0x3  }
0x178: {  	v2 =	vor.u32 $0x180, v2;
	v20 =	vld.idx.msk [tilespmem:v20+s2+$0x0], $0xffff  }
0x179: {  	[tilespmem:v17+s14+$0x0] =	vst.idx.add.f32.msk $0xffff, v19  }
0x17a: {  	v40 =	vor.u32 $0x80, v12;
	[tilespmem:v18+s14+$0x0] =	vst.idx.add.f32.msk $0xffff, v26  }
0x17b: {  	v56 =	vld.idx.msk [tilespmem:v21+s2+$0x0], $0xffff  }
0x17c: {  	v41 =	vor.u32 $0x100, v7;
	[tilespmem:v29+s14+$0x0] =	vst.idx.add.f32.msk $0xffff, v22  }
0x17d: {  	v1 =	vor.u32 $0x180, v1;
	v2 =	vld.idx.msk [tilespmem:v2+s2+$0x0], $0xffff  }
0x17e: {  	v42 =	vor.u32 $0x100, v6;
	[tilespmem:v23+s14+$0x0] =	vst.idx.add.f32.msk $0xffff, v27  }
0x17f: {  	v44 =	vor.u32 $0x100, v5;
	[tilespmem:v40+s14+$0x0] =	vst.idx.add.f32.msk $0xffff, v25  }
0x180: {  	v45 =	vor.u32 $0x100, v4;
	[tilespmem:v28+s14+$0x0] =	vst.idx.add.f32.msk $0xffff, v20  }
0x181: {  	v11 =	vor.u32 $0x180, v11;
	v43 =	vld.idx.msk [tilespmem:v41+s2+$0x0], $0xffff  }
0x182: {  	[tilespmem:v1+s14+$0x0] =	vst.idx.add.f32.msk $0xffff, v2;
	v2 =	vor.u32 $0x100, v15  }
0x183: {  	v57 =	vor.u32 $0x100, v14;
	[tilespmem:v42+s14+$0x0] =	vst.idx.add.f32.msk $0xffff, v24  }
0x184: {  	v51 =	vor.u32 $0x100, v13;
	v17 =	vld.idx.msk [tilespmem:v44+s2+$0x0], $0xffff  }
0x185: {  	v53 =	vor.u32 $0x100, v3;
	v18 =	vld.idx.msk [tilespmem:v45+s2+$0x0], $0xffff  }
0x186: {  	v58 =	vor.u32 $0x180, v10;
	v11 =	vld.idx.msk [tilespmem:v11+s2+$0x0], $0xffff  }
0x187: {  	v48 =	vor.u32 $0x100, v16;
	v2 =	vld.idx.msk [tilespmem:v2+s2+$0x0], $0xffff  }
0x188: {  	[tilespmem:v57+s14+$0x0] =	vst.idx.add.f32.msk $0xffff, v56;
	v1 =	vor.u32 $0x100, v9  }
0x189: {  	v49 =	vor.u32 $0x180, v6;
	[tilespmem:v51+s14+$0x0] =	vst.idx.add.f32.msk $0xffff, v17  }
0x18a: {  	v52 =	vor.u32 $0x180, v5;
	[tilespmem:v53+s14+$0x0] =	vst.idx.add.f32.msk $0xffff, v43  }
0x18b: {  	v47 =	vor.u32 $0x180, v9;
	v63 =	vor.u32 $0x180, v14;
	v9 =	vld.idx.msk [tilespmem:v58+s2+$0x0], $0xffff  }
0x18c: {  	[tilespmem:v48+s14+$0x0] =	vst.idx.add.f32.msk $0xffff, v2;
	v2 =	vor.u32 $0x100, v8  }
0x18d: {  	v46 =	vor.u32 $0x100, v12;
	v1 =	vld.idx.msk [tilespmem:v1+s2+$0x0], $0xffff  }
0x18e: {  	[tilespmem:v49+s14+$0x0] =	vst.idx.add.f32.msk $0xffff, v11  }
0x18f: {  	v50 =	vor.u32 $0x180, v15;
	v5 =	vld.idx.msk [tilespmem:v52+s2+$0x0], $0xffff  }
0x190: {  	v55 =	vor.u32 $0x180, v4;
	[tilespmem:v63+s14+$0x0] =	vst.idx.add.f32.msk $0xffff, v9  }
0x191: {  	[tilespmem:v2+s14+$0x0] =	vst.idx.add.f32.msk $0xffff, v18;
	v2 =	vor.u32 $0x180, v7  }
0x192: {  	v59 =	vor.u32 $0x180, v13;
	[tilespmem:v46+s14+$0x0] =	vst.idx.add.f32.msk $0xffff, v1  }
0x193: {  	v60 =	vor.u32 $0x180, v12;
	v1 =	vld.idx.msk [tilespmem:v47+s2+$0x0], $0xffff  }
0x194: {  	v61 =	vor.u32 $0x180, v16;
	v54 =	vld.idx.msk [tilespmem:v50+s2+$0x0], $0xffff  }
0x195: {  	v62 =	vor.u32 $0x180, v8;
	v4 =	vld.idx.msk [tilespmem:v55+s2+$0x0], $0xffff  }
0x196: {  	v3 =	vor.u32 $0x180, v3;
	v2 =	vld.idx.msk [tilespmem:v2+s2+$0x0], $0xffff  }
.Ltmp5:
0x197: {  	[tilespmem:v59+s14+$0x0] =	vst.idx.add.f32.msk $0xffff, v5;
	(pc) =	sbr.rel @p0 .LBB2_10-.Ltmp5, $4  }
0x198: {  	[tilespmem:v60+s14+$0x0] =	vst.idx.add.f32.msk $0xffff, v1  }
0x199: {  	[tilespmem:v61+s14+$0x0] =	vst.idx.add.f32.msk $0xffff, v54  }
0x19a: {  	[tilespmem:v62+s14+$0x0] =	vst.idx.add.f32.msk $0xffff, v4  }
0x19b: {  	[tilespmem:v3+s14+$0x0] =	vst.idx.add.f32.msk $0xffff, v2  }
0x19c: {  	s18 =	smul.u32 $0x7D00, s17  }
.Ltmp6:
0x19d: {  	_ = 	snop;
	(pc) =	sbr.rel .LBB2_4-.Ltmp6, $4  }
0x19e: {  	s18 =	sshrl.u32 s18, $0x3  }
0x19f: {  	s18 =	sadd.s32 s3, s18  }
0x1a0: {  	s17 =	sadd.s32 $0x1, s17;
	s18 =	sadd.s32 $0x1770, s18  }
0x1a1: {  	[tilespmem:s12], [sflag:$0x2] =	stream.linear.gather [hbm4b:s18+s2], $0x3E80, $0x38;
	[tilespmem:$0x1B900] =	vst v63  }
.LBB2_11:
0x1a2: {  	_ =	sfence.sel $0x180000  }
0x1a3: {  	[bflag:$0x0] =	sbarrier.arrive $0xFFFF  }
0x1a4: {  	p0 =	sne.s32 s0, $0x0;
	_ =	strace $0x90000050  }
0x1a5: {  	s0 =	sadd.s32 @!p0 $0x100000, s1;
	[bflag:$0x2] =	sbarrier.arrive $0xFFFF  }
0x1a6: {  	[sflag:s0] =	ssyncadd.tile.s32 @!p0 $0x1;
	_ =	shalt  }
.Lfunc_end2:
_tile_overlayer_lowered:
.L_overlay_start_2:
0x1a7: {  	(tag) =	ssettag $0x2  }
0x1a8: {  	s0 =	rddreg [dreg:$0x0];
	s2 =	stileid.u32  }
0x1a9: {  	s1 =	rddreg [dreg:$0x1];
	p0 =	sne.s32 s2, $0x0  }
0x1aa: {  	s3 =	rddreg [dreg:$0x2];
	[bflag:$0x3] =	sbarrier.arrive $0xFFFF;
	s2 =	simm.s32 @!p0 $0x1C03  }
0x1ab: {  	[timem:s3], [sflag:s2] =	dma.local @!p0 [hbm:s0], s1  }
0x1ac: {  	s0 =	simm.s32 @!p0 $0x3  }
0x1ad: {  	_ =	swait.ge @!p0 [sflag:s0], s1  }
0x1ae: {  	s1 =	ssub.s32 @!p0 $0x0, s1;
	[sflag:s0] =	ssyncset.done @!p0 $0x0  }
0x1af: {  	[sflag:s0] =	ssyncadd.s32 @!p0 s1  }
0x1b0: {  	[bflag:$0x3] =	sbarrier.arrive $0xFFFF  }
0x1b1: {  	_ =	shalt  }

</sc_bundles>
